<compile_context>
chip_gen: v7x
topology: tpu7x:2x2x1
jax: 0.10.2.dev20260603
libtpu: 0.0.44.dev20260713+nightly
codegen_flags: <defaults>
</compile_context>

<pallas_src>
import jax
import jax.numpy as jnp
from jax import lax
from jax.experimental import pallas as pl
from jax.experimental.pallas import tpu as pltpu
from jax.experimental.pallas import tpu_sc as plsc

VOCAB = 69
VPAD = 72
EMB_D = 32
OUT_D = 68
BATCH = 16384
SEQ = 20
T = BATCH * SEQ

NC, NS = 2, 16
NW = NC * NS
B_PER_W = T // NW
CHUNK = 128
GC = 8
GROUP = GC * CHUNK
NGRP = B_PER_W // GROUP

TBB = 4096
NBB = BATCH // TBB


def _sc_body(chars_hbm, emb_hbm, emb_out,
             idx_v, tab_v, buf_a, buf_b, gsem_a, gsem_b, wsem_a, wsem_b):
    w = lax.axis_index("s") * NC + lax.axis_index("c")
    @pl.when(lax.axis_index("s") == 0)
    def _():
        pltpu.sync_copy(emb_hbm, tab_v)

    plsc.subcore_barrier()
    pltpu.sync_copy(chars_hbm.at[w], idx_v)

    bufs = (buf_a, buf_b)
    gsems = (gsem_a, gsem_b)
    wsems = (wsem_a, wsem_b)
    wb = [None, None]
    gh = [[], []]

    def fire(g):
        s = g % 2
        if wb[s] is not None:
            wb[s].wait()
        for c in range(GC):
            j = g * GC + c
            gh[s].append(pltpu.async_copy(
                tab_v.at[idx_v.at[j]],
                bufs[s].at[pl.ds(c * CHUNK, CHUNK)], gsems[s]))

    def drain_and_writeback(g):
        s = g % 2
        for h in gh[s]:
            h.wait()
        gh[s] = []
        wb[s] = pltpu.async_copy(
            bufs[s], emb_out.at[pl.ds(w * B_PER_W + g * GROUP, GROUP)],
            wsems[s])

    fire(0)
    for g in range(1, NGRP):
        fire(g)
        drain_and_writeback(g - 1)
    drain_and_writeback(NGRP - 1)
    wb[0].wait()
    wb[1].wait()


def _sc_emb(chars3, emb_table):
    mesh = plsc.VectorSubcoreMesh(core_axis_name="c", subcore_axis_name="s")
    f = pl.kernel(
        _sc_body,
        out_type=jax.ShapeDtypeStruct((T, EMB_D), jnp.float32),
        mesh=mesh,
        scratch_types=(
            pltpu.VMEM((B_PER_W // CHUNK, CHUNK), jnp.int32),
            pltpu.VMEM_SHARED((VOCAB, EMB_D), jnp.float32),
            pltpu.VMEM((GROUP, EMB_D), jnp.float32),
            pltpu.VMEM((GROUP, EMB_D), jnp.float32),
            pltpu.SemaphoreType.DMA,
            pltpu.SemaphoreType.DMA,
            pltpu.SemaphoreType.DMA,
            pltpu.SemaphoreType.DMA,
        ),
        compiler_params=pltpu.CompilerParams(use_tc_tiling_on_sc=False),
    )
    return f(chars3, emb_table)


def _tc_preds_body(chars_ref, wt_ref, embtt_ref, bcol_ref, out_ref, fused_ref):
    @pl.when((pl.program_id(0) == 0) & (pl.program_id(1) == 0))
    def _():
        ft = lax.dot_general(
            wt_ref[...], embtt_ref[...],
            dimension_numbers=(((0,), (0,)), ((), ())),
            preferred_element_type=jnp.float32,
        ) + bcol_ref[...]
        fused_ref[...] = jnp.zeros((VPAD, VPAD), jnp.bfloat16)
        fused_ref[0:OUT_D, 0:VOCAB] = ft.astype(jnp.bfloat16)

    s = pl.program_id(1)
    cb = chars_ref[pl.ds(s, 1), :]
    iota = lax.broadcasted_iota(jnp.int32, (VPAD, TBB), 0)
    onehot = (iota == cb).astype(jnp.bfloat16)
    res = lax.dot_general(
        fused_ref[...], onehot,
        dimension_numbers=(((1,), (0,)), ((), ())),
        preferred_element_type=jnp.float32,
    )
    out_ref[...] = lax.slice(res, (0, 0), (OUT_D, TBB)).reshape(1, OUT_D, TBB)


def _tc_preds(chars_t, wt, embtt, bcol):
    return pl.pallas_call(
        _tc_preds_body,
        grid=(NBB, SEQ),
        in_specs=[
            pl.BlockSpec((SEQ, TBB), lambda t, s: (0, t)),
            pl.BlockSpec((EMB_D, OUT_D), lambda t, s: (0, 0)),
            pl.BlockSpec((EMB_D, VOCAB), lambda t, s: (0, 0)),
            pl.BlockSpec((OUT_D, 1), lambda t, s: (0, 0)),
        ],
        out_specs=pl.BlockSpec((1, OUT_D, TBB), lambda t, s: (s, 0, t)),
        out_shape=jax.ShapeDtypeStruct((SEQ, OUT_D, BATCH), jnp.float32),
        scratch_shapes=[pltpu.VMEM((VPAD, VPAD), jnp.bfloat16)],
    )(chars_t, wt, embtt, bcol)


def kernel(chars, emb_table, W, b):
    chars_t = chars.T

    chars3 = chars_t.reshape(NW, B_PER_W // CHUNK, CHUNK)
    emb_p = _sc_emb(chars3, emb_table)

    embtt = emb_table.T
    wt = W.T
    bcol = b.reshape(OUT_D, 1)
    preds_t = _tc_preds(chars_t, wt, embtt, bcol)

    preds = preds_t.transpose(2, 0, 1)
    emb = emb_p.reshape(SEQ, BATCH, EMB_D).transpose(1, 0, 2)
    return (preds, emb)

# --- scband reference (transcript-rebuilt; emitter-appended) ---
"""Pipeline reference for scband-character-feature-57939108823306 (READ-ONLY COPY).

The authoritative reference and input builder live on the scoring server;
editing this copy changes nothing except your own understanding.
"""

import jax, jax.numpy as jnp
import numpy as np

VOCAB_SIZE = 69  # len(lookup)=68 printable chars + '<pad>' at index 0
EMBED_DIM = 32
BATCH = 16384
SEQ = 20


def setup_inputs(seed: int = 0) -> dict:
    key = jax.random.key(seed)
    k1, k2, k3, k4 = jax.random.split(key, 4)
    # pre-tokenized character ids (the torch module's chars2ids output)
    chars = jax.random.randint(k1, (BATCH, SEQ), 0, VOCAB_SIZE, dtype=jnp.int32)
    # nn.Embedding(vocab_size, embedding_size, padding_idx=0): row 0 zeroed
    emb_table = jax.random.normal(k2, (VOCAB_SIZE, EMBED_DIM), dtype=jnp.float32)
    emb_table = emb_table.at[0].set(0.0)
    # hidden2tag = nn.Linear(embedding_size, vocab_size - 1)
    bound = 1.0 / np.sqrt(EMBED_DIM)
    W = jax.random.uniform(k3, (VOCAB_SIZE - 1, EMBED_DIM), minval=-bound, maxval=bound, dtype=jnp.float32)
    b = jax.random.uniform(k4, (VOCAB_SIZE - 1,), minval=-bound, maxval=bound, dtype=jnp.float32)
    return {"chars": chars, "emb_table": emb_table, "W": W, "b": b}


def reference(chars, emb_table, W, b):
    # emb = self.embedding(torch.tensor(word_onehot))
    emb = jnp.take(emb_table, chars, axis=0)            # [B, S, D] gather
    # preds = self.hidden2tag(emb)
    preds = jnp.einsum('bsd,vd->bsv', emb, W) + b       # [B, S, vocab-1]
    # labels=None -> loss is None; return (preds, emb) mirroring (loss, preds, emb)
    return (preds, emb)

if __name__ == "__main__":
    import jax
    _d = setup_inputs()
    print(jax.jit(kernel)(*tuple(_d.values())))

</pallas_src>

<mosaic_0001>
#map = affine_map<(d0, d1) -> (0, 0, 0)>
#map1 = affine_map<(d0, d1) -> (0, 0)>
module attributes {stable_mosaic.version = 14 : i64} {
  func.func @_sc_body(%arg0: i32, %arg1: i32, %arg2: memref<32x80x128xi32, #tpu.memory_space<hbm>>, %arg3: memref<69x32xf32, #tpu.memory_space<hbm>>, %arg4: memref<327680x32xf32, #tpu.memory_space<hbm>>, %arg5: memref<80x128xi32, #tpu.memory_space<vmem>>, %arg6: memref<69x32xf32, #tpu.memory_space<vmem_shared>>, %arg7: memref<1024x32xf32, #tpu.memory_space<vmem>>, %arg8: memref<1024x32xf32, #tpu.memory_space<vmem>>, %arg9: memref<!tpu.dma_semaphore, #tpu.memory_space<semaphore_mem>>, %arg10: memref<!tpu.dma_semaphore, #tpu.memory_space<semaphore_mem>>, %arg11: memref<!tpu.dma_semaphore, #tpu.memory_space<semaphore_mem>>, %arg12: memref<!tpu.dma_semaphore, #tpu.memory_space<semaphore_mem>>) attributes {dimension_semantics = [#tpu.dimension_semantics<core_parallel>, #tpu.dimension_semantics<subcore_parallel>], iteration_bounds = array<i64: 2, 16>, scalar_prefetch = 0 : i64, scratch_operands = 8 : i64, tpu.core_type = #tpu.core_type<sc_vector_subcore>, window_params = [{transform_indices = #map}, {transform_indices = #map1}, {transform_indices = #map1}]} {
    %mul3A = arith.constant 2 : i32
    %mul3A_0 = arith.muli %arg1, %mul3A : i32
    %add3A = arith.addi %mul3A_0, %arg0 : i32
    %eq3A = arith.constant 0 : i32
    %eq3A_1 = arith.cmpi eq, %arg1, %eq3A : i32
    %convert_element_type3A = arith.extui %eq3A_1 : i1 to i32
    %cond3A = arith.constant 0 : i32
    %cond3A_2 = arith.cmpi ne, %convert_element_type3A, %cond3A : i32
    scf.if %cond3A_2 {
      "tpu.region"() ({
        %run_scoped3A = tpu.sem_alloc : memref<!tpu.dma_semaphore, #tpu.memory_space<semaphore_mem>>
        tpu.enqueue_dma source(%arg3 : memref<69x32xf32, #tpu.memory_space<hbm>>) target(%arg6 : memref<69x32xf32, #tpu.memory_space<vmem_shared>>) target_semaphore(%run_scoped3A : memref<!tpu.dma_semaphore, #tpu.memory_space<semaphore_mem>>)
        tpu.wait_dma2 semaphore(%run_scoped3A : memref<!tpu.dma_semaphore, #tpu.memory_space<semaphore_mem>>) src(%arg3 : memref<69x32xf32, #tpu.memory_space<hbm>>) dst(%arg6 : memref<69x32xf32, #tpu.memory_space<vmem_shared>>)
        tpu.yield
      }) : () -> ()
    } else {
    }
    %barrier3A = arith.constant 0 : index
    tpu.barrier barrier_id(%barrier3A)
    "tpu.region"() ({
      %run_scoped3A = tpu.sem_alloc : memref<!tpu.dma_semaphore, #tpu.memory_space<semaphore_mem>>
      %dma_start3A_1721 = arith.constant 0 : i32
      %dma_start3A_1722 = arith.constant 0 : i32
      %dma_start3A_1723 = tpu.memref_slice %arg2[%add3A, %dma_start3A_1721, %dma_start3A_1722] : memref<32x80x128xi32, #tpu.memory_space<hbm>> -> memref<1x80x128xi32, #tpu.memory_space<hbm>>
      %dma_start3A_1724 = tpu.memref_squeeze %dma_start3A_1723 : memref<1x80x128xi32, #tpu.memory_space<hbm>> -> memref<80x128xi32, #tpu.memory_space<hbm>>
      %dma_start3A_1725 = arith.constant 0 : i32
      %dma_start3A_1726 = arith.constant 0 : i32
      %dma_start3A_1727 = tpu.memref_slice %arg2[%add3A, %dma_start3A_1725, %dma_start3A_1726] : memref<32x80x128xi32, #tpu.memory_space<hbm>> -> memref<1x80x128xi32, #tpu.memory_space<hbm>>
      %dma_start3A_1728 = tpu.memref_squeeze %dma_start3A_1727 : memref<1x80x128xi32, #tpu.memory_space<hbm>> -> memref<80x128xi32, #tpu.memory_space<hbm>>
      tpu.enqueue_dma source(%dma_start3A_1728 : memref<80x128xi32, #tpu.memory_space<hbm>>) target(%arg5 : memref<80x128xi32, #tpu.memory_space<vmem>>) target_semaphore(%run_scoped3A : memref<!tpu.dma_semaphore, #tpu.memory_space<semaphore_mem>>)
      %dma_wait3A_1729 = arith.constant 0 : i32
      %dma_wait3A_1730 = arith.constant 0 : i32
      %dma_wait3A_1731 = tpu.memref_slice %arg2[%add3A, %dma_wait3A_1729, %dma_wait3A_1730] : memref<32x80x128xi32, #tpu.memory_space<hbm>> -> memref<1x80x128xi32, #tpu.memory_space<hbm>>
      %dma_wait3A_1732 = tpu.memref_squeeze %dma_wait3A_1731 : memref<1x80x128xi32, #tpu.memory_space<hbm>> -> memref<80x128xi32, #tpu.memory_space<hbm>>
      %dma_wait3A_1733 = arith.constant 0 : i32
      %dma_wait3A_1734 = arith.constant 0 : i32
      %dma_wait3A_1735 = tpu.memref_slice %arg2[%add3A, %dma_wait3A_1733, %dma_wait3A_1734] : memref<32x80x128xi32, #tpu.memory_space<hbm>> -> memref<1x80x128xi32, #tpu.memory_space<hbm>>
      %dma_wait3A_1736 = tpu.memref_squeeze %dma_wait3A_1735 : memref<1x80x128xi32, #tpu.memory_space<hbm>> -> memref<80x128xi32, #tpu.memory_space<hbm>>
      tpu.wait_dma2 semaphore(%run_scoped3A : memref<!tpu.dma_semaphore, #tpu.memory_space<semaphore_mem>>) src(%dma_wait3A_1736 : memref<80x128xi32, #tpu.memory_space<hbm>>) dst(%arg5 : memref<80x128xi32, #tpu.memory_space<vmem>>)
      tpu.yield
    }) : () -> ()
    %dma_start3A = arith.constant 0 : i32
    %dma_start3A_3 = arith.constant 0 : i32
    %dma_start3A_4 = arith.constant 0 : i32
    %dma_start3A_5 = tpu.memref_slice %arg7[%dma_start3A_3, %dma_start3A_4] : memref<1024x32xf32, #tpu.memory_space<vmem>> -> memref<128x32xf32, #tpu.memory_space<vmem>>
    %dma_start3A_6 = arith.constant 0 : i32
    %dma_start3A_7 = tpu.memref_slice %arg5[%dma_start3A, %dma_start3A_6] : memref<80x128xi32, #tpu.memory_space<vmem>> -> memref<1x128xi32, #tpu.memory_space<vmem>>
    %dma_start3A_8 = tpu.memref_squeeze %dma_start3A_7 : memref<1x128xi32, #tpu.memory_space<vmem>> -> memref<128xi32, #tpu.memory_space<vmem>>
    %dma_start3A_9 = arith.constant 0 : i32
    %dma_start3A_10 = arith.constant 0 : i32
    %dma_start3A_11 = tpu.memref_slice %arg6[%dma_start3A_9, %dma_start3A_10] : memref<69x32xf32, #tpu.memory_space<vmem_shared>> -> memref<69x32xf32, #tpu.memory_space<vmem_shared>>
    tpu.enqueue_indirect_dma source(%dma_start3A_11 : memref<69x32xf32, #tpu.memory_space<vmem_shared>>) target(%dma_start3A_5 : memref<128x32xf32, #tpu.memory_space<vmem>>) offsets(%dma_start3A_8 : memref<128xi32, #tpu.memory_space<vmem>>) semaphore(%arg9 : memref<!tpu.dma_semaphore, #tpu.memory_space<semaphore_mem>>)
    %dma_start3A_12 = arith.constant 1 : i32
    %dma_start3A_13 = arith.constant 128 : i32
    %dma_start3A_14 = arith.constant 0 : i32
    %dma_start3A_15 = tpu.memref_slice %arg7[%dma_start3A_13, %dma_start3A_14] : memref<1024x32xf32, #tpu.memory_space<vmem>> -> memref<128x32xf32, #tpu.memory_space<vmem>>
    %dma_start3A_16 = arith.constant 0 : i32
    %dma_start3A_17 = tpu.memref_slice %arg5[%dma_start3A_12, %dma_start3A_16] : memref<80x128xi32, #tpu.memory_space<vmem>> -> memref<1x128xi32, #tpu.memory_space<vmem>>
    %dma_start3A_18 = tpu.memref_squeeze %dma_start3A_17 : memref<1x128xi32, #tpu.memory_space<vmem>> -> memref<128xi32, #tpu.memory_space<vmem>>
    %dma_start3A_19 = arith.constant 0 : i32
    %dma_start3A_20 = arith.constant 0 : i32
    %dma_start3A_21 = tpu.memref_slice %arg6[%dma_start3A_19, %dma_start3A_20] : memref<69x32xf32, #tpu.memory_space<vmem_shared>> -> memref<69x32xf32, #tpu.memory_space<vmem_shared>>
    tpu.enqueue_indirect_dma source(%dma_start3A_21 : memref<69x32xf32, #tpu.memory_space<vmem_shared>>) target(%dma_start3A_15 : memref<128x32xf32, #tpu.memory_space<vmem>>) offsets(%dma_start3A_18 : memref<128xi32, #tpu.memory_space<vmem>>) semaphore(%arg9 : memref<!tpu.dma_semaphore, #tpu.memory_space<semaphore_mem>>)
    %dma_start3A_22 = arith.constant 2 : i32
    %dma_start3A_23 = arith.constant 256 : i32
    %dma_start3A_24 = arith.constant 0 : i32
    %dma_start3A_25 = tpu.memref_slice %arg7[%dma_start3A_23, %dma_start3A_24] : memref<1024x32xf32, #tpu.memory_space<vmem>> -> memref<128x32xf32, #tpu.memory_space<vmem>>
    %dma_start3A_26 = arith.constant 0 : i32
    %dma_start3A_27 = tpu.memref_slice %arg5[%dma_start3A_22, %dma_start3A_26] : memref<80x128xi32, #tpu.memory_space<vmem>> -> memref<1x128xi32, #tpu.memory_space<vmem>>
    %dma_start3A_28 = tpu.memref_squeeze %dma_start3A_27 : memref<1x128xi32, #tpu.memory_space<vmem>> -> memref<128xi32, #tpu.memory_space<vmem>>
    %dma_start3A_29 = arith.constant 0 : i32
    %dma_start3A_30 = arith.constant 0 : i32
    %dma_start3A_31 = tpu.memref_slice %arg6[%dma_start3A_29, %dma_start3A_30] : memref<69x32xf32, #tpu.memory_space<vmem_shared>> -> memref<69x32xf32, #tpu.memory_space<vmem_shared>>
    tpu.enqueue_indirect_dma source(%dma_start3A_31 : memref<69x32xf32, #tpu.memory_space<vmem_shared>>) target(%dma_start3A_25 : memref<128x32xf32, #tpu.memory_space<vmem>>) offsets(%dma_start3A_28 : memref<128xi32, #tpu.memory_space<vmem>>) semaphore(%arg9 : memref<!tpu.dma_semaphore, #tpu.memory_space<semaphore_mem>>)
    %dma_start3A_32 = arith.constant 3 : i32
    %dma_start3A_33 = arith.constant 384 : i32
    %dma_start3A_34 = arith.constant 0 : i32
    %dma_start3A_35 = tpu.memref_slice %arg7[%dma_start3A_33, %dma_start3A_34] : memref<1024x32xf32, #tpu.memory_space<vmem>> -> memref<128x32xf32, #tpu.memory_space<vmem>>
    %dma_start3A_36 = arith.constant 0 : i32
    %dma_start3A_37 = tpu.memref_slice %arg5[%dma_start3A_32, %dma_start3A_36] : memref<80x128xi32, #tpu.memory_space<vmem>> -> memref<1x128xi32, #tpu.memory_space<vmem>>
    %dma_start3A_38 = tpu.memref_squeeze %dma_start3A_37 : memref<1x128xi32, #tpu.memory_space<vmem>> -> memref<128xi32, #tpu.memory_space<vmem>>
    %dma_start3A_39 = arith.constant 0 : i32
    %dma_start3A_40 = arith.constant 0 : i32
    %dma_start3A_41 = tpu.memref_slice %arg6[%dma_start3A_39, %dma_start3A_40] : memref<69x32xf32, #tpu.memory_space<vmem_shared>> -> memref<69x32xf32, #tpu.memory_space<vmem_shared>>
    tpu.enqueue_indirect_dma source(%dma_start3A_41 : memref<69x32xf32, #tpu.memory_space<vmem_shared>>) target(%dma_start3A_35 : memref<128x32xf32, #tpu.memory_space<vmem>>) offsets(%dma_start3A_38 : memref<128xi32, #tpu.memory_space<vmem>>) semaphore(%arg9 : memref<!tpu.dma_semaphore, #tpu.memory_space<semaphore_mem>>)
    %dma_start3A_42 = arith.constant 4 : i32
    %dma_start3A_43 = arith.constant 512 : i32
    %dma_start3A_44 = arith.constant 0 : i32
    %dma_start3A_45 = tpu.memref_slice %arg7[%dma_start3A_43, %dma_start3A_44] : memref<1024x32xf32, #tpu.memory_space<vmem>> -> memref<128x32xf32, #tpu.memory_space<vmem>>
    %dma_start3A_46 = arith.constant 0 : i32
    %dma_start3A_47 = tpu.memref_slice %arg5[%dma_start3A_42, %dma_start3A_46] : memref<80x128xi32, #tpu.memory_space<vmem>> -> memref<1x128xi32, #tpu.memory_space<vmem>>
    %dma_start3A_48 = tpu.memref_squeeze %dma_start3A_47 : memref<1x128xi32, #tpu.memory_space<vmem>> -> memref<128xi32, #tpu.memory_space<vmem>>
    %dma_start3A_49 = arith.constant 0 : i32
    %dma_start3A_50 = arith.constant 0 : i32
    %dma_start3A_51 = tpu.memref_slice %arg6[%dma_start3A_49, %dma_start3A_50] : memref<69x32xf32, #tpu.memory_space<vmem_shared>> -> memref<69x32xf32, #tpu.memory_space<vmem_shared>>
    tpu.enqueue_indirect_dma source(%dma_start3A_51 : memref<69x32xf32, #tpu.memory_space<vmem_shared>>) target(%dma_start3A_45 : memref<128x32xf32, #tpu.memory_space<vmem>>) offsets(%dma_start3A_48 : memref<128xi32, #tpu.memory_space<vmem>>) semaphore(%arg9 : memref<!tpu.dma_semaphore, #tpu.memory_space<semaphore_mem>>)
    %dma_start3A_52 = arith.constant 5 : i32
    %dma_start3A_53 = arith.constant 640 : i32
    %dma_start3A_54 = arith.constant 0 : i32
    %dma_start3A_55 = tpu.memref_slice %arg7[%dma_start3A_53, %dma_start3A_54] : memref<1024x32xf32, #tpu.memory_space<vmem>> -> memref<128x32xf32, #tpu.memory_space<vmem>>
    %dma_start3A_56 = arith.constant 0 : i32
    %dma_start3A_57 = tpu.memref_slice %arg5[%dma_start3A_52, %dma_start3A_56] : memref<80x128xi32, #tpu.memory_space<vmem>> -> memref<1x128xi32, #tpu.memory_space<vmem>>
    %dma_start3A_58 = tpu.memref_squeeze %dma_start3A_57 : memref<1x128xi32, #tpu.memory_space<vmem>> -> memref<128xi32, #tpu.memory_space<vmem>>
    %dma_start3A_59 = arith.constant 0 : i32
    %dma_start3A_60 = arith.constant 0 : i32
    %dma_start3A_61 = tpu.memref_slice %arg6[%dma_start3A_59, %dma_start3A_60] : memref<69x32xf32, #tpu.memory_space<vmem_shared>> -> memref<69x32xf32, #tpu.memory_space<vmem_shared>>
    tpu.enqueue_indirect_dma source(%dma_start3A_61 : memref<69x32xf32, #tpu.memory_space<vmem_shared>>) target(%dma_start3A_55 : memref<128x32xf32, #tpu.memory_space<vmem>>) offsets(%dma_start3A_58 : memref<128xi32, #tpu.memory_space<vmem>>) semaphore(%arg9 : memref<!tpu.dma_semaphore, #tpu.memory_space<semaphore_mem>>)
    %dma_start3A_62 = arith.constant 6 : i32
    %dma_start3A_63 = arith.constant 768 : i32
    %dma_start3A_64 = arith.constant 0 : i32
    %dma_start3A_65 = tpu.memref_slice %arg7[%dma_start3A_63, %dma_start3A_64] : memref<1024x32xf32, #tpu.memory_space<vmem>> -> memref<128x32xf32, #tpu.memory_space<vmem>>
    %dma_start3A_66 = arith.constant 0 : i32
    %dma_start3A_67 = tpu.memref_slice %arg5[%dma_start3A_62, %dma_start3A_66] : memref<80x128xi32, #tpu.memory_space<vmem>> -> memref<1x128xi32, #tpu.memory_space<vmem>>
    %dma_start3A_68 = tpu.memref_squeeze %dma_start3A_67 : memref<1x128xi32, #tpu.memory_space<vmem>> -> memref<128xi32, #tpu.memory_space<vmem>>
    %dma_start3A_69 = arith.constant 0 : i32
    %dma_start3A_70 = arith.constant 0 : i32
    %dma_start3A_71 = tpu.memref_slice %arg6[%dma_start3A_69, %dma_start3A_70] : memref<69x32xf32, #tpu.memory_space<vmem_shared>> -> memref<69x32xf32, #tpu.memory_space<vmem_shared>>
    tpu.enqueue_indirect_dma source(%dma_start3A_71 : memref<69x32xf32, #tpu.memory_space<vmem_shared>>) target(%dma_start3A_65 : memref<128x32xf32, #tpu.memory_space<vmem>>) offsets(%dma_start3A_68 : memref<128xi32, #tpu.memory_space<vmem>>) semaphore(%arg9 : memref<!tpu.dma_semaphore, #tpu.memory_space<semaphore_mem>>)
    %dma_start3A_72 = arith.constant 7 : i32
    %dma_start3A_73 = arith.constant 896 : i32
    %dma_start3A_74 = arith.constant 0 : i32
    %dma_start3A_75 = tpu.memref_slice %arg7[%dma_start3A_73, %dma_start3A_74] : memref<1024x32xf32, #tpu.memory_space<vmem>> -> memref<128x32xf32, #tpu.memory_space<vmem>>
    %dma_start3A_76 = arith.constant 0 : i32
    %dma_start3A_77 = tpu.memref_slice %arg5[%dma_start3A_72, %dma_start3A_76] : memref<80x128xi32, #tpu.memory_space<vmem>> -> memref<1x128xi32, #tpu.memory_space<vmem>>
    %dma_start3A_78 = tpu.memref_squeeze %dma_start3A_77 : memref<1x128xi32, #tpu.memory_space<vmem>> -> memref<128xi32, #tpu.memory_space<vmem>>
    %dma_start3A_79 = arith.constant 0 : i32
    %dma_start3A_80 = arith.constant 0 : i32
    %dma_start3A_81 = tpu.memref_slice %arg6[%dma_start3A_79, %dma_start3A_80] : memref<69x32xf32, #tpu.memory_space<vmem_shared>> -> memref<69x32xf32, #tpu.memory_space<vmem_shared>>
    tpu.enqueue_indirect_dma source(%dma_start3A_81 : memref<69x32xf32, #tpu.memory_space<vmem_shared>>) target(%dma_start3A_75 : memref<128x32xf32, #tpu.memory_space<vmem>>) offsets(%dma_start3A_78 : memref<128xi32, #tpu.memory_space<vmem>>) semaphore(%arg9 : memref<!tpu.dma_semaphore, #tpu.memory_space<semaphore_mem>>)
    %dma_start3A_82 = arith.constant 8 : i32
    %dma_start3A_83 = arith.constant 0 : i32
    %dma_start3A_84 = arith.constant 0 : i32
    %dma_start3A_85 = tpu.memref_slice %arg8[%dma_start3A_83, %dma_start3A_84] : memref<1024x32xf32, #tpu.memory_space<vmem>> -> memref<128x32xf32, #tpu.memory_space<vmem>>
    %dma_start3A_86 = arith.constant 0 : i32
    %dma_start3A_87 = tpu.memref_slice %arg5[%dma_start3A_82, %dma_start3A_86] : memref<80x128xi32, #tpu.memory_space<vmem>> -> memref<1x128xi32, #tpu.memory_space<vmem>>
    %dma_start3A_88 = tpu.memref_squeeze %dma_start3A_87 : memref<1x128xi32, #tpu.memory_space<vmem>> -> memref<128xi32, #tpu.memory_space<vmem>>
    %dma_start3A_89 = arith.constant 0 : i32
    %dma_start3A_90 = arith.constant 0 : i32
    %dma_start3A_91 = tpu.memref_slice %arg6[%dma_start3A_89, %dma_start3A_90] : memref<69x32xf32, #tpu.memory_space<vmem_shared>> -> memref<69x32xf32, #tpu.memory_space<vmem_shared>>
    tpu.enqueue_indirect_dma source(%dma_start3A_91 : memref<69x32xf32, #tpu.memory_space<vmem_shared>>) target(%dma_start3A_85 : memref<128x32xf32, #tpu.memory_space<vmem>>) offsets(%dma_start3A_88 : memref<128xi32, #tpu.memory_space<vmem>>) semaphore(%arg10 : memref<!tpu.dma_semaphore, #tpu.memory_space<semaphore_mem>>)
    %dma_start3A_92 = arith.constant 9 : i32
    %dma_start3A_93 = arith.constant 128 : i32
    %dma_start3A_94 = arith.constant 0 : i32
    %dma_start3A_95 = tpu.memref_slice %arg8[%dma_start3A_93, %dma_start3A_94] : memref<1024x32xf32, #tpu.memory_space<vmem>> -> memref<128x32xf32, #tpu.memory_space<vmem>>
    %dma_start3A_96 = arith.constant 0 : i32
    %dma_start3A_97 = tpu.memref_slice %arg5[%dma_start3A_92, %dma_start3A_96] : memref<80x128xi32, #tpu.memory_space<vmem>> -> memref<1x128xi32, #tpu.memory_space<vmem>>
    %dma_start3A_98 = tpu.memref_squeeze %dma_start3A_97 : memref<1x128xi32, #tpu.memory_space<vmem>> -> memref<128xi32, #tpu.memory_space<vmem>>
    %dma_start3A_99 = arith.constant 0 : i32
    %dma_start3A_100 = arith.constant 0 : i32
    %dma_start3A_101 = tpu.memref_slice %arg6[%dma_start3A_99, %dma_start3A_100] : memref<69x32xf32, #tpu.memory_space<vmem_shared>> -> memref<69x32xf32, #tpu.memory_space<vmem_shared>>
    tpu.enqueue_indirect_dma source(%dma_start3A_101 : memref<69x32xf32, #tpu.memory_space<vmem_shared>>) target(%dma_start3A_95 : memref<128x32xf32, #tpu.memory_space<vmem>>) offsets(%dma_start3A_98 : memref<128xi32, #tpu.memory_space<vmem>>) semaphore(%arg10 : memref<!tpu.dma_semaphore, #tpu.memory_space<semaphore_mem>>)
    %dma_start3A_102 = arith.constant 10 : i32
    %dma_start3A_103 = arith.constant 256 : i32
    %dma_start3A_104 = arith.constant 0 : i32
    %dma_start3A_105 = tpu.memref_slice %arg8[%dma_start3A_103, %dma_start3A_104] : memref<1024x32xf32, #tpu.memory_space<vmem>> -> memref<128x32xf32, #tpu.memory_space<vmem>>
    %dma_start3A_106 = arith.constant 0 : i32
    %dma_start3A_107 = tpu.memref_slice %arg5[%dma_start3A_102, %dma_start3A_106] : memref<80x128xi32, #tpu.memory_space<vmem>> -> memref<1x128xi32, #tpu.memory_space<vmem>>
    %dma_start3A_108 = tpu.memref_squeeze %dma_start3A_107 : memref<1x128xi32, #tpu.memory_space<vmem>> -> memref<128xi32, #tpu.memory_space<vmem>>
    %dma_start3A_109 = arith.constant 0 : i32
    %dma_start3A_110 = arith.constant 0 : i32
    %dma_start3A_111 = tpu.memref_slice %arg6[%dma_start3A_109, %dma_start3A_110] : memref<69x32xf32, #tpu.memory_space<vmem_shared>> -> memref<69x32xf32, #tpu.memory_space<vmem_shared>>
    tpu.enqueue_indirect_dma source(%dma_start3A_111 : memref<69x32xf32, #tpu.memory_space<vmem_shared>>) target(%dma_start3A_105 : memref<128x32xf32, #tpu.memory_space<vmem>>) offsets(%dma_start3A_108 : memref<128xi32, #tpu.memory_space<vmem>>) semaphore(%arg10 : memref<!tpu.dma_semaphore, #tpu.memory_space<semaphore_mem>>)
    %dma_start3A_112 = arith.constant 11 : i32
    %dma_start3A_113 = arith.constant 384 : i32
    %dma_start3A_114 = arith.constant 0 : i32
    %dma_start3A_115 = tpu.memref_slice %arg8[%dma_start3A_113, %dma_start3A_114] : memref<1024x32xf32, #tpu.memory_space<vmem>> -> memref<128x32xf32, #tpu.memory_space<vmem>>
    %dma_start3A_116 = arith.constant 0 : i32
    %dma_start3A_117 = tpu.memref_slice %arg5[%dma_start3A_112, %dma_start3A_116] : memref<80x128xi32, #tpu.memory_space<vmem>> -> memref<1x128xi32, #tpu.memory_space<vmem>>
    %dma_start3A_118 = tpu.memref_squeeze %dma_start3A_117 : memref<1x128xi32, #tpu.memory_space<vmem>> -> memref<128xi32, #tpu.memory_space<vmem>>
    %dma_start3A_119 = arith.constant 0 : i32
    %dma_start3A_120 = arith.constant 0 : i32
    %dma_start3A_121 = tpu.memref_slice %arg6[%dma_start3A_119, %dma_start3A_120] : memref<69x32xf32, #tpu.memory_space<vmem_shared>> -> memref<69x32xf32, #tpu.memory_space<vmem_shared>>
    tpu.enqueue_indirect_dma source(%dma_start3A_121 : memref<69x32xf32, #tpu.memory_space<vmem_shared>>) target(%dma_start3A_115 : memref<128x32xf32, #tpu.memory_space<vmem>>) offsets(%dma_start3A_118 : memref<128xi32, #tpu.memory_space<vmem>>) semaphore(%arg10 : memref<!tpu.dma_semaphore, #tpu.memory_space<semaphore_mem>>)
    %dma_start3A_122 = arith.constant 12 : i32
    %dma_start3A_123 = arith.constant 512 : i32
    %dma_start3A_124 = arith.constant 0 : i32
    %dma_start3A_125 = tpu.memref_slice %arg8[%dma_start3A_123, %dma_start3A_124] : memref<1024x32xf32, #tpu.memory_space<vmem>> -> memref<128x32xf32, #tpu.memory_space<vmem>>
    %dma_start3A_126 = arith.constant 0 : i32
    %dma_start3A_127 = tpu.memref_slice %arg5[%dma_start3A_122, %dma_start3A_126] : memref<80x128xi32, #tpu.memory_space<vmem>> -> memref<1x128xi32, #tpu.memory_space<vmem>>
    %dma_start3A_128 = tpu.memref_squeeze %dma_start3A_127 : memref<1x128xi32, #tpu.memory_space<vmem>> -> memref<128xi32, #tpu.memory_space<vmem>>
    %dma_start3A_129 = arith.constant 0 : i32
    %dma_start3A_130 = arith.constant 0 : i32
    %dma_start3A_131 = tpu.memref_slice %arg6[%dma_start3A_129, %dma_start3A_130] : memref<69x32xf32, #tpu.memory_space<vmem_shared>> -> memref<69x32xf32, #tpu.memory_space<vmem_shared>>
    tpu.enqueue_indirect_dma source(%dma_start3A_131 : memref<69x32xf32, #tpu.memory_space<vmem_shared>>) target(%dma_start3A_125 : memref<128x32xf32, #tpu.memory_space<vmem>>) offsets(%dma_start3A_128 : memref<128xi32, #tpu.memory_space<vmem>>) semaphore(%arg10 : memref<!tpu.dma_semaphore, #tpu.memory_space<semaphore_mem>>)
    %dma_start3A_132 = arith.constant 13 : i32
    %dma_start3A_133 = arith.constant 640 : i32
    %dma_start3A_134 = arith.constant 0 : i32
    %dma_start3A_135 = tpu.memref_slice %arg8[%dma_start3A_133, %dma_start3A_134] : memref<1024x32xf32, #tpu.memory_space<vmem>> -> memref<128x32xf32, #tpu.memory_space<vmem>>
    %dma_start3A_136 = arith.constant 0 : i32
    %dma_start3A_137 = tpu.memref_slice %arg5[%dma_start3A_132, %dma_start3A_136] : memref<80x128xi32, #tpu.memory_space<vmem>> -> memref<1x128xi32, #tpu.memory_space<vmem>>
    %dma_start3A_138 = tpu.memref_squeeze %dma_start3A_137 : memref<1x128xi32, #tpu.memory_space<vmem>> -> memref<128xi32, #tpu.memory_space<vmem>>
    %dma_start3A_139 = arith.constant 0 : i32
    %dma_start3A_140 = arith.constant 0 : i32
    %dma_start3A_141 = tpu.memref_slice %arg6[%dma_start3A_139, %dma_start3A_140] : memref<69x32xf32, #tpu.memory_space<vmem_shared>> -> memref<69x32xf32, #tpu.memory_space<vmem_shared>>
    tpu.enqueue_indirect_dma source(%dma_start3A_141 : memref<69x32xf32, #tpu.memory_space<vmem_shared>>) target(%dma_start3A_135 : memref<128x32xf32, #tpu.memory_space<vmem>>) offsets(%dma_start3A_138 : memref<128xi32, #tpu.memory_space<vmem>>) semaphore(%arg10 : memref<!tpu.dma_semaphore, #tpu.memory_space<semaphore_mem>>)
    %dma_start3A_142 = arith.constant 14 : i32
    %dma_start3A_143 = arith.constant 768 : i32
    %dma_start3A_144 = arith.constant 0 : i32
    %dma_start3A_145 = tpu.memref_slice %arg8[%dma_start3A_143, %dma_start3A_144] : memref<1024x32xf32, #tpu.memory_space<vmem>> -> memref<128x32xf32, #tpu.memory_space<vmem>>
    %dma_start3A_146 = arith.constant 0 : i32
    %dma_start3A_147 = tpu.memref_slice %arg5[%dma_start3A_142, %dma_start3A_146] : memref<80x128xi32, #tpu.memory_space<vmem>> -> memref<1x128xi32, #tpu.memory_space<vmem>>
    %dma_start3A_148 = tpu.memref_squeeze %dma_start3A_147 : memref<1x128xi32, #tpu.memory_space<vmem>> -> memref<128xi32, #tpu.memory_space<vmem>>
    %dma_start3A_149 = arith.constant 0 : i32
    %dma_start3A_150 = arith.constant 0 : i32
    %dma_start3A_151 = tpu.memref_slice %arg6[%dma_start3A_149, %dma_start3A_150] : memref<69x32xf32, #tpu.memory_space<vmem_shared>> -> memref<69x32xf32, #tpu.memory_space<vmem_shared>>
    tpu.enqueue_indirect_dma source(%dma_start3A_151 : memref<69x32xf32, #tpu.memory_space<vmem_shared>>) target(%dma_start3A_145 : memref<128x32xf32, #tpu.memory_space<vmem>>) offsets(%dma_start3A_148 : memref<128xi32, #tpu.memory_space<vmem>>) semaphore(%arg10 : memref<!tpu.dma_semaphore, #tpu.memory_space<semaphore_mem>>)
    %dma_start3A_152 = arith.constant 15 : i32
    %dma_start3A_153 = arith.constant 896 : i32
    %dma_start3A_154 = arith.constant 0 : i32
    %dma_start3A_155 = tpu.memref_slice %arg8[%dma_start3A_153, %dma_start3A_154] : memref<1024x32xf32, #tpu.memory_space<vmem>> -> memref<128x32xf32, #tpu.memory_space<vmem>>
    %dma_start3A_156 = arith.constant 0 : i32
    %dma_start3A_157 = tpu.memref_slice %arg5[%dma_start3A_152, %dma_start3A_156] : memref<80x128xi32, #tpu.memory_space<vmem>> -> memref<1x128xi32, #tpu.memory_space<vmem>>
    %dma_start3A_158 = tpu.memref_squeeze %dma_start3A_157 : memref<1x128xi32, #tpu.memory_space<vmem>> -> memref<128xi32, #tpu.memory_space<vmem>>
    %dma_start3A_159 = arith.constant 0 : i32
    %dma_start3A_160 = arith.constant 0 : i32
    %dma_start3A_161 = tpu.memref_slice %arg6[%dma_start3A_159, %dma_start3A_160] : memref<69x32xf32, #tpu.memory_space<vmem_shared>> -> memref<69x32xf32, #tpu.memory_space<vmem_shared>>
    tpu.enqueue_indirect_dma source(%dma_start3A_161 : memref<69x32xf32, #tpu.memory_space<vmem_shared>>) target(%dma_start3A_155 : memref<128x32xf32, #tpu.memory_space<vmem>>) offsets(%dma_start3A_158 : memref<128xi32, #tpu.memory_space<vmem>>) semaphore(%arg10 : memref<!tpu.dma_semaphore, #tpu.memory_space<semaphore_mem>>)
    %dma_wait3A = arith.constant 0 : i32
    %dma_wait3A_162 = arith.constant 0 : i32
    %dma_wait3A_163 = arith.constant 0 : i32
    %dma_wait3A_164 = tpu.memref_slice %arg7[%dma_wait3A_162, %dma_wait3A_163] : memref<1024x32xf32, #tpu.memory_space<vmem>> -> memref<128x32xf32, #tpu.memory_space<vmem>>
    %dma_wait3A_165 = arith.constant 0 : i32
    %dma_wait3A_166 = tpu.memref_slice %arg5[%dma_wait3A, %dma_wait3A_165] : memref<80x128xi32, #tpu.memory_space<vmem>> -> memref<1x128xi32, #tpu.memory_space<vmem>>
    %dma_wait3A_167 = tpu.memref_squeeze %dma_wait3A_166 : memref<1x128xi32, #tpu.memory_space<vmem>> -> memref<128xi32, #tpu.memory_space<vmem>>
    %dma_wait3A_168 = arith.constant 0 : i32
    %dma_wait3A_169 = arith.constant 0 : i32
    %dma_wait3A_170 = tpu.memref_slice %arg6[%dma_wait3A_168, %dma_wait3A_169] : memref<69x32xf32, #tpu.memory_space<vmem_shared>> -> memref<69x32xf32, #tpu.memory_space<vmem_shared>>
    tpu.wait_indirect_dma semaphore(%arg9 : memref<!tpu.dma_semaphore, #tpu.memory_space<semaphore_mem>>) src(%dma_wait3A_170 : memref<69x32xf32, #tpu.memory_space<vmem_shared>>) dst(%dma_wait3A_164 : memref<128x32xf32, #tpu.memory_space<vmem>>)
    %dma_wait3A_171 = arith.constant 1 : i32
    %dma_wait3A_172 = arith.constant 128 : i32
    %dma_wait3A_173 = arith.constant 0 : i32
    %dma_wait3A_174 = tpu.memref_slice %arg7[%dma_wait3A_172, %dma_wait3A_173] : memref<1024x32xf32, #tpu.memory_space<vmem>> -> memref<128x32xf32, #tpu.memory_space<vmem>>
    %dma_wait3A_175 = arith.constant 0 : i32
    %dma_wait3A_176 = tpu.memref_slice %arg5[%dma_wait3A_171, %dma_wait3A_175] : memref<80x128xi32, #tpu.memory_space<vmem>> -> memref<1x128xi32, #tpu.memory_space<vmem>>
    %dma_wait3A_177 = tpu.memref_squeeze %dma_wait3A_176 : memref<1x128xi32, #tpu.memory_space<vmem>> -> memref<128xi32, #tpu.memory_space<vmem>>
    %dma_wait3A_178 = arith.constant 0 : i32
    %dma_wait3A_179 = arith.constant 0 : i32
    %dma_wait3A_180 = tpu.memref_slice %arg6[%dma_wait3A_178, %dma_wait3A_179] : memref<69x32xf32, #tpu.memory_space<vmem_shared>> -> memref<69x32xf32, #tpu.memory_space<vmem_shared>>
    tpu.wait_indirect_dma semaphore(%arg9 : memref<!tpu.dma_semaphore, #tpu.memory_space<semaphore_mem>>) src(%dma_wait3A_180 : memref<69x32xf32, #tpu.memory_space<vmem_shared>>) dst(%dma_wait3A_174 : memref<128x32xf32, #tpu.memory_space<vmem>>)
    %dma_wait3A_181 = arith.constant 2 : i32
    %dma_wait3A_182 = arith.constant 256 : i32
    %dma_wait3A_183 = arith.constant 0 : i32
    %dma_wait3A_184 = tpu.memref_slice %arg7[%dma_wait3A_182, %dma_wait3A_183] : memref<1024x32xf32, #tpu.memory_space<vmem>> -> memref<128x32xf32, #tpu.memory_space<vmem>>
    %dma_wait3A_185 = arith.constant 0 : i32
    %dma_wait3A_186 = tpu.memref_slice %arg5[%dma_wait3A_181, %dma_wait3A_185] : memref<80x128xi32, #tpu.memory_space<vmem>> -> memref<1x128xi32, #tpu.memory_space<vmem>>
    %dma_wait3A_187 = tpu.memref_squeeze %dma_wait3A_186 : memref<1x128xi32, #tpu.memory_space<vmem>> -> memref<128xi32, #tpu.memory_space<vmem>>
    %dma_wait3A_188 = arith.constant 0 : i32
    %dma_wait3A_189 = arith.constant 0 : i32
    %dma_wait3A_190 = tpu.memref_slice %arg6[%dma_wait3A_188, %dma_wait3A_189] : memref<69x32xf32, #tpu.memory_space<vmem_shared>> -> memref<69x32xf32, #tpu.memory_space<vmem_shared>>
    tpu.wait_indirect_dma semaphore(%arg9 : memref<!tpu.dma_semaphore, #tpu.memory_space<semaphore_mem>>) src(%dma_wait3A_190 : memref<69x32xf32, #tpu.memory_space<vmem_shared>>) dst(%dma_wait3A_184 : memref<128x32xf32, #tpu.memory_space<vmem>>)
    %dma_wait3A_191 = arith.constant 3 : i32
    %dma_wait3A_192 = arith.constant 384 : i32
    %dma_wait3A_193 = arith.constant 0 : i32
    %dma_wait3A_194 = tpu.memref_slice %arg7[%dma_wait3A_192, %dma_wait3A_193] : memref<1024x32xf32, #tpu.memory_space<vmem>> -> memref<128x32xf32, #tpu.memory_space<vmem>>
    %dma_wait3A_195 = arith.constant 0 : i32
    %dma_wait3A_196 = tpu.memref_slice %arg5[%dma_wait3A_191, %dma_wait3A_195] : memref<80x128xi32, #tpu.memory_space<vmem>> -> memref<1x128xi32, #tpu.memory_space<vmem>>
    %dma_wait3A_197 = tpu.memref_squeeze %dma_wait3A_196 : memref<1x128xi32, #tpu.memory_space<vmem>> -> memref<128xi32, #tpu.memory_space<vmem>>
    %dma_wait3A_198 = arith.constant 0 : i32
    %dma_wait3A_199 = arith.constant 0 : i32
    %dma_wait3A_200 = tpu.memref_slice %arg6[%dma_wait3A_198, %dma_wait3A_199] : memref<69x32xf32, #tpu.memory_space<vmem_shared>> -> memref<69x32xf32, #tpu.memory_space<vmem_shared>>
    tpu.wait_indirect_dma semaphore(%arg9 : memref<!tpu.dma_semaphore, #tpu.memory_space<semaphore_mem>>) src(%dma_wait3A_200 : memref<69x32xf32, #tpu.memory_space<vmem_shared>>) dst(%dma_wait3A_194 : memref<128x32xf32, #tpu.memory_space<vmem>>)
    %dma_wait3A_201 = arith.constant 4 : i32
    %dma_wait3A_202 = arith.constant 512 : i32
    %dma_wait3A_203 = arith.constant 0 : i32
    %dma_wait3A_204 = tpu.memref_slice %arg7[%dma_wait3A_202, %dma_wait3A_203] : memref<1024x32xf32, #tpu.memory_space<vmem>> -> memref<128x32xf32, #tpu.memory_space<vmem>>
    %dma_wait3A_205 = arith.constant 0 : i32
    %dma_wait3A_206 = tpu.memref_slice %arg5[%dma_wait3A_201, %dma_wait3A_205] : memref<80x128xi32, #tpu.memory_space<vmem>> -> memref<1x128xi32, #tpu.memory_space<vmem>>
    %dma_wait3A_207 = tpu.memref_squeeze %dma_wait3A_206 : memref<1x128xi32, #tpu.memory_space<vmem>> -> memref<128xi32, #tpu.memory_space<vmem>>
    %dma_wait3A_208 = arith.constant 0 : i32
    %dma_wait3A_209 = arith.constant 0 : i32
    %dma_wait3A_210 = tpu.memref_slice %arg6[%dma_wait3A_208, %dma_wait3A_209] : memref<69x32xf32, #tpu.memory_space<vmem_shared>> -> memref<69x32xf32, #tpu.memory_space<vmem_shared>>
    tpu.wait_indirect_dma semaphore(%arg9 : memref<!tpu.dma_semaphore, #tpu.memory_space<semaphore_mem>>) src(%dma_wait3A_210 : memref<69x32xf32, #tpu.memory_space<vmem_shared>>) dst(%dma_wait3A_204 : memref<128x32xf32, #tpu.memory_space<vmem>>)
    %dma_wait3A_211 = arith.constant 5 : i32
    %dma_wait3A_212 = arith.constant 640 : i32
    %dma_wait3A_213 = arith.constant 0 : i32
    %dma_wait3A_214 = tpu.memref_slice %arg7[%dma_wait3A_212, %dma_wait3A_213] : memref<1024x32xf32, #tpu.memory_space<vmem>> -> memref<128x32xf32, #tpu.memory_space<vmem>>
    %dma_wait3A_215 = arith.constant 0 : i32
    %dma_wait3A_216 = tpu.memref_slice %arg5[%dma_wait3A_211, %dma_wait3A_215] : memref<80x128xi32, #tpu.memory_space<vmem>> -> memref<1x128xi32, #tpu.memory_space<vmem>>
    %dma_wait3A_217 = tpu.memref_squeeze %dma_wait3A_216 : memref<1x128xi32, #tpu.memory_space<vmem>> -> memref<128xi32, #tpu.memory_space<vmem>>
    %dma_wait3A_218 = arith.constant 0 : i32
    %dma_wait3A_219 = arith.constant 0 : i32
    %dma_wait3A_220 = tpu.memref_slice %arg6[%dma_wait3A_218, %dma_wait3A_219] : memref<69x32xf32, #tpu.memory_space<vmem_shared>> -> memref<69x32xf32, #tpu.memory_space<vmem_shared>>
    tpu.wait_indirect_dma semaphore(%arg9 : memref<!tpu.dma_semaphore, #tpu.memory_space<semaphore_mem>>) src(%dma_wait3A_220 : memref<69x32xf32, #tpu.memory_space<vmem_shared>>) dst(%dma_wait3A_214 : memref<128x32xf32, #tpu.memory_space<vmem>>)
    %dma_wait3A_221 = arith.constant 6 : i32
    %dma_wait3A_222 = arith.constant 768 : i32
    %dma_wait3A_223 = arith.constant 0 : i32
    %dma_wait3A_224 = tpu.memref_slice %arg7[%dma_wait3A_222, %dma_wait3A_223] : memref<1024x32xf32, #tpu.memory_space<vmem>> -> memref<128x32xf32, #tpu.memory_space<vmem>>
    %dma_wait3A_225 = arith.constant 0 : i32
    %dma_wait3A_226 = tpu.memref_slice %arg5[%dma_wait3A_221, %dma_wait3A_225] : memref<80x128xi32, #tpu.memory_space<vmem>> -> memref<1x128xi32, #tpu.memory_space<vmem>>
    %dma_wait3A_227 = tpu.memref_squeeze %dma_wait3A_226 : memref<1x128xi32, #tpu.memory_space<vmem>> -> memref<128xi32, #tpu.memory_space<vmem>>
    %dma_wait3A_228 = arith.constant 0 : i32
    %dma_wait3A_229 = arith.constant 0 : i32
    %dma_wait3A_230 = tpu.memref_slice %arg6[%dma_wait3A_228, %dma_wait3A_229] : memref<69x32xf32, #tpu.memory_space<vmem_shared>> -> memref<69x32xf32, #tpu.memory_space<vmem_shared>>
    tpu.wait_indirect_dma semaphore(%arg9 : memref<!tpu.dma_semaphore, #tpu.memory_space<semaphore_mem>>) src(%dma_wait3A_230 : memref<69x32xf32, #tpu.memory_space<vmem_shared>>) dst(%dma_wait3A_224 : memref<128x32xf32, #tpu.memory_space<vmem>>)
    %dma_wait3A_231 = arith.constant 7 : i32
    %dma_wait3A_232 = arith.constant 896 : i32
    %dma_wait3A_233 = arith.constant 0 : i32
    %dma_wait3A_234 = tpu.memref_slice %arg7[%dma_wait3A_232, %dma_wait3A_233] : memref<1024x32xf32, #tpu.memory_space<vmem>> -> memref<128x32xf32, #tpu.memory_space<vmem>>
    %dma_wait3A_235 = arith.constant 0 : i32
    %dma_wait3A_236 = tpu.memref_slice %arg5[%dma_wait3A_231, %dma_wait3A_235] : memref<80x128xi32, #tpu.memory_space<vmem>> -> memref<1x128xi32, #tpu.memory_space<vmem>>
    %dma_wait3A_237 = tpu.memref_squeeze %dma_wait3A_236 : memref<1x128xi32, #tpu.memory_space<vmem>> -> memref<128xi32, #tpu.memory_space<vmem>>
    %dma_wait3A_238 = arith.constant 0 : i32
    %dma_wait3A_239 = arith.constant 0 : i32
    %dma_wait3A_240 = tpu.memref_slice %arg6[%dma_wait3A_238, %dma_wait3A_239] : memref<69x32xf32, #tpu.memory_space<vmem_shared>> -> memref<69x32xf32, #tpu.memory_space<vmem_shared>>
    tpu.wait_indirect_dma semaphore(%arg9 : memref<!tpu.dma_semaphore, #tpu.memory_space<semaphore_mem>>) src(%dma_wait3A_240 : memref<69x32xf32, #tpu.memory_space<vmem_shared>>) dst(%dma_wait3A_234 : memref<128x32xf32, #tpu.memory_space<vmem>>)
    %mul3A_241 = arith.constant 10240 : i32
    %mul3A_242 = arith.muli %add3A, %mul3A_241 : i32
    %add3A_243 = arith.constant 0 : i32
    %add3A_244 = arith.addi %mul3A_242, %add3A_243 : i32
    %dma_start3A_245 = arith.constant 0 : i32
    %dma_start3A_246 = tpu.memref_slice %arg4[%add3A_244, %dma_start3A_245] : memref<327680x32xf32, #tpu.memory_space<hbm>> -> memref<1024x32xf32, #tpu.memory_space<hbm>>
    %dma_start3A_247 = arith.constant 0 : i32
    %dma_start3A_248 = tpu.memref_slice %arg4[%add3A_244, %dma_start3A_247] : memref<327680x32xf32, #tpu.memory_space<hbm>> -> memref<1024x32xf32, #tpu.memory_space<hbm>>
    tpu.enqueue_dma source(%arg7 : memref<1024x32xf32, #tpu.memory_space<vmem>>) target(%dma_start3A_248 : memref<1024x32xf32, #tpu.memory_space<hbm>>) target_semaphore(%arg11 : memref<!tpu.dma_semaphore, #tpu.memory_space<semaphore_mem>>)
    %dma_wait3A_249 = arith.constant 0 : i32
    %dma_wait3A_250 = tpu.memref_slice %arg4[%add3A_244, %dma_wait3A_249] : memref<327680x32xf32, #tpu.memory_space<hbm>> -> memref<1024x32xf32, #tpu.memory_space<hbm>>
    %dma_wait3A_251 = arith.constant 0 : i32
    %dma_wait3A_252 = tpu.memref_slice %arg4[%add3A_244, %dma_wait3A_251] : memref<327680x32xf32, #tpu.memory_space<hbm>> -> memref<1024x32xf32, #tpu.memory_space<hbm>>
    tpu.wait_dma2 semaphore(%arg11 : memref<!tpu.dma_semaphore, #tpu.memory_space<semaphore_mem>>) src(%arg7 : memref<1024x32xf32, #tpu.memory_space<vmem>>) dst(%dma_wait3A_252 : memref<1024x32xf32, #tpu.memory_space<hbm>>)
    %dma_start3A_253 = arith.constant 16 : i32
    %dma_start3A_254 = arith.constant 0 : i32
    %dma_start3A_255 = arith.constant 0 : i32
    %dma_start3A_256 = tpu.memref_slice %arg7[%dma_start3A_254, %dma_start3A_255] : memref<1024x32xf32, #tpu.memory_space<vmem>> -> memref<128x32xf32, #tpu.memory_space<vmem>>
    %dma_start3A_257 = arith.constant 0 : i32
    %dma_start3A_258 = tpu.memref_slice %arg5[%dma_start3A_253, %dma_start3A_257] : memref<80x128xi32, #tpu.memory_space<vmem>> -> memref<1x128xi32, #tpu.memory_space<vmem>>
    %dma_start3A_259 = tpu.memref_squeeze %dma_start3A_258 : memref<1x128xi32, #tpu.memory_space<vmem>> -> memref<128xi32, #tpu.memory_space<vmem>>
    %dma_start3A_260 = arith.constant 0 : i32
    %dma_start3A_261 = arith.constant 0 : i32
    %dma_start3A_262 = tpu.memref_slice %arg6[%dma_start3A_260, %dma_start3A_261] : memref<69x32xf32, #tpu.memory_space<vmem_shared>> -> memref<69x32xf32, #tpu.memory_space<vmem_shared>>
    tpu.enqueue_indirect_dma source(%dma_start3A_262 : memref<69x32xf32, #tpu.memory_space<vmem_shared>>) target(%dma_start3A_256 : memref<128x32xf32, #tpu.memory_space<vmem>>) offsets(%dma_start3A_259 : memref<128xi32, #tpu.memory_space<vmem>>) semaphore(%arg9 : memref<!tpu.dma_semaphore, #tpu.memory_space<semaphore_mem>>)
    %dma_start3A_263 = arith.constant 17 : i32
    %dma_start3A_264 = arith.constant 128 : i32
    %dma_start3A_265 = arith.constant 0 : i32
    %dma_start3A_266 = tpu.memref_slice %arg7[%dma_start3A_264, %dma_start3A_265] : memref<1024x32xf32, #tpu.memory_space<vmem>> -> memref<128x32xf32, #tpu.memory_space<vmem>>
    %dma_start3A_267 = arith.constant 0 : i32
    %dma_start3A_268 = tpu.memref_slice %arg5[%dma_start3A_263, %dma_start3A_267] : memref<80x128xi32, #tpu.memory_space<vmem>> -> memref<1x128xi32, #tpu.memory_space<vmem>>
    %dma_start3A_269 = tpu.memref_squeeze %dma_start3A_268 : memref<1x128xi32, #tpu.memory_space<vmem>> -> memref<128xi32, #tpu.memory_space<vmem>>
    %dma_start3A_270 = arith.constant 0 : i32
    %dma_start3A_271 = arith.constant 0 : i32
    %dma_start3A_272 = tpu.memref_slice %arg6[%dma_start3A_270, %dma_start3A_271] : memref<69x32xf32, #tpu.memory_space<vmem_shared>> -> memref<69x32xf32, #tpu.memory_space<vmem_shared>>
    tpu.enqueue_indirect_dma source(%dma_start3A_272 : memref<69x32xf32, #tpu.memory_space<vmem_shared>>) target(%dma_start3A_266 : memref<128x32xf32, #tpu.memory_space<vmem>>) offsets(%dma_start3A_269 : memref<128xi32, #tpu.memory_space<vmem>>) semaphore(%arg9 : memref<!tpu.dma_semaphore, #tpu.memory_space<semaphore_mem>>)
    %dma_start3A_273 = arith.constant 18 : i32
    %dma_start3A_274 = arith.constant 256 : i32
    %dma_start3A_275 = arith.constant 0 : i32
    %dma_start3A_276 = tpu.memref_slice %arg7[%dma_start3A_274, %dma_start3A_275] : memref<1024x32xf32, #tpu.memory_space<vmem>> -> memref<128x32xf32, #tpu.memory_space<vmem>>
    %dma_start3A_277 = arith.constant 0 : i32
    %dma_start3A_278 = tpu.memref_slice %arg5[%dma_start3A_273, %dma_start3A_277] : memref<80x128xi32, #tpu.memory_space<vmem>> -> memref<1x128xi32, #tpu.memory_space<vmem>>
    %dma_start3A_279 = tpu.memref_squeeze %dma_start3A_278 : memref<1x128xi32, #tpu.memory_space<vmem>> -> memref<128xi32, #tpu.memory_space<vmem>>
    %dma_start3A_280 = arith.constant 0 : i32
    %dma_start3A_281 = arith.constant 0 : i32
    %dma_start3A_282 = tpu.memref_slice %arg6[%dma_start3A_280, %dma_start3A_281] : memref<69x32xf32, #tpu.memory_space<vmem_shared>> -> memref<69x32xf32, #tpu.memory_space<vmem_shared>>
    tpu.enqueue_indirect_dma source(%dma_start3A_282 : memref<69x32xf32, #tpu.memory_space<vmem_shared>>) target(%dma_start3A_276 : memref<128x32xf32, #tpu.memory_space<vmem>>) offsets(%dma_start3A_279 : memref<128xi32, #tpu.memory_space<vmem>>) semaphore(%arg9 : memref<!tpu.dma_semaphore, #tpu.memory_space<semaphore_mem>>)
    %dma_start3A_283 = arith.constant 19 : i32
    %dma_start3A_284 = arith.constant 384 : i32
    %dma_start3A_285 = arith.constant 0 : i32
    %dma_start3A_286 = tpu.memref_slice %arg7[%dma_start3A_284, %dma_start3A_285] : memref<1024x32xf32, #tpu.memory_space<vmem>> -> memref<128x32xf32, #tpu.memory_space<vmem>>
    %dma_start3A_287 = arith.constant 0 : i32
    %dma_start3A_288 = tpu.memref_slice %arg5[%dma_start3A_283, %dma_start3A_287] : memref<80x128xi32, #tpu.memory_space<vmem>> -> memref<1x128xi32, #tpu.memory_space<vmem>>
    %dma_start3A_289 = tpu.memref_squeeze %dma_start3A_288 : memref<1x128xi32, #tpu.memory_space<vmem>> -> memref<128xi32, #tpu.memory_space<vmem>>
    %dma_start3A_290 = arith.constant 0 : i32
    %dma_start3A_291 = arith.constant 0 : i32
    %dma_start3A_292 = tpu.memref_slice %arg6[%dma_start3A_290, %dma_start3A_291] : memref<69x32xf32, #tpu.memory_space<vmem_shared>> -> memref<69x32xf32, #tpu.memory_space<vmem_shared>>
    tpu.enqueue_indirect_dma source(%dma_start3A_292 : memref<69x32xf32, #tpu.memory_space<vmem_shared>>) target(%dma_start3A_286 : memref<128x32xf32, #tpu.memory_space<vmem>>) offsets(%dma_start3A_289 : memref<128xi32, #tpu.memory_space<vmem>>) semaphore(%arg9 : memref<!tpu.dma_semaphore, #tpu.memory_space<semaphore_mem>>)
    %dma_start3A_293 = arith.constant 20 : i32
    %dma_start3A_294 = arith.constant 512 : i32
    %dma_start3A_295 = arith.constant 0 : i32
    %dma_start3A_296 = tpu.memref_slice %arg7[%dma_start3A_294, %dma_start3A_295] : memref<1024x32xf32, #tpu.memory_space<vmem>> -> memref<128x32xf32, #tpu.memory_space<vmem>>
    %dma_start3A_297 = arith.constant 0 : i32
    %dma_start3A_298 = tpu.memref_slice %arg5[%dma_start3A_293, %dma_start3A_297] : memref<80x128xi32, #tpu.memory_space<vmem>> -> memref<1x128xi32, #tpu.memory_space<vmem>>
    %dma_start3A_299 = tpu.memref_squeeze %dma_start3A_298 : memref<1x128xi32, #tpu.memory_space<vmem>> -> memref<128xi32, #tpu.memory_space<vmem>>
    %dma_start3A_300 = arith.constant 0 : i32
    %dma_start3A_301 = arith.constant 0 : i32
    %dma_start3A_302 = tpu.memref_slice %arg6[%dma_start3A_300, %dma_start3A_301] : memref<69x32xf32, #tpu.memory_space<vmem_shared>> -> memref<69x32xf32, #tpu.memory_space<vmem_shared>>
    tpu.enqueue_indirect_dma source(%dma_start3A_302 : memref<69x32xf32, #tpu.memory_space<vmem_shared>>) target(%dma_start3A_296 : memref<128x32xf32, #tpu.memory_space<vmem>>) offsets(%dma_start3A_299 : memref<128xi32, #tpu.memory_space<vmem>>) semaphore(%arg9 : memref<!tpu.dma_semaphore, #tpu.memory_space<semaphore_mem>>)
    %dma_start3A_303 = arith.constant 21 : i32
    %dma_start3A_304 = arith.constant 640 : i32
    %dma_start3A_305 = arith.constant 0 : i32
    %dma_start3A_306 = tpu.memref_slice %arg7[%dma_start3A_304, %dma_start3A_305] : memref<1024x32xf32, #tpu.memory_space<vmem>> -> memref<128x32xf32, #tpu.memory_space<vmem>>
    %dma_start3A_307 = arith.constant 0 : i32
    %dma_start3A_308 = tpu.memref_slice %arg5[%dma_start3A_303, %dma_start3A_307] : memref<80x128xi32, #tpu.memory_space<vmem>> -> memref<1x128xi32, #tpu.memory_space<vmem>>
    %dma_start3A_309 = tpu.memref_squeeze %dma_start3A_308 : memref<1x128xi32, #tpu.memory_space<vmem>> -> memref<128xi32, #tpu.memory_space<vmem>>
    %dma_start3A_310 = arith.constant 0 : i32
    %dma_start3A_311 = arith.constant 0 : i32
    %dma_start3A_312 = tpu.memref_slice %arg6[%dma_start3A_310, %dma_start3A_311] : memref<69x32xf32, #tpu.memory_space<vmem_shared>> -> memref<69x32xf32, #tpu.memory_space<vmem_shared>>
    tpu.enqueue_indirect_dma source(%dma_start3A_312 : memref<69x32xf32, #tpu.memory_space<vmem_shared>>) target(%dma_start3A_306 : memref<128x32xf32, #tpu.memory_space<vmem>>) offsets(%dma_start3A_309 : memref<128xi32, #tpu.memory_space<vmem>>) semaphore(%arg9 : memref<!tpu.dma_semaphore, #tpu.memory_space<semaphore_mem>>)
    %dma_start3A_313 = arith.constant 22 : i32
    %dma_start3A_314 = arith.constant 768 : i32
    %dma_start3A_315 = arith.constant 0 : i32
    %dma_start3A_316 = tpu.memref_slice %arg7[%dma_start3A_314, %dma_start3A_315] : memref<1024x32xf32, #tpu.memory_space<vmem>> -> memref<128x32xf32, #tpu.memory_space<vmem>>
    %dma_start3A_317 = arith.constant 0 : i32
    %dma_start3A_318 = tpu.memref_slice %arg5[%dma_start3A_313, %dma_start3A_317] : memref<80x128xi32, #tpu.memory_space<vmem>> -> memref<1x128xi32, #tpu.memory_space<vmem>>
    %dma_start3A_319 = tpu.memref_squeeze %dma_start3A_318 : memref<1x128xi32, #tpu.memory_space<vmem>> -> memref<128xi32, #tpu.memory_space<vmem>>
    %dma_start3A_320 = arith.constant 0 : i32
    %dma_start3A_321 = arith.constant 0 : i32
    %dma_start3A_322 = tpu.memref_slice %arg6[%dma_start3A_320, %dma_start3A_321] : memref<69x32xf32, #tpu.memory_space<vmem_shared>> -> memref<69x32xf32, #tpu.memory_space<vmem_shared>>
    tpu.enqueue_indirect_dma source(%dma_start3A_322 : memref<69x32xf32, #tpu.memory_space<vmem_shared>>) target(%dma_start3A_316 : memref<128x32xf32, #tpu.memory_space<vmem>>) offsets(%dma_start3A_319 : memref<128xi32, #tpu.memory_space<vmem>>) semaphore(%arg9 : memref<!tpu.dma_semaphore, #tpu.memory_space<semaphore_mem>>)
    %dma_start3A_323 = arith.constant 23 : i32
    %dma_start3A_324 = arith.constant 896 : i32
    %dma_start3A_325 = arith.constant 0 : i32
    %dma_start3A_326 = tpu.memref_slice %arg7[%dma_start3A_324, %dma_start3A_325] : memref<1024x32xf32, #tpu.memory_space<vmem>> -> memref<128x32xf32, #tpu.memory_space<vmem>>
    %dma_start3A_327 = arith.constant 0 : i32
    %dma_start3A_328 = tpu.memref_slice %arg5[%dma_start3A_323, %dma_start3A_327] : memref<80x128xi32, #tpu.memory_space<vmem>> -> memref<1x128xi32, #tpu.memory_space<vmem>>
    %dma_start3A_329 = tpu.memref_squeeze %dma_start3A_328 : memref<1x128xi32, #tpu.memory_space<vmem>> -> memref<128xi32, #tpu.memory_space<vmem>>
    %dma_start3A_330 = arith.constant 0 : i32
    %dma_start3A_331 = arith.constant 0 : i32
    %dma_start3A_332 = tpu.memref_slice %arg6[%dma_start3A_330, %dma_start3A_331] : memref<69x32xf32, #tpu.memory_space<vmem_shared>> -> memref<69x32xf32, #tpu.memory_space<vmem_shared>>
    tpu.enqueue_indirect_dma source(%dma_start3A_332 : memref<69x32xf32, #tpu.memory_space<vmem_shared>>) target(%dma_start3A_326 : memref<128x32xf32, #tpu.memory_space<vmem>>) offsets(%dma_start3A_329 : memref<128xi32, #tpu.memory_space<vmem>>) semaphore(%arg9 : memref<!tpu.dma_semaphore, #tpu.memory_space<semaphore_mem>>)
    %dma_wait3A_333 = arith.constant 8 : i32
    %dma_wait3A_334 = arith.constant 0 : i32
    %dma_wait3A_335 = arith.constant 0 : i32
    %dma_wait3A_336 = tpu.memref_slice %arg8[%dma_wait3A_334, %dma_wait3A_335] : memref<1024x32xf32, #tpu.memory_space<vmem>> -> memref<128x32xf32, #tpu.memory_space<vmem>>
    %dma_wait3A_337 = arith.constant 0 : i32
    %dma_wait3A_338 = tpu.memref_slice %arg5[%dma_wait3A_333, %dma_wait3A_337] : memref<80x128xi32, #tpu.memory_space<vmem>> -> memref<1x128xi32, #tpu.memory_space<vmem>>
    %dma_wait3A_339 = tpu.memref_squeeze %dma_wait3A_338 : memref<1x128xi32, #tpu.memory_space<vmem>> -> memref<128xi32, #tpu.memory_space<vmem>>
    %dma_wait3A_340 = arith.constant 0 : i32
    %dma_wait3A_341 = arith.constant 0 : i32
    %dma_wait3A_342 = tpu.memref_slice %arg6[%dma_wait3A_340, %dma_wait3A_341] : memref<69x32xf32, #tpu.memory_space<vmem_shared>> -> memref<69x32xf32, #tpu.memory_space<vmem_shared>>
    tpu.wait_indirect_dma semaphore(%arg10 : memref<!tpu.dma_semaphore, #tpu.memory_space<semaphore_mem>>) src(%dma_wait3A_342 : memref<69x32xf32, #tpu.memory_space<vmem_shared>>) dst(%dma_wait3A_336 : memref<128x32xf32, #tpu.memory_space<vmem>>)
    %dma_wait3A_343 = arith.constant 9 : i32
    %dma_wait3A_344 = arith.constant 128 : i32
    %dma_wait3A_345 = arith.constant 0 : i32
    %dma_wait3A_346 = tpu.memref_slice %arg8[%dma_wait3A_344, %dma_wait3A_345] : memref<1024x32xf32, #tpu.memory_space<vmem>> -> memref<128x32xf32, #tpu.memory_space<vmem>>
    %dma_wait3A_347 = arith.constant 0 : i32
    %dma_wait3A_348 = tpu.memref_slice %arg5[%dma_wait3A_343, %dma_wait3A_347] : memref<80x128xi32, #tpu.memory_space<vmem>> -> memref<1x128xi32, #tpu.memory_space<vmem>>
    %dma_wait3A_349 = tpu.memref_squeeze %dma_wait3A_348 : memref<1x128xi32, #tpu.memory_space<vmem>> -> memref<128xi32, #tpu.memory_space<vmem>>
    %dma_wait3A_350 = arith.constant 0 : i32
    %dma_wait3A_351 = arith.constant 0 : i32
    %dma_wait3A_352 = tpu.memref_slice %arg6[%dma_wait3A_350, %dma_wait3A_351] : memref<69x32xf32, #tpu.memory_space<vmem_shared>> -> memref<69x32xf32, #tpu.memory_space<vmem_shared>>
    tpu.wait_indirect_dma semaphore(%arg10 : memref<!tpu.dma_semaphore, #tpu.memory_space<semaphore_mem>>) src(%dma_wait3A_352 : memref<69x32xf32, #tpu.memory_space<vmem_shared>>) dst(%dma_wait3A_346 : memref<128x32xf32, #tpu.memory_space<vmem>>)
    %dma_wait3A_353 = arith.constant 10 : i32
    %dma_wait3A_354 = arith.constant 256 : i32
    %dma_wait3A_355 = arith.constant 0 : i32
    %dma_wait3A_356 = tpu.memref_slice %arg8[%dma_wait3A_354, %dma_wait3A_355] : memref<1024x32xf32, #tpu.memory_space<vmem>> -> memref<128x32xf32, #tpu.memory_space<vmem>>
    %dma_wait3A_357 = arith.constant 0 : i32
    %dma_wait3A_358 = tpu.memref_slice %arg5[%dma_wait3A_353, %dma_wait3A_357] : memref<80x128xi32, #tpu.memory_space<vmem>> -> memref<1x128xi32, #tpu.memory_space<vmem>>
    %dma_wait3A_359 = tpu.memref_squeeze %dma_wait3A_358 : memref<1x128xi32, #tpu.memory_space<vmem>> -> memref<128xi32, #tpu.memory_space<vmem>>
    %dma_wait3A_360 = arith.constant 0 : i32
    %dma_wait3A_361 = arith.constant 0 : i32
    %dma_wait3A_362 = tpu.memref_slice %arg6[%dma_wait3A_360, %dma_wait3A_361] : memref<69x32xf32, #tpu.memory_space<vmem_shared>> -> memref<69x32xf32, #tpu.memory_space<vmem_shared>>
    tpu.wait_indirect_dma semaphore(%arg10 : memref<!tpu.dma_semaphore, #tpu.memory_space<semaphore_mem>>) src(%dma_wait3A_362 : memref<69x32xf32, #tpu.memory_space<vmem_shared>>) dst(%dma_wait3A_356 : memref<128x32xf32, #tpu.memory_space<vmem>>)
    %dma_wait3A_363 = arith.constant 11 : i32
    %dma_wait3A_364 = arith.constant 384 : i32
    %dma_wait3A_365 = arith.constant 0 : i32
    %dma_wait3A_366 = tpu.memref_slice %arg8[%dma_wait3A_364, %dma_wait3A_365] : memref<1024x32xf32, #tpu.memory_space<vmem>> -> memref<128x32xf32, #tpu.memory_space<vmem>>
    %dma_wait3A_367 = arith.constant 0 : i32
    %dma_wait3A_368 = tpu.memref_slice %arg5[%dma_wait3A_363, %dma_wait3A_367] : memref<80x128xi32, #tpu.memory_space<vmem>> -> memref<1x128xi32, #tpu.memory_space<vmem>>
    %dma_wait3A_369 = tpu.memref_squeeze %dma_wait3A_368 : memref<1x128xi32, #tpu.memory_space<vmem>> -> memref<128xi32, #tpu.memory_space<vmem>>
    %dma_wait3A_370 = arith.constant 0 : i32
    %dma_wait3A_371 = arith.constant 0 : i32
    %dma_wait3A_372 = tpu.memref_slice %arg6[%dma_wait3A_370, %dma_wait3A_371] : memref<69x32xf32, #tpu.memory_space<vmem_shared>> -> memref<69x32xf32, #tpu.memory_space<vmem_shared>>
    tpu.wait_indirect_dma semaphore(%arg10 : memref<!tpu.dma_semaphore, #tpu.memory_space<semaphore_mem>>) src(%dma_wait3A_372 : memref<69x32xf32, #tpu.memory_space<vmem_shared>>) dst(%dma_wait3A_366 : memref<128x32xf32, #tpu.memory_space<vmem>>)
    %dma_wait3A_373 = arith.constant 12 : i32
    %dma_wait3A_374 = arith.constant 512 : i32
    %dma_wait3A_375 = arith.constant 0 : i32
    %dma_wait3A_376 = tpu.memref_slice %arg8[%dma_wait3A_374, %dma_wait3A_375] : memref<1024x32xf32, #tpu.memory_space<vmem>> -> memref<128x32xf32, #tpu.memory_space<vmem>>
    %dma_wait3A_377 = arith.constant 0 : i32
    %dma_wait3A_378 = tpu.memref_slice %arg5[%dma_wait3A_373, %dma_wait3A_377] : memref<80x128xi32, #tpu.memory_space<vmem>> -> memref<1x128xi32, #tpu.memory_space<vmem>>
    %dma_wait3A_379 = tpu.memref_squeeze %dma_wait3A_378 : memref<1x128xi32, #tpu.memory_space<vmem>> -> memref<128xi32, #tpu.memory_space<vmem>>
    %dma_wait3A_380 = arith.constant 0 : i32
    %dma_wait3A_381 = arith.constant 0 : i32
    %dma_wait3A_382 = tpu.memref_slice %arg6[%dma_wait3A_380, %dma_wait3A_381] : memref<69x32xf32, #tpu.memory_space<vmem_shared>> -> memref<69x32xf32, #tpu.memory_space<vmem_shared>>
    tpu.wait_indirect_dma semaphore(%arg10 : memref<!tpu.dma_semaphore, #tpu.memory_space<semaphore_mem>>) src(%dma_wait3A_382 : memref<69x32xf32, #tpu.memory_space<vmem_shared>>) dst(%dma_wait3A_376 : memref<128x32xf32, #tpu.memory_space<vmem>>)
    %dma_wait3A_383 = arith.constant 13 : i32
    %dma_wait3A_384 = arith.constant 640 : i32
    %dma_wait3A_385 = arith.constant 0 : i32
    %dma_wait3A_386 = tpu.memref_slice %arg8[%dma_wait3A_384, %dma_wait3A_385] : memref<1024x32xf32, #tpu.memory_space<vmem>> -> memref<128x32xf32, #tpu.memory_space<vmem>>
    %dma_wait3A_387 = arith.constant 0 : i32
    %dma_wait3A_388 = tpu.memref_slice %arg5[%dma_wait3A_383, %dma_wait3A_387] : memref<80x128xi32, #tpu.memory_space<vmem>> -> memref<1x128xi32, #tpu.memory_space<vmem>>
    %dma_wait3A_389 = tpu.memref_squeeze %dma_wait3A_388 : memref<1x128xi32, #tpu.memory_space<vmem>> -> memref<128xi32, #tpu.memory_space<vmem>>
    %dma_wait3A_390 = arith.constant 0 : i32
    %dma_wait3A_391 = arith.constant 0 : i32
    %dma_wait3A_392 = tpu.memref_slice %arg6[%dma_wait3A_390, %dma_wait3A_391] : memref<69x32xf32, #tpu.memory_space<vmem_shared>> -> memref<69x32xf32, #tpu.memory_space<vmem_shared>>
    tpu.wait_indirect_dma semaphore(%arg10 : memref<!tpu.dma_semaphore, #tpu.memory_space<semaphore_mem>>) src(%dma_wait3A_392 : memref<69x32xf32, #tpu.memory_space<vmem_shared>>) dst(%dma_wait3A_386 : memref<128x32xf32, #tpu.memory_space<vmem>>)
    %dma_wait3A_393 = arith.constant 14 : i32
    %dma_wait3A_394 = arith.constant 768 : i32
    %dma_wait3A_395 = arith.constant 0 : i32
    %dma_wait3A_396 = tpu.memref_slice %arg8[%dma_wait3A_394, %dma_wait3A_395] : memref<1024x32xf32, #tpu.memory_space<vmem>> -> memref<128x32xf32, #tpu.memory_space<vmem>>
    %dma_wait3A_397 = arith.constant 0 : i32
    %dma_wait3A_398 = tpu.memref_slice %arg5[%dma_wait3A_393, %dma_wait3A_397] : memref<80x128xi32, #tpu.memory_space<vmem>> -> memref<1x128xi32, #tpu.memory_space<vmem>>
    %dma_wait3A_399 = tpu.memref_squeeze %dma_wait3A_398 : memref<1x128xi32, #tpu.memory_space<vmem>> -> memref<128xi32, #tpu.memory_space<vmem>>
    %dma_wait3A_400 = arith.constant 0 : i32
    %dma_wait3A_401 = arith.constant 0 : i32
    %dma_wait3A_402 = tpu.memref_slice %arg6[%dma_wait3A_400, %dma_wait3A_401] : memref<69x32xf32, #tpu.memory_space<vmem_shared>> -> memref<69x32xf32, #tpu.memory_space<vmem_shared>>
    tpu.wait_indirect_dma semaphore(%arg10 : memref<!tpu.dma_semaphore, #tpu.memory_space<semaphore_mem>>) src(%dma_wait3A_402 : memref<69x32xf32, #tpu.memory_space<vmem_shared>>) dst(%dma_wait3A_396 : memref<128x32xf32, #tpu.memory_space<vmem>>)
    %dma_wait3A_403 = arith.constant 15 : i32
    %dma_wait3A_404 = arith.constant 896 : i32
    %dma_wait3A_405 = arith.constant 0 : i32
    %dma_wait3A_406 = tpu.memref_slice %arg8[%dma_wait3A_404, %dma_wait3A_405] : memref<1024x32xf32, #tpu.memory_space<vmem>> -> memref<128x32xf32, #tpu.memory_space<vmem>>
    %dma_wait3A_407 = arith.constant 0 : i32
    %dma_wait3A_408 = tpu.memref_slice %arg5[%dma_wait3A_403, %dma_wait3A_407] : memref<80x128xi32, #tpu.memory_space<vmem>> -> memref<1x128xi32, #tpu.memory_space<vmem>>
    %dma_wait3A_409 = tpu.memref_squeeze %dma_wait3A_408 : memref<1x128xi32, #tpu.memory_space<vmem>> -> memref<128xi32, #tpu.memory_space<vmem>>
    %dma_wait3A_410 = arith.constant 0 : i32
    %dma_wait3A_411 = arith.constant 0 : i32
    %dma_wait3A_412 = tpu.memref_slice %arg6[%dma_wait3A_410, %dma_wait3A_411] : memref<69x32xf32, #tpu.memory_space<vmem_shared>> -> memref<69x32xf32, #tpu.memory_space<vmem_shared>>
    tpu.wait_indirect_dma semaphore(%arg10 : memref<!tpu.dma_semaphore, #tpu.memory_space<semaphore_mem>>) src(%dma_wait3A_412 : memref<69x32xf32, #tpu.memory_space<vmem_shared>>) dst(%dma_wait3A_406 : memref<128x32xf32, #tpu.memory_space<vmem>>)
    %mul3A_413 = arith.constant 10240 : i32
    %mul3A_414 = arith.muli %add3A, %mul3A_413 : i32
    %add3A_415 = arith.constant 1024 : i32
    %add3A_416 = arith.addi %mul3A_414, %add3A_415 : i32
    %dma_start3A_417 = arith.constant 0 : i32
    %dma_start3A_418 = tpu.memref_slice %arg4[%add3A_416, %dma_start3A_417] : memref<327680x32xf32, #tpu.memory_space<hbm>> -> memref<1024x32xf32, #tpu.memory_space<hbm>>
    %dma_start3A_419 = arith.constant 0 : i32
    %dma_start3A_420 = tpu.memref_slice %arg4[%add3A_416, %dma_start3A_419] : memref<327680x32xf32, #tpu.memory_space<hbm>> -> memref<1024x32xf32, #tpu.memory_space<hbm>>
    tpu.enqueue_dma source(%arg8 : memref<1024x32xf32, #tpu.memory_space<vmem>>) target(%dma_start3A_420 : memref<1024x32xf32, #tpu.memory_space<hbm>>) target_semaphore(%arg12 : memref<!tpu.dma_semaphore, #tpu.memory_space<semaphore_mem>>)
    %dma_wait3A_421 = arith.constant 0 : i32
    %dma_wait3A_422 = tpu.memref_slice %arg4[%add3A_416, %dma_wait3A_421] : memref<327680x32xf32, #tpu.memory_space<hbm>> -> memref<1024x32xf32, #tpu.memory_space<hbm>>
    %dma_wait3A_423 = arith.constant 0 : i32
    %dma_wait3A_424 = tpu.memref_slice %arg4[%add3A_416, %dma_wait3A_423] : memref<327680x32xf32, #tpu.memory_space<hbm>> -> memref<1024x32xf32, #tpu.memory_space<hbm>>
    tpu.wait_dma2 semaphore(%arg12 : memref<!tpu.dma_semaphore, #tpu.memory_space<semaphore_mem>>) src(%arg8 : memref<1024x32xf32, #tpu.memory_space<vmem>>) dst(%dma_wait3A_424 : memref<1024x32xf32, #tpu.memory_space<hbm>>)
    %dma_start3A_425 = arith.constant 24 : i32
    %dma_start3A_426 = arith.constant 0 : i32
    %dma_start3A_427 = arith.constant 0 : i32
    %dma_start3A_428 = tpu.memref_slice %arg8[%dma_start3A_426, %dma_start3A_427] : memref<1024x32xf32, #tpu.memory_space<vmem>> -> memref<128x32xf32, #tpu.memory_space<vmem>>
    %dma_start3A_429 = arith.constant 0 : i32
    %dma_start3A_430 = tpu.memref_slice %arg5[%dma_start3A_425, %dma_start3A_429] : memref<80x128xi32, #tpu.memory_space<vmem>> -> memref<1x128xi32, #tpu.memory_space<vmem>>
    %dma_start3A_431 = tpu.memref_squeeze %dma_start3A_430 : memref<1x128xi32, #tpu.memory_space<vmem>> -> memref<128xi32, #tpu.memory_space<vmem>>
    %dma_start3A_432 = arith.constant 0 : i32
    %dma_start3A_433 = arith.constant 0 : i32
    %dma_start3A_434 = tpu.memref_slice %arg6[%dma_start3A_432, %dma_start3A_433] : memref<69x32xf32, #tpu.memory_space<vmem_shared>> -> memref<69x32xf32, #tpu.memory_space<vmem_shared>>
    tpu.enqueue_indirect_dma source(%dma_start3A_434 : memref<69x32xf32, #tpu.memory_space<vmem_shared>>) target(%dma_start3A_428 : memref<128x32xf32, #tpu.memory_space<vmem>>) offsets(%dma_start3A_431 : memref<128xi32, #tpu.memory_space<vmem>>) semaphore(%arg10 : memref<!tpu.dma_semaphore, #tpu.memory_space<semaphore_mem>>)
    %dma_start3A_435 = arith.constant 25 : i32
    %dma_start3A_436 = arith.constant 128 : i32
    %dma_start3A_437 = arith.constant 0 : i32
    %dma_start3A_438 = tpu.memref_slice %arg8[%dma_start3A_436, %dma_start3A_437] : memref<1024x32xf32, #tpu.memory_space<vmem>> -> memref<128x32xf32, #tpu.memory_space<vmem>>
    %dma_start3A_439 = arith.constant 0 : i32
    %dma_start3A_440 = tpu.memref_slice %arg5[%dma_start3A_435, %dma_start3A_439] : memref<80x128xi32, #tpu.memory_space<vmem>> -> memref<1x128xi32, #tpu.memory_space<vmem>>
    %dma_start3A_441 = tpu.memref_squeeze %dma_start3A_440 : memref<1x128xi32, #tpu.memory_space<vmem>> -> memref<128xi32, #tpu.memory_space<vmem>>
    %dma_start3A_442 = arith.constant 0 : i32
    %dma_start3A_443 = arith.constant 0 : i32
    %dma_start3A_444 = tpu.memref_slice %arg6[%dma_start3A_442, %dma_start3A_443] : memref<69x32xf32, #tpu.memory_space<vmem_shared>> -> memref<69x32xf32, #tpu.memory_space<vmem_shared>>
    tpu.enqueue_indirect_dma source(%dma_start3A_444 : memref<69x32xf32, #tpu.memory_space<vmem_shared>>) target(%dma_start3A_438 : memref<128x32xf32, #tpu.memory_space<vmem>>) offsets(%dma_start3A_441 : memref<128xi32, #tpu.memory_space<vmem>>) semaphore(%arg10 : memref<!tpu.dma_semaphore, #tpu.memory_space<semaphore_mem>>)
    %dma_start3A_445 = arith.constant 26 : i32
    %dma_start3A_446 = arith.constant 256 : i32
    %dma_start3A_447 = arith.constant 0 : i32
    %dma_start3A_448 = tpu.memref_slice %arg8[%dma_start3A_446, %dma_start3A_447] : memref<1024x32xf32, #tpu.memory_space<vmem>> -> memref<128x32xf32, #tpu.memory_space<vmem>>
    %dma_start3A_449 = arith.constant 0 : i32
    %dma_start3A_450 = tpu.memref_slice %arg5[%dma_start3A_445, %dma_start3A_449] : memref<80x128xi32, #tpu.memory_space<vmem>> -> memref<1x128xi32, #tpu.memory_space<vmem>>
    %dma_start3A_451 = tpu.memref_squeeze %dma_start3A_450 : memref<1x128xi32, #tpu.memory_space<vmem>> -> memref<128xi32, #tpu.memory_space<vmem>>
    %dma_start3A_452 = arith.constant 0 : i32
    %dma_start3A_453 = arith.constant 0 : i32
    %dma_start3A_454 = tpu.memref_slice %arg6[%dma_start3A_452, %dma_start3A_453] : memref<69x32xf32, #tpu.memory_space<vmem_shared>> -> memref<69x32xf32, #tpu.memory_space<vmem_shared>>
    tpu.enqueue_indirect_dma source(%dma_start3A_454 : memref<69x32xf32, #tpu.memory_space<vmem_shared>>) target(%dma_start3A_448 : memref<128x32xf32, #tpu.memory_space<vmem>>) offsets(%dma_start3A_451 : memref<128xi32, #tpu.memory_space<vmem>>) semaphore(%arg10 : memref<!tpu.dma_semaphore, #tpu.memory_space<semaphore_mem>>)
    %dma_start3A_455 = arith.constant 27 : i32
    %dma_start3A_456 = arith.constant 384 : i32
    %dma_start3A_457 = arith.constant 0 : i32
    %dma_start3A_458 = tpu.memref_slice %arg8[%dma_start3A_456, %dma_start3A_457] : memref<1024x32xf32, #tpu.memory_space<vmem>> -> memref<128x32xf32, #tpu.memory_space<vmem>>
    %dma_start3A_459 = arith.constant 0 : i32
    %dma_start3A_460 = tpu.memref_slice %arg5[%dma_start3A_455, %dma_start3A_459] : memref<80x128xi32, #tpu.memory_space<vmem>> -> memref<1x128xi32, #tpu.memory_space<vmem>>
    %dma_start3A_461 = tpu.memref_squeeze %dma_start3A_460 : memref<1x128xi32, #tpu.memory_space<vmem>> -> memref<128xi32, #tpu.memory_space<vmem>>
    %dma_start3A_462 = arith.constant 0 : i32
    %dma_start3A_463 = arith.constant 0 : i32
    %dma_start3A_464 = tpu.memref_slice %arg6[%dma_start3A_462, %dma_start3A_463] : memref<69x32xf32, #tpu.memory_space<vmem_shared>> -> memref<69x32xf32, #tpu.memory_space<vmem_shared>>
    tpu.enqueue_indirect_dma source(%dma_start3A_464 : memref<69x32xf32, #tpu.memory_space<vmem_shared>>) target(%dma_start3A_458 : memref<128x32xf32, #tpu.memory_space<vmem>>) offsets(%dma_start3A_461 : memref<128xi32, #tpu.memory_space<vmem>>) semaphore(%arg10 : memref<!tpu.dma_semaphore, #tpu.memory_space<semaphore_mem>>)
    %dma_start3A_465 = arith.constant 28 : i32
    %dma_start3A_466 = arith.constant 512 : i32
    %dma_start3A_467 = arith.constant 0 : i32
    %dma_start3A_468 = tpu.memref_slice %arg8[%dma_start3A_466, %dma_start3A_467] : memref<1024x32xf32, #tpu.memory_space<vmem>> -> memref<128x32xf32, #tpu.memory_space<vmem>>
    %dma_start3A_469 = arith.constant 0 : i32
    %dma_start3A_470 = tpu.memref_slice %arg5[%dma_start3A_465, %dma_start3A_469] : memref<80x128xi32, #tpu.memory_space<vmem>> -> memref<1x128xi32, #tpu.memory_space<vmem>>
    %dma_start3A_471 = tpu.memref_squeeze %dma_start3A_470 : memref<1x128xi32, #tpu.memory_space<vmem>> -> memref<128xi32, #tpu.memory_space<vmem>>
    %dma_start3A_472 = arith.constant 0 : i32
    %dma_start3A_473 = arith.constant 0 : i32
    %dma_start3A_474 = tpu.memref_slice %arg6[%dma_start3A_472, %dma_start3A_473] : memref<69x32xf32, #tpu.memory_space<vmem_shared>> -> memref<69x32xf32, #tpu.memory_space<vmem_shared>>
    tpu.enqueue_indirect_dma source(%dma_start3A_474 : memref<69x32xf32, #tpu.memory_space<vmem_shared>>) target(%dma_start3A_468 : memref<128x32xf32, #tpu.memory_space<vmem>>) offsets(%dma_start3A_471 : memref<128xi32, #tpu.memory_space<vmem>>) semaphore(%arg10 : memref<!tpu.dma_semaphore, #tpu.memory_space<semaphore_mem>>)
    %dma_start3A_475 = arith.constant 29 : i32
    %dma_start3A_476 = arith.constant 640 : i32
    %dma_start3A_477 = arith.constant 0 : i32
    %dma_start3A_478 = tpu.memref_slice %arg8[%dma_start3A_476, %dma_start3A_477] : memref<1024x32xf32, #tpu.memory_space<vmem>> -> memref<128x32xf32, #tpu.memory_space<vmem>>
    %dma_start3A_479 = arith.constant 0 : i32
    %dma_start3A_480 = tpu.memref_slice %arg5[%dma_start3A_475, %dma_start3A_479] : memref<80x128xi32, #tpu.memory_space<vmem>> -> memref<1x128xi32, #tpu.memory_space<vmem>>
    %dma_start3A_481 = tpu.memref_squeeze %dma_start3A_480 : memref<1x128xi32, #tpu.memory_space<vmem>> -> memref<128xi32, #tpu.memory_space<vmem>>
    %dma_start3A_482 = arith.constant 0 : i32
    %dma_start3A_483 = arith.constant 0 : i32
    %dma_start3A_484 = tpu.memref_slice %arg6[%dma_start3A_482, %dma_start3A_483] : memref<69x32xf32, #tpu.memory_space<vmem_shared>> -> memref<69x32xf32, #tpu.memory_space<vmem_shared>>
    tpu.enqueue_indirect_dma source(%dma_start3A_484 : memref<69x32xf32, #tpu.memory_space<vmem_shared>>) target(%dma_start3A_478 : memref<128x32xf32, #tpu.memory_space<vmem>>) offsets(%dma_start3A_481 : memref<128xi32, #tpu.memory_space<vmem>>) semaphore(%arg10 : memref<!tpu.dma_semaphore, #tpu.memory_space<semaphore_mem>>)
    %dma_start3A_485 = arith.constant 30 : i32
    %dma_start3A_486 = arith.constant 768 : i32
    %dma_start3A_487 = arith.constant 0 : i32
    %dma_start3A_488 = tpu.memref_slice %arg8[%dma_start3A_486, %dma_start3A_487] : memref<1024x32xf32, #tpu.memory_space<vmem>> -> memref<128x32xf32, #tpu.memory_space<vmem>>
    %dma_start3A_489 = arith.constant 0 : i32
    %dma_start3A_490 = tpu.memref_slice %arg5[%dma_start3A_485, %dma_start3A_489] : memref<80x128xi32, #tpu.memory_space<vmem>> -> memref<1x128xi32, #tpu.memory_space<vmem>>
    %dma_start3A_491 = tpu.memref_squeeze %dma_start3A_490 : memref<1x128xi32, #tpu.memory_space<vmem>> -> memref<128xi32, #tpu.memory_space<vmem>>
    %dma_start3A_492 = arith.constant 0 : i32
    %dma_start3A_493 = arith.constant 0 : i32
    %dma_start3A_494 = tpu.memref_slice %arg6[%dma_start3A_492, %dma_start3A_493] : memref<69x32xf32, #tpu.memory_space<vmem_shared>> -> memref<69x32xf32, #tpu.memory_space<vmem_shared>>
    tpu.enqueue_indirect_dma source(%dma_start3A_494 : memref<69x32xf32, #tpu.memory_space<vmem_shared>>) target(%dma_start3A_488 : memref<128x32xf32, #tpu.memory_space<vmem>>) offsets(%dma_start3A_491 : memref<128xi32, #tpu.memory_space<vmem>>) semaphore(%arg10 : memref<!tpu.dma_semaphore, #tpu.memory_space<semaphore_mem>>)
    %dma_start3A_495 = arith.constant 31 : i32
    %dma_start3A_496 = arith.constant 896 : i32
    %dma_start3A_497 = arith.constant 0 : i32
    %dma_start3A_498 = tpu.memref_slice %arg8[%dma_start3A_496, %dma_start3A_497] : memref<1024x32xf32, #tpu.memory_space<vmem>> -> memref<128x32xf32, #tpu.memory_space<vmem>>
    %dma_start3A_499 = arith.constant 0 : i32
    %dma_start3A_500 = tpu.memref_slice %arg5[%dma_start3A_495, %dma_start3A_499] : memref<80x128xi32, #tpu.memory_space<vmem>> -> memref<1x128xi32, #tpu.memory_space<vmem>>
    %dma_start3A_501 = tpu.memref_squeeze %dma_start3A_500 : memref<1x128xi32, #tpu.memory_space<vmem>> -> memref<128xi32, #tpu.memory_space<vmem>>
    %dma_start3A_502 = arith.constant 0 : i32
    %dma_start3A_503 = arith.constant 0 : i32
    %dma_start3A_504 = tpu.memref_slice %arg6[%dma_start3A_502, %dma_start3A_503] : memref<69x32xf32, #tpu.memory_space<vmem_shared>> -> memref<69x32xf32, #tpu.memory_space<vmem_shared>>
    tpu.enqueue_indirect_dma source(%dma_start3A_504 : memref<69x32xf32, #tpu.memory_space<vmem_shared>>) target(%dma_start3A_498 : memref<128x32xf32, #tpu.memory_space<vmem>>) offsets(%dma_start3A_501 : memref<128xi32, #tpu.memory_space<vmem>>) semaphore(%arg10 : memref<!tpu.dma_semaphore, #tpu.memory_space<semaphore_mem>>)
    %dma_wait3A_505 = arith.constant 16 : i32
    %dma_wait3A_506 = arith.constant 0 : i32
    %dma_wait3A_507 = arith.constant 0 : i32
    %dma_wait3A_508 = tpu.memref_slice %arg7[%dma_wait3A_506, %dma_wait3A_507] : memref<1024x32xf32, #tpu.memory_space<vmem>> -> memref<128x32xf32, #tpu.memory_space<vmem>>
    %dma_wait3A_509 = arith.constant 0 : i32
    %dma_wait3A_510 = tpu.memref_slice %arg5[%dma_wait3A_505, %dma_wait3A_509] : memref<80x128xi32, #tpu.memory_space<vmem>> -> memref<1x128xi32, #tpu.memory_space<vmem>>
    %dma_wait3A_511 = tpu.memref_squeeze %dma_wait3A_510 : memref<1x128xi32, #tpu.memory_space<vmem>> -> memref<128xi32, #tpu.memory_space<vmem>>
    %dma_wait3A_512 = arith.constant 0 : i32
    %dma_wait3A_513 = arith.constant 0 : i32
    %dma_wait3A_514 = tpu.memref_slice %arg6[%dma_wait3A_512, %dma_wait3A_513] : memref<69x32xf32, #tpu.memory_space<vmem_shared>> -> memref<69x32xf32, #tpu.memory_space<vmem_shared>>
    tpu.wait_indirect_dma semaphore(%arg9 : memref<!tpu.dma_semaphore, #tpu.memory_space<semaphore_mem>>) src(%dma_wait3A_514 : memref<69x32xf32, #tpu.memory_space<vmem_shared>>) dst(%dma_wait3A_508 : memref<128x32xf32, #tpu.memory_space<vmem>>)
    %dma_wait3A_515 = arith.constant 17 : i32
    %dma_wait3A_516 = arith.constant 128 : i32
    %dma_wait3A_517 = arith.constant 0 : i32
    %dma_wait3A_518 = tpu.memref_slice %arg7[%dma_wait3A_516, %dma_wait3A_517] : memref<1024x32xf32, #tpu.memory_space<vmem>> -> memref<128x32xf32, #tpu.memory_space<vmem>>
    %dma_wait3A_519 = arith.constant 0 : i32
    %dma_wait3A_520 = tpu.memref_slice %arg5[%dma_wait3A_515, %dma_wait3A_519] : memref<80x128xi32, #tpu.memory_space<vmem>> -> memref<1x128xi32, #tpu.memory_space<vmem>>
    %dma_wait3A_521 = tpu.memref_squeeze %dma_wait3A_520 : memref<1x128xi32, #tpu.memory_space<vmem>> -> memref<128xi32, #tpu.memory_space<vmem>>
    %dma_wait3A_522 = arith.constant 0 : i32
    %dma_wait3A_523 = arith.constant 0 : i32
    %dma_wait3A_524 = tpu.memref_slice %arg6[%dma_wait3A_522, %dma_wait3A_523] : memref<69x32xf32, #tpu.memory_space<vmem_shared>> -> memref<69x32xf32, #tpu.memory_space<vmem_shared>>
    tpu.wait_indirect_dma semaphore(%arg9 : memref<!tpu.dma_semaphore, #tpu.memory_space<semaphore_mem>>) src(%dma_wait3A_524 : memref<69x32xf32, #tpu.memory_space<vmem_shared>>) dst(%dma_wait3A_518 : memref<128x32xf32, #tpu.memory_space<vmem>>)
    %dma_wait3A_525 = arith.constant 18 : i32
    %dma_wait3A_526 = arith.constant 256 : i32
    %dma_wait3A_527 = arith.constant 0 : i32
    %dma_wait3A_528 = tpu.memref_slice %arg7[%dma_wait3A_526, %dma_wait3A_527] : memref<1024x32xf32, #tpu.memory_space<vmem>> -> memref<128x32xf32, #tpu.memory_space<vmem>>
    %dma_wait3A_529 = arith.constant 0 : i32
    %dma_wait3A_530 = tpu.memref_slice %arg5[%dma_wait3A_525, %dma_wait3A_529] : memref<80x128xi32, #tpu.memory_space<vmem>> -> memref<1x128xi32, #tpu.memory_space<vmem>>
    %dma_wait3A_531 = tpu.memref_squeeze %dma_wait3A_530 : memref<1x128xi32, #tpu.memory_space<vmem>> -> memref<128xi32, #tpu.memory_space<vmem>>
    %dma_wait3A_532 = arith.constant 0 : i32
    %dma_wait3A_533 = arith.constant 0 : i32
    %dma_wait3A_534 = tpu.memref_slice %arg6[%dma_wait3A_532, %dma_wait3A_533] : memref<69x32xf32, #tpu.memory_space<vmem_shared>> -> memref<69x32xf32, #tpu.memory_space<vmem_shared>>
    tpu.wait_indirect_dma semaphore(%arg9 : memref<!tpu.dma_semaphore, #tpu.memory_space<semaphore_mem>>) src(%dma_wait3A_534 : memref<69x32xf32, #tpu.memory_space<vmem_shared>>) dst(%dma_wait3A_528 : memref<128x32xf32, #tpu.memory_space<vmem>>)
    %dma_wait3A_535 = arith.constant 19 : i32
    %dma_wait3A_536 = arith.constant 384 : i32
    %dma_wait3A_537 = arith.constant 0 : i32
    %dma_wait3A_538 = tpu.memref_slice %arg7[%dma_wait3A_536, %dma_wait3A_537] : memref<1024x32xf32, #tpu.memory_space<vmem>> -> memref<128x32xf32, #tpu.memory_space<vmem>>
    %dma_wait3A_539 = arith.constant 0 : i32
    %dma_wait3A_540 = tpu.memref_slice %arg5[%dma_wait3A_535, %dma_wait3A_539] : memref<80x128xi32, #tpu.memory_space<vmem>> -> memref<1x128xi32, #tpu.memory_space<vmem>>
    %dma_wait3A_541 = tpu.memref_squeeze %dma_wait3A_540 : memref<1x128xi32, #tpu.memory_space<vmem>> -> memref<128xi32, #tpu.memory_space<vmem>>
    %dma_wait3A_542 = arith.constant 0 : i32
    %dma_wait3A_543 = arith.constant 0 : i32
    %dma_wait3A_544 = tpu.memref_slice %arg6[%dma_wait3A_542, %dma_wait3A_543] : memref<69x32xf32, #tpu.memory_space<vmem_shared>> -> memref<69x32xf32, #tpu.memory_space<vmem_shared>>
    tpu.wait_indirect_dma semaphore(%arg9 : memref<!tpu.dma_semaphore, #tpu.memory_space<semaphore_mem>>) src(%dma_wait3A_544 : memref<69x32xf32, #tpu.memory_space<vmem_shared>>) dst(%dma_wait3A_538 : memref<128x32xf32, #tpu.memory_space<vmem>>)
    %dma_wait3A_545 = arith.constant 20 : i32
    %dma_wait3A_546 = arith.constant 512 : i32
    %dma_wait3A_547 = arith.constant 0 : i32
    %dma_wait3A_548 = tpu.memref_slice %arg7[%dma_wait3A_546, %dma_wait3A_547] : memref<1024x32xf32, #tpu.memory_space<vmem>> -> memref<128x32xf32, #tpu.memory_space<vmem>>
    %dma_wait3A_549 = arith.constant 0 : i32
    %dma_wait3A_550 = tpu.memref_slice %arg5[%dma_wait3A_545, %dma_wait3A_549] : memref<80x128xi32, #tpu.memory_space<vmem>> -> memref<1x128xi32, #tpu.memory_space<vmem>>
    %dma_wait3A_551 = tpu.memref_squeeze %dma_wait3A_550 : memref<1x128xi32, #tpu.memory_space<vmem>> -> memref<128xi32, #tpu.memory_space<vmem>>
    %dma_wait3A_552 = arith.constant 0 : i32
    %dma_wait3A_553 = arith.constant 0 : i32
    %dma_wait3A_554 = tpu.memref_slice %arg6[%dma_wait3A_552, %dma_wait3A_553] : memref<69x32xf32, #tpu.memory_space<vmem_shared>> -> memref<69x32xf32, #tpu.memory_space<vmem_shared>>
    tpu.wait_indirect_dma semaphore(%arg9 : memref<!tpu.dma_semaphore, #tpu.memory_space<semaphore_mem>>) src(%dma_wait3A_554 : memref<69x32xf32, #tpu.memory_space<vmem_shared>>) dst(%dma_wait3A_548 : memref<128x32xf32, #tpu.memory_space<vmem>>)
    %dma_wait3A_555 = arith.constant 21 : i32
    %dma_wait3A_556 = arith.constant 640 : i32
    %dma_wait3A_557 = arith.constant 0 : i32
    %dma_wait3A_558 = tpu.memref_slice %arg7[%dma_wait3A_556, %dma_wait3A_557] : memref<1024x32xf32, #tpu.memory_space<vmem>> -> memref<128x32xf32, #tpu.memory_space<vmem>>
    %dma_wait3A_559 = arith.constant 0 : i32
    %dma_wait3A_560 = tpu.memref_slice %arg5[%dma_wait3A_555, %dma_wait3A_559] : memref<80x128xi32, #tpu.memory_space<vmem>> -> memref<1x128xi32, #tpu.memory_space<vmem>>
    %dma_wait3A_561 = tpu.memref_squeeze %dma_wait3A_560 : memref<1x128xi32, #tpu.memory_space<vmem>> -> memref<128xi32, #tpu.memory_space<vmem>>
    %dma_wait3A_562 = arith.constant 0 : i32
    %dma_wait3A_563 = arith.constant 0 : i32
    %dma_wait3A_564 = tpu.memref_slice %arg6[%dma_wait3A_562, %dma_wait3A_563] : memref<69x32xf32, #tpu.memory_space<vmem_shared>> -> memref<69x32xf32, #tpu.memory_space<vmem_shared>>
    tpu.wait_indirect_dma semaphore(%arg9 : memref<!tpu.dma_semaphore, #tpu.memory_space<semaphore_mem>>) src(%dma_wait3A_564 : memref<69x32xf32, #tpu.memory_space<vmem_shared>>) dst(%dma_wait3A_558 : memref<128x32xf32, #tpu.memory_space<vmem>>)
    %dma_wait3A_565 = arith.constant 22 : i32
    %dma_wait3A_566 = arith.constant 768 : i32
    %dma_wait3A_567 = arith.constant 0 : i32
    %dma_wait3A_568 = tpu.memref_slice %arg7[%dma_wait3A_566, %dma_wait3A_567] : memref<1024x32xf32, #tpu.memory_space<vmem>> -> memref<128x32xf32, #tpu.memory_space<vmem>>
    %dma_wait3A_569 = arith.constant 0 : i32
    %dma_wait3A_570 = tpu.memref_slice %arg5[%dma_wait3A_565, %dma_wait3A_569] : memref<80x128xi32, #tpu.memory_space<vmem>> -> memref<1x128xi32, #tpu.memory_space<vmem>>
    %dma_wait3A_571 = tpu.memref_squeeze %dma_wait3A_570 : memref<1x128xi32, #tpu.memory_space<vmem>> -> memref<128xi32, #tpu.memory_space<vmem>>
    %dma_wait3A_572 = arith.constant 0 : i32
    %dma_wait3A_573 = arith.constant 0 : i32
    %dma_wait3A_574 = tpu.memref_slice %arg6[%dma_wait3A_572, %dma_wait3A_573] : memref<69x32xf32, #tpu.memory_space<vmem_shared>> -> memref<69x32xf32, #tpu.memory_space<vmem_shared>>
    tpu.wait_indirect_dma semaphore(%arg9 : memref<!tpu.dma_semaphore, #tpu.memory_space<semaphore_mem>>) src(%dma_wait3A_574 : memref<69x32xf32, #tpu.memory_space<vmem_shared>>) dst(%dma_wait3A_568 : memref<128x32xf32, #tpu.memory_space<vmem>>)
    %dma_wait3A_575 = arith.constant 23 : i32
    %dma_wait3A_576 = arith.constant 896 : i32
    %dma_wait3A_577 = arith.constant 0 : i32
    %dma_wait3A_578 = tpu.memref_slice %arg7[%dma_wait3A_576, %dma_wait3A_577] : memref<1024x32xf32, #tpu.memory_space<vmem>> -> memref<128x32xf32, #tpu.memory_space<vmem>>
    %dma_wait3A_579 = arith.constant 0 : i32
    %dma_wait3A_580 = tpu.memref_slice %arg5[%dma_wait3A_575, %dma_wait3A_579] : memref<80x128xi32, #tpu.memory_space<vmem>> -> memref<1x128xi32, #tpu.memory_space<vmem>>
    %dma_wait3A_581 = tpu.memref_squeeze %dma_wait3A_580 : memref<1x128xi32, #tpu.memory_space<vmem>> -> memref<128xi32, #tpu.memory_space<vmem>>
    %dma_wait3A_582 = arith.constant 0 : i32
    %dma_wait3A_583 = arith.constant 0 : i32
    %dma_wait3A_584 = tpu.memref_slice %arg6[%dma_wait3A_582, %dma_wait3A_583] : memref<69x32xf32, #tpu.memory_space<vmem_shared>> -> memref<69x32xf32, #tpu.memory_space<vmem_shared>>
    tpu.wait_indirect_dma semaphore(%arg9 : memref<!tpu.dma_semaphore, #tpu.memory_space<semaphore_mem>>) src(%dma_wait3A_584 : memref<69x32xf32, #tpu.memory_space<vmem_shared>>) dst(%dma_wait3A_578 : memref<128x32xf32, #tpu.memory_space<vmem>>)
    %mul3A_585 = arith.constant 10240 : i32
    %mul3A_586 = arith.muli %add3A, %mul3A_585 : i32
    %add3A_587 = arith.constant 2048 : i32
    %add3A_588 = arith.addi %mul3A_586, %add3A_587 : i32
    %dma_start3A_589 = arith.constant 0 : i32
    %dma_start3A_590 = tpu.memref_slice %arg4[%add3A_588, %dma_start3A_589] : memref<327680x32xf32, #tpu.memory_space<hbm>> -> memref<1024x32xf32, #tpu.memory_space<hbm>>
    %dma_start3A_591 = arith.constant 0 : i32
    %dma_start3A_592 = tpu.memref_slice %arg4[%add3A_588, %dma_start3A_591] : memref<327680x32xf32, #tpu.memory_space<hbm>> -> memref<1024x32xf32, #tpu.memory_space<hbm>>
    tpu.enqueue_dma source(%arg7 : memref<1024x32xf32, #tpu.memory_space<vmem>>) target(%dma_start3A_592 : memref<1024x32xf32, #tpu.memory_space<hbm>>) target_semaphore(%arg11 : memref<!tpu.dma_semaphore, #tpu.memory_space<semaphore_mem>>)
    %dma_wait3A_593 = arith.constant 0 : i32
    %dma_wait3A_594 = tpu.memref_slice %arg4[%add3A_588, %dma_wait3A_593] : memref<327680x32xf32, #tpu.memory_space<hbm>> -> memref<1024x32xf32, #tpu.memory_space<hbm>>
    %dma_wait3A_595 = arith.constant 0 : i32
    %dma_wait3A_596 = tpu.memref_slice %arg4[%add3A_588, %dma_wait3A_595] : memref<327680x32xf32, #tpu.memory_space<hbm>> -> memref<1024x32xf32, #tpu.memory_space<hbm>>
    tpu.wait_dma2 semaphore(%arg11 : memref<!tpu.dma_semaphore, #tpu.memory_space<semaphore_mem>>) src(%arg7 : memref<1024x32xf32, #tpu.memory_space<vmem>>) dst(%dma_wait3A_596 : memref<1024x32xf32, #tpu.memory_space<hbm>>)
    %dma_start3A_597 = arith.constant 32 : i32
    %dma_start3A_598 = arith.constant 0 : i32
    %dma_start3A_599 = arith.constant 0 : i32
    %dma_start3A_600 = tpu.memref_slice %arg7[%dma_start3A_598, %dma_start3A_599] : memref<1024x32xf32, #tpu.memory_space<vmem>> -> memref<128x32xf32, #tpu.memory_space<vmem>>
    %dma_start3A_601 = arith.constant 0 : i32
    %dma_start3A_602 = tpu.memref_slice %arg5[%dma_start3A_597, %dma_start3A_601] : memref<80x128xi32, #tpu.memory_space<vmem>> -> memref<1x128xi32, #tpu.memory_space<vmem>>
    %dma_start3A_603 = tpu.memref_squeeze %dma_start3A_602 : memref<1x128xi32, #tpu.memory_space<vmem>> -> memref<128xi32, #tpu.memory_space<vmem>>
    %dma_start3A_604 = arith.constant 0 : i32
    %dma_start3A_605 = arith.constant 0 : i32
    %dma_start3A_606 = tpu.memref_slice %arg6[%dma_start3A_604, %dma_start3A_605] : memref<69x32xf32, #tpu.memory_space<vmem_shared>> -> memref<69x32xf32, #tpu.memory_space<vmem_shared>>
    tpu.enqueue_indirect_dma source(%dma_start3A_606 : memref<69x32xf32, #tpu.memory_space<vmem_shared>>) target(%dma_start3A_600 : memref<128x32xf32, #tpu.memory_space<vmem>>) offsets(%dma_start3A_603 : memref<128xi32, #tpu.memory_space<vmem>>) semaphore(%arg9 : memref<!tpu.dma_semaphore, #tpu.memory_space<semaphore_mem>>)
    %dma_start3A_607 = arith.constant 33 : i32
    %dma_start3A_608 = arith.constant 128 : i32
    %dma_start3A_609 = arith.constant 0 : i32
    %dma_start3A_610 = tpu.memref_slice %arg7[%dma_start3A_608, %dma_start3A_609] : memref<1024x32xf32, #tpu.memory_space<vmem>> -> memref<128x32xf32, #tpu.memory_space<vmem>>
    %dma_start3A_611 = arith.constant 0 : i32
    %dma_start3A_612 = tpu.memref_slice %arg5[%dma_start3A_607, %dma_start3A_611] : memref<80x128xi32, #tpu.memory_space<vmem>> -> memref<1x128xi32, #tpu.memory_space<vmem>>
    %dma_start3A_613 = tpu.memref_squeeze %dma_start3A_612 : memref<1x128xi32, #tpu.memory_space<vmem>> -> memref<128xi32, #tpu.memory_space<vmem>>
    %dma_start3A_614 = arith.constant 0 : i32
    %dma_start3A_615 = arith.constant 0 : i32
    %dma_start3A_616 = tpu.memref_slice %arg6[%dma_start3A_614, %dma_start3A_615] : memref<69x32xf32, #tpu.memory_space<vmem_shared>> -> memref<69x32xf32, #tpu.memory_space<vmem_shared>>
    tpu.enqueue_indirect_dma source(%dma_start3A_616 : memref<69x32xf32, #tpu.memory_space<vmem_shared>>) target(%dma_start3A_610 : memref<128x32xf32, #tpu.memory_space<vmem>>) offsets(%dma_start3A_613 : memref<128xi32, #tpu.memory_space<vmem>>) semaphore(%arg9 : memref<!tpu.dma_semaphore, #tpu.memory_space<semaphore_mem>>)
    %dma_start3A_617 = arith.constant 34 : i32
    %dma_start3A_618 = arith.constant 256 : i32
    %dma_start3A_619 = arith.constant 0 : i32
    %dma_start3A_620 = tpu.memref_slice %arg7[%dma_start3A_618, %dma_start3A_619] : memref<1024x32xf32, #tpu.memory_space<vmem>> -> memref<128x32xf32, #tpu.memory_space<vmem>>
    %dma_start3A_621 = arith.constant 0 : i32
    %dma_start3A_622 = tpu.memref_slice %arg5[%dma_start3A_617, %dma_start3A_621] : memref<80x128xi32, #tpu.memory_space<vmem>> -> memref<1x128xi32, #tpu.memory_space<vmem>>
    %dma_start3A_623 = tpu.memref_squeeze %dma_start3A_622 : memref<1x128xi32, #tpu.memory_space<vmem>> -> memref<128xi32, #tpu.memory_space<vmem>>
    %dma_start3A_624 = arith.constant 0 : i32
    %dma_start3A_625 = arith.constant 0 : i32
    %dma_start3A_626 = tpu.memref_slice %arg6[%dma_start3A_624, %dma_start3A_625] : memref<69x32xf32, #tpu.memory_space<vmem_shared>> -> memref<69x32xf32, #tpu.memory_space<vmem_shared>>
    tpu.enqueue_indirect_dma source(%dma_start3A_626 : memref<69x32xf32, #tpu.memory_space<vmem_shared>>) target(%dma_start3A_620 : memref<128x32xf32, #tpu.memory_space<vmem>>) offsets(%dma_start3A_623 : memref<128xi32, #tpu.memory_space<vmem>>) semaphore(%arg9 : memref<!tpu.dma_semaphore, #tpu.memory_space<semaphore_mem>>)
    %dma_start3A_627 = arith.constant 35 : i32
    %dma_start3A_628 = arith.constant 384 : i32
    %dma_start3A_629 = arith.constant 0 : i32
    %dma_start3A_630 = tpu.memref_slice %arg7[%dma_start3A_628, %dma_start3A_629] : memref<1024x32xf32, #tpu.memory_space<vmem>> -> memref<128x32xf32, #tpu.memory_space<vmem>>
    %dma_start3A_631 = arith.constant 0 : i32
    %dma_start3A_632 = tpu.memref_slice %arg5[%dma_start3A_627, %dma_start3A_631] : memref<80x128xi32, #tpu.memory_space<vmem>> -> memref<1x128xi32, #tpu.memory_space<vmem>>
    %dma_start3A_633 = tpu.memref_squeeze %dma_start3A_632 : memref<1x128xi32, #tpu.memory_space<vmem>> -> memref<128xi32, #tpu.memory_space<vmem>>
    %dma_start3A_634 = arith.constant 0 : i32
    %dma_start3A_635 = arith.constant 0 : i32
    %dma_start3A_636 = tpu.memref_slice %arg6[%dma_start3A_634, %dma_start3A_635] : memref<69x32xf32, #tpu.memory_space<vmem_shared>> -> memref<69x32xf32, #tpu.memory_space<vmem_shared>>
    tpu.enqueue_indirect_dma source(%dma_start3A_636 : memref<69x32xf32, #tpu.memory_space<vmem_shared>>) target(%dma_start3A_630 : memref<128x32xf32, #tpu.memory_space<vmem>>) offsets(%dma_start3A_633 : memref<128xi32, #tpu.memory_space<vmem>>) semaphore(%arg9 : memref<!tpu.dma_semaphore, #tpu.memory_space<semaphore_mem>>)
    %dma_start3A_637 = arith.constant 36 : i32
    %dma_start3A_638 = arith.constant 512 : i32
    %dma_start3A_639 = arith.constant 0 : i32
    %dma_start3A_640 = tpu.memref_slice %arg7[%dma_start3A_638, %dma_start3A_639] : memref<1024x32xf32, #tpu.memory_space<vmem>> -> memref<128x32xf32, #tpu.memory_space<vmem>>
    %dma_start3A_641 = arith.constant 0 : i32
    %dma_start3A_642 = tpu.memref_slice %arg5[%dma_start3A_637, %dma_start3A_641] : memref<80x128xi32, #tpu.memory_space<vmem>> -> memref<1x128xi32, #tpu.memory_space<vmem>>
    %dma_start3A_643 = tpu.memref_squeeze %dma_start3A_642 : memref<1x128xi32, #tpu.memory_space<vmem>> -> memref<128xi32, #tpu.memory_space<vmem>>
    %dma_start3A_644 = arith.constant 0 : i32
    %dma_start3A_645 = arith.constant 0 : i32
    %dma_start3A_646 = tpu.memref_slice %arg6[%dma_start3A_644, %dma_start3A_645] : memref<69x32xf32, #tpu.memory_space<vmem_shared>> -> memref<69x32xf32, #tpu.memory_space<vmem_shared>>
    tpu.enqueue_indirect_dma source(%dma_start3A_646 : memref<69x32xf32, #tpu.memory_space<vmem_shared>>) target(%dma_start3A_640 : memref<128x32xf32, #tpu.memory_space<vmem>>) offsets(%dma_start3A_643 : memref<128xi32, #tpu.memory_space<vmem>>) semaphore(%arg9 : memref<!tpu.dma_semaphore, #tpu.memory_space<semaphore_mem>>)
    %dma_start3A_647 = arith.constant 37 : i32
    %dma_start3A_648 = arith.constant 640 : i32
    %dma_start3A_649 = arith.constant 0 : i32
    %dma_start3A_650 = tpu.memref_slice %arg7[%dma_start3A_648, %dma_start3A_649] : memref<1024x32xf32, #tpu.memory_space<vmem>> -> memref<128x32xf32, #tpu.memory_space<vmem>>
    %dma_start3A_651 = arith.constant 0 : i32
    %dma_start3A_652 = tpu.memref_slice %arg5[%dma_start3A_647, %dma_start3A_651] : memref<80x128xi32, #tpu.memory_space<vmem>> -> memref<1x128xi32, #tpu.memory_space<vmem>>
    %dma_start3A_653 = tpu.memref_squeeze %dma_start3A_652 : memref<1x128xi32, #tpu.memory_space<vmem>> -> memref<128xi32, #tpu.memory_space<vmem>>
    %dma_start3A_654 = arith.constant 0 : i32
    %dma_start3A_655 = arith.constant 0 : i32
    %dma_start3A_656 = tpu.memref_slice %arg6[%dma_start3A_654, %dma_start3A_655] : memref<69x32xf32, #tpu.memory_space<vmem_shared>> -> memref<69x32xf32, #tpu.memory_space<vmem_shared>>
    tpu.enqueue_indirect_dma source(%dma_start3A_656 : memref<69x32xf32, #tpu.memory_space<vmem_shared>>) target(%dma_start3A_650 : memref<128x32xf32, #tpu.memory_space<vmem>>) offsets(%dma_start3A_653 : memref<128xi32, #tpu.memory_space<vmem>>) semaphore(%arg9 : memref<!tpu.dma_semaphore, #tpu.memory_space<semaphore_mem>>)
    %dma_start3A_657 = arith.constant 38 : i32
    %dma_start3A_658 = arith.constant 768 : i32
    %dma_start3A_659 = arith.constant 0 : i32
    %dma_start3A_660 = tpu.memref_slice %arg7[%dma_start3A_658, %dma_start3A_659] : memref<1024x32xf32, #tpu.memory_space<vmem>> -> memref<128x32xf32, #tpu.memory_space<vmem>>
    %dma_start3A_661 = arith.constant 0 : i32
    %dma_start3A_662 = tpu.memref_slice %arg5[%dma_start3A_657, %dma_start3A_661] : memref<80x128xi32, #tpu.memory_space<vmem>> -> memref<1x128xi32, #tpu.memory_space<vmem>>
    %dma_start3A_663 = tpu.memref_squeeze %dma_start3A_662 : memref<1x128xi32, #tpu.memory_space<vmem>> -> memref<128xi32, #tpu.memory_space<vmem>>
    %dma_start3A_664 = arith.constant 0 : i32
    %dma_start3A_665 = arith.constant 0 : i32
    %dma_start3A_666 = tpu.memref_slice %arg6[%dma_start3A_664, %dma_start3A_665] : memref<69x32xf32, #tpu.memory_space<vmem_shared>> -> memref<69x32xf32, #tpu.memory_space<vmem_shared>>
    tpu.enqueue_indirect_dma source(%dma_start3A_666 : memref<69x32xf32, #tpu.memory_space<vmem_shared>>) target(%dma_start3A_660 : memref<128x32xf32, #tpu.memory_space<vmem>>) offsets(%dma_start3A_663 : memref<128xi32, #tpu.memory_space<vmem>>) semaphore(%arg9 : memref<!tpu.dma_semaphore, #tpu.memory_space<semaphore_mem>>)
    %dma_start3A_667 = arith.constant 39 : i32
    %dma_start3A_668 = arith.constant 896 : i32
    %dma_start3A_669 = arith.constant 0 : i32
    %dma_start3A_670 = tpu.memref_slice %arg7[%dma_start3A_668, %dma_start3A_669] : memref<1024x32xf32, #tpu.memory_space<vmem>> -> memref<128x32xf32, #tpu.memory_space<vmem>>
    %dma_start3A_671 = arith.constant 0 : i32
    %dma_start3A_672 = tpu.memref_slice %arg5[%dma_start3A_667, %dma_start3A_671] : memref<80x128xi32, #tpu.memory_space<vmem>> -> memref<1x128xi32, #tpu.memory_space<vmem>>
    %dma_start3A_673 = tpu.memref_squeeze %dma_start3A_672 : memref<1x128xi32, #tpu.memory_space<vmem>> -> memref<128xi32, #tpu.memory_space<vmem>>
    %dma_start3A_674 = arith.constant 0 : i32
    %dma_start3A_675 = arith.constant 0 : i32
    %dma_start3A_676 = tpu.memref_slice %arg6[%dma_start3A_674, %dma_start3A_675] : memref<69x32xf32, #tpu.memory_space<vmem_shared>> -> memref<69x32xf32, #tpu.memory_space<vmem_shared>>
    tpu.enqueue_indirect_dma source(%dma_start3A_676 : memref<69x32xf32, #tpu.memory_space<vmem_shared>>) target(%dma_start3A_670 : memref<128x32xf32, #tpu.memory_space<vmem>>) offsets(%dma_start3A_673 : memref<128xi32, #tpu.memory_space<vmem>>) semaphore(%arg9 : memref<!tpu.dma_semaphore, #tpu.memory_space<semaphore_mem>>)
    %dma_wait3A_677 = arith.constant 24 : i32
    %dma_wait3A_678 = arith.constant 0 : i32
    %dma_wait3A_679 = arith.constant 0 : i32
    %dma_wait3A_680 = tpu.memref_slice %arg8[%dma_wait3A_678, %dma_wait3A_679] : memref<1024x32xf32, #tpu.memory_space<vmem>> -> memref<128x32xf32, #tpu.memory_space<vmem>>
    %dma_wait3A_681 = arith.constant 0 : i32
    %dma_wait3A_682 = tpu.memref_slice %arg5[%dma_wait3A_677, %dma_wait3A_681] : memref<80x128xi32, #tpu.memory_space<vmem>> -> memref<1x128xi32, #tpu.memory_space<vmem>>
    %dma_wait3A_683 = tpu.memref_squeeze %dma_wait3A_682 : memref<1x128xi32, #tpu.memory_space<vmem>> -> memref<128xi32, #tpu.memory_space<vmem>>
    %dma_wait3A_684 = arith.constant 0 : i32
    %dma_wait3A_685 = arith.constant 0 : i32
    %dma_wait3A_686 = tpu.memref_slice %arg6[%dma_wait3A_684, %dma_wait3A_685] : memref<69x32xf32, #tpu.memory_space<vmem_shared>> -> memref<69x32xf32, #tpu.memory_space<vmem_shared>>
    tpu.wait_indirect_dma semaphore(%arg10 : memref<!tpu.dma_semaphore, #tpu.memory_space<semaphore_mem>>) src(%dma_wait3A_686 : memref<69x32xf32, #tpu.memory_space<vmem_shared>>) dst(%dma_wait3A_680 : memref<128x32xf32, #tpu.memory_space<vmem>>)
    %dma_wait3A_687 = arith.constant 25 : i32
    %dma_wait3A_688 = arith.constant 128 : i32
    %dma_wait3A_689 = arith.constant 0 : i32
    %dma_wait3A_690 = tpu.memref_slice %arg8[%dma_wait3A_688, %dma_wait3A_689] : memref<1024x32xf32, #tpu.memory_space<vmem>> -> memref<128x32xf32, #tpu.memory_space<vmem>>
    %dma_wait3A_691 = arith.constant 0 : i32
    %dma_wait3A_692 = tpu.memref_slice %arg5[%dma_wait3A_687, %dma_wait3A_691] : memref<80x128xi32, #tpu.memory_space<vmem>> -> memref<1x128xi32, #tpu.memory_space<vmem>>
    %dma_wait3A_693 = tpu.memref_squeeze %dma_wait3A_692 : memref<1x128xi32, #tpu.memory_space<vmem>> -> memref<128xi32, #tpu.memory_space<vmem>>
    %dma_wait3A_694 = arith.constant 0 : i32
    %dma_wait3A_695 = arith.constant 0 : i32
    %dma_wait3A_696 = tpu.memref_slice %arg6[%dma_wait3A_694, %dma_wait3A_695] : memref<69x32xf32, #tpu.memory_space<vmem_shared>> -> memref<69x32xf32, #tpu.memory_space<vmem_shared>>
    tpu.wait_indirect_dma semaphore(%arg10 : memref<!tpu.dma_semaphore, #tpu.memory_space<semaphore_mem>>) src(%dma_wait3A_696 : memref<69x32xf32, #tpu.memory_space<vmem_shared>>) dst(%dma_wait3A_690 : memref<128x32xf32, #tpu.memory_space<vmem>>)
    %dma_wait3A_697 = arith.constant 26 : i32
    %dma_wait3A_698 = arith.constant 256 : i32
    %dma_wait3A_699 = arith.constant 0 : i32
    %dma_wait3A_700 = tpu.memref_slice %arg8[%dma_wait3A_698, %dma_wait3A_699] : memref<1024x32xf32, #tpu.memory_space<vmem>> -> memref<128x32xf32, #tpu.memory_space<vmem>>
    %dma_wait3A_701 = arith.constant 0 : i32
    %dma_wait3A_702 = tpu.memref_slice %arg5[%dma_wait3A_697, %dma_wait3A_701] : memref<80x128xi32, #tpu.memory_space<vmem>> -> memref<1x128xi32, #tpu.memory_space<vmem>>
    %dma_wait3A_703 = tpu.memref_squeeze %dma_wait3A_702 : memref<1x128xi32, #tpu.memory_space<vmem>> -> memref<128xi32, #tpu.memory_space<vmem>>
    %dma_wait3A_704 = arith.constant 0 : i32
    %dma_wait3A_705 = arith.constant 0 : i32
    %dma_wait3A_706 = tpu.memref_slice %arg6[%dma_wait3A_704, %dma_wait3A_705] : memref<69x32xf32, #tpu.memory_space<vmem_shared>> -> memref<69x32xf32, #tpu.memory_space<vmem_shared>>
    tpu.wait_indirect_dma semaphore(%arg10 : memref<!tpu.dma_semaphore, #tpu.memory_space<semaphore_mem>>) src(%dma_wait3A_706 : memref<69x32xf32, #tpu.memory_space<vmem_shared>>) dst(%dma_wait3A_700 : memref<128x32xf32, #tpu.memory_space<vmem>>)
    %dma_wait3A_707 = arith.constant 27 : i32
    %dma_wait3A_708 = arith.constant 384 : i32
    %dma_wait3A_709 = arith.constant 0 : i32
    %dma_wait3A_710 = tpu.memref_slice %arg8[%dma_wait3A_708, %dma_wait3A_709] : memref<1024x32xf32, #tpu.memory_space<vmem>> -> memref<128x32xf32, #tpu.memory_space<vmem>>
    %dma_wait3A_711 = arith.constant 0 : i32
    %dma_wait3A_712 = tpu.memref_slice %arg5[%dma_wait3A_707, %dma_wait3A_711] : memref<80x128xi32, #tpu.memory_space<vmem>> -> memref<1x128xi32, #tpu.memory_space<vmem>>
    %dma_wait3A_713 = tpu.memref_squeeze %dma_wait3A_712 : memref<1x128xi32, #tpu.memory_space<vmem>> -> memref<128xi32, #tpu.memory_space<vmem>>
    %dma_wait3A_714 = arith.constant 0 : i32
    %dma_wait3A_715 = arith.constant 0 : i32
    %dma_wait3A_716 = tpu.memref_slice %arg6[%dma_wait3A_714, %dma_wait3A_715] : memref<69x32xf32, #tpu.memory_space<vmem_shared>> -> memref<69x32xf32, #tpu.memory_space<vmem_shared>>
    tpu.wait_indirect_dma semaphore(%arg10 : memref<!tpu.dma_semaphore, #tpu.memory_space<semaphore_mem>>) src(%dma_wait3A_716 : memref<69x32xf32, #tpu.memory_space<vmem_shared>>) dst(%dma_wait3A_710 : memref<128x32xf32, #tpu.memory_space<vmem>>)
    %dma_wait3A_717 = arith.constant 28 : i32
    %dma_wait3A_718 = arith.constant 512 : i32
    %dma_wait3A_719 = arith.constant 0 : i32
    %dma_wait3A_720 = tpu.memref_slice %arg8[%dma_wait3A_718, %dma_wait3A_719] : memref<1024x32xf32, #tpu.memory_space<vmem>> -> memref<128x32xf32, #tpu.memory_space<vmem>>
    %dma_wait3A_721 = arith.constant 0 : i32
    %dma_wait3A_722 = tpu.memref_slice %arg5[%dma_wait3A_717, %dma_wait3A_721] : memref<80x128xi32, #tpu.memory_space<vmem>> -> memref<1x128xi32, #tpu.memory_space<vmem>>
    %dma_wait3A_723 = tpu.memref_squeeze %dma_wait3A_722 : memref<1x128xi32, #tpu.memory_space<vmem>> -> memref<128xi32, #tpu.memory_space<vmem>>
    %dma_wait3A_724 = arith.constant 0 : i32
    %dma_wait3A_725 = arith.constant 0 : i32
    %dma_wait3A_726 = tpu.memref_slice %arg6[%dma_wait3A_724, %dma_wait3A_725] : memref<69x32xf32, #tpu.memory_space<vmem_shared>> -> memref<69x32xf32, #tpu.memory_space<vmem_shared>>
    tpu.wait_indirect_dma semaphore(%arg10 : memref<!tpu.dma_semaphore, #tpu.memory_space<semaphore_mem>>) src(%dma_wait3A_726 : memref<69x32xf32, #tpu.memory_space<vmem_shared>>) dst(%dma_wait3A_720 : memref<128x32xf32, #tpu.memory_space<vmem>>)
    %dma_wait3A_727 = arith.constant 29 : i32
    %dma_wait3A_728 = arith.constant 640 : i32
    %dma_wait3A_729 = arith.constant 0 : i32
    %dma_wait3A_730 = tpu.memref_slice %arg8[%dma_wait3A_728, %dma_wait3A_729] : memref<1024x32xf32, #tpu.memory_space<vmem>> -> memref<128x32xf32, #tpu.memory_space<vmem>>
    %dma_wait3A_731 = arith.constant 0 : i32
    %dma_wait3A_732 = tpu.memref_slice %arg5[%dma_wait3A_727, %dma_wait3A_731] : memref<80x128xi32, #tpu.memory_space<vmem>> -> memref<1x128xi32, #tpu.memory_space<vmem>>
    %dma_wait3A_733 = tpu.memref_squeeze %dma_wait3A_732 : memref<1x128xi32, #tpu.memory_space<vmem>> -> memref<128xi32, #tpu.memory_space<vmem>>
    %dma_wait3A_734 = arith.constant 0 : i32
    %dma_wait3A_735 = arith.constant 0 : i32
    %dma_wait3A_736 = tpu.memref_slice %arg6[%dma_wait3A_734, %dma_wait3A_735] : memref<69x32xf32, #tpu.memory_space<vmem_shared>> -> memref<69x32xf32, #tpu.memory_space<vmem_shared>>
    tpu.wait_indirect_dma semaphore(%arg10 : memref<!tpu.dma_semaphore, #tpu.memory_space<semaphore_mem>>) src(%dma_wait3A_736 : memref<69x32xf32, #tpu.memory_space<vmem_shared>>) dst(%dma_wait3A_730 : memref<128x32xf32, #tpu.memory_space<vmem>>)
    %dma_wait3A_737 = arith.constant 30 : i32
    %dma_wait3A_738 = arith.constant 768 : i32
    %dma_wait3A_739 = arith.constant 0 : i32
    %dma_wait3A_740 = tpu.memref_slice %arg8[%dma_wait3A_738, %dma_wait3A_739] : memref<1024x32xf32, #tpu.memory_space<vmem>> -> memref<128x32xf32, #tpu.memory_space<vmem>>
    %dma_wait3A_741 = arith.constant 0 : i32
    %dma_wait3A_742 = tpu.memref_slice %arg5[%dma_wait3A_737, %dma_wait3A_741] : memref<80x128xi32, #tpu.memory_space<vmem>> -> memref<1x128xi32, #tpu.memory_space<vmem>>
    %dma_wait3A_743 = tpu.memref_squeeze %dma_wait3A_742 : memref<1x128xi32, #tpu.memory_space<vmem>> -> memref<128xi32, #tpu.memory_space<vmem>>
    %dma_wait3A_744 = arith.constant 0 : i32
    %dma_wait3A_745 = arith.constant 0 : i32
    %dma_wait3A_746 = tpu.memref_slice %arg6[%dma_wait3A_744, %dma_wait3A_745] : memref<69x32xf32, #tpu.memory_space<vmem_shared>> -> memref<69x32xf32, #tpu.memory_space<vmem_shared>>
    tpu.wait_indirect_dma semaphore(%arg10 : memref<!tpu.dma_semaphore, #tpu.memory_space<semaphore_mem>>) src(%dma_wait3A_746 : memref<69x32xf32, #tpu.memory_space<vmem_shared>>) dst(%dma_wait3A_740 : memref<128x32xf32, #tpu.memory_space<vmem>>)
    %dma_wait3A_747 = arith.constant 31 : i32
    %dma_wait3A_748 = arith.constant 896 : i32
    %dma_wait3A_749 = arith.constant 0 : i32
    %dma_wait3A_750 = tpu.memref_slice %arg8[%dma_wait3A_748, %dma_wait3A_749] : memref<1024x32xf32, #tpu.memory_space<vmem>> -> memref<128x32xf32, #tpu.memory_space<vmem>>
    %dma_wait3A_751 = arith.constant 0 : i32
    %dma_wait3A_752 = tpu.memref_slice %arg5[%dma_wait3A_747, %dma_wait3A_751] : memref<80x128xi32, #tpu.memory_space<vmem>> -> memref<1x128xi32, #tpu.memory_space<vmem>>
    %dma_wait3A_753 = tpu.memref_squeeze %dma_wait3A_752 : memref<1x128xi32, #tpu.memory_space<vmem>> -> memref<128xi32, #tpu.memory_space<vmem>>
    %dma_wait3A_754 = arith.constant 0 : i32
    %dma_wait3A_755 = arith.constant 0 : i32
    %dma_wait3A_756 = tpu.memref_slice %arg6[%dma_wait3A_754, %dma_wait3A_755] : memref<69x32xf32, #tpu.memory_space<vmem_shared>> -> memref<69x32xf32, #tpu.memory_space<vmem_shared>>
    tpu.wait_indirect_dma semaphore(%arg10 : memref<!tpu.dma_semaphore, #tpu.memory_space<semaphore_mem>>) src(%dma_wait3A_756 : memref<69x32xf32, #tpu.memory_space<vmem_shared>>) dst(%dma_wait3A_750 : memref<128x32xf32, #tpu.memory_space<vmem>>)
    %mul3A_757 = arith.constant 10240 : i32
    %mul3A_758 = arith.muli %add3A, %mul3A_757 : i32
    %add3A_759 = arith.constant 3072 : i32
    %add3A_760 = arith.addi %mul3A_758, %add3A_759 : i32
    %dma_start3A_761 = arith.constant 0 : i32
    %dma_start3A_762 = tpu.memref_slice %arg4[%add3A_760, %dma_start3A_761] : memref<327680x32xf32, #tpu.memory_space<hbm>> -> memref<1024x32xf32, #tpu.memory_space<hbm>>
    %dma_start3A_763 = arith.constant 0 : i32
    %dma_start3A_764 = tpu.memref_slice %arg4[%add3A_760, %dma_start3A_763] : memref<327680x32xf32, #tpu.memory_space<hbm>> -> memref<1024x32xf32, #tpu.memory_space<hbm>>
    tpu.enqueue_dma source(%arg8 : memref<1024x32xf32, #tpu.memory_space<vmem>>) target(%dma_start3A_764 : memref<1024x32xf32, #tpu.memory_space<hbm>>) target_semaphore(%arg12 : memref<!tpu.dma_semaphore, #tpu.memory_space<semaphore_mem>>)
    %dma_wait3A_765 = arith.constant 0 : i32
    %dma_wait3A_766 = tpu.memref_slice %arg4[%add3A_760, %dma_wait3A_765] : memref<327680x32xf32, #tpu.memory_space<hbm>> -> memref<1024x32xf32, #tpu.memory_space<hbm>>
    %dma_wait3A_767 = arith.constant 0 : i32
    %dma_wait3A_768 = tpu.memref_slice %arg4[%add3A_760, %dma_wait3A_767] : memref<327680x32xf32, #tpu.memory_space<hbm>> -> memref<1024x32xf32, #tpu.memory_space<hbm>>
    tpu.wait_dma2 semaphore(%arg12 : memref<!tpu.dma_semaphore, #tpu.memory_space<semaphore_mem>>) src(%arg8 : memref<1024x32xf32, #tpu.memory_space<vmem>>) dst(%dma_wait3A_768 : memref<1024x32xf32, #tpu.memory_space<hbm>>)
    %dma_start3A_769 = arith.constant 40 : i32
    %dma_start3A_770 = arith.constant 0 : i32
    %dma_start3A_771 = arith.constant 0 : i32
    %dma_start3A_772 = tpu.memref_slice %arg8[%dma_start3A_770, %dma_start3A_771] : memref<1024x32xf32, #tpu.memory_space<vmem>> -> memref<128x32xf32, #tpu.memory_space<vmem>>
    %dma_start3A_773 = arith.constant 0 : i32
    %dma_start3A_774 = tpu.memref_slice %arg5[%dma_start3A_769, %dma_start3A_773] : memref<80x128xi32, #tpu.memory_space<vmem>> -> memref<1x128xi32, #tpu.memory_space<vmem>>
    %dma_start3A_775 = tpu.memref_squeeze %dma_start3A_774 : memref<1x128xi32, #tpu.memory_space<vmem>> -> memref<128xi32, #tpu.memory_space<vmem>>
    %dma_start3A_776 = arith.constant 0 : i32
    %dma_start3A_777 = arith.constant 0 : i32
    %dma_start3A_778 = tpu.memref_slice %arg6[%dma_start3A_776, %dma_start3A_777] : memref<69x32xf32, #tpu.memory_space<vmem_shared>> -> memref<69x32xf32, #tpu.memory_space<vmem_shared>>
    tpu.enqueue_indirect_dma source(%dma_start3A_778 : memref<69x32xf32, #tpu.memory_space<vmem_shared>>) target(%dma_start3A_772 : memref<128x32xf32, #tpu.memory_space<vmem>>) offsets(%dma_start3A_775 : memref<128xi32, #tpu.memory_space<vmem>>) semaphore(%arg10 : memref<!tpu.dma_semaphore, #tpu.memory_space<semaphore_mem>>)
    %dma_start3A_779 = arith.constant 41 : i32
    %dma_start3A_780 = arith.constant 128 : i32
    %dma_start3A_781 = arith.constant 0 : i32
    %dma_start3A_782 = tpu.memref_slice %arg8[%dma_start3A_780, %dma_start3A_781] : memref<1024x32xf32, #tpu.memory_space<vmem>> -> memref<128x32xf32, #tpu.memory_space<vmem>>
    %dma_start3A_783 = arith.constant 0 : i32
    %dma_start3A_784 = tpu.memref_slice %arg5[%dma_start3A_779, %dma_start3A_783] : memref<80x128xi32, #tpu.memory_space<vmem>> -> memref<1x128xi32, #tpu.memory_space<vmem>>
    %dma_start3A_785 = tpu.memref_squeeze %dma_start3A_784 : memref<1x128xi32, #tpu.memory_space<vmem>> -> memref<128xi32, #tpu.memory_space<vmem>>
    %dma_start3A_786 = arith.constant 0 : i32
    %dma_start3A_787 = arith.constant 0 : i32
    %dma_start3A_788 = tpu.memref_slice %arg6[%dma_start3A_786, %dma_start3A_787] : memref<69x32xf32, #tpu.memory_space<vmem_shared>> -> memref<69x32xf32, #tpu.memory_space<vmem_shared>>
    tpu.enqueue_indirect_dma source(%dma_start3A_788 : memref<69x32xf32, #tpu.memory_space<vmem_shared>>) target(%dma_start3A_782 : memref<128x32xf32, #tpu.memory_space<vmem>>) offsets(%dma_start3A_785 : memref<128xi32, #tpu.memory_space<vmem>>) semaphore(%arg10 : memref<!tpu.dma_semaphore, #tpu.memory_space<semaphore_mem>>)
    %dma_start3A_789 = arith.constant 42 : i32
    %dma_start3A_790 = arith.constant 256 : i32
    %dma_start3A_791 = arith.constant 0 : i32
    %dma_start3A_792 = tpu.memref_slice %arg8[%dma_start3A_790, %dma_start3A_791] : memref<1024x32xf32, #tpu.memory_space<vmem>> -> memref<128x32xf32, #tpu.memory_space<vmem>>
    %dma_start3A_793 = arith.constant 0 : i32
    %dma_start3A_794 = tpu.memref_slice %arg5[%dma_start3A_789, %dma_start3A_793] : memref<80x128xi32, #tpu.memory_space<vmem>> -> memref<1x128xi32, #tpu.memory_space<vmem>>
    %dma_start3A_795 = tpu.memref_squeeze %dma_start3A_794 : memref<1x128xi32, #tpu.memory_space<vmem>> -> memref<128xi32, #tpu.memory_space<vmem>>
    %dma_start3A_796 = arith.constant 0 : i32
    %dma_start3A_797 = arith.constant 0 : i32
    %dma_start3A_798 = tpu.memref_slice %arg6[%dma_start3A_796, %dma_start3A_797] : memref<69x32xf32, #tpu.memory_space<vmem_shared>> -> memref<69x32xf32, #tpu.memory_space<vmem_shared>>
    tpu.enqueue_indirect_dma source(%dma_start3A_798 : memref<69x32xf32, #tpu.memory_space<vmem_shared>>) target(%dma_start3A_792 : memref<128x32xf32, #tpu.memory_space<vmem>>) offsets(%dma_start3A_795 : memref<128xi32, #tpu.memory_space<vmem>>) semaphore(%arg10 : memref<!tpu.dma_semaphore, #tpu.memory_space<semaphore_mem>>)
    %dma_start3A_799 = arith.constant 43 : i32
    %dma_start3A_800 = arith.constant 384 : i32
    %dma_start3A_801 = arith.constant 0 : i32
    %dma_start3A_802 = tpu.memref_slice %arg8[%dma_start3A_800, %dma_start3A_801] : memref<1024x32xf32, #tpu.memory_space<vmem>> -> memref<128x32xf32, #tpu.memory_space<vmem>>
    %dma_start3A_803 = arith.constant 0 : i32
    %dma_start3A_804 = tpu.memref_slice %arg5[%dma_start3A_799, %dma_start3A_803] : memref<80x128xi32, #tpu.memory_space<vmem>> -> memref<1x128xi32, #tpu.memory_space<vmem>>
    %dma_start3A_805 = tpu.memref_squeeze %dma_start3A_804 : memref<1x128xi32, #tpu.memory_space<vmem>> -> memref<128xi32, #tpu.memory_space<vmem>>
    %dma_start3A_806 = arith.constant 0 : i32
    %dma_start3A_807 = arith.constant 0 : i32
    %dma_start3A_808 = tpu.memref_slice %arg6[%dma_start3A_806, %dma_start3A_807] : memref<69x32xf32, #tpu.memory_space<vmem_shared>> -> memref<69x32xf32, #tpu.memory_space<vmem_shared>>
    tpu.enqueue_indirect_dma source(%dma_start3A_808 : memref<69x32xf32, #tpu.memory_space<vmem_shared>>) target(%dma_start3A_802 : memref<128x32xf32, #tpu.memory_space<vmem>>) offsets(%dma_start3A_805 : memref<128xi32, #tpu.memory_space<vmem>>) semaphore(%arg10 : memref<!tpu.dma_semaphore, #tpu.memory_space<semaphore_mem>>)
    %dma_start3A_809 = arith.constant 44 : i32
    %dma_start3A_810 = arith.constant 512 : i32
    %dma_start3A_811 = arith.constant 0 : i32
    %dma_start3A_812 = tpu.memref_slice %arg8[%dma_start3A_810, %dma_start3A_811] : memref<1024x32xf32, #tpu.memory_space<vmem>> -> memref<128x32xf32, #tpu.memory_space<vmem>>
    %dma_start3A_813 = arith.constant 0 : i32
    %dma_start3A_814 = tpu.memref_slice %arg5[%dma_start3A_809, %dma_start3A_813] : memref<80x128xi32, #tpu.memory_space<vmem>> -> memref<1x128xi32, #tpu.memory_space<vmem>>
    %dma_start3A_815 = tpu.memref_squeeze %dma_start3A_814 : memref<1x128xi32, #tpu.memory_space<vmem>> -> memref<128xi32, #tpu.memory_space<vmem>>
    %dma_start3A_816 = arith.constant 0 : i32
    %dma_start3A_817 = arith.constant 0 : i32
    %dma_start3A_818 = tpu.memref_slice %arg6[%dma_start3A_816, %dma_start3A_817] : memref<69x32xf32, #tpu.memory_space<vmem_shared>> -> memref<69x32xf32, #tpu.memory_space<vmem_shared>>
    tpu.enqueue_indirect_dma source(%dma_start3A_818 : memref<69x32xf32, #tpu.memory_space<vmem_shared>>) target(%dma_start3A_812 : memref<128x32xf32, #tpu.memory_space<vmem>>) offsets(%dma_start3A_815 : memref<128xi32, #tpu.memory_space<vmem>>) semaphore(%arg10 : memref<!tpu.dma_semaphore, #tpu.memory_space<semaphore_mem>>)
    %dma_start3A_819 = arith.constant 45 : i32
    %dma_start3A_820 = arith.constant 640 : i32
    %dma_start3A_821 = arith.constant 0 : i32
    %dma_start3A_822 = tpu.memref_slice %arg8[%dma_start3A_820, %dma_start3A_821] : memref<1024x32xf32, #tpu.memory_space<vmem>> -> memref<128x32xf32, #tpu.memory_space<vmem>>
    %dma_start3A_823 = arith.constant 0 : i32
    %dma_start3A_824 = tpu.memref_slice %arg5[%dma_start3A_819, %dma_start3A_823] : memref<80x128xi32, #tpu.memory_space<vmem>> -> memref<1x128xi32, #tpu.memory_space<vmem>>
    %dma_start3A_825 = tpu.memref_squeeze %dma_start3A_824 : memref<1x128xi32, #tpu.memory_space<vmem>> -> memref<128xi32, #tpu.memory_space<vmem>>
    %dma_start3A_826 = arith.constant 0 : i32
    %dma_start3A_827 = arith.constant 0 : i32
    %dma_start3A_828 = tpu.memref_slice %arg6[%dma_start3A_826, %dma_start3A_827] : memref<69x32xf32, #tpu.memory_space<vmem_shared>> -> memref<69x32xf32, #tpu.memory_space<vmem_shared>>
    tpu.enqueue_indirect_dma source(%dma_start3A_828 : memref<69x32xf32, #tpu.memory_space<vmem_shared>>) target(%dma_start3A_822 : memref<128x32xf32, #tpu.memory_space<vmem>>) offsets(%dma_start3A_825 : memref<128xi32, #tpu.memory_space<vmem>>) semaphore(%arg10 : memref<!tpu.dma_semaphore, #tpu.memory_space<semaphore_mem>>)
    %dma_start3A_829 = arith.constant 46 : i32
    %dma_start3A_830 = arith.constant 768 : i32
    %dma_start3A_831 = arith.constant 0 : i32
    %dma_start3A_832 = tpu.memref_slice %arg8[%dma_start3A_830, %dma_start3A_831] : memref<1024x32xf32, #tpu.memory_space<vmem>> -> memref<128x32xf32, #tpu.memory_space<vmem>>
    %dma_start3A_833 = arith.constant 0 : i32
    %dma_start3A_834 = tpu.memref_slice %arg5[%dma_start3A_829, %dma_start3A_833] : memref<80x128xi32, #tpu.memory_space<vmem>> -> memref<1x128xi32, #tpu.memory_space<vmem>>
    %dma_start3A_835 = tpu.memref_squeeze %dma_start3A_834 : memref<1x128xi32, #tpu.memory_space<vmem>> -> memref<128xi32, #tpu.memory_space<vmem>>
    %dma_start3A_836 = arith.constant 0 : i32
    %dma_start3A_837 = arith.constant 0 : i32
    %dma_start3A_838 = tpu.memref_slice %arg6[%dma_start3A_836, %dma_start3A_837] : memref<69x32xf32, #tpu.memory_space<vmem_shared>> -> memref<69x32xf32, #tpu.memory_space<vmem_shared>>
    tpu.enqueue_indirect_dma source(%dma_start3A_838 : memref<69x32xf32, #tpu.memory_space<vmem_shared>>) target(%dma_start3A_832 : memref<128x32xf32, #tpu.memory_space<vmem>>) offsets(%dma_start3A_835 : memref<128xi32, #tpu.memory_space<vmem>>) semaphore(%arg10 : memref<!tpu.dma_semaphore, #tpu.memory_space<semaphore_mem>>)
    %dma_start3A_839 = arith.constant 47 : i32
    %dma_start3A_840 = arith.constant 896 : i32
    %dma_start3A_841 = arith.constant 0 : i32
    %dma_start3A_842 = tpu.memref_slice %arg8[%dma_start3A_840, %dma_start3A_841] : memref<1024x32xf32, #tpu.memory_space<vmem>> -> memref<128x32xf32, #tpu.memory_space<vmem>>
    %dma_start3A_843 = arith.constant 0 : i32
    %dma_start3A_844 = tpu.memref_slice %arg5[%dma_start3A_839, %dma_start3A_843] : memref<80x128xi32, #tpu.memory_space<vmem>> -> memref<1x128xi32, #tpu.memory_space<vmem>>
    %dma_start3A_845 = tpu.memref_squeeze %dma_start3A_844 : memref<1x128xi32, #tpu.memory_space<vmem>> -> memref<128xi32, #tpu.memory_space<vmem>>
    %dma_start3A_846 = arith.constant 0 : i32
    %dma_start3A_847 = arith.constant 0 : i32
    %dma_start3A_848 = tpu.memref_slice %arg6[%dma_start3A_846, %dma_start3A_847] : memref<69x32xf32, #tpu.memory_space<vmem_shared>> -> memref<69x32xf32, #tpu.memory_space<vmem_shared>>
    tpu.enqueue_indirect_dma source(%dma_start3A_848 : memref<69x32xf32, #tpu.memory_space<vmem_shared>>) target(%dma_start3A_842 : memref<128x32xf32, #tpu.memory_space<vmem>>) offsets(%dma_start3A_845 : memref<128xi32, #tpu.memory_space<vmem>>) semaphore(%arg10 : memref<!tpu.dma_semaphore, #tpu.memory_space<semaphore_mem>>)
    %dma_wait3A_849 = arith.constant 32 : i32
    %dma_wait3A_850 = arith.constant 0 : i32
    %dma_wait3A_851 = arith.constant 0 : i32
    %dma_wait3A_852 = tpu.memref_slice %arg7[%dma_wait3A_850, %dma_wait3A_851] : memref<1024x32xf32, #tpu.memory_space<vmem>> -> memref<128x32xf32, #tpu.memory_space<vmem>>
    %dma_wait3A_853 = arith.constant 0 : i32
    %dma_wait3A_854 = tpu.memref_slice %arg5[%dma_wait3A_849, %dma_wait3A_853] : memref<80x128xi32, #tpu.memory_space<vmem>> -> memref<1x128xi32, #tpu.memory_space<vmem>>
    %dma_wait3A_855 = tpu.memref_squeeze %dma_wait3A_854 : memref<1x128xi32, #tpu.memory_space<vmem>> -> memref<128xi32, #tpu.memory_space<vmem>>
    %dma_wait3A_856 = arith.constant 0 : i32
    %dma_wait3A_857 = arith.constant 0 : i32
    %dma_wait3A_858 = tpu.memref_slice %arg6[%dma_wait3A_856, %dma_wait3A_857] : memref<69x32xf32, #tpu.memory_space<vmem_shared>> -> memref<69x32xf32, #tpu.memory_space<vmem_shared>>
    tpu.wait_indirect_dma semaphore(%arg9 : memref<!tpu.dma_semaphore, #tpu.memory_space<semaphore_mem>>) src(%dma_wait3A_858 : memref<69x32xf32, #tpu.memory_space<vmem_shared>>) dst(%dma_wait3A_852 : memref<128x32xf32, #tpu.memory_space<vmem>>)
    %dma_wait3A_859 = arith.constant 33 : i32
    %dma_wait3A_860 = arith.constant 128 : i32
    %dma_wait3A_861 = arith.constant 0 : i32
    %dma_wait3A_862 = tpu.memref_slice %arg7[%dma_wait3A_860, %dma_wait3A_861] : memref<1024x32xf32, #tpu.memory_space<vmem>> -> memref<128x32xf32, #tpu.memory_space<vmem>>
    %dma_wait3A_863 = arith.constant 0 : i32
    %dma_wait3A_864 = tpu.memref_slice %arg5[%dma_wait3A_859, %dma_wait3A_863] : memref<80x128xi32, #tpu.memory_space<vmem>> -> memref<1x128xi32, #tpu.memory_space<vmem>>
    %dma_wait3A_865 = tpu.memref_squeeze %dma_wait3A_864 : memref<1x128xi32, #tpu.memory_space<vmem>> -> memref<128xi32, #tpu.memory_space<vmem>>
    %dma_wait3A_866 = arith.constant 0 : i32
    %dma_wait3A_867 = arith.constant 0 : i32
    %dma_wait3A_868 = tpu.memref_slice %arg6[%dma_wait3A_866, %dma_wait3A_867] : memref<69x32xf32, #tpu.memory_space<vmem_shared>> -> memref<69x32xf32, #tpu.memory_space<vmem_shared>>
    tpu.wait_indirect_dma semaphore(%arg9 : memref<!tpu.dma_semaphore, #tpu.memory_space<semaphore_mem>>) src(%dma_wait3A_868 : memref<69x32xf32, #tpu.memory_space<vmem_shared>>) dst(%dma_wait3A_862 : memref<128x32xf32, #tpu.memory_space<vmem>>)
    %dma_wait3A_869 = arith.constant 34 : i32
    %dma_wait3A_870 = arith.constant 256 : i32
    %dma_wait3A_871 = arith.constant 0 : i32
    %dma_wait3A_872 = tpu.memref_slice %arg7[%dma_wait3A_870, %dma_wait3A_871] : memref<1024x32xf32, #tpu.memory_space<vmem>> -> memref<128x32xf32, #tpu.memory_space<vmem>>
    %dma_wait3A_873 = arith.constant 0 : i32
    %dma_wait3A_874 = tpu.memref_slice %arg5[%dma_wait3A_869, %dma_wait3A_873] : memref<80x128xi32, #tpu.memory_space<vmem>> -> memref<1x128xi32, #tpu.memory_space<vmem>>
    %dma_wait3A_875 = tpu.memref_squeeze %dma_wait3A_874 : memref<1x128xi32, #tpu.memory_space<vmem>> -> memref<128xi32, #tpu.memory_space<vmem>>
    %dma_wait3A_876 = arith.constant 0 : i32
    %dma_wait3A_877 = arith.constant 0 : i32
    %dma_wait3A_878 = tpu.memref_slice %arg6[%dma_wait3A_876, %dma_wait3A_877] : memref<69x32xf32, #tpu.memory_space<vmem_shared>> -> memref<69x32xf32, #tpu.memory_space<vmem_shared>>
    tpu.wait_indirect_dma semaphore(%arg9 : memref<!tpu.dma_semaphore, #tpu.memory_space<semaphore_mem>>) src(%dma_wait3A_878 : memref<69x32xf32, #tpu.memory_space<vmem_shared>>) dst(%dma_wait3A_872 : memref<128x32xf32, #tpu.memory_space<vmem>>)
    %dma_wait3A_879 = arith.constant 35 : i32
    %dma_wait3A_880 = arith.constant 384 : i32
    %dma_wait3A_881 = arith.constant 0 : i32
    %dma_wait3A_882 = tpu.memref_slice %arg7[%dma_wait3A_880, %dma_wait3A_881] : memref<1024x32xf32, #tpu.memory_space<vmem>> -> memref<128x32xf32, #tpu.memory_space<vmem>>
    %dma_wait3A_883 = arith.constant 0 : i32
    %dma_wait3A_884 = tpu.memref_slice %arg5[%dma_wait3A_879, %dma_wait3A_883] : memref<80x128xi32, #tpu.memory_space<vmem>> -> memref<1x128xi32, #tpu.memory_space<vmem>>
    %dma_wait3A_885 = tpu.memref_squeeze %dma_wait3A_884 : memref<1x128xi32, #tpu.memory_space<vmem>> -> memref<128xi32, #tpu.memory_space<vmem>>
    %dma_wait3A_886 = arith.constant 0 : i32
    %dma_wait3A_887 = arith.constant 0 : i32
    %dma_wait3A_888 = tpu.memref_slice %arg6[%dma_wait3A_886, %dma_wait3A_887] : memref<69x32xf32, #tpu.memory_space<vmem_shared>> -> memref<69x32xf32, #tpu.memory_space<vmem_shared>>
    tpu.wait_indirect_dma semaphore(%arg9 : memref<!tpu.dma_semaphore, #tpu.memory_space<semaphore_mem>>) src(%dma_wait3A_888 : memref<69x32xf32, #tpu.memory_space<vmem_shared>>) dst(%dma_wait3A_882 : memref<128x32xf32, #tpu.memory_space<vmem>>)
    %dma_wait3A_889 = arith.constant 36 : i32
    %dma_wait3A_890 = arith.constant 512 : i32
    %dma_wait3A_891 = arith.constant 0 : i32
    %dma_wait3A_892 = tpu.memref_slice %arg7[%dma_wait3A_890, %dma_wait3A_891] : memref<1024x32xf32, #tpu.memory_space<vmem>> -> memref<128x32xf32, #tpu.memory_space<vmem>>
    %dma_wait3A_893 = arith.constant 0 : i32
    %dma_wait3A_894 = tpu.memref_slice %arg5[%dma_wait3A_889, %dma_wait3A_893] : memref<80x128xi32, #tpu.memory_space<vmem>> -> memref<1x128xi32, #tpu.memory_space<vmem>>
    %dma_wait3A_895 = tpu.memref_squeeze %dma_wait3A_894 : memref<1x128xi32, #tpu.memory_space<vmem>> -> memref<128xi32, #tpu.memory_space<vmem>>
    %dma_wait3A_896 = arith.constant 0 : i32
    %dma_wait3A_897 = arith.constant 0 : i32
    %dma_wait3A_898 = tpu.memref_slice %arg6[%dma_wait3A_896, %dma_wait3A_897] : memref<69x32xf32, #tpu.memory_space<vmem_shared>> -> memref<69x32xf32, #tpu.memory_space<vmem_shared>>
    tpu.wait_indirect_dma semaphore(%arg9 : memref<!tpu.dma_semaphore, #tpu.memory_space<semaphore_mem>>) src(%dma_wait3A_898 : memref<69x32xf32, #tpu.memory_space<vmem_shared>>) dst(%dma_wait3A_892 : memref<128x32xf32, #tpu.memory_space<vmem>>)
    %dma_wait3A_899 = arith.constant 37 : i32
    %dma_wait3A_900 = arith.constant 640 : i32
    %dma_wait3A_901 = arith.constant 0 : i32
    %dma_wait3A_902 = tpu.memref_slice %arg7[%dma_wait3A_900, %dma_wait3A_901] : memref<1024x32xf32, #tpu.memory_space<vmem>> -> memref<128x32xf32, #tpu.memory_space<vmem>>
    %dma_wait3A_903 = arith.constant 0 : i32
    %dma_wait3A_904 = tpu.memref_slice %arg5[%dma_wait3A_899, %dma_wait3A_903] : memref<80x128xi32, #tpu.memory_space<vmem>> -> memref<1x128xi32, #tpu.memory_space<vmem>>
    %dma_wait3A_905 = tpu.memref_squeeze %dma_wait3A_904 : memref<1x128xi32, #tpu.memory_space<vmem>> -> memref<128xi32, #tpu.memory_space<vmem>>
    %dma_wait3A_906 = arith.constant 0 : i32
    %dma_wait3A_907 = arith.constant 0 : i32
    %dma_wait3A_908 = tpu.memref_slice %arg6[%dma_wait3A_906, %dma_wait3A_907] : memref<69x32xf32, #tpu.memory_space<vmem_shared>> -> memref<69x32xf32, #tpu.memory_space<vmem_shared>>
    tpu.wait_indirect_dma semaphore(%arg9 : memref<!tpu.dma_semaphore, #tpu.memory_space<semaphore_mem>>) src(%dma_wait3A_908 : memref<69x32xf32, #tpu.memory_space<vmem_shared>>) dst(%dma_wait3A_902 : memref<128x32xf32, #tpu.memory_space<vmem>>)
    %dma_wait3A_909 = arith.constant 38 : i32
    %dma_wait3A_910 = arith.constant 768 : i32
    %dma_wait3A_911 = arith.constant 0 : i32
    %dma_wait3A_912 = tpu.memref_slice %arg7[%dma_wait3A_910, %dma_wait3A_911] : memref<1024x32xf32, #tpu.memory_space<vmem>> -> memref<128x32xf32, #tpu.memory_space<vmem>>
    %dma_wait3A_913 = arith.constant 0 : i32
    %dma_wait3A_914 = tpu.memref_slice %arg5[%dma_wait3A_909, %dma_wait3A_913] : memref<80x128xi32, #tpu.memory_space<vmem>> -> memref<1x128xi32, #tpu.memory_space<vmem>>
    %dma_wait3A_915 = tpu.memref_squeeze %dma_wait3A_914 : memref<1x128xi32, #tpu.memory_space<vmem>> -> memref<128xi32, #tpu.memory_space<vmem>>
    %dma_wait3A_916 = arith.constant 0 : i32
    %dma_wait3A_917 = arith.constant 0 : i32
    %dma_wait3A_918 = tpu.memref_slice %arg6[%dma_wait3A_916, %dma_wait3A_917] : memref<69x32xf32, #tpu.memory_space<vmem_shared>> -> memref<69x32xf32, #tpu.memory_space<vmem_shared>>
    tpu.wait_indirect_dma semaphore(%arg9 : memref<!tpu.dma_semaphore, #tpu.memory_space<semaphore_mem>>) src(%dma_wait3A_918 : memref<69x32xf32, #tpu.memory_space<vmem_shared>>) dst(%dma_wait3A_912 : memref<128x32xf32, #tpu.memory_space<vmem>>)
    %dma_wait3A_919 = arith.constant 39 : i32
    %dma_wait3A_920 = arith.constant 896 : i32
    %dma_wait3A_921 = arith.constant 0 : i32
    %dma_wait3A_922 = tpu.memref_slice %arg7[%dma_wait3A_920, %dma_wait3A_921] : memref<1024x32xf32, #tpu.memory_space<vmem>> -> memref<128x32xf32, #tpu.memory_space<vmem>>
    %dma_wait3A_923 = arith.constant 0 : i32
    %dma_wait3A_924 = tpu.memref_slice %arg5[%dma_wait3A_919, %dma_wait3A_923] : memref<80x128xi32, #tpu.memory_space<vmem>> -> memref<1x128xi32, #tpu.memory_space<vmem>>
    %dma_wait3A_925 = tpu.memref_squeeze %dma_wait3A_924 : memref<1x128xi32, #tpu.memory_space<vmem>> -> memref<128xi32, #tpu.memory_space<vmem>>
    %dma_wait3A_926 = arith.constant 0 : i32
    %dma_wait3A_927 = arith.constant 0 : i32
    %dma_wait3A_928 = tpu.memref_slice %arg6[%dma_wait3A_926, %dma_wait3A_927] : memref<69x32xf32, #tpu.memory_space<vmem_shared>> -> memref<69x32xf32, #tpu.memory_space<vmem_shared>>
    tpu.wait_indirect_dma semaphore(%arg9 : memref<!tpu.dma_semaphore, #tpu.memory_space<semaphore_mem>>) src(%dma_wait3A_928 : memref<69x32xf32, #tpu.memory_space<vmem_shared>>) dst(%dma_wait3A_922 : memref<128x32xf32, #tpu.memory_space<vmem>>)
    %mul3A_929 = arith.constant 10240 : i32
    %mul3A_930 = arith.muli %add3A, %mul3A_929 : i32
    %add3A_931 = arith.constant 4096 : i32
    %add3A_932 = arith.addi %mul3A_930, %add3A_931 : i32
    %dma_start3A_933 = arith.constant 0 : i32
    %dma_start3A_934 = tpu.memref_slice %arg4[%add3A_932, %dma_start3A_933] : memref<327680x32xf32, #tpu.memory_space<hbm>> -> memref<1024x32xf32, #tpu.memory_space<hbm>>
    %dma_start3A_935 = arith.constant 0 : i32
    %dma_start3A_936 = tpu.memref_slice %arg4[%add3A_932, %dma_start3A_935] : memref<327680x32xf32, #tpu.memory_space<hbm>> -> memref<1024x32xf32, #tpu.memory_space<hbm>>
    tpu.enqueue_dma source(%arg7 : memref<1024x32xf32, #tpu.memory_space<vmem>>) target(%dma_start3A_936 : memref<1024x32xf32, #tpu.memory_space<hbm>>) target_semaphore(%arg11 : memref<!tpu.dma_semaphore, #tpu.memory_space<semaphore_mem>>)
    %dma_wait3A_937 = arith.constant 0 : i32
    %dma_wait3A_938 = tpu.memref_slice %arg4[%add3A_932, %dma_wait3A_937] : memref<327680x32xf32, #tpu.memory_space<hbm>> -> memref<1024x32xf32, #tpu.memory_space<hbm>>
    %dma_wait3A_939 = arith.constant 0 : i32
    %dma_wait3A_940 = tpu.memref_slice %arg4[%add3A_932, %dma_wait3A_939] : memref<327680x32xf32, #tpu.memory_space<hbm>> -> memref<1024x32xf32, #tpu.memory_space<hbm>>
    tpu.wait_dma2 semaphore(%arg11 : memref<!tpu.dma_semaphore, #tpu.memory_space<semaphore_mem>>) src(%arg7 : memref<1024x32xf32, #tpu.memory_space<vmem>>) dst(%dma_wait3A_940 : memref<1024x32xf32, #tpu.memory_space<hbm>>)
    %dma_start3A_941 = arith.constant 48 : i32
    %dma_start3A_942 = arith.constant 0 : i32
    %dma_start3A_943 = arith.constant 0 : i32
    %dma_start3A_944 = tpu.memref_slice %arg7[%dma_start3A_942, %dma_start3A_943] : memref<1024x32xf32, #tpu.memory_space<vmem>> -> memref<128x32xf32, #tpu.memory_space<vmem>>
    %dma_start3A_945 = arith.constant 0 : i32
    %dma_start3A_946 = tpu.memref_slice %arg5[%dma_start3A_941, %dma_start3A_945] : memref<80x128xi32, #tpu.memory_space<vmem>> -> memref<1x128xi32, #tpu.memory_space<vmem>>
    %dma_start3A_947 = tpu.memref_squeeze %dma_start3A_946 : memref<1x128xi32, #tpu.memory_space<vmem>> -> memref<128xi32, #tpu.memory_space<vmem>>
    %dma_start3A_948 = arith.constant 0 : i32
    %dma_start3A_949 = arith.constant 0 : i32
    %dma_start3A_950 = tpu.memref_slice %arg6[%dma_start3A_948, %dma_start3A_949] : memref<69x32xf32, #tpu.memory_space<vmem_shared>> -> memref<69x32xf32, #tpu.memory_space<vmem_shared>>
    tpu.enqueue_indirect_dma source(%dma_start3A_950 : memref<69x32xf32, #tpu.memory_space<vmem_shared>>) target(%dma_start3A_944 : memref<128x32xf32, #tpu.memory_space<vmem>>) offsets(%dma_start3A_947 : memref<128xi32, #tpu.memory_space<vmem>>) semaphore(%arg9 : memref<!tpu.dma_semaphore, #tpu.memory_space<semaphore_mem>>)
    %dma_start3A_951 = arith.constant 49 : i32
    %dma_start3A_952 = arith.constant 128 : i32
    %dma_start3A_953 = arith.constant 0 : i32
    %dma_start3A_954 = tpu.memref_slice %arg7[%dma_start3A_952, %dma_start3A_953] : memref<1024x32xf32, #tpu.memory_space<vmem>> -> memref<128x32xf32, #tpu.memory_space<vmem>>
    %dma_start3A_955 = arith.constant 0 : i32
    %dma_start3A_956 = tpu.memref_slice %arg5[%dma_start3A_951, %dma_start3A_955] : memref<80x128xi32, #tpu.memory_space<vmem>> -> memref<1x128xi32, #tpu.memory_space<vmem>>
    %dma_start3A_957 = tpu.memref_squeeze %dma_start3A_956 : memref<1x128xi32, #tpu.memory_space<vmem>> -> memref<128xi32, #tpu.memory_space<vmem>>
    %dma_start3A_958 = arith.constant 0 : i32
    %dma_start3A_959 = arith.constant 0 : i32
    %dma_start3A_960 = tpu.memref_slice %arg6[%dma_start3A_958, %dma_start3A_959] : memref<69x32xf32, #tpu.memory_space<vmem_shared>> -> memref<69x32xf32, #tpu.memory_space<vmem_shared>>
    tpu.enqueue_indirect_dma source(%dma_start3A_960 : memref<69x32xf32, #tpu.memory_space<vmem_shared>>) target(%dma_start3A_954 : memref<128x32xf32, #tpu.memory_space<vmem>>) offsets(%dma_start3A_957 : memref<128xi32, #tpu.memory_space<vmem>>) semaphore(%arg9 : memref<!tpu.dma_semaphore, #tpu.memory_space<semaphore_mem>>)
    %dma_start3A_961 = arith.constant 50 : i32
    %dma_start3A_962 = arith.constant 256 : i32
    %dma_start3A_963 = arith.constant 0 : i32
    %dma_start3A_964 = tpu.memref_slice %arg7[%dma_start3A_962, %dma_start3A_963] : memref<1024x32xf32, #tpu.memory_space<vmem>> -> memref<128x32xf32, #tpu.memory_space<vmem>>
    %dma_start3A_965 = arith.constant 0 : i32
    %dma_start3A_966 = tpu.memref_slice %arg5[%dma_start3A_961, %dma_start3A_965] : memref<80x128xi32, #tpu.memory_space<vmem>> -> memref<1x128xi32, #tpu.memory_space<vmem>>
    %dma_start3A_967 = tpu.memref_squeeze %dma_start3A_966 : memref<1x128xi32, #tpu.memory_space<vmem>> -> memref<128xi32, #tpu.memory_space<vmem>>
    %dma_start3A_968 = arith.constant 0 : i32
    %dma_start3A_969 = arith.constant 0 : i32
    %dma_start3A_970 = tpu.memref_slice %arg6[%dma_start3A_968, %dma_start3A_969] : memref<69x32xf32, #tpu.memory_space<vmem_shared>> -> memref<69x32xf32, #tpu.memory_space<vmem_shared>>
    tpu.enqueue_indirect_dma source(%dma_start3A_970 : memref<69x32xf32, #tpu.memory_space<vmem_shared>>) target(%dma_start3A_964 : memref<128x32xf32, #tpu.memory_space<vmem>>) offsets(%dma_start3A_967 : memref<128xi32, #tpu.memory_space<vmem>>) semaphore(%arg9 : memref<!tpu.dma_semaphore, #tpu.memory_space<semaphore_mem>>)
    %dma_start3A_971 = arith.constant 51 : i32
    %dma_start3A_972 = arith.constant 384 : i32
    %dma_start3A_973 = arith.constant 0 : i32
    %dma_start3A_974 = tpu.memref_slice %arg7[%dma_start3A_972, %dma_start3A_973] : memref<1024x32xf32, #tpu.memory_space<vmem>> -> memref<128x32xf32, #tpu.memory_space<vmem>>
    %dma_start3A_975 = arith.constant 0 : i32
    %dma_start3A_976 = tpu.memref_slice %arg5[%dma_start3A_971, %dma_start3A_975] : memref<80x128xi32, #tpu.memory_space<vmem>> -> memref<1x128xi32, #tpu.memory_space<vmem>>
    %dma_start3A_977 = tpu.memref_squeeze %dma_start3A_976 : memref<1x128xi32, #tpu.memory_space<vmem>> -> memref<128xi32, #tpu.memory_space<vmem>>
    %dma_start3A_978 = arith.constant 0 : i32
    %dma_start3A_979 = arith.constant 0 : i32
    %dma_start3A_980 = tpu.memref_slice %arg6[%dma_start3A_978, %dma_start3A_979] : memref<69x32xf32, #tpu.memory_space<vmem_shared>> -> memref<69x32xf32, #tpu.memory_space<vmem_shared>>
    tpu.enqueue_indirect_dma source(%dma_start3A_980 : memref<69x32xf32, #tpu.memory_space<vmem_shared>>) target(%dma_start3A_974 : memref<128x32xf32, #tpu.memory_space<vmem>>) offsets(%dma_start3A_977 : memref<128xi32, #tpu.memory_space<vmem>>) semaphore(%arg9 : memref<!tpu.dma_semaphore, #tpu.memory_space<semaphore_mem>>)
    %dma_start3A_981 = arith.constant 52 : i32
    %dma_start3A_982 = arith.constant 512 : i32
    %dma_start3A_983 = arith.constant 0 : i32
    %dma_start3A_984 = tpu.memref_slice %arg7[%dma_start3A_982, %dma_start3A_983] : memref<1024x32xf32, #tpu.memory_space<vmem>> -> memref<128x32xf32, #tpu.memory_space<vmem>>
    %dma_start3A_985 = arith.constant 0 : i32
    %dma_start3A_986 = tpu.memref_slice %arg5[%dma_start3A_981, %dma_start3A_985] : memref<80x128xi32, #tpu.memory_space<vmem>> -> memref<1x128xi32, #tpu.memory_space<vmem>>
    %dma_start3A_987 = tpu.memref_squeeze %dma_start3A_986 : memref<1x128xi32, #tpu.memory_space<vmem>> -> memref<128xi32, #tpu.memory_space<vmem>>
    %dma_start3A_988 = arith.constant 0 : i32
    %dma_start3A_989 = arith.constant 0 : i32
    %dma_start3A_990 = tpu.memref_slice %arg6[%dma_start3A_988, %dma_start3A_989] : memref<69x32xf32, #tpu.memory_space<vmem_shared>> -> memref<69x32xf32, #tpu.memory_space<vmem_shared>>
    tpu.enqueue_indirect_dma source(%dma_start3A_990 : memref<69x32xf32, #tpu.memory_space<vmem_shared>>) target(%dma_start3A_984 : memref<128x32xf32, #tpu.memory_space<vmem>>) offsets(%dma_start3A_987 : memref<128xi32, #tpu.memory_space<vmem>>) semaphore(%arg9 : memref<!tpu.dma_semaphore, #tpu.memory_space<semaphore_mem>>)
    %dma_start3A_991 = arith.constant 53 : i32
    %dma_start3A_992 = arith.constant 640 : i32
    %dma_start3A_993 = arith.constant 0 : i32
    %dma_start3A_994 = tpu.memref_slice %arg7[%dma_start3A_992, %dma_start3A_993] : memref<1024x32xf32, #tpu.memory_space<vmem>> -> memref<128x32xf32, #tpu.memory_space<vmem>>
    %dma_start3A_995 = arith.constant 0 : i32
    %dma_start3A_996 = tpu.memref_slice %arg5[%dma_start3A_991, %dma_start3A_995] : memref<80x128xi32, #tpu.memory_space<vmem>> -> memref<1x128xi32, #tpu.memory_space<vmem>>
    %dma_start3A_997 = tpu.memref_squeeze %dma_start3A_996 : memref<1x128xi32, #tpu.memory_space<vmem>> -> memref<128xi32, #tpu.memory_space<vmem>>
    %dma_start3A_998 = arith.constant 0 : i32
    %dma_start3A_999 = arith.constant 0 : i32
    %dma_start3A_1000 = tpu.memref_slice %arg6[%dma_start3A_998, %dma_start3A_999] : memref<69x32xf32, #tpu.memory_space<vmem_shared>> -> memref<69x32xf32, #tpu.memory_space<vmem_shared>>
    tpu.enqueue_indirect_dma source(%dma_start3A_1000 : memref<69x32xf32, #tpu.memory_space<vmem_shared>>) target(%dma_start3A_994 : memref<128x32xf32, #tpu.memory_space<vmem>>) offsets(%dma_start3A_997 : memref<128xi32, #tpu.memory_space<vmem>>) semaphore(%arg9 : memref<!tpu.dma_semaphore, #tpu.memory_space<semaphore_mem>>)
    %dma_start3A_1001 = arith.constant 54 : i32
    %dma_start3A_1002 = arith.constant 768 : i32
    %dma_start3A_1003 = arith.constant 0 : i32
    %dma_start3A_1004 = tpu.memref_slice %arg7[%dma_start3A_1002, %dma_start3A_1003] : memref<1024x32xf32, #tpu.memory_space<vmem>> -> memref<128x32xf32, #tpu.memory_space<vmem>>
    %dma_start3A_1005 = arith.constant 0 : i32
    %dma_start3A_1006 = tpu.memref_slice %arg5[%dma_start3A_1001, %dma_start3A_1005] : memref<80x128xi32, #tpu.memory_space<vmem>> -> memref<1x128xi32, #tpu.memory_space<vmem>>
    %dma_start3A_1007 = tpu.memref_squeeze %dma_start3A_1006 : memref<1x128xi32, #tpu.memory_space<vmem>> -> memref<128xi32, #tpu.memory_space<vmem>>
    %dma_start3A_1008 = arith.constant 0 : i32
    %dma_start3A_1009 = arith.constant 0 : i32
    %dma_start3A_1010 = tpu.memref_slice %arg6[%dma_start3A_1008, %dma_start3A_1009] : memref<69x32xf32, #tpu.memory_space<vmem_shared>> -> memref<69x32xf32, #tpu.memory_space<vmem_shared>>
    tpu.enqueue_indirect_dma source(%dma_start3A_1010 : memref<69x32xf32, #tpu.memory_space<vmem_shared>>) target(%dma_start3A_1004 : memref<128x32xf32, #tpu.memory_space<vmem>>) offsets(%dma_start3A_1007 : memref<128xi32, #tpu.memory_space<vmem>>) semaphore(%arg9 : memref<!tpu.dma_semaphore, #tpu.memory_space<semaphore_mem>>)
    %dma_start3A_1011 = arith.constant 55 : i32
    %dma_start3A_1012 = arith.constant 896 : i32
    %dma_start3A_1013 = arith.constant 0 : i32
    %dma_start3A_1014 = tpu.memref_slice %arg7[%dma_start3A_1012, %dma_start3A_1013] : memref<1024x32xf32, #tpu.memory_space<vmem>> -> memref<128x32xf32, #tpu.memory_space<vmem>>
    %dma_start3A_1015 = arith.constant 0 : i32
    %dma_start3A_1016 = tpu.memref_slice %arg5[%dma_start3A_1011, %dma_start3A_1015] : memref<80x128xi32, #tpu.memory_space<vmem>> -> memref<1x128xi32, #tpu.memory_space<vmem>>
    %dma_start3A_1017 = tpu.memref_squeeze %dma_start3A_1016 : memref<1x128xi32, #tpu.memory_space<vmem>> -> memref<128xi32, #tpu.memory_space<vmem>>
    %dma_start3A_1018 = arith.constant 0 : i32
    %dma_start3A_1019 = arith.constant 0 : i32
    %dma_start3A_1020 = tpu.memref_slice %arg6[%dma_start3A_1018, %dma_start3A_1019] : memref<69x32xf32, #tpu.memory_space<vmem_shared>> -> memref<69x32xf32, #tpu.memory_space<vmem_shared>>
    tpu.enqueue_indirect_dma source(%dma_start3A_1020 : memref<69x32xf32, #tpu.memory_space<vmem_shared>>) target(%dma_start3A_1014 : memref<128x32xf32, #tpu.memory_space<vmem>>) offsets(%dma_start3A_1017 : memref<128xi32, #tpu.memory_space<vmem>>) semaphore(%arg9 : memref<!tpu.dma_semaphore, #tpu.memory_space<semaphore_mem>>)
    %dma_wait3A_1021 = arith.constant 40 : i32
    %dma_wait3A_1022 = arith.constant 0 : i32
    %dma_wait3A_1023 = arith.constant 0 : i32
    %dma_wait3A_1024 = tpu.memref_slice %arg8[%dma_wait3A_1022, %dma_wait3A_1023] : memref<1024x32xf32, #tpu.memory_space<vmem>> -> memref<128x32xf32, #tpu.memory_space<vmem>>
    %dma_wait3A_1025 = arith.constant 0 : i32
    %dma_wait3A_1026 = tpu.memref_slice %arg5[%dma_wait3A_1021, %dma_wait3A_1025] : memref<80x128xi32, #tpu.memory_space<vmem>> -> memref<1x128xi32, #tpu.memory_space<vmem>>
    %dma_wait3A_1027 = tpu.memref_squeeze %dma_wait3A_1026 : memref<1x128xi32, #tpu.memory_space<vmem>> -> memref<128xi32, #tpu.memory_space<vmem>>
    %dma_wait3A_1028 = arith.constant 0 : i32
    %dma_wait3A_1029 = arith.constant 0 : i32
    %dma_wait3A_1030 = tpu.memref_slice %arg6[%dma_wait3A_1028, %dma_wait3A_1029] : memref<69x32xf32, #tpu.memory_space<vmem_shared>> -> memref<69x32xf32, #tpu.memory_space<vmem_shared>>
    tpu.wait_indirect_dma semaphore(%arg10 : memref<!tpu.dma_semaphore, #tpu.memory_space<semaphore_mem>>) src(%dma_wait3A_1030 : memref<69x32xf32, #tpu.memory_space<vmem_shared>>) dst(%dma_wait3A_1024 : memref<128x32xf32, #tpu.memory_space<vmem>>)
    %dma_wait3A_1031 = arith.constant 41 : i32
    %dma_wait3A_1032 = arith.constant 128 : i32
    %dma_wait3A_1033 = arith.constant 0 : i32
    %dma_wait3A_1034 = tpu.memref_slice %arg8[%dma_wait3A_1032, %dma_wait3A_1033] : memref<1024x32xf32, #tpu.memory_space<vmem>> -> memref<128x32xf32, #tpu.memory_space<vmem>>
    %dma_wait3A_1035 = arith.constant 0 : i32
    %dma_wait3A_1036 = tpu.memref_slice %arg5[%dma_wait3A_1031, %dma_wait3A_1035] : memref<80x128xi32, #tpu.memory_space<vmem>> -> memref<1x128xi32, #tpu.memory_space<vmem>>
    %dma_wait3A_1037 = tpu.memref_squeeze %dma_wait3A_1036 : memref<1x128xi32, #tpu.memory_space<vmem>> -> memref<128xi32, #tpu.memory_space<vmem>>
    %dma_wait3A_1038 = arith.constant 0 : i32
    %dma_wait3A_1039 = arith.constant 0 : i32
    %dma_wait3A_1040 = tpu.memref_slice %arg6[%dma_wait3A_1038, %dma_wait3A_1039] : memref<69x32xf32, #tpu.memory_space<vmem_shared>> -> memref<69x32xf32, #tpu.memory_space<vmem_shared>>
    tpu.wait_indirect_dma semaphore(%arg10 : memref<!tpu.dma_semaphore, #tpu.memory_space<semaphore_mem>>) src(%dma_wait3A_1040 : memref<69x32xf32, #tpu.memory_space<vmem_shared>>) dst(%dma_wait3A_1034 : memref<128x32xf32, #tpu.memory_space<vmem>>)
    %dma_wait3A_1041 = arith.constant 42 : i32
    %dma_wait3A_1042 = arith.constant 256 : i32
    %dma_wait3A_1043 = arith.constant 0 : i32
    %dma_wait3A_1044 = tpu.memref_slice %arg8[%dma_wait3A_1042, %dma_wait3A_1043] : memref<1024x32xf32, #tpu.memory_space<vmem>> -> memref<128x32xf32, #tpu.memory_space<vmem>>
    %dma_wait3A_1045 = arith.constant 0 : i32
    %dma_wait3A_1046 = tpu.memref_slice %arg5[%dma_wait3A_1041, %dma_wait3A_1045] : memref<80x128xi32, #tpu.memory_space<vmem>> -> memref<1x128xi32, #tpu.memory_space<vmem>>
    %dma_wait3A_1047 = tpu.memref_squeeze %dma_wait3A_1046 : memref<1x128xi32, #tpu.memory_space<vmem>> -> memref<128xi32, #tpu.memory_space<vmem>>
    %dma_wait3A_1048 = arith.constant 0 : i32
    %dma_wait3A_1049 = arith.constant 0 : i32
    %dma_wait3A_1050 = tpu.memref_slice %arg6[%dma_wait3A_1048, %dma_wait3A_1049] : memref<69x32xf32, #tpu.memory_space<vmem_shared>> -> memref<69x32xf32, #tpu.memory_space<vmem_shared>>
    tpu.wait_indirect_dma semaphore(%arg10 : memref<!tpu.dma_semaphore, #tpu.memory_space<semaphore_mem>>) src(%dma_wait3A_1050 : memref<69x32xf32, #tpu.memory_space<vmem_shared>>) dst(%dma_wait3A_1044 : memref<128x32xf32, #tpu.memory_space<vmem>>)
    %dma_wait3A_1051 = arith.constant 43 : i32
    %dma_wait3A_1052 = arith.constant 384 : i32
    %dma_wait3A_1053 = arith.constant 0 : i32
    %dma_wait3A_1054 = tpu.memref_slice %arg8[%dma_wait3A_1052, %dma_wait3A_1053] : memref<1024x32xf32, #tpu.memory_space<vmem>> -> memref<128x32xf32, #tpu.memory_space<vmem>>
    %dma_wait3A_1055 = arith.constant 0 : i32
    %dma_wait3A_1056 = tpu.memref_slice %arg5[%dma_wait3A_1051, %dma_wait3A_1055] : memref<80x128xi32, #tpu.memory_space<vmem>> -> memref<1x128xi32, #tpu.memory_space<vmem>>
    %dma_wait3A_1057 = tpu.memref_squeeze %dma_wait3A_1056 : memref<1x128xi32, #tpu.memory_space<vmem>> -> memref<128xi32, #tpu.memory_space<vmem>>
    %dma_wait3A_1058 = arith.constant 0 : i32
    %dma_wait3A_1059 = arith.constant 0 : i32
    %dma_wait3A_1060 = tpu.memref_slice %arg6[%dma_wait3A_1058, %dma_wait3A_1059] : memref<69x32xf32, #tpu.memory_space<vmem_shared>> -> memref<69x32xf32, #tpu.memory_space<vmem_shared>>
    tpu.wait_indirect_dma semaphore(%arg10 : memref<!tpu.dma_semaphore, #tpu.memory_space<semaphore_mem>>) src(%dma_wait3A_1060 : memref<69x32xf32, #tpu.memory_space<vmem_shared>>) dst(%dma_wait3A_1054 : memref<128x32xf32, #tpu.memory_space<vmem>>)
    %dma_wait3A_1061 = arith.constant 44 : i32
    %dma_wait3A_1062 = arith.constant 512 : i32
    %dma_wait3A_1063 = arith.constant 0 : i32
    %dma_wait3A_1064 = tpu.memref_slice %arg8[%dma_wait3A_1062, %dma_wait3A_1063] : memref<1024x32xf32, #tpu.memory_space<vmem>> -> memref<128x32xf32, #tpu.memory_space<vmem>>
    %dma_wait3A_1065 = arith.constant 0 : i32
    %dma_wait3A_1066 = tpu.memref_slice %arg5[%dma_wait3A_1061, %dma_wait3A_1065] : memref<80x128xi32, #tpu.memory_space<vmem>> -> memref<1x128xi32, #tpu.memory_space<vmem>>
    %dma_wait3A_1067 = tpu.memref_squeeze %dma_wait3A_1066 : memref<1x128xi32, #tpu.memory_space<vmem>> -> memref<128xi32, #tpu.memory_space<vmem>>
    %dma_wait3A_1068 = arith.constant 0 : i32
    %dma_wait3A_1069 = arith.constant 0 : i32
    %dma_wait3A_1070 = tpu.memref_slice %arg6[%dma_wait3A_1068, %dma_wait3A_1069] : memref<69x32xf32, #tpu.memory_space<vmem_shared>> -> memref<69x32xf32, #tpu.memory_space<vmem_shared>>
    tpu.wait_indirect_dma semaphore(%arg10 : memref<!tpu.dma_semaphore, #tpu.memory_space<semaphore_mem>>) src(%dma_wait3A_1070 : memref<69x32xf32, #tpu.memory_space<vmem_shared>>) dst(%dma_wait3A_1064 : memref<128x32xf32, #tpu.memory_space<vmem>>)
    %dma_wait3A_1071 = arith.constant 45 : i32
    %dma_wait3A_1072 = arith.constant 640 : i32
    %dma_wait3A_1073 = arith.constant 0 : i32
    %dma_wait3A_1074 = tpu.memref_slice %arg8[%dma_wait3A_1072, %dma_wait3A_1073] : memref<1024x32xf32, #tpu.memory_space<vmem>> -> memref<128x32xf32, #tpu.memory_space<vmem>>
    %dma_wait3A_1075 = arith.constant 0 : i32
    %dma_wait3A_1076 = tpu.memref_slice %arg5[%dma_wait3A_1071, %dma_wait3A_1075] : memref<80x128xi32, #tpu.memory_space<vmem>> -> memref<1x128xi32, #tpu.memory_space<vmem>>
    %dma_wait3A_1077 = tpu.memref_squeeze %dma_wait3A_1076 : memref<1x128xi32, #tpu.memory_space<vmem>> -> memref<128xi32, #tpu.memory_space<vmem>>
    %dma_wait3A_1078 = arith.constant 0 : i32
    %dma_wait3A_1079 = arith.constant 0 : i32
    %dma_wait3A_1080 = tpu.memref_slice %arg6[%dma_wait3A_1078, %dma_wait3A_1079] : memref<69x32xf32, #tpu.memory_space<vmem_shared>> -> memref<69x32xf32, #tpu.memory_space<vmem_shared>>
    tpu.wait_indirect_dma semaphore(%arg10 : memref<!tpu.dma_semaphore, #tpu.memory_space<semaphore_mem>>) src(%dma_wait3A_1080 : memref<69x32xf32, #tpu.memory_space<vmem_shared>>) dst(%dma_wait3A_1074 : memref<128x32xf32, #tpu.memory_space<vmem>>)
    %dma_wait3A_1081 = arith.constant 46 : i32
    %dma_wait3A_1082 = arith.constant 768 : i32
    %dma_wait3A_1083 = arith.constant 0 : i32
    %dma_wait3A_1084 = tpu.memref_slice %arg8[%dma_wait3A_1082, %dma_wait3A_1083] : memref<1024x32xf32, #tpu.memory_space<vmem>> -> memref<128x32xf32, #tpu.memory_space<vmem>>
    %dma_wait3A_1085 = arith.constant 0 : i32
    %dma_wait3A_1086 = tpu.memref_slice %arg5[%dma_wait3A_1081, %dma_wait3A_1085] : memref<80x128xi32, #tpu.memory_space<vmem>> -> memref<1x128xi32, #tpu.memory_space<vmem>>
    %dma_wait3A_1087 = tpu.memref_squeeze %dma_wait3A_1086 : memref<1x128xi32, #tpu.memory_space<vmem>> -> memref<128xi32, #tpu.memory_space<vmem>>
    %dma_wait3A_1088 = arith.constant 0 : i32
    %dma_wait3A_1089 = arith.constant 0 : i32
    %dma_wait3A_1090 = tpu.memref_slice %arg6[%dma_wait3A_1088, %dma_wait3A_1089] : memref<69x32xf32, #tpu.memory_space<vmem_shared>> -> memref<69x32xf32, #tpu.memory_space<vmem_shared>>
    tpu.wait_indirect_dma semaphore(%arg10 : memref<!tpu.dma_semaphore, #tpu.memory_space<semaphore_mem>>) src(%dma_wait3A_1090 : memref<69x32xf32, #tpu.memory_space<vmem_shared>>) dst(%dma_wait3A_1084 : memref<128x32xf32, #tpu.memory_space<vmem>>)
    %dma_wait3A_1091 = arith.constant 47 : i32
    %dma_wait3A_1092 = arith.constant 896 : i32
    %dma_wait3A_1093 = arith.constant 0 : i32
    %dma_wait3A_1094 = tpu.memref_slice %arg8[%dma_wait3A_1092, %dma_wait3A_1093] : memref<1024x32xf32, #tpu.memory_space<vmem>> -> memref<128x32xf32, #tpu.memory_space<vmem>>
    %dma_wait3A_1095 = arith.constant 0 : i32
    %dma_wait3A_1096 = tpu.memref_slice %arg5[%dma_wait3A_1091, %dma_wait3A_1095] : memref<80x128xi32, #tpu.memory_space<vmem>> -> memref<1x128xi32, #tpu.memory_space<vmem>>
    %dma_wait3A_1097 = tpu.memref_squeeze %dma_wait3A_1096 : memref<1x128xi32, #tpu.memory_space<vmem>> -> memref<128xi32, #tpu.memory_space<vmem>>
    %dma_wait3A_1098 = arith.constant 0 : i32
    %dma_wait3A_1099 = arith.constant 0 : i32
    %dma_wait3A_1100 = tpu.memref_slice %arg6[%dma_wait3A_1098, %dma_wait3A_1099] : memref<69x32xf32, #tpu.memory_space<vmem_shared>> -> memref<69x32xf32, #tpu.memory_space<vmem_shared>>
    tpu.wait_indirect_dma semaphore(%arg10 : memref<!tpu.dma_semaphore, #tpu.memory_space<semaphore_mem>>) src(%dma_wait3A_1100 : memref<69x32xf32, #tpu.memory_space<vmem_shared>>) dst(%dma_wait3A_1094 : memref<128x32xf32, #tpu.memory_space<vmem>>)
    %mul3A_1101 = arith.constant 10240 : i32
    %mul3A_1102 = arith.muli %add3A, %mul3A_1101 : i32
    %add3A_1103 = arith.constant 5120 : i32
    %add3A_1104 = arith.addi %mul3A_1102, %add3A_1103 : i32
    %dma_start3A_1105 = arith.constant 0 : i32
    %dma_start3A_1106 = tpu.memref_slice %arg4[%add3A_1104, %dma_start3A_1105] : memref<327680x32xf32, #tpu.memory_space<hbm>> -> memref<1024x32xf32, #tpu.memory_space<hbm>>
    %dma_start3A_1107 = arith.constant 0 : i32
    %dma_start3A_1108 = tpu.memref_slice %arg4[%add3A_1104, %dma_start3A_1107] : memref<327680x32xf32, #tpu.memory_space<hbm>> -> memref<1024x32xf32, #tpu.memory_space<hbm>>
    tpu.enqueue_dma source(%arg8 : memref<1024x32xf32, #tpu.memory_space<vmem>>) target(%dma_start3A_1108 : memref<1024x32xf32, #tpu.memory_space<hbm>>) target_semaphore(%arg12 : memref<!tpu.dma_semaphore, #tpu.memory_space<semaphore_mem>>)
    %dma_wait3A_1109 = arith.constant 0 : i32
    %dma_wait3A_1110 = tpu.memref_slice %arg4[%add3A_1104, %dma_wait3A_1109] : memref<327680x32xf32, #tpu.memory_space<hbm>> -> memref<1024x32xf32, #tpu.memory_space<hbm>>
    %dma_wait3A_1111 = arith.constant 0 : i32
    %dma_wait3A_1112 = tpu.memref_slice %arg4[%add3A_1104, %dma_wait3A_1111] : memref<327680x32xf32, #tpu.memory_space<hbm>> -> memref<1024x32xf32, #tpu.memory_space<hbm>>
    tpu.wait_dma2 semaphore(%arg12 : memref<!tpu.dma_semaphore, #tpu.memory_space<semaphore_mem>>) src(%arg8 : memref<1024x32xf32, #tpu.memory_space<vmem>>) dst(%dma_wait3A_1112 : memref<1024x32xf32, #tpu.memory_space<hbm>>)
    %dma_start3A_1113 = arith.constant 56 : i32
    %dma_start3A_1114 = arith.constant 0 : i32
    %dma_start3A_1115 = arith.constant 0 : i32
    %dma_start3A_1116 = tpu.memref_slice %arg8[%dma_start3A_1114, %dma_start3A_1115] : memref<1024x32xf32, #tpu.memory_space<vmem>> -> memref<128x32xf32, #tpu.memory_space<vmem>>
    %dma_start3A_1117 = arith.constant 0 : i32
    %dma_start3A_1118 = tpu.memref_slice %arg5[%dma_start3A_1113, %dma_start3A_1117] : memref<80x128xi32, #tpu.memory_space<vmem>> -> memref<1x128xi32, #tpu.memory_space<vmem>>
    %dma_start3A_1119 = tpu.memref_squeeze %dma_start3A_1118 : memref<1x128xi32, #tpu.memory_space<vmem>> -> memref<128xi32, #tpu.memory_space<vmem>>
    %dma_start3A_1120 = arith.constant 0 : i32
    %dma_start3A_1121 = arith.constant 0 : i32
    %dma_start3A_1122 = tpu.memref_slice %arg6[%dma_start3A_1120, %dma_start3A_1121] : memref<69x32xf32, #tpu.memory_space<vmem_shared>> -> memref<69x32xf32, #tpu.memory_space<vmem_shared>>
    tpu.enqueue_indirect_dma source(%dma_start3A_1122 : memref<69x32xf32, #tpu.memory_space<vmem_shared>>) target(%dma_start3A_1116 : memref<128x32xf32, #tpu.memory_space<vmem>>) offsets(%dma_start3A_1119 : memref<128xi32, #tpu.memory_space<vmem>>) semaphore(%arg10 : memref<!tpu.dma_semaphore, #tpu.memory_space<semaphore_mem>>)
    %dma_start3A_1123 = arith.constant 57 : i32
    %dma_start3A_1124 = arith.constant 128 : i32
    %dma_start3A_1125 = arith.constant 0 : i32
    %dma_start3A_1126 = tpu.memref_slice %arg8[%dma_start3A_1124, %dma_start3A_1125] : memref<1024x32xf32, #tpu.memory_space<vmem>> -> memref<128x32xf32, #tpu.memory_space<vmem>>
    %dma_start3A_1127 = arith.constant 0 : i32
    %dma_start3A_1128 = tpu.memref_slice %arg5[%dma_start3A_1123, %dma_start3A_1127] : memref<80x128xi32, #tpu.memory_space<vmem>> -> memref<1x128xi32, #tpu.memory_space<vmem>>
    %dma_start3A_1129 = tpu.memref_squeeze %dma_start3A_1128 : memref<1x128xi32, #tpu.memory_space<vmem>> -> memref<128xi32, #tpu.memory_space<vmem>>
    %dma_start3A_1130 = arith.constant 0 : i32
    %dma_start3A_1131 = arith.constant 0 : i32
    %dma_start3A_1132 = tpu.memref_slice %arg6[%dma_start3A_1130, %dma_start3A_1131] : memref<69x32xf32, #tpu.memory_space<vmem_shared>> -> memref<69x32xf32, #tpu.memory_space<vmem_shared>>
    tpu.enqueue_indirect_dma source(%dma_start3A_1132 : memref<69x32xf32, #tpu.memory_space<vmem_shared>>) target(%dma_start3A_1126 : memref<128x32xf32, #tpu.memory_space<vmem>>) offsets(%dma_start3A_1129 : memref<128xi32, #tpu.memory_space<vmem>>) semaphore(%arg10 : memref<!tpu.dma_semaphore, #tpu.memory_space<semaphore_mem>>)
    %dma_start3A_1133 = arith.constant 58 : i32
    %dma_start3A_1134 = arith.constant 256 : i32
    %dma_start3A_1135 = arith.constant 0 : i32
    %dma_start3A_1136 = tpu.memref_slice %arg8[%dma_start3A_1134, %dma_start3A_1135] : memref<1024x32xf32, #tpu.memory_space<vmem>> -> memref<128x32xf32, #tpu.memory_space<vmem>>
    %dma_start3A_1137 = arith.constant 0 : i32
    %dma_start3A_1138 = tpu.memref_slice %arg5[%dma_start3A_1133, %dma_start3A_1137] : memref<80x128xi32, #tpu.memory_space<vmem>> -> memref<1x128xi32, #tpu.memory_space<vmem>>
    %dma_start3A_1139 = tpu.memref_squeeze %dma_start3A_1138 : memref<1x128xi32, #tpu.memory_space<vmem>> -> memref<128xi32, #tpu.memory_space<vmem>>
    %dma_start3A_1140 = arith.constant 0 : i32
    %dma_start3A_1141 = arith.constant 0 : i32
    %dma_start3A_1142 = tpu.memref_slice %arg6[%dma_start3A_1140, %dma_start3A_1141] : memref<69x32xf32, #tpu.memory_space<vmem_shared>> -> memref<69x32xf32, #tpu.memory_space<vmem_shared>>
    tpu.enqueue_indirect_dma source(%dma_start3A_1142 : memref<69x32xf32, #tpu.memory_space<vmem_shared>>) target(%dma_start3A_1136 : memref<128x32xf32, #tpu.memory_space<vmem>>) offsets(%dma_start3A_1139 : memref<128xi32, #tpu.memory_space<vmem>>) semaphore(%arg10 : memref<!tpu.dma_semaphore, #tpu.memory_space<semaphore_mem>>)
    %dma_start3A_1143 = arith.constant 59 : i32
    %dma_start3A_1144 = arith.constant 384 : i32
    %dma_start3A_1145 = arith.constant 0 : i32
    %dma_start3A_1146 = tpu.memref_slice %arg8[%dma_start3A_1144, %dma_start3A_1145] : memref<1024x32xf32, #tpu.memory_space<vmem>> -> memref<128x32xf32, #tpu.memory_space<vmem>>
    %dma_start3A_1147 = arith.constant 0 : i32
    %dma_start3A_1148 = tpu.memref_slice %arg5[%dma_start3A_1143, %dma_start3A_1147] : memref<80x128xi32, #tpu.memory_space<vmem>> -> memref<1x128xi32, #tpu.memory_space<vmem>>
    %dma_start3A_1149 = tpu.memref_squeeze %dma_start3A_1148 : memref<1x128xi32, #tpu.memory_space<vmem>> -> memref<128xi32, #tpu.memory_space<vmem>>
    %dma_start3A_1150 = arith.constant 0 : i32
    %dma_start3A_1151 = arith.constant 0 : i32
    %dma_start3A_1152 = tpu.memref_slice %arg6[%dma_start3A_1150, %dma_start3A_1151] : memref<69x32xf32, #tpu.memory_space<vmem_shared>> -> memref<69x32xf32, #tpu.memory_space<vmem_shared>>
    tpu.enqueue_indirect_dma source(%dma_start3A_1152 : memref<69x32xf32, #tpu.memory_space<vmem_shared>>) target(%dma_start3A_1146 : memref<128x32xf32, #tpu.memory_space<vmem>>) offsets(%dma_start3A_1149 : memref<128xi32, #tpu.memory_space<vmem>>) semaphore(%arg10 : memref<!tpu.dma_semaphore, #tpu.memory_space<semaphore_mem>>)
    %dma_start3A_1153 = arith.constant 60 : i32
    %dma_start3A_1154 = arith.constant 512 : i32
    %dma_start3A_1155 = arith.constant 0 : i32
    %dma_start3A_1156 = tpu.memref_slice %arg8[%dma_start3A_1154, %dma_start3A_1155] : memref<1024x32xf32, #tpu.memory_space<vmem>> -> memref<128x32xf32, #tpu.memory_space<vmem>>
    %dma_start3A_1157 = arith.constant 0 : i32
    %dma_start3A_1158 = tpu.memref_slice %arg5[%dma_start3A_1153, %dma_start3A_1157] : memref<80x128xi32, #tpu.memory_space<vmem>> -> memref<1x128xi32, #tpu.memory_space<vmem>>
    %dma_start3A_1159 = tpu.memref_squeeze %dma_start3A_1158 : memref<1x128xi32, #tpu.memory_space<vmem>> -> memref<128xi32, #tpu.memory_space<vmem>>
    %dma_start3A_1160 = arith.constant 0 : i32
    %dma_start3A_1161 = arith.constant 0 : i32
    %dma_start3A_1162 = tpu.memref_slice %arg6[%dma_start3A_1160, %dma_start3A_1161] : memref<69x32xf32, #tpu.memory_space<vmem_shared>> -> memref<69x32xf32, #tpu.memory_space<vmem_shared>>
    tpu.enqueue_indirect_dma source(%dma_start3A_1162 : memref<69x32xf32, #tpu.memory_space<vmem_shared>>) target(%dma_start3A_1156 : memref<128x32xf32, #tpu.memory_space<vmem>>) offsets(%dma_start3A_1159 : memref<128xi32, #tpu.memory_space<vmem>>) semaphore(%arg10 : memref<!tpu.dma_semaphore, #tpu.memory_space<semaphore_mem>>)
    %dma_start3A_1163 = arith.constant 61 : i32
    %dma_start3A_1164 = arith.constant 640 : i32
    %dma_start3A_1165 = arith.constant 0 : i32
    %dma_start3A_1166 = tpu.memref_slice %arg8[%dma_start3A_1164, %dma_start3A_1165] : memref<1024x32xf32, #tpu.memory_space<vmem>> -> memref<128x32xf32, #tpu.memory_space<vmem>>
    %dma_start3A_1167 = arith.constant 0 : i32
    %dma_start3A_1168 = tpu.memref_slice %arg5[%dma_start3A_1163, %dma_start3A_1167] : memref<80x128xi32, #tpu.memory_space<vmem>> -> memref<1x128xi32, #tpu.memory_space<vmem>>
    %dma_start3A_1169 = tpu.memref_squeeze %dma_start3A_1168 : memref<1x128xi32, #tpu.memory_space<vmem>> -> memref<128xi32, #tpu.memory_space<vmem>>
    %dma_start3A_1170 = arith.constant 0 : i32
    %dma_start3A_1171 = arith.constant 0 : i32
    %dma_start3A_1172 = tpu.memref_slice %arg6[%dma_start3A_1170, %dma_start3A_1171] : memref<69x32xf32, #tpu.memory_space<vmem_shared>> -> memref<69x32xf32, #tpu.memory_space<vmem_shared>>
    tpu.enqueue_indirect_dma source(%dma_start3A_1172 : memref<69x32xf32, #tpu.memory_space<vmem_shared>>) target(%dma_start3A_1166 : memref<128x32xf32, #tpu.memory_space<vmem>>) offsets(%dma_start3A_1169 : memref<128xi32, #tpu.memory_space<vmem>>) semaphore(%arg10 : memref<!tpu.dma_semaphore, #tpu.memory_space<semaphore_mem>>)
    %dma_start3A_1173 = arith.constant 62 : i32
    %dma_start3A_1174 = arith.constant 768 : i32
    %dma_start3A_1175 = arith.constant 0 : i32
    %dma_start3A_1176 = tpu.memref_slice %arg8[%dma_start3A_1174, %dma_start3A_1175] : memref<1024x32xf32, #tpu.memory_space<vmem>> -> memref<128x32xf32, #tpu.memory_space<vmem>>
    %dma_start3A_1177 = arith.constant 0 : i32
    %dma_start3A_1178 = tpu.memref_slice %arg5[%dma_start3A_1173, %dma_start3A_1177] : memref<80x128xi32, #tpu.memory_space<vmem>> -> memref<1x128xi32, #tpu.memory_space<vmem>>
    %dma_start3A_1179 = tpu.memref_squeeze %dma_start3A_1178 : memref<1x128xi32, #tpu.memory_space<vmem>> -> memref<128xi32, #tpu.memory_space<vmem>>
    %dma_start3A_1180 = arith.constant 0 : i32
    %dma_start3A_1181 = arith.constant 0 : i32
    %dma_start3A_1182 = tpu.memref_slice %arg6[%dma_start3A_1180, %dma_start3A_1181] : memref<69x32xf32, #tpu.memory_space<vmem_shared>> -> memref<69x32xf32, #tpu.memory_space<vmem_shared>>
    tpu.enqueue_indirect_dma source(%dma_start3A_1182 : memref<69x32xf32, #tpu.memory_space<vmem_shared>>) target(%dma_start3A_1176 : memref<128x32xf32, #tpu.memory_space<vmem>>) offsets(%dma_start3A_1179 : memref<128xi32, #tpu.memory_space<vmem>>) semaphore(%arg10 : memref<!tpu.dma_semaphore, #tpu.memory_space<semaphore_mem>>)
    %dma_start3A_1183 = arith.constant 63 : i32
    %dma_start3A_1184 = arith.constant 896 : i32
    %dma_start3A_1185 = arith.constant 0 : i32
    %dma_start3A_1186 = tpu.memref_slice %arg8[%dma_start3A_1184, %dma_start3A_1185] : memref<1024x32xf32, #tpu.memory_space<vmem>> -> memref<128x32xf32, #tpu.memory_space<vmem>>
    %dma_start3A_1187 = arith.constant 0 : i32
    %dma_start3A_1188 = tpu.memref_slice %arg5[%dma_start3A_1183, %dma_start3A_1187] : memref<80x128xi32, #tpu.memory_space<vmem>> -> memref<1x128xi32, #tpu.memory_space<vmem>>
    %dma_start3A_1189 = tpu.memref_squeeze %dma_start3A_1188 : memref<1x128xi32, #tpu.memory_space<vmem>> -> memref<128xi32, #tpu.memory_space<vmem>>
    %dma_start3A_1190 = arith.constant 0 : i32
    %dma_start3A_1191 = arith.constant 0 : i32
    %dma_start3A_1192 = tpu.memref_slice %arg6[%dma_start3A_1190, %dma_start3A_1191] : memref<69x32xf32, #tpu.memory_space<vmem_shared>> -> memref<69x32xf32, #tpu.memory_space<vmem_shared>>
    tpu.enqueue_indirect_dma source(%dma_start3A_1192 : memref<69x32xf32, #tpu.memory_space<vmem_shared>>) target(%dma_start3A_1186 : memref<128x32xf32, #tpu.memory_space<vmem>>) offsets(%dma_start3A_1189 : memref<128xi32, #tpu.memory_space<vmem>>) semaphore(%arg10 : memref<!tpu.dma_semaphore, #tpu.memory_space<semaphore_mem>>)
    %dma_wait3A_1193 = arith.constant 48 : i32
    %dma_wait3A_1194 = arith.constant 0 : i32
    %dma_wait3A_1195 = arith.constant 0 : i32
    %dma_wait3A_1196 = tpu.memref_slice %arg7[%dma_wait3A_1194, %dma_wait3A_1195] : memref<1024x32xf32, #tpu.memory_space<vmem>> -> memref<128x32xf32, #tpu.memory_space<vmem>>
    %dma_wait3A_1197 = arith.constant 0 : i32
    %dma_wait3A_1198 = tpu.memref_slice %arg5[%dma_wait3A_1193, %dma_wait3A_1197] : memref<80x128xi32, #tpu.memory_space<vmem>> -> memref<1x128xi32, #tpu.memory_space<vmem>>
    %dma_wait3A_1199 = tpu.memref_squeeze %dma_wait3A_1198 : memref<1x128xi32, #tpu.memory_space<vmem>> -> memref<128xi32, #tpu.memory_space<vmem>>
    %dma_wait3A_1200 = arith.constant 0 : i32
    %dma_wait3A_1201 = arith.constant 0 : i32
    %dma_wait3A_1202 = tpu.memref_slice %arg6[%dma_wait3A_1200, %dma_wait3A_1201] : memref<69x32xf32, #tpu.memory_space<vmem_shared>> -> memref<69x32xf32, #tpu.memory_space<vmem_shared>>
    tpu.wait_indirect_dma semaphore(%arg9 : memref<!tpu.dma_semaphore, #tpu.memory_space<semaphore_mem>>) src(%dma_wait3A_1202 : memref<69x32xf32, #tpu.memory_space<vmem_shared>>) dst(%dma_wait3A_1196 : memref<128x32xf32, #tpu.memory_space<vmem>>)
    %dma_wait3A_1203 = arith.constant 49 : i32
    %dma_wait3A_1204 = arith.constant 128 : i32
    %dma_wait3A_1205 = arith.constant 0 : i32
    %dma_wait3A_1206 = tpu.memref_slice %arg7[%dma_wait3A_1204, %dma_wait3A_1205] : memref<1024x32xf32, #tpu.memory_space<vmem>> -> memref<128x32xf32, #tpu.memory_space<vmem>>
    %dma_wait3A_1207 = arith.constant 0 : i32
    %dma_wait3A_1208 = tpu.memref_slice %arg5[%dma_wait3A_1203, %dma_wait3A_1207] : memref<80x128xi32, #tpu.memory_space<vmem>> -> memref<1x128xi32, #tpu.memory_space<vmem>>
    %dma_wait3A_1209 = tpu.memref_squeeze %dma_wait3A_1208 : memref<1x128xi32, #tpu.memory_space<vmem>> -> memref<128xi32, #tpu.memory_space<vmem>>
    %dma_wait3A_1210 = arith.constant 0 : i32
    %dma_wait3A_1211 = arith.constant 0 : i32
    %dma_wait3A_1212 = tpu.memref_slice %arg6[%dma_wait3A_1210, %dma_wait3A_1211] : memref<69x32xf32, #tpu.memory_space<vmem_shared>> -> memref<69x32xf32, #tpu.memory_space<vmem_shared>>
    tpu.wait_indirect_dma semaphore(%arg9 : memref<!tpu.dma_semaphore, #tpu.memory_space<semaphore_mem>>) src(%dma_wait3A_1212 : memref<69x32xf32, #tpu.memory_space<vmem_shared>>) dst(%dma_wait3A_1206 : memref<128x32xf32, #tpu.memory_space<vmem>>)
    %dma_wait3A_1213 = arith.constant 50 : i32
    %dma_wait3A_1214 = arith.constant 256 : i32
    %dma_wait3A_1215 = arith.constant 0 : i32
    %dma_wait3A_1216 = tpu.memref_slice %arg7[%dma_wait3A_1214, %dma_wait3A_1215] : memref<1024x32xf32, #tpu.memory_space<vmem>> -> memref<128x32xf32, #tpu.memory_space<vmem>>
    %dma_wait3A_1217 = arith.constant 0 : i32
    %dma_wait3A_1218 = tpu.memref_slice %arg5[%dma_wait3A_1213, %dma_wait3A_1217] : memref<80x128xi32, #tpu.memory_space<vmem>> -> memref<1x128xi32, #tpu.memory_space<vmem>>
    %dma_wait3A_1219 = tpu.memref_squeeze %dma_wait3A_1218 : memref<1x128xi32, #tpu.memory_space<vmem>> -> memref<128xi32, #tpu.memory_space<vmem>>
    %dma_wait3A_1220 = arith.constant 0 : i32
    %dma_wait3A_1221 = arith.constant 0 : i32
    %dma_wait3A_1222 = tpu.memref_slice %arg6[%dma_wait3A_1220, %dma_wait3A_1221] : memref<69x32xf32, #tpu.memory_space<vmem_shared>> -> memref<69x32xf32, #tpu.memory_space<vmem_shared>>
    tpu.wait_indirect_dma semaphore(%arg9 : memref<!tpu.dma_semaphore, #tpu.memory_space<semaphore_mem>>) src(%dma_wait3A_1222 : memref<69x32xf32, #tpu.memory_space<vmem_shared>>) dst(%dma_wait3A_1216 : memref<128x32xf32, #tpu.memory_space<vmem>>)
    %dma_wait3A_1223 = arith.constant 51 : i32
    %dma_wait3A_1224 = arith.constant 384 : i32
    %dma_wait3A_1225 = arith.constant 0 : i32
    %dma_wait3A_1226 = tpu.memref_slice %arg7[%dma_wait3A_1224, %dma_wait3A_1225] : memref<1024x32xf32, #tpu.memory_space<vmem>> -> memref<128x32xf32, #tpu.memory_space<vmem>>
    %dma_wait3A_1227 = arith.constant 0 : i32
    %dma_wait3A_1228 = tpu.memref_slice %arg5[%dma_wait3A_1223, %dma_wait3A_1227] : memref<80x128xi32, #tpu.memory_space<vmem>> -> memref<1x128xi32, #tpu.memory_space<vmem>>
    %dma_wait3A_1229 = tpu.memref_squeeze %dma_wait3A_1228 : memref<1x128xi32, #tpu.memory_space<vmem>> -> memref<128xi32, #tpu.memory_space<vmem>>
    %dma_wait3A_1230 = arith.constant 0 : i32
    %dma_wait3A_1231 = arith.constant 0 : i32
    %dma_wait3A_1232 = tpu.memref_slice %arg6[%dma_wait3A_1230, %dma_wait3A_1231] : memref<69x32xf32, #tpu.memory_space<vmem_shared>> -> memref<69x32xf32, #tpu.memory_space<vmem_shared>>
    tpu.wait_indirect_dma semaphore(%arg9 : memref<!tpu.dma_semaphore, #tpu.memory_space<semaphore_mem>>) src(%dma_wait3A_1232 : memref<69x32xf32, #tpu.memory_space<vmem_shared>>) dst(%dma_wait3A_1226 : memref<128x32xf32, #tpu.memory_space<vmem>>)
    %dma_wait3A_1233 = arith.constant 52 : i32
    %dma_wait3A_1234 = arith.constant 512 : i32
    %dma_wait3A_1235 = arith.constant 0 : i32
    %dma_wait3A_1236 = tpu.memref_slice %arg7[%dma_wait3A_1234, %dma_wait3A_1235] : memref<1024x32xf32, #tpu.memory_space<vmem>> -> memref<128x32xf32, #tpu.memory_space<vmem>>
    %dma_wait3A_1237 = arith.constant 0 : i32
    %dma_wait3A_1238 = tpu.memref_slice %arg5[%dma_wait3A_1233, %dma_wait3A_1237] : memref<80x128xi32, #tpu.memory_space<vmem>> -> memref<1x128xi32, #tpu.memory_space<vmem>>
    %dma_wait3A_1239 = tpu.memref_squeeze %dma_wait3A_1238 : memref<1x128xi32, #tpu.memory_space<vmem>> -> memref<128xi32, #tpu.memory_space<vmem>>
    %dma_wait3A_1240 = arith.constant 0 : i32
    %dma_wait3A_1241 = arith.constant 0 : i32
    %dma_wait3A_1242 = tpu.memref_slice %arg6[%dma_wait3A_1240, %dma_wait3A_1241] : memref<69x32xf32, #tpu.memory_space<vmem_shared>> -> memref<69x32xf32, #tpu.memory_space<vmem_shared>>
    tpu.wait_indirect_dma semaphore(%arg9 : memref<!tpu.dma_semaphore, #tpu.memory_space<semaphore_mem>>) src(%dma_wait3A_1242 : memref<69x32xf32, #tpu.memory_space<vmem_shared>>) dst(%dma_wait3A_1236 : memref<128x32xf32, #tpu.memory_space<vmem>>)
    %dma_wait3A_1243 = arith.constant 53 : i32
    %dma_wait3A_1244 = arith.constant 640 : i32
    %dma_wait3A_1245 = arith.constant 0 : i32
    %dma_wait3A_1246 = tpu.memref_slice %arg7[%dma_wait3A_1244, %dma_wait3A_1245] : memref<1024x32xf32, #tpu.memory_space<vmem>> -> memref<128x32xf32, #tpu.memory_space<vmem>>
    %dma_wait3A_1247 = arith.constant 0 : i32
    %dma_wait3A_1248 = tpu.memref_slice %arg5[%dma_wait3A_1243, %dma_wait3A_1247] : memref<80x128xi32, #tpu.memory_space<vmem>> -> memref<1x128xi32, #tpu.memory_space<vmem>>
    %dma_wait3A_1249 = tpu.memref_squeeze %dma_wait3A_1248 : memref<1x128xi32, #tpu.memory_space<vmem>> -> memref<128xi32, #tpu.memory_space<vmem>>
    %dma_wait3A_1250 = arith.constant 0 : i32
    %dma_wait3A_1251 = arith.constant 0 : i32
    %dma_wait3A_1252 = tpu.memref_slice %arg6[%dma_wait3A_1250, %dma_wait3A_1251] : memref<69x32xf32, #tpu.memory_space<vmem_shared>> -> memref<69x32xf32, #tpu.memory_space<vmem_shared>>
    tpu.wait_indirect_dma semaphore(%arg9 : memref<!tpu.dma_semaphore, #tpu.memory_space<semaphore_mem>>) src(%dma_wait3A_1252 : memref<69x32xf32, #tpu.memory_space<vmem_shared>>) dst(%dma_wait3A_1246 : memref<128x32xf32, #tpu.memory_space<vmem>>)
    %dma_wait3A_1253 = arith.constant 54 : i32
    %dma_wait3A_1254 = arith.constant 768 : i32
    %dma_wait3A_1255 = arith.constant 0 : i32
    %dma_wait3A_1256 = tpu.memref_slice %arg7[%dma_wait3A_1254, %dma_wait3A_1255] : memref<1024x32xf32, #tpu.memory_space<vmem>> -> memref<128x32xf32, #tpu.memory_space<vmem>>
    %dma_wait3A_1257 = arith.constant 0 : i32
    %dma_wait3A_1258 = tpu.memref_slice %arg5[%dma_wait3A_1253, %dma_wait3A_1257] : memref<80x128xi32, #tpu.memory_space<vmem>> -> memref<1x128xi32, #tpu.memory_space<vmem>>
    %dma_wait3A_1259 = tpu.memref_squeeze %dma_wait3A_1258 : memref<1x128xi32, #tpu.memory_space<vmem>> -> memref<128xi32, #tpu.memory_space<vmem>>
    %dma_wait3A_1260 = arith.constant 0 : i32
    %dma_wait3A_1261 = arith.constant 0 : i32
    %dma_wait3A_1262 = tpu.memref_slice %arg6[%dma_wait3A_1260, %dma_wait3A_1261] : memref<69x32xf32, #tpu.memory_space<vmem_shared>> -> memref<69x32xf32, #tpu.memory_space<vmem_shared>>
    tpu.wait_indirect_dma semaphore(%arg9 : memref<!tpu.dma_semaphore, #tpu.memory_space<semaphore_mem>>) src(%dma_wait3A_1262 : memref<69x32xf32, #tpu.memory_space<vmem_shared>>) dst(%dma_wait3A_1256 : memref<128x32xf32, #tpu.memory_space<vmem>>)
    %dma_wait3A_1263 = arith.constant 55 : i32
    %dma_wait3A_1264 = arith.constant 896 : i32
    %dma_wait3A_1265 = arith.constant 0 : i32
    %dma_wait3A_1266 = tpu.memref_slice %arg7[%dma_wait3A_1264, %dma_wait3A_1265] : memref<1024x32xf32, #tpu.memory_space<vmem>> -> memref<128x32xf32, #tpu.memory_space<vmem>>
    %dma_wait3A_1267 = arith.constant 0 : i32
    %dma_wait3A_1268 = tpu.memref_slice %arg5[%dma_wait3A_1263, %dma_wait3A_1267] : memref<80x128xi32, #tpu.memory_space<vmem>> -> memref<1x128xi32, #tpu.memory_space<vmem>>
    %dma_wait3A_1269 = tpu.memref_squeeze %dma_wait3A_1268 : memref<1x128xi32, #tpu.memory_space<vmem>> -> memref<128xi32, #tpu.memory_space<vmem>>
    %dma_wait3A_1270 = arith.constant 0 : i32
    %dma_wait3A_1271 = arith.constant 0 : i32
    %dma_wait3A_1272 = tpu.memref_slice %arg6[%dma_wait3A_1270, %dma_wait3A_1271] : memref<69x32xf32, #tpu.memory_space<vmem_shared>> -> memref<69x32xf32, #tpu.memory_space<vmem_shared>>
    tpu.wait_indirect_dma semaphore(%arg9 : memref<!tpu.dma_semaphore, #tpu.memory_space<semaphore_mem>>) src(%dma_wait3A_1272 : memref<69x32xf32, #tpu.memory_space<vmem_shared>>) dst(%dma_wait3A_1266 : memref<128x32xf32, #tpu.memory_space<vmem>>)
    %mul3A_1273 = arith.constant 10240 : i32
    %mul3A_1274 = arith.muli %add3A, %mul3A_1273 : i32
    %add3A_1275 = arith.constant 6144 : i32
    %add3A_1276 = arith.addi %mul3A_1274, %add3A_1275 : i32
    %dma_start3A_1277 = arith.constant 0 : i32
    %dma_start3A_1278 = tpu.memref_slice %arg4[%add3A_1276, %dma_start3A_1277] : memref<327680x32xf32, #tpu.memory_space<hbm>> -> memref<1024x32xf32, #tpu.memory_space<hbm>>
    %dma_start3A_1279 = arith.constant 0 : i32
    %dma_start3A_1280 = tpu.memref_slice %arg4[%add3A_1276, %dma_start3A_1279] : memref<327680x32xf32, #tpu.memory_space<hbm>> -> memref<1024x32xf32, #tpu.memory_space<hbm>>
    tpu.enqueue_dma source(%arg7 : memref<1024x32xf32, #tpu.memory_space<vmem>>) target(%dma_start3A_1280 : memref<1024x32xf32, #tpu.memory_space<hbm>>) target_semaphore(%arg11 : memref<!tpu.dma_semaphore, #tpu.memory_space<semaphore_mem>>)
    %dma_wait3A_1281 = arith.constant 0 : i32
    %dma_wait3A_1282 = tpu.memref_slice %arg4[%add3A_1276, %dma_wait3A_1281] : memref<327680x32xf32, #tpu.memory_space<hbm>> -> memref<1024x32xf32, #tpu.memory_space<hbm>>
    %dma_wait3A_1283 = arith.constant 0 : i32
    %dma_wait3A_1284 = tpu.memref_slice %arg4[%add3A_1276, %dma_wait3A_1283] : memref<327680x32xf32, #tpu.memory_space<hbm>> -> memref<1024x32xf32, #tpu.memory_space<hbm>>
    tpu.wait_dma2 semaphore(%arg11 : memref<!tpu.dma_semaphore, #tpu.memory_space<semaphore_mem>>) src(%arg7 : memref<1024x32xf32, #tpu.memory_space<vmem>>) dst(%dma_wait3A_1284 : memref<1024x32xf32, #tpu.memory_space<hbm>>)
    %dma_start3A_1285 = arith.constant 64 : i32
    %dma_start3A_1286 = arith.constant 0 : i32
    %dma_start3A_1287 = arith.constant 0 : i32
    %dma_start3A_1288 = tpu.memref_slice %arg7[%dma_start3A_1286, %dma_start3A_1287] : memref<1024x32xf32, #tpu.memory_space<vmem>> -> memref<128x32xf32, #tpu.memory_space<vmem>>
    %dma_start3A_1289 = arith.constant 0 : i32
    %dma_start3A_1290 = tpu.memref_slice %arg5[%dma_start3A_1285, %dma_start3A_1289] : memref<80x128xi32, #tpu.memory_space<vmem>> -> memref<1x128xi32, #tpu.memory_space<vmem>>
    %dma_start3A_1291 = tpu.memref_squeeze %dma_start3A_1290 : memref<1x128xi32, #tpu.memory_space<vmem>> -> memref<128xi32, #tpu.memory_space<vmem>>
    %dma_start3A_1292 = arith.constant 0 : i32
    %dma_start3A_1293 = arith.constant 0 : i32
    %dma_start3A_1294 = tpu.memref_slice %arg6[%dma_start3A_1292, %dma_start3A_1293] : memref<69x32xf32, #tpu.memory_space<vmem_shared>> -> memref<69x32xf32, #tpu.memory_space<vmem_shared>>
    tpu.enqueue_indirect_dma source(%dma_start3A_1294 : memref<69x32xf32, #tpu.memory_space<vmem_shared>>) target(%dma_start3A_1288 : memref<128x32xf32, #tpu.memory_space<vmem>>) offsets(%dma_start3A_1291 : memref<128xi32, #tpu.memory_space<vmem>>) semaphore(%arg9 : memref<!tpu.dma_semaphore, #tpu.memory_space<semaphore_mem>>)
    %dma_start3A_1295 = arith.constant 65 : i32
    %dma_start3A_1296 = arith.constant 128 : i32
    %dma_start3A_1297 = arith.constant 0 : i32
    %dma_start3A_1298 = tpu.memref_slice %arg7[%dma_start3A_1296, %dma_start3A_1297] : memref<1024x32xf32, #tpu.memory_space<vmem>> -> memref<128x32xf32, #tpu.memory_space<vmem>>
    %dma_start3A_1299 = arith.constant 0 : i32
    %dma_start3A_1300 = tpu.memref_slice %arg5[%dma_start3A_1295, %dma_start3A_1299] : memref<80x128xi32, #tpu.memory_space<vmem>> -> memref<1x128xi32, #tpu.memory_space<vmem>>
    %dma_start3A_1301 = tpu.memref_squeeze %dma_start3A_1300 : memref<1x128xi32, #tpu.memory_space<vmem>> -> memref<128xi32, #tpu.memory_space<vmem>>
    %dma_start3A_1302 = arith.constant 0 : i32
    %dma_start3A_1303 = arith.constant 0 : i32
    %dma_start3A_1304 = tpu.memref_slice %arg6[%dma_start3A_1302, %dma_start3A_1303] : memref<69x32xf32, #tpu.memory_space<vmem_shared>> -> memref<69x32xf32, #tpu.memory_space<vmem_shared>>
    tpu.enqueue_indirect_dma source(%dma_start3A_1304 : memref<69x32xf32, #tpu.memory_space<vmem_shared>>) target(%dma_start3A_1298 : memref<128x32xf32, #tpu.memory_space<vmem>>) offsets(%dma_start3A_1301 : memref<128xi32, #tpu.memory_space<vmem>>) semaphore(%arg9 : memref<!tpu.dma_semaphore, #tpu.memory_space<semaphore_mem>>)
    %dma_start3A_1305 = arith.constant 66 : i32
    %dma_start3A_1306 = arith.constant 256 : i32
    %dma_start3A_1307 = arith.constant 0 : i32
    %dma_start3A_1308 = tpu.memref_slice %arg7[%dma_start3A_1306, %dma_start3A_1307] : memref<1024x32xf32, #tpu.memory_space<vmem>> -> memref<128x32xf32, #tpu.memory_space<vmem>>
    %dma_start3A_1309 = arith.constant 0 : i32
    %dma_start3A_1310 = tpu.memref_slice %arg5[%dma_start3A_1305, %dma_start3A_1309] : memref<80x128xi32, #tpu.memory_space<vmem>> -> memref<1x128xi32, #tpu.memory_space<vmem>>
    %dma_start3A_1311 = tpu.memref_squeeze %dma_start3A_1310 : memref<1x128xi32, #tpu.memory_space<vmem>> -> memref<128xi32, #tpu.memory_space<vmem>>
    %dma_start3A_1312 = arith.constant 0 : i32
    %dma_start3A_1313 = arith.constant 0 : i32
    %dma_start3A_1314 = tpu.memref_slice %arg6[%dma_start3A_1312, %dma_start3A_1313] : memref<69x32xf32, #tpu.memory_space<vmem_shared>> -> memref<69x32xf32, #tpu.memory_space<vmem_shared>>
    tpu.enqueue_indirect_dma source(%dma_start3A_1314 : memref<69x32xf32, #tpu.memory_space<vmem_shared>>) target(%dma_start3A_1308 : memref<128x32xf32, #tpu.memory_space<vmem>>) offsets(%dma_start3A_1311 : memref<128xi32, #tpu.memory_space<vmem>>) semaphore(%arg9 : memref<!tpu.dma_semaphore, #tpu.memory_space<semaphore_mem>>)
    %dma_start3A_1315 = arith.constant 67 : i32
    %dma_start3A_1316 = arith.constant 384 : i32
    %dma_start3A_1317 = arith.constant 0 : i32
    %dma_start3A_1318 = tpu.memref_slice %arg7[%dma_start3A_1316, %dma_start3A_1317] : memref<1024x32xf32, #tpu.memory_space<vmem>> -> memref<128x32xf32, #tpu.memory_space<vmem>>
    %dma_start3A_1319 = arith.constant 0 : i32
    %dma_start3A_1320 = tpu.memref_slice %arg5[%dma_start3A_1315, %dma_start3A_1319] : memref<80x128xi32, #tpu.memory_space<vmem>> -> memref<1x128xi32, #tpu.memory_space<vmem>>
    %dma_start3A_1321 = tpu.memref_squeeze %dma_start3A_1320 : memref<1x128xi32, #tpu.memory_space<vmem>> -> memref<128xi32, #tpu.memory_space<vmem>>
    %dma_start3A_1322 = arith.constant 0 : i32
    %dma_start3A_1323 = arith.constant 0 : i32
    %dma_start3A_1324 = tpu.memref_slice %arg6[%dma_start3A_1322, %dma_start3A_1323] : memref<69x32xf32, #tpu.memory_space<vmem_shared>> -> memref<69x32xf32, #tpu.memory_space<vmem_shared>>
    tpu.enqueue_indirect_dma source(%dma_start3A_1324 : memref<69x32xf32, #tpu.memory_space<vmem_shared>>) target(%dma_start3A_1318 : memref<128x32xf32, #tpu.memory_space<vmem>>) offsets(%dma_start3A_1321 : memref<128xi32, #tpu.memory_space<vmem>>) semaphore(%arg9 : memref<!tpu.dma_semaphore, #tpu.memory_space<semaphore_mem>>)
    %dma_start3A_1325 = arith.constant 68 : i32
    %dma_start3A_1326 = arith.constant 512 : i32
    %dma_start3A_1327 = arith.constant 0 : i32
    %dma_start3A_1328 = tpu.memref_slice %arg7[%dma_start3A_1326, %dma_start3A_1327] : memref<1024x32xf32, #tpu.memory_space<vmem>> -> memref<128x32xf32, #tpu.memory_space<vmem>>
    %dma_start3A_1329 = arith.constant 0 : i32
    %dma_start3A_1330 = tpu.memref_slice %arg5[%dma_start3A_1325, %dma_start3A_1329] : memref<80x128xi32, #tpu.memory_space<vmem>> -> memref<1x128xi32, #tpu.memory_space<vmem>>
    %dma_start3A_1331 = tpu.memref_squeeze %dma_start3A_1330 : memref<1x128xi32, #tpu.memory_space<vmem>> -> memref<128xi32, #tpu.memory_space<vmem>>
    %dma_start3A_1332 = arith.constant 0 : i32
    %dma_start3A_1333 = arith.constant 0 : i32
    %dma_start3A_1334 = tpu.memref_slice %arg6[%dma_start3A_1332, %dma_start3A_1333] : memref<69x32xf32, #tpu.memory_space<vmem_shared>> -> memref<69x32xf32, #tpu.memory_space<vmem_shared>>
    tpu.enqueue_indirect_dma source(%dma_start3A_1334 : memref<69x32xf32, #tpu.memory_space<vmem_shared>>) target(%dma_start3A_1328 : memref<128x32xf32, #tpu.memory_space<vmem>>) offsets(%dma_start3A_1331 : memref<128xi32, #tpu.memory_space<vmem>>) semaphore(%arg9 : memref<!tpu.dma_semaphore, #tpu.memory_space<semaphore_mem>>)
    %dma_start3A_1335 = arith.constant 69 : i32
    %dma_start3A_1336 = arith.constant 640 : i32
    %dma_start3A_1337 = arith.constant 0 : i32
    %dma_start3A_1338 = tpu.memref_slice %arg7[%dma_start3A_1336, %dma_start3A_1337] : memref<1024x32xf32, #tpu.memory_space<vmem>> -> memref<128x32xf32, #tpu.memory_space<vmem>>
    %dma_start3A_1339 = arith.constant 0 : i32
    %dma_start3A_1340 = tpu.memref_slice %arg5[%dma_start3A_1335, %dma_start3A_1339] : memref<80x128xi32, #tpu.memory_space<vmem>> -> memref<1x128xi32, #tpu.memory_space<vmem>>
    %dma_start3A_1341 = tpu.memref_squeeze %dma_start3A_1340 : memref<1x128xi32, #tpu.memory_space<vmem>> -> memref<128xi32, #tpu.memory_space<vmem>>
    %dma_start3A_1342 = arith.constant 0 : i32
    %dma_start3A_1343 = arith.constant 0 : i32
    %dma_start3A_1344 = tpu.memref_slice %arg6[%dma_start3A_1342, %dma_start3A_1343] : memref<69x32xf32, #tpu.memory_space<vmem_shared>> -> memref<69x32xf32, #tpu.memory_space<vmem_shared>>
    tpu.enqueue_indirect_dma source(%dma_start3A_1344 : memref<69x32xf32, #tpu.memory_space<vmem_shared>>) target(%dma_start3A_1338 : memref<128x32xf32, #tpu.memory_space<vmem>>) offsets(%dma_start3A_1341 : memref<128xi32, #tpu.memory_space<vmem>>) semaphore(%arg9 : memref<!tpu.dma_semaphore, #tpu.memory_space<semaphore_mem>>)
    %dma_start3A_1345 = arith.constant 70 : i32
    %dma_start3A_1346 = arith.constant 768 : i32
    %dma_start3A_1347 = arith.constant 0 : i32
    %dma_start3A_1348 = tpu.memref_slice %arg7[%dma_start3A_1346, %dma_start3A_1347] : memref<1024x32xf32, #tpu.memory_space<vmem>> -> memref<128x32xf32, #tpu.memory_space<vmem>>
    %dma_start3A_1349 = arith.constant 0 : i32
    %dma_start3A_1350 = tpu.memref_slice %arg5[%dma_start3A_1345, %dma_start3A_1349] : memref<80x128xi32, #tpu.memory_space<vmem>> -> memref<1x128xi32, #tpu.memory_space<vmem>>
    %dma_start3A_1351 = tpu.memref_squeeze %dma_start3A_1350 : memref<1x128xi32, #tpu.memory_space<vmem>> -> memref<128xi32, #tpu.memory_space<vmem>>
    %dma_start3A_1352 = arith.constant 0 : i32
    %dma_start3A_1353 = arith.constant 0 : i32
    %dma_start3A_1354 = tpu.memref_slice %arg6[%dma_start3A_1352, %dma_start3A_1353] : memref<69x32xf32, #tpu.memory_space<vmem_shared>> -> memref<69x32xf32, #tpu.memory_space<vmem_shared>>
    tpu.enqueue_indirect_dma source(%dma_start3A_1354 : memref<69x32xf32, #tpu.memory_space<vmem_shared>>) target(%dma_start3A_1348 : memref<128x32xf32, #tpu.memory_space<vmem>>) offsets(%dma_start3A_1351 : memref<128xi32, #tpu.memory_space<vmem>>) semaphore(%arg9 : memref<!tpu.dma_semaphore, #tpu.memory_space<semaphore_mem>>)
    %dma_start3A_1355 = arith.constant 71 : i32
    %dma_start3A_1356 = arith.constant 896 : i32
    %dma_start3A_1357 = arith.constant 0 : i32
    %dma_start3A_1358 = tpu.memref_slice %arg7[%dma_start3A_1356, %dma_start3A_1357] : memref<1024x32xf32, #tpu.memory_space<vmem>> -> memref<128x32xf32, #tpu.memory_space<vmem>>
    %dma_start3A_1359 = arith.constant 0 : i32
    %dma_start3A_1360 = tpu.memref_slice %arg5[%dma_start3A_1355, %dma_start3A_1359] : memref<80x128xi32, #tpu.memory_space<vmem>> -> memref<1x128xi32, #tpu.memory_space<vmem>>
    %dma_start3A_1361 = tpu.memref_squeeze %dma_start3A_1360 : memref<1x128xi32, #tpu.memory_space<vmem>> -> memref<128xi32, #tpu.memory_space<vmem>>
    %dma_start3A_1362 = arith.constant 0 : i32
    %dma_start3A_1363 = arith.constant 0 : i32
    %dma_start3A_1364 = tpu.memref_slice %arg6[%dma_start3A_1362, %dma_start3A_1363] : memref<69x32xf32, #tpu.memory_space<vmem_shared>> -> memref<69x32xf32, #tpu.memory_space<vmem_shared>>
    tpu.enqueue_indirect_dma source(%dma_start3A_1364 : memref<69x32xf32, #tpu.memory_space<vmem_shared>>) target(%dma_start3A_1358 : memref<128x32xf32, #tpu.memory_space<vmem>>) offsets(%dma_start3A_1361 : memref<128xi32, #tpu.memory_space<vmem>>) semaphore(%arg9 : memref<!tpu.dma_semaphore, #tpu.memory_space<semaphore_mem>>)
    %dma_wait3A_1365 = arith.constant 56 : i32
    %dma_wait3A_1366 = arith.constant 0 : i32
    %dma_wait3A_1367 = arith.constant 0 : i32
    %dma_wait3A_1368 = tpu.memref_slice %arg8[%dma_wait3A_1366, %dma_wait3A_1367] : memref<1024x32xf32, #tpu.memory_space<vmem>> -> memref<128x32xf32, #tpu.memory_space<vmem>>
    %dma_wait3A_1369 = arith.constant 0 : i32
    %dma_wait3A_1370 = tpu.memref_slice %arg5[%dma_wait3A_1365, %dma_wait3A_1369] : memref<80x128xi32, #tpu.memory_space<vmem>> -> memref<1x128xi32, #tpu.memory_space<vmem>>
    %dma_wait3A_1371 = tpu.memref_squeeze %dma_wait3A_1370 : memref<1x128xi32, #tpu.memory_space<vmem>> -> memref<128xi32, #tpu.memory_space<vmem>>
    %dma_wait3A_1372 = arith.constant 0 : i32
    %dma_wait3A_1373 = arith.constant 0 : i32
    %dma_wait3A_1374 = tpu.memref_slice %arg6[%dma_wait3A_1372, %dma_wait3A_1373] : memref<69x32xf32, #tpu.memory_space<vmem_shared>> -> memref<69x32xf32, #tpu.memory_space<vmem_shared>>
    tpu.wait_indirect_dma semaphore(%arg10 : memref<!tpu.dma_semaphore, #tpu.memory_space<semaphore_mem>>) src(%dma_wait3A_1374 : memref<69x32xf32, #tpu.memory_space<vmem_shared>>) dst(%dma_wait3A_1368 : memref<128x32xf32, #tpu.memory_space<vmem>>)
    %dma_wait3A_1375 = arith.constant 57 : i32
    %dma_wait3A_1376 = arith.constant 128 : i32
    %dma_wait3A_1377 = arith.constant 0 : i32
    %dma_wait3A_1378 = tpu.memref_slice %arg8[%dma_wait3A_1376, %dma_wait3A_1377] : memref<1024x32xf32, #tpu.memory_space<vmem>> -> memref<128x32xf32, #tpu.memory_space<vmem>>
    %dma_wait3A_1379 = arith.constant 0 : i32
    %dma_wait3A_1380 = tpu.memref_slice %arg5[%dma_wait3A_1375, %dma_wait3A_1379] : memref<80x128xi32, #tpu.memory_space<vmem>> -> memref<1x128xi32, #tpu.memory_space<vmem>>
    %dma_wait3A_1381 = tpu.memref_squeeze %dma_wait3A_1380 : memref<1x128xi32, #tpu.memory_space<vmem>> -> memref<128xi32, #tpu.memory_space<vmem>>
    %dma_wait3A_1382 = arith.constant 0 : i32
    %dma_wait3A_1383 = arith.constant 0 : i32
    %dma_wait3A_1384 = tpu.memref_slice %arg6[%dma_wait3A_1382, %dma_wait3A_1383] : memref<69x32xf32, #tpu.memory_space<vmem_shared>> -> memref<69x32xf32, #tpu.memory_space<vmem_shared>>
    tpu.wait_indirect_dma semaphore(%arg10 : memref<!tpu.dma_semaphore, #tpu.memory_space<semaphore_mem>>) src(%dma_wait3A_1384 : memref<69x32xf32, #tpu.memory_space<vmem_shared>>) dst(%dma_wait3A_1378 : memref<128x32xf32, #tpu.memory_space<vmem>>)
    %dma_wait3A_1385 = arith.constant 58 : i32
    %dma_wait3A_1386 = arith.constant 256 : i32
    %dma_wait3A_1387 = arith.constant 0 : i32
    %dma_wait3A_1388 = tpu.memref_slice %arg8[%dma_wait3A_1386, %dma_wait3A_1387] : memref<1024x32xf32, #tpu.memory_space<vmem>> -> memref<128x32xf32, #tpu.memory_space<vmem>>
    %dma_wait3A_1389 = arith.constant 0 : i32
    %dma_wait3A_1390 = tpu.memref_slice %arg5[%dma_wait3A_1385, %dma_wait3A_1389] : memref<80x128xi32, #tpu.memory_space<vmem>> -> memref<1x128xi32, #tpu.memory_space<vmem>>
    %dma_wait3A_1391 = tpu.memref_squeeze %dma_wait3A_1390 : memref<1x128xi32, #tpu.memory_space<vmem>> -> memref<128xi32, #tpu.memory_space<vmem>>
    %dma_wait3A_1392 = arith.constant 0 : i32
    %dma_wait3A_1393 = arith.constant 0 : i32
    %dma_wait3A_1394 = tpu.memref_slice %arg6[%dma_wait3A_1392, %dma_wait3A_1393] : memref<69x32xf32, #tpu.memory_space<vmem_shared>> -> memref<69x32xf32, #tpu.memory_space<vmem_shared>>
    tpu.wait_indirect_dma semaphore(%arg10 : memref<!tpu.dma_semaphore, #tpu.memory_space<semaphore_mem>>) src(%dma_wait3A_1394 : memref<69x32xf32, #tpu.memory_space<vmem_shared>>) dst(%dma_wait3A_1388 : memref<128x32xf32, #tpu.memory_space<vmem>>)
    %dma_wait3A_1395 = arith.constant 59 : i32
    %dma_wait3A_1396 = arith.constant 384 : i32
    %dma_wait3A_1397 = arith.constant 0 : i32
    %dma_wait3A_1398 = tpu.memref_slice %arg8[%dma_wait3A_1396, %dma_wait3A_1397] : memref<1024x32xf32, #tpu.memory_space<vmem>> -> memref<128x32xf32, #tpu.memory_space<vmem>>
    %dma_wait3A_1399 = arith.constant 0 : i32
    %dma_wait3A_1400 = tpu.memref_slice %arg5[%dma_wait3A_1395, %dma_wait3A_1399] : memref<80x128xi32, #tpu.memory_space<vmem>> -> memref<1x128xi32, #tpu.memory_space<vmem>>
    %dma_wait3A_1401 = tpu.memref_squeeze %dma_wait3A_1400 : memref<1x128xi32, #tpu.memory_space<vmem>> -> memref<128xi32, #tpu.memory_space<vmem>>
    %dma_wait3A_1402 = arith.constant 0 : i32
    %dma_wait3A_1403 = arith.constant 0 : i32
    %dma_wait3A_1404 = tpu.memref_slice %arg6[%dma_wait3A_1402, %dma_wait3A_1403] : memref<69x32xf32, #tpu.memory_space<vmem_shared>> -> memref<69x32xf32, #tpu.memory_space<vmem_shared>>
    tpu.wait_indirect_dma semaphore(%arg10 : memref<!tpu.dma_semaphore, #tpu.memory_space<semaphore_mem>>) src(%dma_wait3A_1404 : memref<69x32xf32, #tpu.memory_space<vmem_shared>>) dst(%dma_wait3A_1398 : memref<128x32xf32, #tpu.memory_space<vmem>>)
    %dma_wait3A_1405 = arith.constant 60 : i32
    %dma_wait3A_1406 = arith.constant 512 : i32
    %dma_wait3A_1407 = arith.constant 0 : i32
    %dma_wait3A_1408 = tpu.memref_slice %arg8[%dma_wait3A_1406, %dma_wait3A_1407] : memref<1024x32xf32, #tpu.memory_space<vmem>> -> memref<128x32xf32, #tpu.memory_space<vmem>>
    %dma_wait3A_1409 = arith.constant 0 : i32
    %dma_wait3A_1410 = tpu.memref_slice %arg5[%dma_wait3A_1405, %dma_wait3A_1409] : memref<80x128xi32, #tpu.memory_space<vmem>> -> memref<1x128xi32, #tpu.memory_space<vmem>>
    %dma_wait3A_1411 = tpu.memref_squeeze %dma_wait3A_1410 : memref<1x128xi32, #tpu.memory_space<vmem>> -> memref<128xi32, #tpu.memory_space<vmem>>
    %dma_wait3A_1412 = arith.constant 0 : i32
    %dma_wait3A_1413 = arith.constant 0 : i32
    %dma_wait3A_1414 = tpu.memref_slice %arg6[%dma_wait3A_1412, %dma_wait3A_1413] : memref<69x32xf32, #tpu.memory_space<vmem_shared>> -> memref<69x32xf32, #tpu.memory_space<vmem_shared>>
    tpu.wait_indirect_dma semaphore(%arg10 : memref<!tpu.dma_semaphore, #tpu.memory_space<semaphore_mem>>) src(%dma_wait3A_1414 : memref<69x32xf32, #tpu.memory_space<vmem_shared>>) dst(%dma_wait3A_1408 : memref<128x32xf32, #tpu.memory_space<vmem>>)
    %dma_wait3A_1415 = arith.constant 61 : i32
    %dma_wait3A_1416 = arith.constant 640 : i32
    %dma_wait3A_1417 = arith.constant 0 : i32
    %dma_wait3A_1418 = tpu.memref_slice %arg8[%dma_wait3A_1416, %dma_wait3A_1417] : memref<1024x32xf32, #tpu.memory_space<vmem>> -> memref<128x32xf32, #tpu.memory_space<vmem>>
    %dma_wait3A_1419 = arith.constant 0 : i32
    %dma_wait3A_1420 = tpu.memref_slice %arg5[%dma_wait3A_1415, %dma_wait3A_1419] : memref<80x128xi32, #tpu.memory_space<vmem>> -> memref<1x128xi32, #tpu.memory_space<vmem>>
    %dma_wait3A_1421 = tpu.memref_squeeze %dma_wait3A_1420 : memref<1x128xi32, #tpu.memory_space<vmem>> -> memref<128xi32, #tpu.memory_space<vmem>>
    %dma_wait3A_1422 = arith.constant 0 : i32
    %dma_wait3A_1423 = arith.constant 0 : i32
    %dma_wait3A_1424 = tpu.memref_slice %arg6[%dma_wait3A_1422, %dma_wait3A_1423] : memref<69x32xf32, #tpu.memory_space<vmem_shared>> -> memref<69x32xf32, #tpu.memory_space<vmem_shared>>
    tpu.wait_indirect_dma semaphore(%arg10 : memref<!tpu.dma_semaphore, #tpu.memory_space<semaphore_mem>>) src(%dma_wait3A_1424 : memref<69x32xf32, #tpu.memory_space<vmem_shared>>) dst(%dma_wait3A_1418 : memref<128x32xf32, #tpu.memory_space<vmem>>)
    %dma_wait3A_1425 = arith.constant 62 : i32
    %dma_wait3A_1426 = arith.constant 768 : i32
    %dma_wait3A_1427 = arith.constant 0 : i32
    %dma_wait3A_1428 = tpu.memref_slice %arg8[%dma_wait3A_1426, %dma_wait3A_1427] : memref<1024x32xf32, #tpu.memory_space<vmem>> -> memref<128x32xf32, #tpu.memory_space<vmem>>
    %dma_wait3A_1429 = arith.constant 0 : i32
    %dma_wait3A_1430 = tpu.memref_slice %arg5[%dma_wait3A_1425, %dma_wait3A_1429] : memref<80x128xi32, #tpu.memory_space<vmem>> -> memref<1x128xi32, #tpu.memory_space<vmem>>
    %dma_wait3A_1431 = tpu.memref_squeeze %dma_wait3A_1430 : memref<1x128xi32, #tpu.memory_space<vmem>> -> memref<128xi32, #tpu.memory_space<vmem>>
    %dma_wait3A_1432 = arith.constant 0 : i32
    %dma_wait3A_1433 = arith.constant 0 : i32
    %dma_wait3A_1434 = tpu.memref_slice %arg6[%dma_wait3A_1432, %dma_wait3A_1433] : memref<69x32xf32, #tpu.memory_space<vmem_shared>> -> memref<69x32xf32, #tpu.memory_space<vmem_shared>>
    tpu.wait_indirect_dma semaphore(%arg10 : memref<!tpu.dma_semaphore, #tpu.memory_space<semaphore_mem>>) src(%dma_wait3A_1434 : memref<69x32xf32, #tpu.memory_space<vmem_shared>>) dst(%dma_wait3A_1428 : memref<128x32xf32, #tpu.memory_space<vmem>>)
    %dma_wait3A_1435 = arith.constant 63 : i32
    %dma_wait3A_1436 = arith.constant 896 : i32
    %dma_wait3A_1437 = arith.constant 0 : i32
    %dma_wait3A_1438 = tpu.memref_slice %arg8[%dma_wait3A_1436, %dma_wait3A_1437] : memref<1024x32xf32, #tpu.memory_space<vmem>> -> memref<128x32xf32, #tpu.memory_space<vmem>>
    %dma_wait3A_1439 = arith.constant 0 : i32
    %dma_wait3A_1440 = tpu.memref_slice %arg5[%dma_wait3A_1435, %dma_wait3A_1439] : memref<80x128xi32, #tpu.memory_space<vmem>> -> memref<1x128xi32, #tpu.memory_space<vmem>>
    %dma_wait3A_1441 = tpu.memref_squeeze %dma_wait3A_1440 : memref<1x128xi32, #tpu.memory_space<vmem>> -> memref<128xi32, #tpu.memory_space<vmem>>
    %dma_wait3A_1442 = arith.constant 0 : i32
    %dma_wait3A_1443 = arith.constant 0 : i32
    %dma_wait3A_1444 = tpu.memref_slice %arg6[%dma_wait3A_1442, %dma_wait3A_1443] : memref<69x32xf32, #tpu.memory_space<vmem_shared>> -> memref<69x32xf32, #tpu.memory_space<vmem_shared>>
    tpu.wait_indirect_dma semaphore(%arg10 : memref<!tpu.dma_semaphore, #tpu.memory_space<semaphore_mem>>) src(%dma_wait3A_1444 : memref<69x32xf32, #tpu.memory_space<vmem_shared>>) dst(%dma_wait3A_1438 : memref<128x32xf32, #tpu.memory_space<vmem>>)
    %mul3A_1445 = arith.constant 10240 : i32
    %mul3A_1446 = arith.muli %add3A, %mul3A_1445 : i32
    %add3A_1447 = arith.constant 7168 : i32
    %add3A_1448 = arith.addi %mul3A_1446, %add3A_1447 : i32
    %dma_start3A_1449 = arith.constant 0 : i32
    %dma_start3A_1450 = tpu.memref_slice %arg4[%add3A_1448, %dma_start3A_1449] : memref<327680x32xf32, #tpu.memory_space<hbm>> -> memref<1024x32xf32, #tpu.memory_space<hbm>>
    %dma_start3A_1451 = arith.constant 0 : i32
    %dma_start3A_1452 = tpu.memref_slice %arg4[%add3A_1448, %dma_start3A_1451] : memref<327680x32xf32, #tpu.memory_space<hbm>> -> memref<1024x32xf32, #tpu.memory_space<hbm>>
    tpu.enqueue_dma source(%arg8 : memref<1024x32xf32, #tpu.memory_space<vmem>>) target(%dma_start3A_1452 : memref<1024x32xf32, #tpu.memory_space<hbm>>) target_semaphore(%arg12 : memref<!tpu.dma_semaphore, #tpu.memory_space<semaphore_mem>>)
    %dma_wait3A_1453 = arith.constant 0 : i32
    %dma_wait3A_1454 = tpu.memref_slice %arg4[%add3A_1448, %dma_wait3A_1453] : memref<327680x32xf32, #tpu.memory_space<hbm>> -> memref<1024x32xf32, #tpu.memory_space<hbm>>
    %dma_wait3A_1455 = arith.constant 0 : i32
    %dma_wait3A_1456 = tpu.memref_slice %arg4[%add3A_1448, %dma_wait3A_1455] : memref<327680x32xf32, #tpu.memory_space<hbm>> -> memref<1024x32xf32, #tpu.memory_space<hbm>>
    tpu.wait_dma2 semaphore(%arg12 : memref<!tpu.dma_semaphore, #tpu.memory_space<semaphore_mem>>) src(%arg8 : memref<1024x32xf32, #tpu.memory_space<vmem>>) dst(%dma_wait3A_1456 : memref<1024x32xf32, #tpu.memory_space<hbm>>)
    %dma_start3A_1457 = arith.constant 72 : i32
    %dma_start3A_1458 = arith.constant 0 : i32
    %dma_start3A_1459 = arith.constant 0 : i32
    %dma_start3A_1460 = tpu.memref_slice %arg8[%dma_start3A_1458, %dma_start3A_1459] : memref<1024x32xf32, #tpu.memory_space<vmem>> -> memref<128x32xf32, #tpu.memory_space<vmem>>
    %dma_start3A_1461 = arith.constant 0 : i32
    %dma_start3A_1462 = tpu.memref_slice %arg5[%dma_start3A_1457, %dma_start3A_1461] : memref<80x128xi32, #tpu.memory_space<vmem>> -> memref<1x128xi32, #tpu.memory_space<vmem>>
    %dma_start3A_1463 = tpu.memref_squeeze %dma_start3A_1462 : memref<1x128xi32, #tpu.memory_space<vmem>> -> memref<128xi32, #tpu.memory_space<vmem>>
    %dma_start3A_1464 = arith.constant 0 : i32
    %dma_start3A_1465 = arith.constant 0 : i32
    %dma_start3A_1466 = tpu.memref_slice %arg6[%dma_start3A_1464, %dma_start3A_1465] : memref<69x32xf32, #tpu.memory_space<vmem_shared>> -> memref<69x32xf32, #tpu.memory_space<vmem_shared>>
    tpu.enqueue_indirect_dma source(%dma_start3A_1466 : memref<69x32xf32, #tpu.memory_space<vmem_shared>>) target(%dma_start3A_1460 : memref<128x32xf32, #tpu.memory_space<vmem>>) offsets(%dma_start3A_1463 : memref<128xi32, #tpu.memory_space<vmem>>) semaphore(%arg10 : memref<!tpu.dma_semaphore, #tpu.memory_space<semaphore_mem>>)
    %dma_start3A_1467 = arith.constant 73 : i32
    %dma_start3A_1468 = arith.constant 128 : i32
    %dma_start3A_1469 = arith.constant 0 : i32
    %dma_start3A_1470 = tpu.memref_slice %arg8[%dma_start3A_1468, %dma_start3A_1469] : memref<1024x32xf32, #tpu.memory_space<vmem>> -> memref<128x32xf32, #tpu.memory_space<vmem>>
    %dma_start3A_1471 = arith.constant 0 : i32
    %dma_start3A_1472 = tpu.memref_slice %arg5[%dma_start3A_1467, %dma_start3A_1471] : memref<80x128xi32, #tpu.memory_space<vmem>> -> memref<1x128xi32, #tpu.memory_space<vmem>>
    %dma_start3A_1473 = tpu.memref_squeeze %dma_start3A_1472 : memref<1x128xi32, #tpu.memory_space<vmem>> -> memref<128xi32, #tpu.memory_space<vmem>>
    %dma_start3A_1474 = arith.constant 0 : i32
    %dma_start3A_1475 = arith.constant 0 : i32
    %dma_start3A_1476 = tpu.memref_slice %arg6[%dma_start3A_1474, %dma_start3A_1475] : memref<69x32xf32, #tpu.memory_space<vmem_shared>> -> memref<69x32xf32, #tpu.memory_space<vmem_shared>>
    tpu.enqueue_indirect_dma source(%dma_start3A_1476 : memref<69x32xf32, #tpu.memory_space<vmem_shared>>) target(%dma_start3A_1470 : memref<128x32xf32, #tpu.memory_space<vmem>>) offsets(%dma_start3A_1473 : memref<128xi32, #tpu.memory_space<vmem>>) semaphore(%arg10 : memref<!tpu.dma_semaphore, #tpu.memory_space<semaphore_mem>>)
    %dma_start3A_1477 = arith.constant 74 : i32
    %dma_start3A_1478 = arith.constant 256 : i32
    %dma_start3A_1479 = arith.constant 0 : i32
    %dma_start3A_1480 = tpu.memref_slice %arg8[%dma_start3A_1478, %dma_start3A_1479] : memref<1024x32xf32, #tpu.memory_space<vmem>> -> memref<128x32xf32, #tpu.memory_space<vmem>>
    %dma_start3A_1481 = arith.constant 0 : i32
    %dma_start3A_1482 = tpu.memref_slice %arg5[%dma_start3A_1477, %dma_start3A_1481] : memref<80x128xi32, #tpu.memory_space<vmem>> -> memref<1x128xi32, #tpu.memory_space<vmem>>
    %dma_start3A_1483 = tpu.memref_squeeze %dma_start3A_1482 : memref<1x128xi32, #tpu.memory_space<vmem>> -> memref<128xi32, #tpu.memory_space<vmem>>
    %dma_start3A_1484 = arith.constant 0 : i32
    %dma_start3A_1485 = arith.constant 0 : i32
    %dma_start3A_1486 = tpu.memref_slice %arg6[%dma_start3A_1484, %dma_start3A_1485] : memref<69x32xf32, #tpu.memory_space<vmem_shared>> -> memref<69x32xf32, #tpu.memory_space<vmem_shared>>
    tpu.enqueue_indirect_dma source(%dma_start3A_1486 : memref<69x32xf32, #tpu.memory_space<vmem_shared>>) target(%dma_start3A_1480 : memref<128x32xf32, #tpu.memory_space<vmem>>) offsets(%dma_start3A_1483 : memref<128xi32, #tpu.memory_space<vmem>>) semaphore(%arg10 : memref<!tpu.dma_semaphore, #tpu.memory_space<semaphore_mem>>)
    %dma_start3A_1487 = arith.constant 75 : i32
    %dma_start3A_1488 = arith.constant 384 : i32
    %dma_start3A_1489 = arith.constant 0 : i32
    %dma_start3A_1490 = tpu.memref_slice %arg8[%dma_start3A_1488, %dma_start3A_1489] : memref<1024x32xf32, #tpu.memory_space<vmem>> -> memref<128x32xf32, #tpu.memory_space<vmem>>
    %dma_start3A_1491 = arith.constant 0 : i32
    %dma_start3A_1492 = tpu.memref_slice %arg5[%dma_start3A_1487, %dma_start3A_1491] : memref<80x128xi32, #tpu.memory_space<vmem>> -> memref<1x128xi32, #tpu.memory_space<vmem>>
    %dma_start3A_1493 = tpu.memref_squeeze %dma_start3A_1492 : memref<1x128xi32, #tpu.memory_space<vmem>> -> memref<128xi32, #tpu.memory_space<vmem>>
    %dma_start3A_1494 = arith.constant 0 : i32
    %dma_start3A_1495 = arith.constant 0 : i32
    %dma_start3A_1496 = tpu.memref_slice %arg6[%dma_start3A_1494, %dma_start3A_1495] : memref<69x32xf32, #tpu.memory_space<vmem_shared>> -> memref<69x32xf32, #tpu.memory_space<vmem_shared>>
    tpu.enqueue_indirect_dma source(%dma_start3A_1496 : memref<69x32xf32, #tpu.memory_space<vmem_shared>>) target(%dma_start3A_1490 : memref<128x32xf32, #tpu.memory_space<vmem>>) offsets(%dma_start3A_1493 : memref<128xi32, #tpu.memory_space<vmem>>) semaphore(%arg10 : memref<!tpu.dma_semaphore, #tpu.memory_space<semaphore_mem>>)
    %dma_start3A_1497 = arith.constant 76 : i32
    %dma_start3A_1498 = arith.constant 512 : i32
    %dma_start3A_1499 = arith.constant 0 : i32
    %dma_start3A_1500 = tpu.memref_slice %arg8[%dma_start3A_1498, %dma_start3A_1499] : memref<1024x32xf32, #tpu.memory_space<vmem>> -> memref<128x32xf32, #tpu.memory_space<vmem>>
    %dma_start3A_1501 = arith.constant 0 : i32
    %dma_start3A_1502 = tpu.memref_slice %arg5[%dma_start3A_1497, %dma_start3A_1501] : memref<80x128xi32, #tpu.memory_space<vmem>> -> memref<1x128xi32, #tpu.memory_space<vmem>>
    %dma_start3A_1503 = tpu.memref_squeeze %dma_start3A_1502 : memref<1x128xi32, #tpu.memory_space<vmem>> -> memref<128xi32, #tpu.memory_space<vmem>>
    %dma_start3A_1504 = arith.constant 0 : i32
    %dma_start3A_1505 = arith.constant 0 : i32
    %dma_start3A_1506 = tpu.memref_slice %arg6[%dma_start3A_1504, %dma_start3A_1505] : memref<69x32xf32, #tpu.memory_space<vmem_shared>> -> memref<69x32xf32, #tpu.memory_space<vmem_shared>>
    tpu.enqueue_indirect_dma source(%dma_start3A_1506 : memref<69x32xf32, #tpu.memory_space<vmem_shared>>) target(%dma_start3A_1500 : memref<128x32xf32, #tpu.memory_space<vmem>>) offsets(%dma_start3A_1503 : memref<128xi32, #tpu.memory_space<vmem>>) semaphore(%arg10 : memref<!tpu.dma_semaphore, #tpu.memory_space<semaphore_mem>>)
    %dma_start3A_1507 = arith.constant 77 : i32
    %dma_start3A_1508 = arith.constant 640 : i32
    %dma_start3A_1509 = arith.constant 0 : i32
    %dma_start3A_1510 = tpu.memref_slice %arg8[%dma_start3A_1508, %dma_start3A_1509] : memref<1024x32xf32, #tpu.memory_space<vmem>> -> memref<128x32xf32, #tpu.memory_space<vmem>>
    %dma_start3A_1511 = arith.constant 0 : i32
    %dma_start3A_1512 = tpu.memref_slice %arg5[%dma_start3A_1507, %dma_start3A_1511] : memref<80x128xi32, #tpu.memory_space<vmem>> -> memref<1x128xi32, #tpu.memory_space<vmem>>
    %dma_start3A_1513 = tpu.memref_squeeze %dma_start3A_1512 : memref<1x128xi32, #tpu.memory_space<vmem>> -> memref<128xi32, #tpu.memory_space<vmem>>
    %dma_start3A_1514 = arith.constant 0 : i32
    %dma_start3A_1515 = arith.constant 0 : i32
    %dma_start3A_1516 = tpu.memref_slice %arg6[%dma_start3A_1514, %dma_start3A_1515] : memref<69x32xf32, #tpu.memory_space<vmem_shared>> -> memref<69x32xf32, #tpu.memory_space<vmem_shared>>
    tpu.enqueue_indirect_dma source(%dma_start3A_1516 : memref<69x32xf32, #tpu.memory_space<vmem_shared>>) target(%dma_start3A_1510 : memref<128x32xf32, #tpu.memory_space<vmem>>) offsets(%dma_start3A_1513 : memref<128xi32, #tpu.memory_space<vmem>>) semaphore(%arg10 : memref<!tpu.dma_semaphore, #tpu.memory_space<semaphore_mem>>)
    %dma_start3A_1517 = arith.constant 78 : i32
    %dma_start3A_1518 = arith.constant 768 : i32
    %dma_start3A_1519 = arith.constant 0 : i32
    %dma_start3A_1520 = tpu.memref_slice %arg8[%dma_start3A_1518, %dma_start3A_1519] : memref<1024x32xf32, #tpu.memory_space<vmem>> -> memref<128x32xf32, #tpu.memory_space<vmem>>
    %dma_start3A_1521 = arith.constant 0 : i32
    %dma_start3A_1522 = tpu.memref_slice %arg5[%dma_start3A_1517, %dma_start3A_1521] : memref<80x128xi32, #tpu.memory_space<vmem>> -> memref<1x128xi32, #tpu.memory_space<vmem>>
    %dma_start3A_1523 = tpu.memref_squeeze %dma_start3A_1522 : memref<1x128xi32, #tpu.memory_space<vmem>> -> memref<128xi32, #tpu.memory_space<vmem>>
    %dma_start3A_1524 = arith.constant 0 : i32
    %dma_start3A_1525 = arith.constant 0 : i32
    %dma_start3A_1526 = tpu.memref_slice %arg6[%dma_start3A_1524, %dma_start3A_1525] : memref<69x32xf32, #tpu.memory_space<vmem_shared>> -> memref<69x32xf32, #tpu.memory_space<vmem_shared>>
    tpu.enqueue_indirect_dma source(%dma_start3A_1526 : memref<69x32xf32, #tpu.memory_space<vmem_shared>>) target(%dma_start3A_1520 : memref<128x32xf32, #tpu.memory_space<vmem>>) offsets(%dma_start3A_1523 : memref<128xi32, #tpu.memory_space<vmem>>) semaphore(%arg10 : memref<!tpu.dma_semaphore, #tpu.memory_space<semaphore_mem>>)
    %dma_start3A_1527 = arith.constant 79 : i32
    %dma_start3A_1528 = arith.constant 896 : i32
    %dma_start3A_1529 = arith.constant 0 : i32
    %dma_start3A_1530 = tpu.memref_slice %arg8[%dma_start3A_1528, %dma_start3A_1529] : memref<1024x32xf32, #tpu.memory_space<vmem>> -> memref<128x32xf32, #tpu.memory_space<vmem>>
    %dma_start3A_1531 = arith.constant 0 : i32
    %dma_start3A_1532 = tpu.memref_slice %arg5[%dma_start3A_1527, %dma_start3A_1531] : memref<80x128xi32, #tpu.memory_space<vmem>> -> memref<1x128xi32, #tpu.memory_space<vmem>>
    %dma_start3A_1533 = tpu.memref_squeeze %dma_start3A_1532 : memref<1x128xi32, #tpu.memory_space<vmem>> -> memref<128xi32, #tpu.memory_space<vmem>>
    %dma_start3A_1534 = arith.constant 0 : i32
    %dma_start3A_1535 = arith.constant 0 : i32
    %dma_start3A_1536 = tpu.memref_slice %arg6[%dma_start3A_1534, %dma_start3A_1535] : memref<69x32xf32, #tpu.memory_space<vmem_shared>> -> memref<69x32xf32, #tpu.memory_space<vmem_shared>>
    tpu.enqueue_indirect_dma source(%dma_start3A_1536 : memref<69x32xf32, #tpu.memory_space<vmem_shared>>) target(%dma_start3A_1530 : memref<128x32xf32, #tpu.memory_space<vmem>>) offsets(%dma_start3A_1533 : memref<128xi32, #tpu.memory_space<vmem>>) semaphore(%arg10 : memref<!tpu.dma_semaphore, #tpu.memory_space<semaphore_mem>>)
    %dma_wait3A_1537 = arith.constant 64 : i32
    %dma_wait3A_1538 = arith.constant 0 : i32
    %dma_wait3A_1539 = arith.constant 0 : i32
    %dma_wait3A_1540 = tpu.memref_slice %arg7[%dma_wait3A_1538, %dma_wait3A_1539] : memref<1024x32xf32, #tpu.memory_space<vmem>> -> memref<128x32xf32, #tpu.memory_space<vmem>>
    %dma_wait3A_1541 = arith.constant 0 : i32
    %dma_wait3A_1542 = tpu.memref_slice %arg5[%dma_wait3A_1537, %dma_wait3A_1541] : memref<80x128xi32, #tpu.memory_space<vmem>> -> memref<1x128xi32, #tpu.memory_space<vmem>>
    %dma_wait3A_1543 = tpu.memref_squeeze %dma_wait3A_1542 : memref<1x128xi32, #tpu.memory_space<vmem>> -> memref<128xi32, #tpu.memory_space<vmem>>
    %dma_wait3A_1544 = arith.constant 0 : i32
    %dma_wait3A_1545 = arith.constant 0 : i32
    %dma_wait3A_1546 = tpu.memref_slice %arg6[%dma_wait3A_1544, %dma_wait3A_1545] : memref<69x32xf32, #tpu.memory_space<vmem_shared>> -> memref<69x32xf32, #tpu.memory_space<vmem_shared>>
    tpu.wait_indirect_dma semaphore(%arg9 : memref<!tpu.dma_semaphore, #tpu.memory_space<semaphore_mem>>) src(%dma_wait3A_1546 : memref<69x32xf32, #tpu.memory_space<vmem_shared>>) dst(%dma_wait3A_1540 : memref<128x32xf32, #tpu.memory_space<vmem>>)
    %dma_wait3A_1547 = arith.constant 65 : i32
    %dma_wait3A_1548 = arith.constant 128 : i32
    %dma_wait3A_1549 = arith.constant 0 : i32
    %dma_wait3A_1550 = tpu.memref_slice %arg7[%dma_wait3A_1548, %dma_wait3A_1549] : memref<1024x32xf32, #tpu.memory_space<vmem>> -> memref<128x32xf32, #tpu.memory_space<vmem>>
    %dma_wait3A_1551 = arith.constant 0 : i32
    %dma_wait3A_1552 = tpu.memref_slice %arg5[%dma_wait3A_1547, %dma_wait3A_1551] : memref<80x128xi32, #tpu.memory_space<vmem>> -> memref<1x128xi32, #tpu.memory_space<vmem>>
    %dma_wait3A_1553 = tpu.memref_squeeze %dma_wait3A_1552 : memref<1x128xi32, #tpu.memory_space<vmem>> -> memref<128xi32, #tpu.memory_space<vmem>>
    %dma_wait3A_1554 = arith.constant 0 : i32
    %dma_wait3A_1555 = arith.constant 0 : i32
    %dma_wait3A_1556 = tpu.memref_slice %arg6[%dma_wait3A_1554, %dma_wait3A_1555] : memref<69x32xf32, #tpu.memory_space<vmem_shared>> -> memref<69x32xf32, #tpu.memory_space<vmem_shared>>
    tpu.wait_indirect_dma semaphore(%arg9 : memref<!tpu.dma_semaphore, #tpu.memory_space<semaphore_mem>>) src(%dma_wait3A_1556 : memref<69x32xf32, #tpu.memory_space<vmem_shared>>) dst(%dma_wait3A_1550 : memref<128x32xf32, #tpu.memory_space<vmem>>)
    %dma_wait3A_1557 = arith.constant 66 : i32
    %dma_wait3A_1558 = arith.constant 256 : i32
    %dma_wait3A_1559 = arith.constant 0 : i32
    %dma_wait3A_1560 = tpu.memref_slice %arg7[%dma_wait3A_1558, %dma_wait3A_1559] : memref<1024x32xf32, #tpu.memory_space<vmem>> -> memref<128x32xf32, #tpu.memory_space<vmem>>
    %dma_wait3A_1561 = arith.constant 0 : i32
    %dma_wait3A_1562 = tpu.memref_slice %arg5[%dma_wait3A_1557, %dma_wait3A_1561] : memref<80x128xi32, #tpu.memory_space<vmem>> -> memref<1x128xi32, #tpu.memory_space<vmem>>
    %dma_wait3A_1563 = tpu.memref_squeeze %dma_wait3A_1562 : memref<1x128xi32, #tpu.memory_space<vmem>> -> memref<128xi32, #tpu.memory_space<vmem>>
    %dma_wait3A_1564 = arith.constant 0 : i32
    %dma_wait3A_1565 = arith.constant 0 : i32
    %dma_wait3A_1566 = tpu.memref_slice %arg6[%dma_wait3A_1564, %dma_wait3A_1565] : memref<69x32xf32, #tpu.memory_space<vmem_shared>> -> memref<69x32xf32, #tpu.memory_space<vmem_shared>>
    tpu.wait_indirect_dma semaphore(%arg9 : memref<!tpu.dma_semaphore, #tpu.memory_space<semaphore_mem>>) src(%dma_wait3A_1566 : memref<69x32xf32, #tpu.memory_space<vmem_shared>>) dst(%dma_wait3A_1560 : memref<128x32xf32, #tpu.memory_space<vmem>>)
    %dma_wait3A_1567 = arith.constant 67 : i32
    %dma_wait3A_1568 = arith.constant 384 : i32
    %dma_wait3A_1569 = arith.constant 0 : i32
    %dma_wait3A_1570 = tpu.memref_slice %arg7[%dma_wait3A_1568, %dma_wait3A_1569] : memref<1024x32xf32, #tpu.memory_space<vmem>> -> memref<128x32xf32, #tpu.memory_space<vmem>>
    %dma_wait3A_1571 = arith.constant 0 : i32
    %dma_wait3A_1572 = tpu.memref_slice %arg5[%dma_wait3A_1567, %dma_wait3A_1571] : memref<80x128xi32, #tpu.memory_space<vmem>> -> memref<1x128xi32, #tpu.memory_space<vmem>>
    %dma_wait3A_1573 = tpu.memref_squeeze %dma_wait3A_1572 : memref<1x128xi32, #tpu.memory_space<vmem>> -> memref<128xi32, #tpu.memory_space<vmem>>
    %dma_wait3A_1574 = arith.constant 0 : i32
    %dma_wait3A_1575 = arith.constant 0 : i32
    %dma_wait3A_1576 = tpu.memref_slice %arg6[%dma_wait3A_1574, %dma_wait3A_1575] : memref<69x32xf32, #tpu.memory_space<vmem_shared>> -> memref<69x32xf32, #tpu.memory_space<vmem_shared>>
    tpu.wait_indirect_dma semaphore(%arg9 : memref<!tpu.dma_semaphore, #tpu.memory_space<semaphore_mem>>) src(%dma_wait3A_1576 : memref<69x32xf32, #tpu.memory_space<vmem_shared>>) dst(%dma_wait3A_1570 : memref<128x32xf32, #tpu.memory_space<vmem>>)
    %dma_wait3A_1577 = arith.constant 68 : i32
    %dma_wait3A_1578 = arith.constant 512 : i32
    %dma_wait3A_1579 = arith.constant 0 : i32
    %dma_wait3A_1580 = tpu.memref_slice %arg7[%dma_wait3A_1578, %dma_wait3A_1579] : memref<1024x32xf32, #tpu.memory_space<vmem>> -> memref<128x32xf32, #tpu.memory_space<vmem>>
    %dma_wait3A_1581 = arith.constant 0 : i32
    %dma_wait3A_1582 = tpu.memref_slice %arg5[%dma_wait3A_1577, %dma_wait3A_1581] : memref<80x128xi32, #tpu.memory_space<vmem>> -> memref<1x128xi32, #tpu.memory_space<vmem>>
    %dma_wait3A_1583 = tpu.memref_squeeze %dma_wait3A_1582 : memref<1x128xi32, #tpu.memory_space<vmem>> -> memref<128xi32, #tpu.memory_space<vmem>>
    %dma_wait3A_1584 = arith.constant 0 : i32
    %dma_wait3A_1585 = arith.constant 0 : i32
    %dma_wait3A_1586 = tpu.memref_slice %arg6[%dma_wait3A_1584, %dma_wait3A_1585] : memref<69x32xf32, #tpu.memory_space<vmem_shared>> -> memref<69x32xf32, #tpu.memory_space<vmem_shared>>
    tpu.wait_indirect_dma semaphore(%arg9 : memref<!tpu.dma_semaphore, #tpu.memory_space<semaphore_mem>>) src(%dma_wait3A_1586 : memref<69x32xf32, #tpu.memory_space<vmem_shared>>) dst(%dma_wait3A_1580 : memref<128x32xf32, #tpu.memory_space<vmem>>)
    %dma_wait3A_1587 = arith.constant 69 : i32
    %dma_wait3A_1588 = arith.constant 640 : i32
    %dma_wait3A_1589 = arith.constant 0 : i32
    %dma_wait3A_1590 = tpu.memref_slice %arg7[%dma_wait3A_1588, %dma_wait3A_1589] : memref<1024x32xf32, #tpu.memory_space<vmem>> -> memref<128x32xf32, #tpu.memory_space<vmem>>
    %dma_wait3A_1591 = arith.constant 0 : i32
    %dma_wait3A_1592 = tpu.memref_slice %arg5[%dma_wait3A_1587, %dma_wait3A_1591] : memref<80x128xi32, #tpu.memory_space<vmem>> -> memref<1x128xi32, #tpu.memory_space<vmem>>
    %dma_wait3A_1593 = tpu.memref_squeeze %dma_wait3A_1592 : memref<1x128xi32, #tpu.memory_space<vmem>> -> memref<128xi32, #tpu.memory_space<vmem>>
    %dma_wait3A_1594 = arith.constant 0 : i32
    %dma_wait3A_1595 = arith.constant 0 : i32
    %dma_wait3A_1596 = tpu.memref_slice %arg6[%dma_wait3A_1594, %dma_wait3A_1595] : memref<69x32xf32, #tpu.memory_space<vmem_shared>> -> memref<69x32xf32, #tpu.memory_space<vmem_shared>>
    tpu.wait_indirect_dma semaphore(%arg9 : memref<!tpu.dma_semaphore, #tpu.memory_space<semaphore_mem>>) src(%dma_wait3A_1596 : memref<69x32xf32, #tpu.memory_space<vmem_shared>>) dst(%dma_wait3A_1590 : memref<128x32xf32, #tpu.memory_space<vmem>>)
    %dma_wait3A_1597 = arith.constant 70 : i32
    %dma_wait3A_1598 = arith.constant 768 : i32
    %dma_wait3A_1599 = arith.constant 0 : i32
    %dma_wait3A_1600 = tpu.memref_slice %arg7[%dma_wait3A_1598, %dma_wait3A_1599] : memref<1024x32xf32, #tpu.memory_space<vmem>> -> memref<128x32xf32, #tpu.memory_space<vmem>>
    %dma_wait3A_1601 = arith.constant 0 : i32
    %dma_wait3A_1602 = tpu.memref_slice %arg5[%dma_wait3A_1597, %dma_wait3A_1601] : memref<80x128xi32, #tpu.memory_space<vmem>> -> memref<1x128xi32, #tpu.memory_space<vmem>>
    %dma_wait3A_1603 = tpu.memref_squeeze %dma_wait3A_1602 : memref<1x128xi32, #tpu.memory_space<vmem>> -> memref<128xi32, #tpu.memory_space<vmem>>
    %dma_wait3A_1604 = arith.constant 0 : i32
    %dma_wait3A_1605 = arith.constant 0 : i32
    %dma_wait3A_1606 = tpu.memref_slice %arg6[%dma_wait3A_1604, %dma_wait3A_1605] : memref<69x32xf32, #tpu.memory_space<vmem_shared>> -> memref<69x32xf32, #tpu.memory_space<vmem_shared>>
    tpu.wait_indirect_dma semaphore(%arg9 : memref<!tpu.dma_semaphore, #tpu.memory_space<semaphore_mem>>) src(%dma_wait3A_1606 : memref<69x32xf32, #tpu.memory_space<vmem_shared>>) dst(%dma_wait3A_1600 : memref<128x32xf32, #tpu.memory_space<vmem>>)
    %dma_wait3A_1607 = arith.constant 71 : i32
    %dma_wait3A_1608 = arith.constant 896 : i32
    %dma_wait3A_1609 = arith.constant 0 : i32
    %dma_wait3A_1610 = tpu.memref_slice %arg7[%dma_wait3A_1608, %dma_wait3A_1609] : memref<1024x32xf32, #tpu.memory_space<vmem>> -> memref<128x32xf32, #tpu.memory_space<vmem>>
    %dma_wait3A_1611 = arith.constant 0 : i32
    %dma_wait3A_1612 = tpu.memref_slice %arg5[%dma_wait3A_1607, %dma_wait3A_1611] : memref<80x128xi32, #tpu.memory_space<vmem>> -> memref<1x128xi32, #tpu.memory_space<vmem>>
    %dma_wait3A_1613 = tpu.memref_squeeze %dma_wait3A_1612 : memref<1x128xi32, #tpu.memory_space<vmem>> -> memref<128xi32, #tpu.memory_space<vmem>>
    %dma_wait3A_1614 = arith.constant 0 : i32
    %dma_wait3A_1615 = arith.constant 0 : i32
    %dma_wait3A_1616 = tpu.memref_slice %arg6[%dma_wait3A_1614, %dma_wait3A_1615] : memref<69x32xf32, #tpu.memory_space<vmem_shared>> -> memref<69x32xf32, #tpu.memory_space<vmem_shared>>
    tpu.wait_indirect_dma semaphore(%arg9 : memref<!tpu.dma_semaphore, #tpu.memory_space<semaphore_mem>>) src(%dma_wait3A_1616 : memref<69x32xf32, #tpu.memory_space<vmem_shared>>) dst(%dma_wait3A_1610 : memref<128x32xf32, #tpu.memory_space<vmem>>)
    %mul3A_1617 = arith.constant 10240 : i32
    %mul3A_1618 = arith.muli %add3A, %mul3A_1617 : i32
    %add3A_1619 = arith.constant 8192 : i32
    %add3A_1620 = arith.addi %mul3A_1618, %add3A_1619 : i32
    %dma_start3A_1621 = arith.constant 0 : i32
    %dma_start3A_1622 = tpu.memref_slice %arg4[%add3A_1620, %dma_start3A_1621] : memref<327680x32xf32, #tpu.memory_space<hbm>> -> memref<1024x32xf32, #tpu.memory_space<hbm>>
    %dma_start3A_1623 = arith.constant 0 : i32
    %dma_start3A_1624 = tpu.memref_slice %arg4[%add3A_1620, %dma_start3A_1623] : memref<327680x32xf32, #tpu.memory_space<hbm>> -> memref<1024x32xf32, #tpu.memory_space<hbm>>
    tpu.enqueue_dma source(%arg7 : memref<1024x32xf32, #tpu.memory_space<vmem>>) target(%dma_start3A_1624 : memref<1024x32xf32, #tpu.memory_space<hbm>>) target_semaphore(%arg11 : memref<!tpu.dma_semaphore, #tpu.memory_space<semaphore_mem>>)
    %dma_wait3A_1625 = arith.constant 72 : i32
    %dma_wait3A_1626 = arith.constant 0 : i32
    %dma_wait3A_1627 = arith.constant 0 : i32
    %dma_wait3A_1628 = tpu.memref_slice %arg8[%dma_wait3A_1626, %dma_wait3A_1627] : memref<1024x32xf32, #tpu.memory_space<vmem>> -> memref<128x32xf32, #tpu.memory_space<vmem>>
    %dma_wait3A_1629 = arith.constant 0 : i32
    %dma_wait3A_1630 = tpu.memref_slice %arg5[%dma_wait3A_1625, %dma_wait3A_1629] : memref<80x128xi32, #tpu.memory_space<vmem>> -> memref<1x128xi32, #tpu.memory_space<vmem>>
    %dma_wait3A_1631 = tpu.memref_squeeze %dma_wait3A_1630 : memref<1x128xi32, #tpu.memory_space<vmem>> -> memref<128xi32, #tpu.memory_space<vmem>>
    %dma_wait3A_1632 = arith.constant 0 : i32
    %dma_wait3A_1633 = arith.constant 0 : i32
    %dma_wait3A_1634 = tpu.memref_slice %arg6[%dma_wait3A_1632, %dma_wait3A_1633] : memref<69x32xf32, #tpu.memory_space<vmem_shared>> -> memref<69x32xf32, #tpu.memory_space<vmem_shared>>
    tpu.wait_indirect_dma semaphore(%arg10 : memref<!tpu.dma_semaphore, #tpu.memory_space<semaphore_mem>>) src(%dma_wait3A_1634 : memref<69x32xf32, #tpu.memory_space<vmem_shared>>) dst(%dma_wait3A_1628 : memref<128x32xf32, #tpu.memory_space<vmem>>)
    %dma_wait3A_1635 = arith.constant 73 : i32
    %dma_wait3A_1636 = arith.constant 128 : i32
    %dma_wait3A_1637 = arith.constant 0 : i32
    %dma_wait3A_1638 = tpu.memref_slice %arg8[%dma_wait3A_1636, %dma_wait3A_1637] : memref<1024x32xf32, #tpu.memory_space<vmem>> -> memref<128x32xf32, #tpu.memory_space<vmem>>
    %dma_wait3A_1639 = arith.constant 0 : i32
    %dma_wait3A_1640 = tpu.memref_slice %arg5[%dma_wait3A_1635, %dma_wait3A_1639] : memref<80x128xi32, #tpu.memory_space<vmem>> -> memref<1x128xi32, #tpu.memory_space<vmem>>
    %dma_wait3A_1641 = tpu.memref_squeeze %dma_wait3A_1640 : memref<1x128xi32, #tpu.memory_space<vmem>> -> memref<128xi32, #tpu.memory_space<vmem>>
    %dma_wait3A_1642 = arith.constant 0 : i32
    %dma_wait3A_1643 = arith.constant 0 : i32
    %dma_wait3A_1644 = tpu.memref_slice %arg6[%dma_wait3A_1642, %dma_wait3A_1643] : memref<69x32xf32, #tpu.memory_space<vmem_shared>> -> memref<69x32xf32, #tpu.memory_space<vmem_shared>>
    tpu.wait_indirect_dma semaphore(%arg10 : memref<!tpu.dma_semaphore, #tpu.memory_space<semaphore_mem>>) src(%dma_wait3A_1644 : memref<69x32xf32, #tpu.memory_space<vmem_shared>>) dst(%dma_wait3A_1638 : memref<128x32xf32, #tpu.memory_space<vmem>>)
    %dma_wait3A_1645 = arith.constant 74 : i32
    %dma_wait3A_1646 = arith.constant 256 : i32
    %dma_wait3A_1647 = arith.constant 0 : i32
    %dma_wait3A_1648 = tpu.memref_slice %arg8[%dma_wait3A_1646, %dma_wait3A_1647] : memref<1024x32xf32, #tpu.memory_space<vmem>> -> memref<128x32xf32, #tpu.memory_space<vmem>>
    %dma_wait3A_1649 = arith.constant 0 : i32
    %dma_wait3A_1650 = tpu.memref_slice %arg5[%dma_wait3A_1645, %dma_wait3A_1649] : memref<80x128xi32, #tpu.memory_space<vmem>> -> memref<1x128xi32, #tpu.memory_space<vmem>>
    %dma_wait3A_1651 = tpu.memref_squeeze %dma_wait3A_1650 : memref<1x128xi32, #tpu.memory_space<vmem>> -> memref<128xi32, #tpu.memory_space<vmem>>
    %dma_wait3A_1652 = arith.constant 0 : i32
    %dma_wait3A_1653 = arith.constant 0 : i32
    %dma_wait3A_1654 = tpu.memref_slice %arg6[%dma_wait3A_1652, %dma_wait3A_1653] : memref<69x32xf32, #tpu.memory_space<vmem_shared>> -> memref<69x32xf32, #tpu.memory_space<vmem_shared>>
    tpu.wait_indirect_dma semaphore(%arg10 : memref<!tpu.dma_semaphore, #tpu.memory_space<semaphore_mem>>) src(%dma_wait3A_1654 : memref<69x32xf32, #tpu.memory_space<vmem_shared>>) dst(%dma_wait3A_1648 : memref<128x32xf32, #tpu.memory_space<vmem>>)
    %dma_wait3A_1655 = arith.constant 75 : i32
    %dma_wait3A_1656 = arith.constant 384 : i32
    %dma_wait3A_1657 = arith.constant 0 : i32
    %dma_wait3A_1658 = tpu.memref_slice %arg8[%dma_wait3A_1656, %dma_wait3A_1657] : memref<1024x32xf32, #tpu.memory_space<vmem>> -> memref<128x32xf32, #tpu.memory_space<vmem>>
    %dma_wait3A_1659 = arith.constant 0 : i32
    %dma_wait3A_1660 = tpu.memref_slice %arg5[%dma_wait3A_1655, %dma_wait3A_1659] : memref<80x128xi32, #tpu.memory_space<vmem>> -> memref<1x128xi32, #tpu.memory_space<vmem>>
    %dma_wait3A_1661 = tpu.memref_squeeze %dma_wait3A_1660 : memref<1x128xi32, #tpu.memory_space<vmem>> -> memref<128xi32, #tpu.memory_space<vmem>>
    %dma_wait3A_1662 = arith.constant 0 : i32
    %dma_wait3A_1663 = arith.constant 0 : i32
    %dma_wait3A_1664 = tpu.memref_slice %arg6[%dma_wait3A_1662, %dma_wait3A_1663] : memref<69x32xf32, #tpu.memory_space<vmem_shared>> -> memref<69x32xf32, #tpu.memory_space<vmem_shared>>
    tpu.wait_indirect_dma semaphore(%arg10 : memref<!tpu.dma_semaphore, #tpu.memory_space<semaphore_mem>>) src(%dma_wait3A_1664 : memref<69x32xf32, #tpu.memory_space<vmem_shared>>) dst(%dma_wait3A_1658 : memref<128x32xf32, #tpu.memory_space<vmem>>)
    %dma_wait3A_1665 = arith.constant 76 : i32
    %dma_wait3A_1666 = arith.constant 512 : i32
    %dma_wait3A_1667 = arith.constant 0 : i32
    %dma_wait3A_1668 = tpu.memref_slice %arg8[%dma_wait3A_1666, %dma_wait3A_1667] : memref<1024x32xf32, #tpu.memory_space<vmem>> -> memref<128x32xf32, #tpu.memory_space<vmem>>
    %dma_wait3A_1669 = arith.constant 0 : i32
    %dma_wait3A_1670 = tpu.memref_slice %arg5[%dma_wait3A_1665, %dma_wait3A_1669] : memref<80x128xi32, #tpu.memory_space<vmem>> -> memref<1x128xi32, #tpu.memory_space<vmem>>
    %dma_wait3A_1671 = tpu.memref_squeeze %dma_wait3A_1670 : memref<1x128xi32, #tpu.memory_space<vmem>> -> memref<128xi32, #tpu.memory_space<vmem>>
    %dma_wait3A_1672 = arith.constant 0 : i32
    %dma_wait3A_1673 = arith.constant 0 : i32
    %dma_wait3A_1674 = tpu.memref_slice %arg6[%dma_wait3A_1672, %dma_wait3A_1673] : memref<69x32xf32, #tpu.memory_space<vmem_shared>> -> memref<69x32xf32, #tpu.memory_space<vmem_shared>>
    tpu.wait_indirect_dma semaphore(%arg10 : memref<!tpu.dma_semaphore, #tpu.memory_space<semaphore_mem>>) src(%dma_wait3A_1674 : memref<69x32xf32, #tpu.memory_space<vmem_shared>>) dst(%dma_wait3A_1668 : memref<128x32xf32, #tpu.memory_space<vmem>>)
    %dma_wait3A_1675 = arith.constant 77 : i32
    %dma_wait3A_1676 = arith.constant 640 : i32
    %dma_wait3A_1677 = arith.constant 0 : i32
    %dma_wait3A_1678 = tpu.memref_slice %arg8[%dma_wait3A_1676, %dma_wait3A_1677] : memref<1024x32xf32, #tpu.memory_space<vmem>> -> memref<128x32xf32, #tpu.memory_space<vmem>>
    %dma_wait3A_1679 = arith.constant 0 : i32
    %dma_wait3A_1680 = tpu.memref_slice %arg5[%dma_wait3A_1675, %dma_wait3A_1679] : memref<80x128xi32, #tpu.memory_space<vmem>> -> memref<1x128xi32, #tpu.memory_space<vmem>>
    %dma_wait3A_1681 = tpu.memref_squeeze %dma_wait3A_1680 : memref<1x128xi32, #tpu.memory_space<vmem>> -> memref<128xi32, #tpu.memory_space<vmem>>
    %dma_wait3A_1682 = arith.constant 0 : i32
    %dma_wait3A_1683 = arith.constant 0 : i32
    %dma_wait3A_1684 = tpu.memref_slice %arg6[%dma_wait3A_1682, %dma_wait3A_1683] : memref<69x32xf32, #tpu.memory_space<vmem_shared>> -> memref<69x32xf32, #tpu.memory_space<vmem_shared>>
    tpu.wait_indirect_dma semaphore(%arg10 : memref<!tpu.dma_semaphore, #tpu.memory_space<semaphore_mem>>) src(%dma_wait3A_1684 : memref<69x32xf32, #tpu.memory_space<vmem_shared>>) dst(%dma_wait3A_1678 : memref<128x32xf32, #tpu.memory_space<vmem>>)
    %dma_wait3A_1685 = arith.constant 78 : i32
    %dma_wait3A_1686 = arith.constant 768 : i32
    %dma_wait3A_1687 = arith.constant 0 : i32
    %dma_wait3A_1688 = tpu.memref_slice %arg8[%dma_wait3A_1686, %dma_wait3A_1687] : memref<1024x32xf32, #tpu.memory_space<vmem>> -> memref<128x32xf32, #tpu.memory_space<vmem>>
    %dma_wait3A_1689 = arith.constant 0 : i32
    %dma_wait3A_1690 = tpu.memref_slice %arg5[%dma_wait3A_1685, %dma_wait3A_1689] : memref<80x128xi32, #tpu.memory_space<vmem>> -> memref<1x128xi32, #tpu.memory_space<vmem>>
    %dma_wait3A_1691 = tpu.memref_squeeze %dma_wait3A_1690 : memref<1x128xi32, #tpu.memory_space<vmem>> -> memref<128xi32, #tpu.memory_space<vmem>>
    %dma_wait3A_1692 = arith.constant 0 : i32
    %dma_wait3A_1693 = arith.constant 0 : i32
    %dma_wait3A_1694 = tpu.memref_slice %arg6[%dma_wait3A_1692, %dma_wait3A_1693] : memref<69x32xf32, #tpu.memory_space<vmem_shared>> -> memref<69x32xf32, #tpu.memory_space<vmem_shared>>
    tpu.wait_indirect_dma semaphore(%arg10 : memref<!tpu.dma_semaphore, #tpu.memory_space<semaphore_mem>>) src(%dma_wait3A_1694 : memref<69x32xf32, #tpu.memory_space<vmem_shared>>) dst(%dma_wait3A_1688 : memref<128x32xf32, #tpu.memory_space<vmem>>)
    %dma_wait3A_1695 = arith.constant 79 : i32
    %dma_wait3A_1696 = arith.constant 896 : i32
    %dma_wait3A_1697 = arith.constant 0 : i32
    %dma_wait3A_1698 = tpu.memref_slice %arg8[%dma_wait3A_1696, %dma_wait3A_1697] : memref<1024x32xf32, #tpu.memory_space<vmem>> -> memref<128x32xf32, #tpu.memory_space<vmem>>
    %dma_wait3A_1699 = arith.constant 0 : i32
    %dma_wait3A_1700 = tpu.memref_slice %arg5[%dma_wait3A_1695, %dma_wait3A_1699] : memref<80x128xi32, #tpu.memory_space<vmem>> -> memref<1x128xi32, #tpu.memory_space<vmem>>
    %dma_wait3A_1701 = tpu.memref_squeeze %dma_wait3A_1700 : memref<1x128xi32, #tpu.memory_space<vmem>> -> memref<128xi32, #tpu.memory_space<vmem>>
    %dma_wait3A_1702 = arith.constant 0 : i32
    %dma_wait3A_1703 = arith.constant 0 : i32
    %dma_wait3A_1704 = tpu.memref_slice %arg6[%dma_wait3A_1702, %dma_wait3A_1703] : memref<69x32xf32, #tpu.memory_space<vmem_shared>> -> memref<69x32xf32, #tpu.memory_space<vmem_shared>>
    tpu.wait_indirect_dma semaphore(%arg10 : memref<!tpu.dma_semaphore, #tpu.memory_space<semaphore_mem>>) src(%dma_wait3A_1704 : memref<69x32xf32, #tpu.memory_space<vmem_shared>>) dst(%dma_wait3A_1698 : memref<128x32xf32, #tpu.memory_space<vmem>>)
    %mul3A_1705 = arith.constant 10240 : i32
    %mul3A_1706 = arith.muli %add3A, %mul3A_1705 : i32
    %add3A_1707 = arith.constant 9216 : i32
    %add3A_1708 = arith.addi %mul3A_1706, %add3A_1707 : i32
    %dma_start3A_1709 = arith.constant 0 : i32
    %dma_start3A_1710 = tpu.memref_slice %arg4[%add3A_1708, %dma_start3A_1709] : memref<327680x32xf32, #tpu.memory_space<hbm>> -> memref<1024x32xf32, #tpu.memory_space<hbm>>
    %dma_start3A_1711 = arith.constant 0 : i32
    %dma_start3A_1712 = tpu.memref_slice %arg4[%add3A_1708, %dma_start3A_1711] : memref<327680x32xf32, #tpu.memory_space<hbm>> -> memref<1024x32xf32, #tpu.memory_space<hbm>>
    tpu.enqueue_dma source(%arg8 : memref<1024x32xf32, #tpu.memory_space<vmem>>) target(%dma_start3A_1712 : memref<1024x32xf32, #tpu.memory_space<hbm>>) target_semaphore(%arg12 : memref<!tpu.dma_semaphore, #tpu.memory_space<semaphore_mem>>)
    %dma_wait3A_1713 = arith.constant 0 : i32
    %dma_wait3A_1714 = tpu.memref_slice %arg4[%add3A_1620, %dma_wait3A_1713] : memref<327680x32xf32, #tpu.memory_space<hbm>> -> memref<1024x32xf32, #tpu.memory_space<hbm>>
    %dma_wait3A_1715 = arith.constant 0 : i32
    %dma_wait3A_1716 = tpu.memref_slice %arg4[%add3A_1620, %dma_wait3A_1715] : memref<327680x32xf32, #tpu.memory_space<hbm>> -> memref<1024x32xf32, #tpu.memory_space<hbm>>
    tpu.wait_dma2 semaphore(%arg11 : memref<!tpu.dma_semaphore, #tpu.memory_space<semaphore_mem>>) src(%arg7 : memref<1024x32xf32, #tpu.memory_space<vmem>>) dst(%dma_wait3A_1716 : memref<1024x32xf32, #tpu.memory_space<hbm>>)
    %dma_wait3A_1717 = arith.constant 0 : i32
    %dma_wait3A_1718 = tpu.memref_slice %arg4[%add3A_1708, %dma_wait3A_1717] : memref<327680x32xf32, #tpu.memory_space<hbm>> -> memref<1024x32xf32, #tpu.memory_space<hbm>>
    %dma_wait3A_1719 = arith.constant 0 : i32
    %dma_wait3A_1720 = tpu.memref_slice %arg4[%add3A_1708, %dma_wait3A_1719] : memref<327680x32xf32, #tpu.memory_space<hbm>> -> memref<1024x32xf32, #tpu.memory_space<hbm>>
    tpu.wait_dma2 semaphore(%arg12 : memref<!tpu.dma_semaphore, #tpu.memory_space<semaphore_mem>>) src(%arg8 : memref<1024x32xf32, #tpu.memory_space<vmem>>) dst(%dma_wait3A_1720 : memref<1024x32xf32, #tpu.memory_space<hbm>>)
    return
  }
}

module attributes {stable_mosaic.version = 14 : i64} {
  func.func @_tc_preds_body(%arg0: i32, %arg1: i32, %arg2: memref<20x4096xi32, #tpu.memory_space<vmem>>, %arg3: memref<32x68xf32, #tpu.memory_space<vmem>>, %arg4: memref<32x69xf32, #tpu.memory_space<vmem>>, %arg5: memref<68x1xf32, #tpu.memory_space<vmem>>, %arg6: memref<1x68x4096xf32, #tpu.memory_space<vmem>>, %arg7: memref<72x72xbf16, #tpu.memory_space<vmem>>) attributes {dimension_semantics = [#tpu.dimension_semantics<arbitrary>, #tpu.dimension_semantics<arbitrary>], iteration_bounds = array<i64: 4, 20>, scalar_prefetch = 0 : i64, scratch_operands = 1 : i64, tpu.core_type = #tpu.core_type<tc>, window_params = [{transform_indices = @transform_0, window_bounds = array<i64: 20, 4096>}, {pipeline_mode = #tpu.pipeline_mode<synchronous>, transform_indices = @transform_1, window_bounds = array<i64: 32, 68>}, {pipeline_mode = #tpu.pipeline_mode<synchronous>, transform_indices = @transform_2, window_bounds = array<i64: 32, 69>}, {pipeline_mode = #tpu.pipeline_mode<synchronous>, transform_indices = @transform_3, window_bounds = array<i64: 68, 1>}, {transform_indices = @transform_4, window_bounds = array<i64: 1, 68, 4096>}]} {
    %eq3A = arith.constant 0 : i32
    %eq3A_0 = arith.cmpi eq, %arg0, %eq3A : i32
    %eq3A_1 = arith.constant 0 : i32
    %eq3A_2 = arith.cmpi eq, %arg1, %eq3A_1 : i32
    %and3A = arith.andi %eq3A_0, %eq3A_2 : i1
    %convert_element_type3A = arith.extui %and3A : i1 to i32
    %cond3A = arith.constant 0 : i32
    %cond3A_3 = arith.cmpi ne, %convert_element_type3A, %cond3A : i32
    scf.if %cond3A_3 {
      %get3A_18 = arith.constant 0 : index
      %get3A_19 = arith.constant 0 : index
      %get3A_20 = vector.load %arg3[%get3A_18, %get3A_19] : memref<32x68xf32, #tpu.memory_space<vmem>>, vector<32x68xf32>
      %get3A_21 = arith.constant 0 : index
      %get3A_22 = arith.constant 0 : index
      %get3A_23 = vector.load %arg4[%get3A_21, %get3A_22] : memref<32x69xf32, #tpu.memory_space<vmem>>, vector<32x69xf32>
      %dot_general3A_24 = arith.constant dense<0.000000e+00> : vector<68x69xf32>
      %dot_general3A_25 = tpu.matmul %get3A_20, %get3A_23, %dot_general3A_24 {dimension_numbers = #tpu.dot_dimension_numbers<[0], [0], [1], [1], [0, 1, 1, 1], [], []>, transpose_lhs_hint = false} : vector<32x68xf32>, vector<32x69xf32>, vector<68x69xf32> -> vector<68x69xf32>
      %get3A_26 = arith.constant 0 : index
      %get3A_27 = arith.constant 0 : index
      %get3A_28 = vector.load %arg5[%get3A_26, %get3A_27] : memref<68x1xf32, #tpu.memory_space<vmem>>, vector<68x1xf32>
      %add3A = vector.broadcast %get3A_28 : vector<68x1xf32> to vector<68x69xf32>
      %add3A_29 = arith.addf %dot_general3A_25, %add3A : vector<68x69xf32>
      %broadcast_in_dim3A = arith.constant 0.000000e+00 : bf16
      %broadcast_in_dim3A_30 = vector.broadcast %broadcast_in_dim3A : bf16 to vector<72x72xbf16>
      %swap3A_31 = arith.constant 0 : index
      %swap3A_32 = arith.constant 0 : index
      %swap3A_33 = vector.load %arg7[%swap3A_31, %swap3A_32] : memref<72x72xbf16, #tpu.memory_space<vmem>>, vector<72x72xbf16>
      tpu.vector_store %arg7[%swap3A_31, %swap3A_32], %broadcast_in_dim3A_30 {strides = array<i32>} : memref<72x72xbf16, #tpu.memory_space<vmem>>, vector<72x72xbf16>,
      %convert_element_type3A_34 = arith.truncf %add3A_29 : vector<68x69xf32> to vector<68x69xbf16>
      %swap3A_35 = arith.constant 0 : index
      %swap3A_36 = arith.constant 0 : index
      %swap3A_37 = vector.load %arg7[%swap3A_35, %swap3A_36] : memref<72x72xbf16, #tpu.memory_space<vmem>>, vector<68x69xbf16>
      tpu.vector_store %arg7[%swap3A_35, %swap3A_36], %convert_element_type3A_34 {strides = array<i32>} : memref<72x72xbf16, #tpu.memory_space<vmem>>, vector<68x69xbf16>,
    } else {
    }
    %get3A = arith.index_cast %arg1 : i32 to index
    %get3A_4 = arith.constant 0 : index
    %get3A_5 = vector.load %arg2[%get3A, %get3A_4] : memref<20x4096xi32, #tpu.memory_space<vmem>>, vector<1x4096xi32>
    %iota3A = tpu.iota {dimensions = array<i32: 0>} : vector<72x4096xi32>
    %eq3A_6 = vector.broadcast %get3A_5 : vector<1x4096xi32> to vector<72x4096xi32>
    %eq3A_7 = arith.cmpi eq, %iota3A, %eq3A_6 : vector<72x4096xi32>
    %convert_element_type3A_8 = arith.extui %eq3A_7 : vector<72x4096xi1> to vector<72x4096xi32>
    %convert_element_type3A_9 = arith.sitofp %convert_element_type3A_8 : vector<72x4096xi32> to vector<72x4096xf32>
    %convert_element_type3A_10 = arith.truncf %convert_element_type3A_9 : vector<72x4096xf32> to vector<72x4096xbf16>
    %get3A_11 = arith.constant 0 : index
    %get3A_12 = arith.constant 0 : index
    %get3A_13 = vector.load %arg7[%get3A_11, %get3A_12] : memref<72x72xbf16, #tpu.memory_space<vmem>>, vector<72x72xbf16>
    %dot_general3A = arith.constant dense<0.000000e+00> : vector<72x4096xf32>
    %dot_general3A_14 = tpu.matmul %get3A_13, %convert_element_type3A_10, %dot_general3A {dimension_numbers = #tpu.dot_dimension_numbers<[1], [0], [0], [1], [0, 0, 1, 1], [], []>, transpose_lhs_hint = false} : vector<72x72xbf16>, vector<72x4096xbf16>, vector<72x4096xf32> -> vector<72x4096xf32>
    %slice3A = vector.extract_strided_slice %dot_general3A_14 {offsets = [0, 0], sizes = [68, 4096], strides = [1, 1]} : vector<72x4096xf32> to vector<68x4096xf32>
    %reshape3A = vector.shape_cast %slice3A : vector<68x4096xf32> to vector<1x68x4096xf32>
    %swap3A = arith.constant 0 : index
    %swap3A_15 = arith.constant 0 : index
    %swap3A_16 = arith.constant 0 : index
    %swap3A_17 = vector.load %arg6[%swap3A, %swap3A_15, %swap3A_16] : memref<1x68x4096xf32, #tpu.memory_space<vmem>>, vector<1x68x4096xf32>
    tpu.vector_store %arg6[%swap3A, %swap3A_15, %swap3A_16], %reshape3A {strides = array<i32>} : memref<1x68x4096xf32, #tpu.memory_space<vmem>>, vector<1x68x4096xf32>,
    return
  }
  func.func @transform_0(%arg0: i32, %arg1: i32) -> (i32, i32) {
    %c0_i32 = arith.constant 0 : i32
    %c0_i32_0 = arith.constant 0 : i32
    return %c0_i32, %arg0 : i32, i32
  }
  func.func @transform_1(%arg0: i32, %arg1: i32) -> (i32, i32) {
    %c0_i32 = arith.constant 0 : i32
    %c0_i32_0 = arith.constant 0 : i32
    %c0_i32_1 = arith.constant 0 : i32
    return %c0_i32, %c0_i32_0 : i32, i32
  }
  func.func @transform_2(%arg0: i32, %arg1: i32) -> (i32, i32) {
    %c0_i32 = arith.constant 0 : i32
    %c0_i32_0 = arith.constant 0 : i32
    %c0_i32_1 = arith.constant 0 : i32
    return %c0_i32, %c0_i32_0 : i32, i32
  }
  func.func @transform_3(%arg0: i32, %arg1: i32) -> (i32, i32) {
    %c0_i32 = arith.constant 0 : i32
    %c0_i32_0 = arith.constant 0 : i32
    %c0_i32_1 = arith.constant 0 : i32
    return %c0_i32, %c0_i32_0 : i32, i32
  }
  func.func @transform_4(%arg0: i32, %arg1: i32) -> (i32, i32, i32) {
    %c0_i32 = arith.constant 0 : i32
    %c0_i32_0 = arith.constant 0 : i32
    return %arg1, %c0_i32, %arg0 : i32, i32, i32
  }
}

</mosaic_0001>

<sc_bundles>
// kernel: kernel.4.cloned.1.call-start
scs
__scs_entry_jumppad:
0x0: {  	(pc) =	sbr.rel $0x88, $3  }
0x1: {  	(tag) =	ssettag $0x0;
	lr =	simm.s32 $0x1  }
0x2: {  	[smem:$0x3F9D] =	sst lr;
	_ =	strace $0xD0000000  }
0x3: {  	_ = 	snop  }
0x4: {  	_ = 	snop  }
0x5: {  	_ = 	snop  }
0x6: {  	_ = 	snop  }
0x7: {  	_ = 	snop  }
__scs_overlays_trampoline_lowered:
0x8: {  	[smem:$0x3FAC] =	sst s0  }
0x9: {  	[smem:$0x3FAD] =	sst s1  }
0xa: {  	[smem:$0x3FAE] =	sst s2  }
0xb: {  	[smem:$0x3FAF] =	sst s3  }
0xc: {  	[smem:$0x3FB0] =	sst s4  }
0xd: {  	[smem:$0x3FB1] =	sst s5  }
0xe: {  	[smem:$0x3FB2] =	sst s6  }
0xf: {  	[smem:$0x3FB3] =	sst s7  }
0x10: {  	[smem:$0x3FB4] =	sst s8  }
0x11: {  	[smem:$0x3FB5] =	sst s9;
	s0 =	simm.s32 @!p0 $0x0  }
0x12: {  	s1 =	sld [smem:$0x3F9B];
	s0 =	simm.s32 @p0 $0x1  }
0x13: {  	[smem:$0x3FB6] =	sst s0;
	s0 =	simm.s32 @!p1 $0x0  }
0x14: {  	s2 =	sld [smem:$0x3F9A];
	s0 =	simm.s32 @p1 $0x1  }
0x15: {  	[smem:$0x3FB7] =	sst s0;
	s0 =	simm.s32 @!p2 $0x0  }
0x16: {  	s3 =	sld [smem:$0x3FDB];
	s0 =	simm.s32 @p2 $0x1  }
0x17: {  	s4 =	simm.s32 $0x1BF5;
	[smem:$0x3FB9] =	sst s0  }
0x18: {  	s0 =	sld [smem:$0x3F9C];
	_ =	swait.ge [sflag:s4], $0x0  }
0x19: {  	s7 =	sld [smem:$0x3F9D]  }
0x1a: {  	s8 =	sadd.s32 $0xFFFFE003, lr  }
0x1b: {  	s9 =	sadd.s32 $0xFFFFFEF7, lr;
	s5 =	simm.s32 $0xFFFFFFFF;
	p2 =	slt.u32 s8, $0xFFFFF086  }
0x1c: {  	p1 =	slt.u32 s9, $0xF7A;
	s5 =	simm.s32 @!p2 $0x0  }
0x1d: {  	s5 =	simm.s32 @p1 $0x1;
	p0 =	seq.s32 s7, s2  }
0x1e: {  	s7 =	smul.u32 @!p0 $0xF7A, s2;
	p2 =	seq.s32 @!p0 s5, $0x0  }
0x1f: {  	s9 =	smul.u32 $0xF7A, s1;
	s8 =	simm.s32 @!p0 $0x1BF5;
	p2 =	por !p2, p0  }
0x20: {  	[sflag:s8] =	ssyncset.s32 @!p0 $0xFFFFF086;
	s6 =	sadd.s32 @!p0 s3, s7;
	s7 =	simm.s32 @!p0 $0x108  }
0x21: {  	s3 =	sadd.s32 s3, s9;
	s6 =	sadd.s32 @!p0 $0x88, s6;
	s7 =	simm.s32 @p2 $0x1082  }
0x22: {  	[simem:s7], [sflag:s8] =	dma.local @!p0 [hbm:s6], $0xF7A  }
0x23: {  	s9 =	sor.u32 $0xD0000000, s2;
	s6 =	simm.s32 $0x108;
	_ =	swait.ge @!p0 [sflag:s8], $0x0  }
0x24: {  	s3 =	sadd.s32 $0x88, s3;
	s6 =	simm.s32 @!p1 $0x1082;
	[sflag:s4] =	ssyncset.s32 $0xFFFFF086  }
0x25: {  	[simem:s6], [sflag:s4] =	dma.local [hbm:s3], $0xF7A  }
0x26: {  	[smem:$0x3F9D] =	sst s1;
	(tag) =	ssettag s2;
	_ =	strace s9  }
0x27: {  	s1 =	sld [smem:$0x3FAD]  }
0x28: {  	s2 =	sld [smem:$0x3FAE]  }
0x29: {  	s4 =	sld [smem:$0x3FB0]  }
0x2a: {  	p0 =	seq.s32 s5, $0x0;
	s5 =	sld [smem:$0x3FB1]  }
0x2b: {  	s6 =	sld [smem:$0x3FB2]  }
0x2c: {  	s7 =	sld [smem:$0x3FB3]  }
0x2d: {  	s3 =	simm.s32 $0x108;
	s8 =	sld [smem:$0x3FB4]  }
0x2e: {  	s3 =	simm.s32 @!p0 $0x1082;
	s9 =	sld [smem:$0x3FB5]  }
0x2f: {  	lr =	sadd.s32 s0, s3;
	s0 =	sld [smem:$0x3FAC]  }
0x30: {  	s3 =	sld [smem:$0x3FAF]  }
0x31: {  	[smem:$0x3FB8] =	sst s10  }
0x32: {  	s10 =	sld [smem:$0x3FB6];
	_ =	sdelay $0x3  }
0x33: {  	p0 =	seq.s32 s10, $0x1;
	s10 =	sld [smem:$0x3FB8];
	_ =	sdelay $0x3  }
0x34: {  	[smem:$0x3FB8] =	sst s10  }
0x35: {  	s10 =	sld [smem:$0x3FB7];
	_ =	sdelay $0x3  }
0x36: {  	p1 =	seq.s32 s10, $0x1;
	s10 =	sld [smem:$0x3FB8];
	_ =	sdelay $0x3  }
0x37: {  	[smem:$0x3FB8] =	sst s10  }
0x38: {  	s10 =	sld [smem:$0x3FB9]  }
0x39: {  	_ = 	snop;
	(pc) =	sbr.ind lr, $3  }
0x3a: {  	_ = 	snop  }
0x3b: {  	_ = 	snop  }
0x3c: {  	p2 =	seq.s32 s10, $0x1;
	s10 =	sld [smem:$0x3FB8]  }
0x3d: {  	_ =	shalt  }
0x3e: {  	_ =	shalt  }
0x3f: {  	_ =	shalt  }
0x40: {  	_ =	shalt  }
0x41: {  	_ =	shalt  }
0x42: {  	_ =	shalt  }
0x43: {  	_ =	shalt  }
0x44: {  	_ =	shalt  }
0x45: {  	_ =	shalt  }
0x46: {  	_ =	shalt  }
0x47: {  	_ =	shalt  }
0x48: {  	_ =	shalt  }
0x49: {  	_ =	shalt  }
0x4a: {  	_ =	shalt  }
0x4b: {  	_ =	shalt  }
0x4c: {  	_ =	shalt  }
0x4d: {  	_ =	shalt  }
0x4e: {  	_ =	shalt  }
0x4f: {  	_ =	shalt  }
0x50: {  	_ =	shalt  }
0x51: {  	_ =	shalt  }
0x52: {  	_ =	shalt  }
0x53: {  	_ =	shalt  }
0x54: {  	_ =	shalt  }
0x55: {  	_ =	shalt  }
0x56: {  	_ =	shalt  }
0x57: {  	_ =	shalt  }
0x58: {  	_ =	shalt  }
0x59: {  	_ =	shalt  }
0x5a: {  	_ =	shalt  }
0x5b: {  	_ =	shalt  }
0x5c: {  	_ =	shalt  }
0x5d: {  	_ =	shalt  }
0x5e: {  	_ =	shalt  }
0x5f: {  	_ =	shalt  }
0x60: {  	_ =	shalt  }
0x61: {  	_ =	shalt  }
0x62: {  	_ =	shalt  }
0x63: {  	_ =	shalt  }
0x64: {  	_ =	shalt  }
0x65: {  	_ =	shalt  }
0x66: {  	_ =	shalt  }
0x67: {  	_ =	shalt  }
0x68: {  	_ =	shalt  }
0x69: {  	_ =	shalt  }
0x6a: {  	_ =	shalt  }
0x6b: {  	_ =	shalt  }
0x6c: {  	_ =	shalt  }
0x6d: {  	_ =	shalt  }
0x6e: {  	_ =	shalt  }
0x6f: {  	_ =	shalt  }
0x70: {  	_ =	shalt  }
0x71: {  	_ =	shalt  }
0x72: {  	_ =	shalt  }
0x73: {  	_ =	shalt  }
0x74: {  	_ =	shalt  }
0x75: {  	_ =	shalt  }
0x76: {  	_ =	shalt  }
0x77: {  	_ =	shalt  }
0x78: {  	_ =	shalt  }
0x79: {  	_ =	shalt  }
0x7a: {  	_ =	shalt  }
0x7b: {  	_ =	shalt  }
0x7c: {  	_ =	shalt  }
0x7d: {  	_ =	shalt  }
0x7e: {  	_ =	shalt  }
0x7f: {  	_ =	shalt  }
0x80: {  	_ =	shalt  }
0x81: {  	_ =	shalt  }
0x82: {  	_ =	shalt  }
0x83: {  	_ =	shalt  }
0x84: {  	_ =	shalt  }
0x85: {  	_ =	shalt  }
0x86: {  	_ =	shalt  }
0x87: {  	_ =	shalt  }
.Lfunc_end0:
.L_simem_size_0:
called_computation.1_lowered:
.L_overlay_start_0:
0x88: {  	s2 =	sld [smem:$0x3FD9]  }
0x89: {  	s3 =	sld [smem:$0x3FFE];
	_ =	sdelay $0x1  }
0x8a: {  	s1 =	srdreg.scid  }
0x8b: {  	s0 =	sand.u32 $0x1, s1  }
0x8c: {  	s14 =	sshll.u32 s0, $0xA;
	s2 =	sadd.s32 s3, s2  }
0x8d: {  	s2 =	sadd.s32 s2, s14  }
0x8e: {  	[smem:$0x3FC4] =	sst s2  }
0x8f: {  	_ = 	snop  }
0x90: {  	s2 =	sld [smem:$0x3FD0];
	_ =	sdelay $0x2  }
0x91: {  	s15 =	simm.s32 $0xA;
	s4 =	simm.s32 $0x10  }
0x92: {  	[smem:s4], [sflag:s15] =	dma.local [hbm:s2], $0x1  }
0x93: {  	_ =	swait.eq [sflag:s15], $0x1  }
0x94: {  	[sflag:s15] =	ssyncset.done $0x0  }
0x95: {  	s16 =	sld [smem:$0x10];
	[sflag:s15] =	ssyncadd.s32 $0xFFFFFFFF  }
0x96: {  	s17 =	sld [smem:$0x11];
	(tm) =	ssettm $0x1  }
0x97: {  	s18 =	sld [smem:$0x3FFB];
	_ =	sdelay $0x3  }
0x98: {  	_ =	strace s18  }
0x99: {  	s4 =	sld [smem:$0x3FFC];
	_ =	sdelay $0x3  }
0x9a: {  	_ =	strace s4  }
0x9b: {  	s4 =	sld [smem:$0x3FFD];
	_ =	sdelay $0x3  }
0x9c: {  	_ =	strace s4  }
0x9d: {  	_ =	strace $0x8FFFFFFF  }
0x9e: {  	s19 =	sld [smem:$0x3FDB];
	_ =	sdelay $0x1  }
0x9f: {  	s5 =	simm.s32 $_scs_section_size  }
0xa0: {  	s6 =	simm.s32 $_size__tile_overlayer_lowered;
	s7 =	simm.s32 $_tile_overlayer_lowered  }
0xa1: {  	s22 =	simm.s32 $0x1BFF;
	s21 =	sshll.u32 s7, $0x1;
	s4 =	sadd.s32 s5, s19  }
0xa2: {  	s8 =	simm.s32 $0x0;
	s20 =	sshll.u32 s6, $0x1;
	s6 =	sadd.s32 s21, s4  }
0xa3: {  	[timem:s8], [sflag:s22] =	dma.local [hbm:s6], s20  }
0xa4: {  	_ =	swait.ge [sflag:s22], s20  }
0xa5: {  	s5 =	ssub.s32 $0x0, s20;
	[sflag:s22] =	ssyncset.done $0x0  }
0xa6: {  	[sflag:s22] =	ssyncadd.s32 s5;
	_ =	sdelay $0x1  }
0xa7: {  	s23 =	simm.s32 $0x1B8B  }
0xa8: {  	_ =	swait.ge [sflag:s23], $0x1  }
0xa9: {  	[sflag:s23] =	ssyncset.done $0x0  }
0xaa: {  	s25 =	simm.s32 $0x1B8E;
	s24 =	sld [smem:$0x3FFE];
	[sflag:s23] =	ssyncadd.s32 $0xFFFFFFFF  }
0xab: {  	s26 =	simm.s32 $execute0_lowered;
	[smem:$0x3FD2] =	sst s25  }
0xac: {  	s6 =	sshll.u32 s26, $0x1;
	_ =	strace $0x80000046;
	[dreg:$0x1] =	wrdreg $0xFFFFFFFF  }
0xad: {  	s28 =	simm.s32 $_size_execute0_lowered;
	s4 =	sadd.s32 s4, s6;
	[dreg:$0x0] =	wrdreg $0x0  }
0xae: {  	s6 =	sshll.u32 s28, $0x1;
	[dreg:$0x2] =	wrdreg s4  }
0xaf: {  	[dreg:$0x3] =	wrdreg s6  }
0xb0: {  	[dreg:$0x4] =	wrdreg $0xC0  }
0xb1: {  	_ =	task [dreg:s8], $0x5FFFF  }
0xb2: {  	[dreg:$0x1] =	wrdreg $0xFFFFFFFF  }
0xb3: {  	[dreg:$0x0] =	wrdreg $0x60  }
0xb4: {  	[dreg:$0x2] =	wrdreg s16  }
0xb5: {  	[dreg:$0x3] =	wrdreg s24  }
0xb6: {  	[dreg:$0x4] =	wrdreg s17  }
0xb7: {  	[dreg:$0x5] =	wrdreg $0x28000  }
0xb8: {  	[dreg:$0x6] =	wrdreg $0x9  }
0xb9: {  	_ =	task.clear_ibuf [dreg:s8], $0x7FFFF;
	_ =	strace $0x90000046  }
0xba: {  	s29 =	simm.s32 $0x9;
	_ =	strace $0x80000048  }
0xbb: {  	_ =	swait.ge [sflag:s29], $0x1  }
0xbc: {  	[sflag:s29] =	ssyncadd.s32 $0xFFFFFFFF  }
0xbd: {  	_ =	strace $0x90000048  }
0xbe: {  	_ =	sfence  }
0xbf: {  	s30 =	sld [smem:$0x0];
	_ =	sdelay $0x2  }
0xc0: {  	s31 =	sshll.u32 s1, $0xD;
	s1 =	sshrl.u32 s1, $0x2  }
0xc1: {  	s3 =	sand.u32 $0x4000, s31;
	s1 =	sadd.s32 s1, s30  }
0xc2: {  	s0 =	sor.u32 s3, s0;
	s1 =	sshll.u32 s1, $0x11  }
0xc3: {  	s0 =	sor.u32 s1, s0  }
0xc4: {  	s0 =	sadd.s32 $0x8F2B, s0  }
0xc5: {  	[sflag:s0] =	ssyncadd.remote.s32 $0x1  }
0xc6: {  	_ =	sfence.sel $0xFFFF  }
0xc7: {  	[dreg:$0x0] =	wrdreg $0xFFFFFFFF;
	(pc) =	sbr.abs _section_cstart, $3  }
0xc8: {  	[dreg:$0x1] =	wrdreg $0xFFFFFFFF  }
0xc9: {  	_ =	task.clear_ibuf [dreg:s8], $0x2FFFF;
	_ =	strace $0x9FFFFFFF  }
0xca: {  	(tm) =	ssettm $0x7FFFFFFF  }
0xcb: {  	_ =	shalt  }
tec
execute0_lowered:
.L_overlay_start_1:
0x0: {  	(tag) =	ssettag $0x1  }
0x1: {  	s0 =	rddreg [dreg:$0x0]  }
0x2: {  	s4 =	rddreg [dreg:$0x1]  }
0x3: {  	s6 =	rddreg [dreg:$0x2]  }
0x4: {  	s1 =	srdreg.scid;
	s2 =	rddreg [dreg:$0x3]  }
0x5: {  	s30 =	rddreg [dreg:$0x4];
	s3 =	sand.u32 $0x1, s1;
	s1 =	simm.s32 $0x0  }
0x6: {  	s4 =	sadd.s32 $0x1000, s4;
	[smem:$0x7FF] =	sst s1  }
0x7: {  	s14 =	simm.s32 $0x100;
	_ =	strace $0x80000047;
	[dreg:$0x5] =	wrdreg s4  }
0x8: {  	s15 =	simm.s32 $0x180;
	[dreg:$0x11] =	wrdreg s14  }
0x9: {  	s16 =	simm.s32 $0x200;
	[dreg:$0x12] =	wrdreg s15  }
0xa: {  	s17 =	simm.s32 $0x280;
	[dreg:$0x13] =	wrdreg s16  }
0xb: {  	s18 =	simm.s32 $0x300;
	[dreg:$0x14] =	wrdreg s17  }
0xc: {  	s19 =	simm.s32 $0x380;
	[dreg:$0x15] =	wrdreg s18  }
0xd: {  	s20 =	simm.s32 $0x400;
	[dreg:$0x16] =	wrdreg s19  }
0xe: {  	s21 =	simm.s32 $0x480;
	[dreg:$0x17] =	wrdreg s20  }
0xf: {  	s22 =	simm.s32 $0x500;
	[dreg:$0x18] =	wrdreg s21  }
0x10: {  	s23 =	simm.s32 $0x580;
	[dreg:$0x19] =	wrdreg s22  }
0x11: {  	s5 =	stileid.u32;
	s24 =	simm.s32 $0x600;
	[dreg:$0x1a] =	wrdreg s23  }
0x12: {  	s25 =	simm.s32 $0x680;
	s26 =	sshll.u32 s5, $0x1;
	[dreg:$0x1b] =	wrdreg s24  }
0x13: {  	p0 =	sne.s32 s5, $0x0;
	s5 =	simm.s32 $0x880;
	[dreg:$0x1c] =	wrdreg s25  }
0x14: {  	[smem:$0x7C1] =	sst s5;
	s14 =	simm.s32 $0xD00  }
0x15: {  	s15 =	simm.s32 $0xD80;
	[smem:$0x7CA] =	sst s14  }
0x16: {  	s16 =	simm.s32 $0xE00;
	[smem:$0x7CB] =	sst s15  }
0x17: {  	s17 =	simm.s32 $0xE80;
	[smem:$0x7CC] =	sst s16  }
0x18: {  	s18 =	simm.s32 $0xF00;
	[smem:$0x7CD] =	sst s17  }
0x19: {  	s19 =	simm.s32 $0xF80;
	[smem:$0x7CE] =	sst s18  }
0x1a: {  	s20 =	simm.s32 $0x1000;
	[smem:$0x7CF] =	sst s19  }
0x1b: {  	s21 =	simm.s32 $0x1080;
	[smem:$0x7D0] =	sst s20  }
0x1c: {  	s22 =	simm.s32 $0x1100;
	[smem:$0x7D1] =	sst s21  }
0x1d: {  	s23 =	simm.s32 $0x1180;
	[smem:$0x7D2] =	sst s22  }
0x1e: {  	s24 =	simm.s32 $0x1200;
	[smem:$0x7D3] =	sst s23  }
0x1f: {  	s25 =	simm.s32 $0x1280;
	[smem:$0x7D4] =	sst s24  }
0x20: {  	s5 =	simm.s32 $0x1480;
	[smem:$0x7D5] =	sst s25  }
0x21: {  	[smem:$0x7D9] =	sst s5;
	s14 =	simm.s32 $0x1900  }
0x22: {  	s15 =	simm.s32 $0x1980;
	[smem:$0x7E2] =	sst s14  }
0x23: {  	s16 =	simm.s32 $0x1A00;
	[smem:$0x7E3] =	sst s15  }
0x24: {  	s17 =	simm.s32 $0x1A80;
	[smem:$0x7E4] =	sst s16  }
0x25: {  	s18 =	simm.s32 $0x1B00;
	[smem:$0x7E5] =	sst s17  }
0x26: {  	s20 =	simm.s32 $0x1B80;
	[smem:$0x7E6] =	sst s18  }
0x27: {  	s21 =	simm.s32 $0x1C00;
	[smem:$0x7E7] =	sst s20  }
0x28: {  	s22 =	simm.s32 $0x1C80;
	[smem:$0x7E8] =	sst s21  }
0x29: {  	s23 =	simm.s32 $0x1D00;
	[smem:$0x7E9] =	sst s22  }
0x2a: {  	s7 =	sor.u32 s3, s26;
	s24 =	simm.s32 $0x1D80;
	[smem:$0x7EA] =	sst s23  }
0x2b: {  	s8 =	smul.u32 $0x500, s7;
	s25 =	simm.s32 $0x1E00;
	[smem:$0x7EB] =	sst s24  }
0x2c: {  	s5 =	simm.s32 $0x2000;
	[smem:$0x7EC] =	sst s25  }
0x2d: {  	s0 =	sadd.s32 s0, s8;
	[smem:$0x7F0] =	sst s5  }
0x2e: {  	s14 =	simm.s32 $0x2380;
	[dreg:$0x6] =	wrdreg s0  }
0x2f: {  	s15 =	simm.s32 $0x2400;
	[smem:$0x7F7] =	sst s14  }
0x30: {  	s9 =	smul.u32 $0xA000, s7;
	s16 =	simm.s32 $0x2480;
	[smem:$0x7F8] =	sst s15  }
0x31: {  	s7 =	smul.u32 $0x50000, s7;
	s22 =	simm.s32 $0x2500;
	[smem:$0x7F9] =	sst s16  }
0x32: {  	s26 =	sadd.s32 s6, s9;
	s23 =	simm.s32 $0x2580;
	[smem:$0x7FA] =	sst s22  }
0x33: {  	s31 =	sadd.s32 $0x1000, s26;
	[smem:$0x7FB] =	sst s23  }
0x34: {  	s29 =	sshrl.u32 s7, $0x3;
	s0 =	sshrl.u32 @!p0 s2, $0x3;
	[dreg:$0x7] =	wrdreg s31  }
0x35: {  	s4 =	sadd.s32 s6, s29;
	s29 =	simm.s32 $0x700;
	[dreg:$0x10] =	wrdreg s0  }
0x36: {  	s6 =	sadd.s32 $0x2000, s4;
	[dreg:$0x1d] =	wrdreg s29  }
0x37: {  	s7 =	sadd.s32 $0x3000, s4;
	[dreg:$0x8] =	wrdreg s6  }
0x38: {  	s8 =	sadd.s32 $0x4000, s4;
	[dreg:$0x9] =	wrdreg s7  }
0x39: {  	s9 =	sadd.s32 $0x5000, s4;
	[dreg:$0xa] =	wrdreg s8  }
0x3a: {  	s10 =	sadd.s32 $0x6000, s4;
	[dreg:$0xb] =	wrdreg s9  }
0x3b: {  	s11 =	sadd.s32 $0x7000, s4;
	[dreg:$0xc] =	wrdreg s10  }
0x3c: {  	s12 =	sadd.s32 $0x8000, s4;
	[dreg:$0xd] =	wrdreg s11  }
0x3d: {  	s13 =	sadd.s32 $0x9000, s4;
	[dreg:$0xe] =	wrdreg s12  }
0x3e: {  	s31 =	simm.s32 $0x780;
	[dreg:$0xf] =	wrdreg s13  }
0x3f: {  	s4 =	simm.s32 $0x800;
	[dreg:$0x1e] =	wrdreg s31  }
0x40: {  	s29 =	simm.s32 $0x1300;
	[dreg:$0x1f] =	wrdreg s4  }
0x41: {  	[smem:$0x7D6] =	sst s29  }
0x42: {  	s28 =	simm.s32 $0x5;
	s6 =	simm.s32 $0x900;
	s0 =	rddreg [dreg:$0x10]  }
0x43: {  	p1 =	por $0x0, $0x0;
	s7 =	simm.s32 $0x980;
	[smem:$0x7C2] =	sst s6  }
0x44: {  	s3 =	ssub.s32 $0x2, s3;
	s8 =	simm.s32 $0xA00;
	[smem:$0x7C3] =	sst s7  }
0x45: {  	s19 =	sshrl.u32 s3, $0x1;
	s9 =	simm.s32 $0xA80;
	[smem:$0x7C4] =	sst s8  }
0x46: {  	s3 =	ssub.s32 s3, s19;
	s10 =	simm.s32 $0xB00;
	[smem:$0x7C5] =	sst s9  }
0x47: {  	s17 =	simm.s32 $0x3890;
	s11 =	simm.s32 $0xB80;
	[smem:$0x7C6] =	sst s10  }
0x48: {  	s18 =	simm.s32 $0x4890;
	s12 =	simm.s32 $0xC00;
	[smem:$0x7C7] =	sst s11  }
0x49: {  	s19 =	simm.s32 $0x5890;
	s13 =	simm.s32 $0xC80;
	[smem:$0x7C8] =	sst s12  }
0x4a: {  	s20 =	simm.s32 $0x6890;
	s31 =	simm.s32 $0x1380;
	[smem:$0x7C9] =	sst s13  }
0x4b: {  	s21 =	simm.s32 $0x7890;
	s4 =	simm.s32 $0x1400;
	[smem:$0x7D7] =	sst s31  }
0x4c: {  	s24 =	simm.s32 $0x8890;
	s29 =	simm.s32 $0x1E80;
	[smem:$0x7D8] =	sst s4  }
0x4d: {  	s25 =	simm.s32 $0x9890;
	s6 =	simm.s32 $0x1500;
	[smem:$0x7ED] =	sst s29  }
0x4e: {  	s5 =	simm.s32 $0x3;
	s7 =	simm.s32 $0x1580;
	[smem:$0x7DA] =	sst s6  }
0x4f: {  	s14 =	simm.s32 $0xF890;
	s8 =	simm.s32 $0x1600;
	[smem:$0x7DB] =	sst s7  }
0x50: {  	s15 =	simm.s32 $0x10890;
	s9 =	simm.s32 $0x1680;
	[smem:$0x7DC] =	sst s8  }
0x51: {  	s16 =	simm.s32 $0x11890;
	s10 =	simm.s32 $0x1700;
	[smem:$0x7DD] =	sst s9  }
0x52: {  	s23 =	simm.s32 $0x2780;
	s11 =	simm.s32 $0x1780;
	[smem:$0x7DE] =	sst s10  }
0x53: {  	s12 =	simm.s32 $0x1800;
	s13 =	simm.s32 $0x1880;
	[smem:$0x7DF] =	sst s11  }
0x54: {  	s4 =	simm.s32 $0x2890;
	s31 =	simm.s32 $0x1F00;
	[smem:$0x7E0] =	sst s12  }
0x55: {  	s29 =	simm.s32 $0x2600;
	[smem:$0x7E1] =	sst s13;
	s7 =	smax.u32 s3, $0x1  }
0x56: {  	s6 =	simm.s32 $0x80;
	[smem:$0x7EE] =	sst s31;
	s3 =	simm.s32 $0x1F80  }
0x57: {  	s8 =	simm.s32 $0x2080;
	s9 =	simm.s32 $0x2100;
	[smem:$0x7FC] =	sst s29  }
0x58: {  	s10 =	simm.s32 $0x2180;
	s11 =	simm.s32 $0x2200;
	[smem:$0x7EF] =	sst s3  }
0x59: {  	s12 =	simm.s32 $0x2280;
	[smem:$0x7F1] =	sst s8;
	s22 =	sadd.s32 $0xFFFFFFFF, s7  }
0x5a: {  	s13 =	simm.s32 $0x2300;
	[smem:$0x7F2] =	sst s9;
	p2 =	sne.s32 s22, $0x0  }
.Ltmp0:
0x5b: {  	s31 =	simm.s32 $0x2680;
	[smem:$0x7F3] =	sst s10;
	(pc) =	sbr.rel @!p2 .LBB2_1-.Ltmp0, $4  }
0x5c: {  	s3 =	simm.s32 $0xA890;
	s10 =	simm.s32 $0xB890;
	[smem:$0x7F4] =	sst s11  }
0x5d: {  	s11 =	simm.s32 $0xC890;
	[smem:$0x7F5] =	sst s12;
	s12 =	simm.s32 $0xD890  }
0x5e: {  	[smem:$0x7F6] =	sst s13;
	s13 =	simm.s32 $0xE890;
	s9 =	simm.s32 $0x1  }
0x5f: {  	[smem:$0x7FD] =	sst s31;
	s8 =	simm.s32 $0x2;
	s7 =	simm.s32 $0x4  }
0x60: {  	s31 =	rddreg [dreg:$0x5];
	s29 =	simm.s32 @!p0 $0x1C05;
	s30 =	simm.s32 @!p0 $0x5  }
0x61: {  	[spmem:s0], [sflag:s29] =	dma.local @!p0 [hbm:s31], $0x114  }
0x62: {  	_ =	swait.ge @!p0 [sflag:s30], $0x114  }
0x63: {  	[sflag:s30] =	ssyncset.done @!p0 $0x0  }
0x64: {  	[sflag:s30] =	ssyncadd.s32 @!p0 $0xFFFFFEEC  }
0x65: {  	[bflag:$0x0] =	sbarrier.arrive $0xFFFF  }
0x66: {  	s0 =	rddreg [dreg:$0x6]  }
0x67: {  	[tilespmem:s1], [sflag:$0x5] =	stream.linear.gather [hbm4b:s0+s1], $0x2800, $0x38;
	[tilespmem:$0x12890] =	vst v63  }
0x68: {  	_ =	swait.ge [sflag:s28], $0x2800  }
0x69: {  	[sflag:s28] =	ssyncset.done $0x0  }
0x6a: {  	[sflag:s28] =	ssyncadd.s32 $0xFFFFD800  }
0x6b: {  	[tilespmem:s4], [sflag:$0x1] =	stream.indirect.gather [spmem:s2], $0x20, s1, s6, $0xb8;
	[tilespmem:$0x12890] =	vst v63  }
0x6c: {  	_ = 	snop  }
0x6d: {  	[tilespmem:s17], [sflag:$0x1] =	stream.indirect.gather [spmem:s2], $0x20, s6, s6, $0xb8;
	[tilespmem:$0x12890] =	vst v63  }
0x6e: {  	s0 =	rddreg [dreg:$0x11]  }
0x6f: {  	[tilespmem:s18], [sflag:$0x1] =	stream.indirect.gather [spmem:s2], $0x20, s0, s6, $0xb8;
	[tilespmem:$0x12890] =	vst v63  }
0x70: {  	s31 =	rddreg [dreg:$0x12]  }
0x71: {  	[tilespmem:s19], [sflag:$0x1] =	stream.indirect.gather [spmem:s2], $0x20, s31, s6, $0xb8;
	[tilespmem:$0x12890] =	vst v63  }
0x72: {  	s0 =	rddreg [dreg:$0x13]  }
0x73: {  	[tilespmem:s20], [sflag:$0x1] =	stream.indirect.gather [spmem:s2], $0x20, s0, s6, $0xb8;
	[tilespmem:$0x12890] =	vst v63  }
0x74: {  	s31 =	rddreg [dreg:$0x14]  }
0x75: {  	[tilespmem:s21], [sflag:$0x1] =	stream.indirect.gather [spmem:s2], $0x20, s31, s6, $0xb8;
	[tilespmem:$0x12890] =	vst v63  }
0x76: {  	s0 =	rddreg [dreg:$0x15]  }
0x77: {  	[tilespmem:s24], [sflag:$0x1] =	stream.indirect.gather [spmem:s2], $0x20, s0, s6, $0xb8;
	[tilespmem:$0x12890] =	vst v63  }
0x78: {  	s31 =	rddreg [dreg:$0x16]  }
0x79: {  	[tilespmem:s25], [sflag:$0x1] =	stream.indirect.gather [spmem:s2], $0x20, s31, s6, $0xb8;
	[tilespmem:$0x12890] =	vst v63  }
0x7a: {  	s0 =	rddreg [dreg:$0x17]  }
0x7b: {  	[tilespmem:s3], [sflag:$0x2] =	stream.indirect.gather [spmem:s2], $0x20, s0, s6, $0xb8;
	[tilespmem:$0x12890] =	vst v63  }
0x7c: {  	s31 =	rddreg [dreg:$0x18]  }
0x7d: {  	[tilespmem:s10], [sflag:$0x2] =	stream.indirect.gather [spmem:s2], $0x20, s31, s6, $0xb8;
	[tilespmem:$0x12890] =	vst v63  }
0x7e: {  	s0 =	rddreg [dreg:$0x19]  }
0x7f: {  	[tilespmem:s11], [sflag:$0x2] =	stream.indirect.gather [spmem:s2], $0x20, s0, s6, $0xb8;
	[tilespmem:$0x12890] =	vst v63  }
0x80: {  	s31 =	rddreg [dreg:$0x1a]  }
0x81: {  	[tilespmem:s12], [sflag:$0x2] =	stream.indirect.gather [spmem:s2], $0x20, s31, s6, $0xb8;
	[tilespmem:$0x12890] =	vst v63  }
0x82: {  	s0 =	rddreg [dreg:$0x1b]  }
0x83: {  	[tilespmem:s13], [sflag:$0x2] =	stream.indirect.gather [spmem:s2], $0x20, s0, s6, $0xb8;
	[tilespmem:$0x12890] =	vst v63  }
0x84: {  	s31 =	rddreg [dreg:$0x1c]  }
0x85: {  	[tilespmem:s14], [sflag:$0x2] =	stream.indirect.gather [spmem:s2], $0x20, s31, s6, $0xb8;
	[tilespmem:$0x12890] =	vst v63  }
0x86: {  	s0 =	rddreg [dreg:$0x1d]  }
0x87: {  	[tilespmem:s15], [sflag:$0x2] =	stream.indirect.gather [spmem:s2], $0x20, s0, s6, $0xb8;
	[tilespmem:$0x12890] =	vst v63  }
0x88: {  	s31 =	rddreg [dreg:$0x1e]  }
0x89: {  	[tilespmem:s16], [sflag:$0x2] =	stream.indirect.gather [spmem:s2], $0x20, s31, s6, $0xb8;
	[tilespmem:$0x12890] =	vst v63  }
0x8a: {  	_ =	swait.ge [sflag:s9], $0x1000  }
0x8b: {  	[sflag:s9] =	ssyncset.done $0x0  }
0x8c: {  	[sflag:s9] =	ssyncadd.s32 $0xFFFFF000  }
0x8d: {  	_ =	swait.ge [sflag:s9], $0x1000  }
0x8e: {  	[sflag:s9] =	ssyncset.done $0x0  }
0x8f: {  	[sflag:s9] =	ssyncadd.s32 $0xFFFFF000  }
0x90: {  	_ =	swait.ge [sflag:s9], $0x1000  }
0x91: {  	[sflag:s9] =	ssyncset.done $0x0  }
0x92: {  	[sflag:s9] =	ssyncadd.s32 $0xFFFFF000  }
0x93: {  	_ =	swait.ge [sflag:s9], $0x1000  }
0x94: {  	[sflag:s9] =	ssyncset.done $0x0  }
0x95: {  	[sflag:s9] =	ssyncadd.s32 $0xFFFFF000  }
0x96: {  	_ =	swait.ge [sflag:s9], $0x1000  }
0x97: {  	[sflag:s9] =	ssyncset.done $0x0  }
0x98: {  	[sflag:s9] =	ssyncadd.s32 $0xFFFFF000  }
0x99: {  	_ =	swait.ge [sflag:s9], $0x1000  }
0x9a: {  	[sflag:s9] =	ssyncset.done $0x0  }
0x9b: {  	[sflag:s9] =	ssyncadd.s32 $0xFFFFF000  }
0x9c: {  	_ =	swait.ge [sflag:s9], $0x1000  }
0x9d: {  	[sflag:s9] =	ssyncset.done $0x0  }
0x9e: {  	[sflag:s9] =	ssyncadd.s32 $0xFFFFF000  }
0x9f: {  	_ =	swait.ge [sflag:s9], $0x1000  }
0xa0: {  	[sflag:s9] =	ssyncset.done $0x0  }
0xa1: {  	[sflag:s9] =	ssyncadd.s32 $0xFFFFF000  }
0xa2: {  	[hbm4b:s26+s1] =	stream.linear.scatter [tilespmem:s4], [sflag:$0x3], $0x8000, $0x38;
	[tilespmem:$0x12890] =	vst v63  }
0xa3: {  	_ =	swait.ge [sflag:s5], $0x8000  }
0xa4: {  	s0 =	rddreg [dreg:$0x1f];
	[sflag:s5] =	ssyncset.done $0x0  }
0xa5: {  	s31 =	sld [smem:$0x7C1];
	[sflag:s5] =	ssyncadd.s32 $0xFFFF8000  }
0xa6: {  	[tilespmem:s4], [sflag:$0x1] =	stream.indirect.gather [spmem:s2], $0x20, s0, s6, $0xb8;
	[tilespmem:$0x12890] =	vst v63  }
0xa7: {  	s0 =	sld [smem:$0x7C2]  }
0xa8: {  	[tilespmem:s17], [sflag:$0x1] =	stream.indirect.gather [spmem:s2], $0x20, s31, s6, $0xb8;
	[tilespmem:$0x12890] =	vst v63  }
0xa9: {  	s31 =	sld [smem:$0x7C3]  }
0xaa: {  	[tilespmem:s18], [sflag:$0x1] =	stream.indirect.gather [spmem:s2], $0x20, s0, s6, $0xb8;
	[tilespmem:$0x12890] =	vst v63  }
0xab: {  	s0 =	sld [smem:$0x7C4]  }
0xac: {  	[tilespmem:s19], [sflag:$0x1] =	stream.indirect.gather [spmem:s2], $0x20, s31, s6, $0xb8;
	[tilespmem:$0x12890] =	vst v63  }
0xad: {  	s31 =	sld [smem:$0x7C5]  }
0xae: {  	[tilespmem:s20], [sflag:$0x1] =	stream.indirect.gather [spmem:s2], $0x20, s0, s6, $0xb8;
	[tilespmem:$0x12890] =	vst v63  }
0xaf: {  	s0 =	sld [smem:$0x7C6]  }
0xb0: {  	[tilespmem:s21], [sflag:$0x1] =	stream.indirect.gather [spmem:s2], $0x20, s31, s6, $0xb8;
	[tilespmem:$0x12890] =	vst v63  }
0xb1: {  	s31 =	sld [smem:$0x7C7]  }
0xb2: {  	[tilespmem:s24], [sflag:$0x1] =	stream.indirect.gather [spmem:s2], $0x20, s0, s6, $0xb8;
	[tilespmem:$0x12890] =	vst v63  }
0xb3: {  	_ = 	snop  }
0xb4: {  	[tilespmem:s25], [sflag:$0x1] =	stream.indirect.gather [spmem:s2], $0x20, s31, s6, $0xb8;
	[tilespmem:$0x12890] =	vst v63  }
0xb5: {  	_ =	swait.ge [sflag:s8], $0x1000  }
0xb6: {  	[sflag:s8] =	ssyncset.done $0x0  }
0xb7: {  	[sflag:s8] =	ssyncadd.s32 $0xFFFFF000  }
0xb8: {  	_ =	swait.ge [sflag:s8], $0x1000  }
0xb9: {  	[sflag:s8] =	ssyncset.done $0x0  }
0xba: {  	[sflag:s8] =	ssyncadd.s32 $0xFFFFF000  }
0xbb: {  	_ =	swait.ge [sflag:s8], $0x1000  }
0xbc: {  	[sflag:s8] =	ssyncset.done $0x0  }
0xbd: {  	[sflag:s8] =	ssyncadd.s32 $0xFFFFF000  }
0xbe: {  	_ =	swait.ge [sflag:s8], $0x1000  }
0xbf: {  	[sflag:s8] =	ssyncset.done $0x0  }
0xc0: {  	[sflag:s8] =	ssyncadd.s32 $0xFFFFF000  }
0xc1: {  	_ =	swait.ge [sflag:s8], $0x1000  }
0xc2: {  	[sflag:s8] =	ssyncset.done $0x0  }
0xc3: {  	[sflag:s8] =	ssyncadd.s32 $0xFFFFF000  }
0xc4: {  	_ =	swait.ge [sflag:s8], $0x1000  }
0xc5: {  	[sflag:s8] =	ssyncset.done $0x0  }
0xc6: {  	[sflag:s8] =	ssyncadd.s32 $0xFFFFF000  }
0xc7: {  	_ =	swait.ge [sflag:s8], $0x1000  }
0xc8: {  	[sflag:s8] =	ssyncset.done $0x0  }
0xc9: {  	[sflag:s8] =	ssyncadd.s32 $0xFFFFF000  }
0xca: {  	_ =	swait.ge [sflag:s8], $0x1000  }
0xcb: {  	[sflag:s8] =	ssyncset.done $0x0  }
0xcc: {  	s0 =	rddreg [dreg:$0x7];
	[sflag:s8] =	ssyncadd.s32 $0xFFFFF000  }
0xcd: {  	[hbm4b:s0+s1] =	stream.linear.scatter [tilespmem:s3], [sflag:$0x4], $0x8000, $0x38;
	[tilespmem:$0x12890] =	vst v63  }
0xce: {  	_ =	swait.ge [sflag:s7], $0x8000  }
0xcf: {  	s0 =	sld [smem:$0x7C8]  }
0xd0: {  	[sflag:s7] =	ssyncset.done $0x0  }
0xd1: {  	s31 =	sld [smem:$0x7C9];
	[sflag:s7] =	ssyncadd.s32 $0xFFFF8000  }
0xd2: {  	[tilespmem:s3], [sflag:$0x2] =	stream.indirect.gather [spmem:s2], $0x20, s0, s6, $0xb8;
	[tilespmem:$0x12890] =	vst v63  }
0xd3: {  	s0 =	sld [smem:$0x7CA]  }
0xd4: {  	[tilespmem:s10], [sflag:$0x2] =	stream.indirect.gather [spmem:s2], $0x20, s31, s6, $0xb8;
	[tilespmem:$0x12890] =	vst v63  }
0xd5: {  	s31 =	sld [smem:$0x7CB]  }
0xd6: {  	[tilespmem:s11], [sflag:$0x2] =	stream.indirect.gather [spmem:s2], $0x20, s0, s6, $0xb8;
	[tilespmem:$0x12890] =	vst v63  }
0xd7: {  	s0 =	sld [smem:$0x7CC]  }
0xd8: {  	[tilespmem:s12], [sflag:$0x2] =	stream.indirect.gather [spmem:s2], $0x20, s31, s6, $0xb8;
	[tilespmem:$0x12890] =	vst v63  }
0xd9: {  	s31 =	sld [smem:$0x7CD]  }
0xda: {  	[tilespmem:s13], [sflag:$0x2] =	stream.indirect.gather [spmem:s2], $0x20, s0, s6, $0xb8;
	[tilespmem:$0x12890] =	vst v63  }
0xdb: {  	s0 =	sld [smem:$0x7CE]  }
0xdc: {  	[tilespmem:s14], [sflag:$0x2] =	stream.indirect.gather [spmem:s2], $0x20, s31, s6, $0xb8;
	[tilespmem:$0x12890] =	vst v63  }
0xdd: {  	s31 =	sld [smem:$0x7CF]  }
0xde: {  	[tilespmem:s15], [sflag:$0x2] =	stream.indirect.gather [spmem:s2], $0x20, s0, s6, $0xb8;
	[tilespmem:$0x12890] =	vst v63  }
0xdf: {  	_ = 	snop  }
0xe0: {  	[tilespmem:s16], [sflag:$0x2] =	stream.indirect.gather [spmem:s2], $0x20, s31, s6, $0xb8;
	[tilespmem:$0x12890] =	vst v63  }
0xe1: {  	_ =	swait.ge [sflag:s9], $0x1000  }
0xe2: {  	[sflag:s9] =	ssyncset.done $0x0  }
0xe3: {  	[sflag:s9] =	ssyncadd.s32 $0xFFFFF000  }
0xe4: {  	_ =	swait.ge [sflag:s9], $0x1000  }
0xe5: {  	[sflag:s9] =	ssyncset.done $0x0  }
0xe6: {  	[sflag:s9] =	ssyncadd.s32 $0xFFFFF000  }
0xe7: {  	_ =	swait.ge [sflag:s9], $0x1000  }
0xe8: {  	[sflag:s9] =	ssyncset.done $0x0  }
0xe9: {  	[sflag:s9] =	ssyncadd.s32 $0xFFFFF000  }
0xea: {  	_ =	swait.ge [sflag:s9], $0x1000  }
0xeb: {  	[sflag:s9] =	ssyncset.done $0x0  }
0xec: {  	[sflag:s9] =	ssyncadd.s32 $0xFFFFF000  }
0xed: {  	_ =	swait.ge [sflag:s9], $0x1000  }
0xee: {  	[sflag:s9] =	ssyncset.done $0x0  }
0xef: {  	[sflag:s9] =	ssyncadd.s32 $0xFFFFF000  }
0xf0: {  	_ =	swait.ge [sflag:s9], $0x1000  }
0xf1: {  	[sflag:s9] =	ssyncset.done $0x0  }
0xf2: {  	[sflag:s9] =	ssyncadd.s32 $0xFFFFF000  }
0xf3: {  	_ =	swait.ge [sflag:s9], $0x1000  }
0xf4: {  	[sflag:s9] =	ssyncset.done $0x0  }
0xf5: {  	[sflag:s9] =	ssyncadd.s32 $0xFFFFF000  }
0xf6: {  	_ =	swait.ge [sflag:s9], $0x1000  }
0xf7: {  	[sflag:s9] =	ssyncset.done $0x0  }
0xf8: {  	s0 =	rddreg [dreg:$0x8];
	[sflag:s9] =	ssyncadd.s32 $0xFFFFF000  }
0xf9: {  	[hbm4b:s0+s1] =	stream.linear.scatter [tilespmem:s4], [sflag:$0x3], $0x8000, $0x38;
	[tilespmem:$0x12890] =	vst v63  }
0xfa: {  	_ =	swait.ge [sflag:s5], $0x8000  }
0xfb: {  	s0 =	sld [smem:$0x7D0]  }
0xfc: {  	[sflag:s5] =	ssyncset.done $0x0  }
0xfd: {  	s31 =	sld [smem:$0x7D1];
	[sflag:s5] =	ssyncadd.s32 $0xFFFF8000  }
0xfe: {  	[tilespmem:s4], [sflag:$0x1] =	stream.indirect.gather [spmem:s2], $0x20, s0, s6, $0xb8;
	[tilespmem:$0x12890] =	vst v63  }
0xff: {  	s0 =	sld [smem:$0x7D2]  }
0x100: {  	[tilespmem:s17], [sflag:$0x1] =	stream.indirect.gather [spmem:s2], $0x20, s31, s6, $0xb8;
	[tilespmem:$0x12890] =	vst v63  }
0x101: {  	s31 =	sld [smem:$0x7D3]  }
0x102: {  	[tilespmem:s18], [sflag:$0x1] =	stream.indirect.gather [spmem:s2], $0x20, s0, s6, $0xb8;
	[tilespmem:$0x12890] =	vst v63  }
0x103: {  	s0 =	sld [smem:$0x7D4]  }
0x104: {  	[tilespmem:s19], [sflag:$0x1] =	stream.indirect.gather [spmem:s2], $0x20, s31, s6, $0xb8;
	[tilespmem:$0x12890] =	vst v63  }
0x105: {  	s31 =	sld [smem:$0x7D5]  }
0x106: {  	[tilespmem:s20], [sflag:$0x1] =	stream.indirect.gather [spmem:s2], $0x20, s0, s6, $0xb8;
	[tilespmem:$0x12890] =	vst v63  }
0x107: {  	s0 =	sld [smem:$0x7D6]  }
0x108: {  	[tilespmem:s21], [sflag:$0x1] =	stream.indirect.gather [spmem:s2], $0x20, s31, s6, $0xb8;
	[tilespmem:$0x12890] =	vst v63  }
0x109: {  	s31 =	sld [smem:$0x7D7]  }
0x10a: {  	[tilespmem:s24], [sflag:$0x1] =	stream.indirect.gather [spmem:s2], $0x20, s0, s6, $0xb8;
	[tilespmem:$0x12890] =	vst v63  }
0x10b: {  	_ = 	snop  }
0x10c: {  	[tilespmem:s25], [sflag:$0x1] =	stream.indirect.gather [spmem:s2], $0x20, s31, s6, $0xb8;
	[tilespmem:$0x12890] =	vst v63  }
0x10d: {  	_ =	swait.ge [sflag:s8], $0x1000  }
0x10e: {  	[sflag:s8] =	ssyncset.done $0x0  }
0x10f: {  	[sflag:s8] =	ssyncadd.s32 $0xFFFFF000  }
0x110: {  	_ =	swait.ge [sflag:s8], $0x1000  }
0x111: {  	[sflag:s8] =	ssyncset.done $0x0  }
0x112: {  	[sflag:s8] =	ssyncadd.s32 $0xFFFFF000  }
0x113: {  	_ =	swait.ge [sflag:s8], $0x1000  }
0x114: {  	[sflag:s8] =	ssyncset.done $0x0  }
0x115: {  	[sflag:s8] =	ssyncadd.s32 $0xFFFFF000  }
0x116: {  	_ =	swait.ge [sflag:s8], $0x1000  }
0x117: {  	[sflag:s8] =	ssyncset.done $0x0  }
0x118: {  	[sflag:s8] =	ssyncadd.s32 $0xFFFFF000  }
0x119: {  	_ =	swait.ge [sflag:s8], $0x1000  }
0x11a: {  	[sflag:s8] =	ssyncset.done $0x0  }
0x11b: {  	[sflag:s8] =	ssyncadd.s32 $0xFFFFF000  }
0x11c: {  	_ =	swait.ge [sflag:s8], $0x1000  }
0x11d: {  	[sflag:s8] =	ssyncset.done $0x0  }
0x11e: {  	[sflag:s8] =	ssyncadd.s32 $0xFFFFF000  }
0x11f: {  	_ =	swait.ge [sflag:s8], $0x1000  }
0x120: {  	[sflag:s8] =	ssyncset.done $0x0  }
0x121: {  	[sflag:s8] =	ssyncadd.s32 $0xFFFFF000  }
0x122: {  	_ =	swait.ge [sflag:s8], $0x1000  }
0x123: {  	[sflag:s8] =	ssyncset.done $0x0  }
0x124: {  	s0 =	rddreg [dreg:$0x9];
	[sflag:s8] =	ssyncadd.s32 $0xFFFFF000  }
0x125: {  	[hbm4b:s0+s1] =	stream.linear.scatter [tilespmem:s3], [sflag:$0x4], $0x8000, $0x38;
	[tilespmem:$0x12890] =	vst v63  }
0x126: {  	_ =	swait.ge [sflag:s7], $0x8000  }
0x127: {  	s0 =	sld [smem:$0x7D8]  }
0x128: {  	[sflag:s7] =	ssyncset.done $0x0  }
0x129: {  	s31 =	sld [smem:$0x7D9];
	[sflag:s7] =	ssyncadd.s32 $0xFFFF8000  }
0x12a: {  	[tilespmem:s3], [sflag:$0x2] =	stream.indirect.gather [spmem:s2], $0x20, s0, s6, $0xb8;
	[tilespmem:$0x12890] =	vst v63  }
0x12b: {  	s0 =	sld [smem:$0x7DA]  }
0x12c: {  	[tilespmem:s10], [sflag:$0x2] =	stream.indirect.gather [spmem:s2], $0x20, s31, s6, $0xb8;
	[tilespmem:$0x12890] =	vst v63  }
0x12d: {  	s31 =	sld [smem:$0x7DB]  }
0x12e: {  	[tilespmem:s11], [sflag:$0x2] =	stream.indirect.gather [spmem:s2], $0x20, s0, s6, $0xb8;
	[tilespmem:$0x12890] =	vst v63  }
0x12f: {  	s0 =	sld [smem:$0x7DC]  }
0x130: {  	[tilespmem:s12], [sflag:$0x2] =	stream.indirect.gather [spmem:s2], $0x20, s31, s6, $0xb8;
	[tilespmem:$0x12890] =	vst v63  }
0x131: {  	s31 =	sld [smem:$0x7DD]  }
0x132: {  	[tilespmem:s13], [sflag:$0x2] =	stream.indirect.gather [spmem:s2], $0x20, s0, s6, $0xb8;
	[tilespmem:$0x12890] =	vst v63  }
0x133: {  	s0 =	sld [smem:$0x7DE]  }
0x134: {  	[tilespmem:s14], [sflag:$0x2] =	stream.indirect.gather [spmem:s2], $0x20, s31, s6, $0xb8;
	[tilespmem:$0x12890] =	vst v63  }
0x135: {  	s31 =	sld [smem:$0x7DF]  }
0x136: {  	[tilespmem:s15], [sflag:$0x2] =	stream.indirect.gather [spmem:s2], $0x20, s0, s6, $0xb8;
	[tilespmem:$0x12890] =	vst v63  }
0x137: {  	_ = 	snop  }
0x138: {  	[tilespmem:s16], [sflag:$0x2] =	stream.indirect.gather [spmem:s2], $0x20, s31, s6, $0xb8;
	[tilespmem:$0x12890] =	vst v63  }
0x139: {  	_ =	swait.ge [sflag:s9], $0x1000  }
0x13a: {  	[sflag:s9] =	ssyncset.done $0x0  }
0x13b: {  	[sflag:s9] =	ssyncadd.s32 $0xFFFFF000  }
0x13c: {  	_ =	swait.ge [sflag:s9], $0x1000  }
0x13d: {  	[sflag:s9] =	ssyncset.done $0x0  }
0x13e: {  	[sflag:s9] =	ssyncadd.s32 $0xFFFFF000  }
0x13f: {  	_ =	swait.ge [sflag:s9], $0x1000  }
0x140: {  	[sflag:s9] =	ssyncset.done $0x0  }
0x141: {  	[sflag:s9] =	ssyncadd.s32 $0xFFFFF000  }
0x142: {  	_ =	swait.ge [sflag:s9], $0x1000  }
0x143: {  	[sflag:s9] =	ssyncset.done $0x0  }
0x144: {  	[sflag:s9] =	ssyncadd.s32 $0xFFFFF000  }
0x145: {  	_ =	swait.ge [sflag:s9], $0x1000  }
0x146: {  	[sflag:s9] =	ssyncset.done $0x0  }
0x147: {  	[sflag:s9] =	ssyncadd.s32 $0xFFFFF000  }
0x148: {  	_ =	swait.ge [sflag:s9], $0x1000  }
0x149: {  	[sflag:s9] =	ssyncset.done $0x0  }
0x14a: {  	[sflag:s9] =	ssyncadd.s32 $0xFFFFF000  }
0x14b: {  	_ =	swait.ge [sflag:s9], $0x1000  }
0x14c: {  	[sflag:s9] =	ssyncset.done $0x0  }
0x14d: {  	[sflag:s9] =	ssyncadd.s32 $0xFFFFF000  }
0x14e: {  	_ =	swait.ge [sflag:s9], $0x1000  }
0x14f: {  	[sflag:s9] =	ssyncset.done $0x0  }
0x150: {  	s0 =	rddreg [dreg:$0xa];
	[sflag:s9] =	ssyncadd.s32 $0xFFFFF000  }
0x151: {  	[hbm4b:s0+s1] =	stream.linear.scatter [tilespmem:s4], [sflag:$0x3], $0x8000, $0x38;
	[tilespmem:$0x12890] =	vst v63  }
0x152: {  	_ =	swait.ge [sflag:s5], $0x8000  }
0x153: {  	s0 =	sld [smem:$0x7E0]  }
0x154: {  	[sflag:s5] =	ssyncset.done $0x0  }
0x155: {  	s31 =	sld [smem:$0x7E1];
	[sflag:s5] =	ssyncadd.s32 $0xFFFF8000  }
0x156: {  	[tilespmem:s4], [sflag:$0x1] =	stream.indirect.gather [spmem:s2], $0x20, s0, s6, $0xb8;
	[tilespmem:$0x12890] =	vst v63  }
0x157: {  	s0 =	sld [smem:$0x7E2]  }
0x158: {  	[tilespmem:s17], [sflag:$0x1] =	stream.indirect.gather [spmem:s2], $0x20, s31, s6, $0xb8;
	[tilespmem:$0x12890] =	vst v63  }
0x159: {  	s31 =	sld [smem:$0x7E3]  }
0x15a: {  	[tilespmem:s18], [sflag:$0x1] =	stream.indirect.gather [spmem:s2], $0x20, s0, s6, $0xb8;
	[tilespmem:$0x12890] =	vst v63  }
0x15b: {  	s0 =	sld [smem:$0x7E4]  }
0x15c: {  	[tilespmem:s19], [sflag:$0x1] =	stream.indirect.gather [spmem:s2], $0x20, s31, s6, $0xb8;
	[tilespmem:$0x12890] =	vst v63  }
0x15d: {  	s31 =	sld [smem:$0x7E5]  }
0x15e: {  	[tilespmem:s20], [sflag:$0x1] =	stream.indirect.gather [spmem:s2], $0x20, s0, s6, $0xb8;
	[tilespmem:$0x12890] =	vst v63  }
0x15f: {  	s0 =	sld [smem:$0x7E6]  }
0x160: {  	[tilespmem:s21], [sflag:$0x1] =	stream.indirect.gather [spmem:s2], $0x20, s31, s6, $0xb8;
	[tilespmem:$0x12890] =	vst v63  }
0x161: {  	s31 =	sld [smem:$0x7E7]  }
0x162: {  	[tilespmem:s24], [sflag:$0x1] =	stream.indirect.gather [spmem:s2], $0x20, s0, s6, $0xb8;
	[tilespmem:$0x12890] =	vst v63  }
0x163: {  	_ = 	snop  }
0x164: {  	[tilespmem:s25], [sflag:$0x1] =	stream.indirect.gather [spmem:s2], $0x20, s31, s6, $0xb8;
	[tilespmem:$0x12890] =	vst v63  }
0x165: {  	_ =	swait.ge [sflag:s8], $0x1000  }
0x166: {  	[sflag:s8] =	ssyncset.done $0x0  }
0x167: {  	[sflag:s8] =	ssyncadd.s32 $0xFFFFF000  }
0x168: {  	_ =	swait.ge [sflag:s8], $0x1000  }
0x169: {  	[sflag:s8] =	ssyncset.done $0x0  }
0x16a: {  	[sflag:s8] =	ssyncadd.s32 $0xFFFFF000  }
0x16b: {  	_ =	swait.ge [sflag:s8], $0x1000  }
0x16c: {  	[sflag:s8] =	ssyncset.done $0x0  }
0x16d: {  	[sflag:s8] =	ssyncadd.s32 $0xFFFFF000  }
0x16e: {  	_ =	swait.ge [sflag:s8], $0x1000  }
0x16f: {  	[sflag:s8] =	ssyncset.done $0x0  }
0x170: {  	[sflag:s8] =	ssyncadd.s32 $0xFFFFF000  }
0x171: {  	_ =	swait.ge [sflag:s8], $0x1000  }
0x172: {  	[sflag:s8] =	ssyncset.done $0x0  }
0x173: {  	[sflag:s8] =	ssyncadd.s32 $0xFFFFF000  }
0x174: {  	_ =	swait.ge [sflag:s8], $0x1000  }
0x175: {  	[sflag:s8] =	ssyncset.done $0x0  }
0x176: {  	[sflag:s8] =	ssyncadd.s32 $0xFFFFF000  }
0x177: {  	_ =	swait.ge [sflag:s8], $0x1000  }
0x178: {  	[sflag:s8] =	ssyncset.done $0x0  }
0x179: {  	[sflag:s8] =	ssyncadd.s32 $0xFFFFF000  }
0x17a: {  	_ =	swait.ge [sflag:s8], $0x1000  }
0x17b: {  	[sflag:s8] =	ssyncset.done $0x0  }
0x17c: {  	s0 =	rddreg [dreg:$0xb];
	[sflag:s8] =	ssyncadd.s32 $0xFFFFF000  }
0x17d: {  	[hbm4b:s0+s1] =	stream.linear.scatter [tilespmem:s3], [sflag:$0x4], $0x8000, $0x38;
	[tilespmem:$0x12890] =	vst v63  }
0x17e: {  	_ =	swait.ge [sflag:s7], $0x8000  }
0x17f: {  	s0 =	sld [smem:$0x7E8]  }
0x180: {  	[sflag:s7] =	ssyncset.done $0x0  }
0x181: {  	s31 =	sld [smem:$0x7E9];
	[sflag:s7] =	ssyncadd.s32 $0xFFFF8000  }
0x182: {  	[tilespmem:s3], [sflag:$0x2] =	stream.indirect.gather [spmem:s2], $0x20, s0, s6, $0xb8;
	[tilespmem:$0x12890] =	vst v63  }
0x183: {  	s0 =	sld [smem:$0x7EA]  }
0x184: {  	[tilespmem:s10], [sflag:$0x2] =	stream.indirect.gather [spmem:s2], $0x20, s31, s6, $0xb8;
	[tilespmem:$0x12890] =	vst v63  }
0x185: {  	s31 =	sld [smem:$0x7EB]  }
0x186: {  	[tilespmem:s11], [sflag:$0x2] =	stream.indirect.gather [spmem:s2], $0x20, s0, s6, $0xb8;
	[tilespmem:$0x12890] =	vst v63  }
0x187: {  	s0 =	sld [smem:$0x7EC]  }
0x188: {  	[tilespmem:s12], [sflag:$0x2] =	stream.indirect.gather [spmem:s2], $0x20, s31, s6, $0xb8;
	[tilespmem:$0x12890] =	vst v63  }
0x189: {  	s31 =	sld [smem:$0x7ED]  }
0x18a: {  	[tilespmem:s13], [sflag:$0x2] =	stream.indirect.gather [spmem:s2], $0x20, s0, s6, $0xb8;
	[tilespmem:$0x12890] =	vst v63  }
0x18b: {  	s0 =	sld [smem:$0x7EE]  }
0x18c: {  	[tilespmem:s14], [sflag:$0x2] =	stream.indirect.gather [spmem:s2], $0x20, s31, s6, $0xb8;
	[tilespmem:$0x12890] =	vst v63  }
0x18d: {  	s31 =	sld [smem:$0x7EF]  }
0x18e: {  	[tilespmem:s15], [sflag:$0x2] =	stream.indirect.gather [spmem:s2], $0x20, s0, s6, $0xb8;
	[tilespmem:$0x12890] =	vst v63  }
0x18f: {  	_ = 	snop  }
0x190: {  	[tilespmem:s16], [sflag:$0x2] =	stream.indirect.gather [spmem:s2], $0x20, s31, s6, $0xb8;
	[tilespmem:$0x12890] =	vst v63  }
0x191: {  	_ =	swait.ge [sflag:s9], $0x1000  }
0x192: {  	[sflag:s9] =	ssyncset.done $0x0  }
0x193: {  	[sflag:s9] =	ssyncadd.s32 $0xFFFFF000  }
0x194: {  	_ =	swait.ge [sflag:s9], $0x1000  }
0x195: {  	[sflag:s9] =	ssyncset.done $0x0  }
0x196: {  	[sflag:s9] =	ssyncadd.s32 $0xFFFFF000  }
0x197: {  	_ =	swait.ge [sflag:s9], $0x1000  }
0x198: {  	[sflag:s9] =	ssyncset.done $0x0  }
0x199: {  	[sflag:s9] =	ssyncadd.s32 $0xFFFFF000  }
0x19a: {  	_ =	swait.ge [sflag:s9], $0x1000  }
0x19b: {  	[sflag:s9] =	ssyncset.done $0x0  }
0x19c: {  	[sflag:s9] =	ssyncadd.s32 $0xFFFFF000  }
0x19d: {  	_ =	swait.ge [sflag:s9], $0x1000  }
0x19e: {  	[sflag:s9] =	ssyncset.done $0x0  }
0x19f: {  	[sflag:s9] =	ssyncadd.s32 $0xFFFFF000  }
0x1a0: {  	_ =	swait.ge [sflag:s9], $0x1000  }
0x1a1: {  	[sflag:s9] =	ssyncset.done $0x0  }
0x1a2: {  	[sflag:s9] =	ssyncadd.s32 $0xFFFFF000  }
0x1a3: {  	_ =	swait.ge [sflag:s9], $0x1000  }
0x1a4: {  	[sflag:s9] =	ssyncset.done $0x0  }
0x1a5: {  	[sflag:s9] =	ssyncadd.s32 $0xFFFFF000  }
0x1a6: {  	_ =	swait.ge [sflag:s9], $0x1000  }
0x1a7: {  	[sflag:s9] =	ssyncset.done $0x0  }
0x1a8: {  	s0 =	rddreg [dreg:$0xc];
	[sflag:s9] =	ssyncadd.s32 $0xFFFFF000  }
0x1a9: {  	[hbm4b:s0+s1] =	stream.linear.scatter [tilespmem:s4], [sflag:$0x3], $0x8000, $0x38;
	[tilespmem:$0x12890] =	vst v63  }
0x1aa: {  	_ =	swait.ge [sflag:s5], $0x8000  }
0x1ab: {  	s0 =	sld [smem:$0x7F0]  }
0x1ac: {  	[sflag:s5] =	ssyncset.done $0x0  }
0x1ad: {  	s31 =	sld [smem:$0x7F1];
	[sflag:s5] =	ssyncadd.s32 $0xFFFF8000  }
0x1ae: {  	[tilespmem:s4], [sflag:$0x1] =	stream.indirect.gather [spmem:s2], $0x20, s0, s6, $0xb8;
	[tilespmem:$0x12890] =	vst v63  }
0x1af: {  	s0 =	sld [smem:$0x7F2]  }
0x1b0: {  	[tilespmem:s17], [sflag:$0x1] =	stream.indirect.gather [spmem:s2], $0x20, s31, s6, $0xb8;
	[tilespmem:$0x12890] =	vst v63  }
0x1b1: {  	s31 =	sld [smem:$0x7F3]  }
0x1b2: {  	[tilespmem:s18], [sflag:$0x1] =	stream.indirect.gather [spmem:s2], $0x20, s0, s6, $0xb8;
	[tilespmem:$0x12890] =	vst v63  }
0x1b3: {  	s0 =	sld [smem:$0x7F4]  }
0x1b4: {  	[tilespmem:s19], [sflag:$0x1] =	stream.indirect.gather [spmem:s2], $0x20, s31, s6, $0xb8;
	[tilespmem:$0x12890] =	vst v63  }
0x1b5: {  	s31 =	sld [smem:$0x7F5]  }
0x1b6: {  	[tilespmem:s20], [sflag:$0x1] =	stream.indirect.gather [spmem:s2], $0x20, s0, s6, $0xb8;
	[tilespmem:$0x12890] =	vst v63  }
0x1b7: {  	s0 =	sld [smem:$0x7F6]  }
0x1b8: {  	[tilespmem:s21], [sflag:$0x1] =	stream.indirect.gather [spmem:s2], $0x20, s31, s6, $0xb8;
	[tilespmem:$0x12890] =	vst v63  }
0x1b9: {  	s31 =	sld [smem:$0x7F7]  }
0x1ba: {  	[tilespmem:s24], [sflag:$0x1] =	stream.indirect.gather [spmem:s2], $0x20, s0, s6, $0xb8;
	[tilespmem:$0x12890] =	vst v63  }
0x1bb: {  	_ = 	snop  }
0x1bc: {  	[tilespmem:s25], [sflag:$0x1] =	stream.indirect.gather [spmem:s2], $0x20, s31, s6, $0xb8;
	[tilespmem:$0x12890] =	vst v63  }
0x1bd: {  	_ =	swait.ge [sflag:s8], $0x1000  }
0x1be: {  	[sflag:s8] =	ssyncset.done $0x0  }
0x1bf: {  	[sflag:s8] =	ssyncadd.s32 $0xFFFFF000  }
0x1c0: {  	_ =	swait.ge [sflag:s8], $0x1000  }
0x1c1: {  	[sflag:s8] =	ssyncset.done $0x0  }
0x1c2: {  	[sflag:s8] =	ssyncadd.s32 $0xFFFFF000  }
0x1c3: {  	_ =	swait.ge [sflag:s8], $0x1000  }
0x1c4: {  	[sflag:s8] =	ssyncset.done $0x0  }
0x1c5: {  	[sflag:s8] =	ssyncadd.s32 $0xFFFFF000  }
0x1c6: {  	_ =	swait.ge [sflag:s8], $0x1000  }
0x1c7: {  	[sflag:s8] =	ssyncset.done $0x0  }
0x1c8: {  	[sflag:s8] =	ssyncadd.s32 $0xFFFFF000  }
0x1c9: {  	_ =	swait.ge [sflag:s8], $0x1000  }
0x1ca: {  	[sflag:s8] =	ssyncset.done $0x0  }
0x1cb: {  	[sflag:s8] =	ssyncadd.s32 $0xFFFFF000  }
0x1cc: {  	_ =	swait.ge [sflag:s8], $0x1000  }
0x1cd: {  	[sflag:s8] =	ssyncset.done $0x0  }
0x1ce: {  	[sflag:s8] =	ssyncadd.s32 $0xFFFFF000  }
0x1cf: {  	_ =	swait.ge [sflag:s8], $0x1000  }
0x1d0: {  	[sflag:s8] =	ssyncset.done $0x0  }
0x1d1: {  	[sflag:s8] =	ssyncadd.s32 $0xFFFFF000  }
0x1d2: {  	_ =	swait.ge [sflag:s8], $0x1000  }
0x1d3: {  	[sflag:s8] =	ssyncset.done $0x0  }
0x1d4: {  	s0 =	rddreg [dreg:$0xd];
	[sflag:s8] =	ssyncadd.s32 $0xFFFFF000  }
0x1d5: {  	[hbm4b:s0+s1] =	stream.linear.scatter [tilespmem:s3], [sflag:$0x4], $0x8000, $0x38;
	[tilespmem:$0x12890] =	vst v63  }
0x1d6: {  	_ =	swait.ge [sflag:s7], $0x8000  }
0x1d7: {  	s0 =	sld [smem:$0x7F8]  }
0x1d8: {  	[sflag:s7] =	ssyncset.done $0x0  }
0x1d9: {  	s31 =	sld [smem:$0x7F9];
	[sflag:s7] =	ssyncadd.s32 $0xFFFF8000  }
0x1da: {  	[tilespmem:s3], [sflag:$0x2] =	stream.indirect.gather [spmem:s2], $0x20, s0, s6, $0xb8;
	[tilespmem:$0x12890] =	vst v63  }
0x1db: {  	s0 =	sld [smem:$0x7FA]  }
0x1dc: {  	[tilespmem:s10], [sflag:$0x2] =	stream.indirect.gather [spmem:s2], $0x20, s31, s6, $0xb8;
	[tilespmem:$0x12890] =	vst v63  }
0x1dd: {  	s31 =	sld [smem:$0x7FB]  }
0x1de: {  	[tilespmem:s11], [sflag:$0x2] =	stream.indirect.gather [spmem:s2], $0x20, s0, s6, $0xb8;
	[tilespmem:$0x12890] =	vst v63  }
0x1df: {  	s0 =	sld [smem:$0x7FC]  }
0x1e0: {  	[tilespmem:s12], [sflag:$0x2] =	stream.indirect.gather [spmem:s2], $0x20, s31, s6, $0xb8;
	[tilespmem:$0x12890] =	vst v63  }
0x1e1: {  	s31 =	sld [smem:$0x7FD]  }
0x1e2: {  	[tilespmem:s13], [sflag:$0x2] =	stream.indirect.gather [spmem:s2], $0x20, s0, s6, $0xb8;
	[tilespmem:$0x12890] =	vst v63  }
0x1e3: {  	_ = 	snop  }
0x1e4: {  	[tilespmem:s14], [sflag:$0x2] =	stream.indirect.gather [spmem:s2], $0x20, s31, s6, $0xb8;
	[tilespmem:$0x12890] =	vst v63  }
0x1e5: {  	s0 =	simm.s32 $0x2700  }
0x1e6: {  	[tilespmem:s15], [sflag:$0x2] =	stream.indirect.gather [spmem:s2], $0x20, s0, s6, $0xb8;
	[tilespmem:$0x12890] =	vst v63  }
0x1e7: {  	_ = 	snop  }
0x1e8: {  	[tilespmem:s16], [sflag:$0x2] =	stream.indirect.gather [spmem:s2], $0x20, s23, s6, $0xb8;
	[tilespmem:$0x12890] =	vst v63  }
0x1e9: {  	_ =	swait.ge [sflag:s9], $0x1000  }
0x1ea: {  	[sflag:s9] =	ssyncset.done $0x0  }
0x1eb: {  	[sflag:s9] =	ssyncadd.s32 $0xFFFFF000  }
0x1ec: {  	_ =	swait.ge [sflag:s9], $0x1000  }
0x1ed: {  	[sflag:s9] =	ssyncset.done $0x0  }
0x1ee: {  	[sflag:s9] =	ssyncadd.s32 $0xFFFFF000  }
0x1ef: {  	_ =	swait.ge [sflag:s9], $0x1000  }
0x1f0: {  	[sflag:s9] =	ssyncset.done $0x0  }
0x1f1: {  	[sflag:s9] =	ssyncadd.s32 $0xFFFFF000  }
0x1f2: {  	_ =	swait.ge [sflag:s9], $0x1000  }
0x1f3: {  	[sflag:s9] =	ssyncset.done $0x0  }
0x1f4: {  	[sflag:s9] =	ssyncadd.s32 $0xFFFFF000  }
0x1f5: {  	_ =	swait.ge [sflag:s9], $0x1000  }
0x1f6: {  	[sflag:s9] =	ssyncset.done $0x0  }
0x1f7: {  	[sflag:s9] =	ssyncadd.s32 $0xFFFFF000  }
0x1f8: {  	_ =	swait.ge [sflag:s9], $0x1000  }
0x1f9: {  	[sflag:s9] =	ssyncset.done $0x0  }
0x1fa: {  	[sflag:s9] =	ssyncadd.s32 $0xFFFFF000  }
0x1fb: {  	_ =	swait.ge [sflag:s9], $0x1000  }
0x1fc: {  	[sflag:s9] =	ssyncset.done $0x0  }
0x1fd: {  	[sflag:s9] =	ssyncadd.s32 $0xFFFFF000  }
0x1fe: {  	_ =	swait.ge [sflag:s9], $0x1000  }
0x1ff: {  	[sflag:s9] =	ssyncset.done $0x0  }
0x200: {  	s0 =	rddreg [dreg:$0xe];
	[sflag:s9] =	ssyncadd.s32 $0xFFFFF000  }
0x201: {  	[hbm4b:s0+s1] =	stream.linear.scatter [tilespmem:s4], [sflag:$0x3], $0x8000, $0x38;
	[tilespmem:$0x12890] =	vst v63  }
0x202: {  	_ =	swait.ge [sflag:s8], $0x1000  }
0x203: {  	[sflag:s8] =	ssyncset.done $0x0  }
0x204: {  	[sflag:s8] =	ssyncadd.s32 $0xFFFFF000  }
0x205: {  	_ =	swait.ge [sflag:s8], $0x1000  }
0x206: {  	[sflag:s8] =	ssyncset.done $0x0  }
0x207: {  	[sflag:s8] =	ssyncadd.s32 $0xFFFFF000  }
0x208: {  	_ =	swait.ge [sflag:s8], $0x1000  }
0x209: {  	[sflag:s8] =	ssyncset.done $0x0  }
0x20a: {  	[sflag:s8] =	ssyncadd.s32 $0xFFFFF000  }
0x20b: {  	_ =	swait.ge [sflag:s8], $0x1000  }
0x20c: {  	[sflag:s8] =	ssyncset.done $0x0  }
0x20d: {  	[sflag:s8] =	ssyncadd.s32 $0xFFFFF000  }
0x20e: {  	_ =	swait.ge [sflag:s8], $0x1000  }
0x20f: {  	[sflag:s8] =	ssyncset.done $0x0  }
0x210: {  	[sflag:s8] =	ssyncadd.s32 $0xFFFFF000  }
0x211: {  	_ =	swait.ge [sflag:s8], $0x1000  }
0x212: {  	[sflag:s8] =	ssyncset.done $0x0  }
0x213: {  	[sflag:s8] =	ssyncadd.s32 $0xFFFFF000  }
0x214: {  	_ =	swait.ge [sflag:s8], $0x1000  }
0x215: {  	[sflag:s8] =	ssyncset.done $0x0  }
0x216: {  	[sflag:s8] =	ssyncadd.s32 $0xFFFFF000  }
0x217: {  	_ =	swait.ge [sflag:s8], $0x1000  }
0x218: {  	s31 =	sadd.s32 $0xFFFFFFFF, s22;
	[sflag:s8] =	ssyncset.done $0x0  }
0x219: {  	p2 =	sne.s32 s31, $0x0;
	s0 =	rddreg [dreg:$0xf];
	[sflag:s8] =	ssyncadd.s32 $0xFFFFF000  }
0x21a: {  	[hbm4b:s0+s1] =	stream.linear.scatter [tilespmem:s3], [sflag:$0x4], $0x8000, $0x38;
	[tilespmem:$0x12890] =	vst v63  }
.Ltmp1:
0x21b: {  	_ =	swait.ge [sflag:s5], $0x8000;
	(pc) =	sbr.rel @!p2 .LBB2_3-.Ltmp1, $4  }
0x21c: {  	[sflag:s5] =	ssyncset.done $0x0  }
0x21d: {  	[sflag:s5] =	ssyncadd.s32 $0xFFFF8000  }
0x21e: {  	_ =	swait.ge [sflag:s7], $0x8000  }
0x21f: {  	p1 =	por $0x1, $0x1;
	s0 =	rddreg [dreg:$0x10];
	[sflag:s7] =	ssyncset.done $0x0  }
.LBB2_4:
0x220: {  	s22 =	rddreg [dreg:$0x5];
	[sflag:s7] =	ssyncadd.s32 $0xFFFF8000  }
0x221: {  	[spmem:s0], [sflag:s29] =	dma.local @!p0 [hbm:s22], $0x114  }
0x222: {  	_ =	swait.ge @!p0 [sflag:s30], $0x114  }
0x223: {  	[sflag:s30] =	ssyncset.done @!p0 $0x0  }
0x224: {  	[sflag:s30] =	ssyncadd.s32 @!p0 $0xFFFFFEEC  }
0x225: {  	[bflag:$0x0] =	sbarrier.arrive $0xFFFF  }
0x226: {  	s22 =	rddreg [dreg:$0x6]  }
0x227: {  	[tilespmem:s1], [sflag:$0x5] =	stream.linear.gather [hbm4b:s22+s1], $0x2800, $0x38;
	[tilespmem:$0x12890] =	vst v63  }
0x228: {  	_ =	swait.ge [sflag:s28], $0x2800  }
0x229: {  	[sflag:s28] =	ssyncset.done $0x0  }
0x22a: {  	[sflag:s28] =	ssyncadd.s32 $0xFFFFD800  }
0x22b: {  	[tilespmem:s4], [sflag:$0x1] =	stream.indirect.gather [spmem:s2], $0x20, s1, s6, $0xb8;
	[tilespmem:$0x12890] =	vst v63  }
0x22c: {  	_ = 	snop  }
0x22d: {  	[tilespmem:s17], [sflag:$0x1] =	stream.indirect.gather [spmem:s2], $0x20, s6, s6, $0xb8;
	[tilespmem:$0x12890] =	vst v63  }
0x22e: {  	s0 =	rddreg [dreg:$0x11]  }
0x22f: {  	[tilespmem:s18], [sflag:$0x1] =	stream.indirect.gather [spmem:s2], $0x20, s0, s6, $0xb8;
	[tilespmem:$0x12890] =	vst v63  }
0x230: {  	s22 =	rddreg [dreg:$0x12]  }
0x231: {  	[tilespmem:s19], [sflag:$0x1] =	stream.indirect.gather [spmem:s2], $0x20, s22, s6, $0xb8;
	[tilespmem:$0x12890] =	vst v63  }
0x232: {  	s0 =	rddreg [dreg:$0x13]  }
0x233: {  	[tilespmem:s20], [sflag:$0x1] =	stream.indirect.gather [spmem:s2], $0x20, s0, s6, $0xb8;
	[tilespmem:$0x12890] =	vst v63  }
0x234: {  	s22 =	rddreg [dreg:$0x14]  }
0x235: {  	[tilespmem:s21], [sflag:$0x1] =	stream.indirect.gather [spmem:s2], $0x20, s22, s6, $0xb8;
	[tilespmem:$0x12890] =	vst v63  }
0x236: {  	s0 =	rddreg [dreg:$0x15]  }
0x237: {  	[tilespmem:s24], [sflag:$0x1] =	stream.indirect.gather [spmem:s2], $0x20, s0, s6, $0xb8;
	[tilespmem:$0x12890] =	vst v63  }
0x238: {  	s22 =	rddreg [dreg:$0x16]  }
0x239: {  	[tilespmem:s25], [sflag:$0x1] =	stream.indirect.gather [spmem:s2], $0x20, s22, s6, $0xb8;
	[tilespmem:$0x12890] =	vst v63  }
0x23a: {  	s0 =	rddreg [dreg:$0x17]  }
0x23b: {  	[tilespmem:s3], [sflag:$0x2] =	stream.indirect.gather [spmem:s2], $0x20, s0, s6, $0xb8;
	[tilespmem:$0x12890] =	vst v63  }
0x23c: {  	s22 =	rddreg [dreg:$0x18]  }
0x23d: {  	[tilespmem:s10], [sflag:$0x2] =	stream.indirect.gather [spmem:s2], $0x20, s22, s6, $0xb8;
	[tilespmem:$0x12890] =	vst v63  }
0x23e: {  	s0 =	rddreg [dreg:$0x19]  }
0x23f: {  	[tilespmem:s11], [sflag:$0x2] =	stream.indirect.gather [spmem:s2], $0x20, s0, s6, $0xb8;
	[tilespmem:$0x12890] =	vst v63  }
0x240: {  	s22 =	rddreg [dreg:$0x1a]  }
0x241: {  	[tilespmem:s12], [sflag:$0x2] =	stream.indirect.gather [spmem:s2], $0x20, s22, s6, $0xb8;
	[tilespmem:$0x12890] =	vst v63  }
0x242: {  	s0 =	rddreg [dreg:$0x1b]  }
0x243: {  	[tilespmem:s13], [sflag:$0x2] =	stream.indirect.gather [spmem:s2], $0x20, s0, s6, $0xb8;
	[tilespmem:$0x12890] =	vst v63  }
0x244: {  	s22 =	rddreg [dreg:$0x1c]  }
0x245: {  	[tilespmem:s14], [sflag:$0x2] =	stream.indirect.gather [spmem:s2], $0x20, s22, s6, $0xb8;
	[tilespmem:$0x12890] =	vst v63  }
0x246: {  	s0 =	rddreg [dreg:$0x1d]  }
0x247: {  	[tilespmem:s15], [sflag:$0x2] =	stream.indirect.gather [spmem:s2], $0x20, s0, s6, $0xb8;
	[tilespmem:$0x12890] =	vst v63  }
0x248: {  	s22 =	rddreg [dreg:$0x1e]  }
0x249: {  	[tilespmem:s16], [sflag:$0x2] =	stream.indirect.gather [spmem:s2], $0x20, s22, s6, $0xb8;
	[tilespmem:$0x12890] =	vst v63  }
0x24a: {  	_ =	swait.ge [sflag:s9], $0x1000  }
0x24b: {  	[sflag:s9] =	ssyncset.done $0x0  }
0x24c: {  	[sflag:s9] =	ssyncadd.s32 $0xFFFFF000  }
0x24d: {  	_ =	swait.ge [sflag:s9], $0x1000  }
0x24e: {  	[sflag:s9] =	ssyncset.done $0x0  }
0x24f: {  	[sflag:s9] =	ssyncadd.s32 $0xFFFFF000  }
0x250: {  	_ =	swait.ge [sflag:s9], $0x1000  }
0x251: {  	[sflag:s9] =	ssyncset.done $0x0  }
0x252: {  	[sflag:s9] =	ssyncadd.s32 $0xFFFFF000  }
0x253: {  	_ =	swait.ge [sflag:s9], $0x1000  }
0x254: {  	[sflag:s9] =	ssyncset.done $0x0  }
0x255: {  	[sflag:s9] =	ssyncadd.s32 $0xFFFFF000  }
0x256: {  	_ =	swait.ge [sflag:s9], $0x1000  }
0x257: {  	[sflag:s9] =	ssyncset.done $0x0  }
0x258: {  	[sflag:s9] =	ssyncadd.s32 $0xFFFFF000  }
0x259: {  	_ =	swait.ge [sflag:s9], $0x1000  }
0x25a: {  	[sflag:s9] =	ssyncset.done $0x0  }
0x25b: {  	[sflag:s9] =	ssyncadd.s32 $0xFFFFF000  }
0x25c: {  	_ =	swait.ge [sflag:s9], $0x1000  }
0x25d: {  	[sflag:s9] =	ssyncset.done $0x0  }
0x25e: {  	[sflag:s9] =	ssyncadd.s32 $0xFFFFF000  }
0x25f: {  	_ =	swait.ge [sflag:s9], $0x1000  }
0x260: {  	[sflag:s9] =	ssyncset.done $0x0  }
0x261: {  	[sflag:s9] =	ssyncadd.s32 $0xFFFFF000  }
0x262: {  	[hbm4b:s26+s1] =	stream.linear.scatter [tilespmem:s4], [sflag:$0x3], $0x8000, $0x38;
	[tilespmem:$0x12890] =	vst v63  }
0x263: {  	_ =	swait.ge [sflag:s5], $0x8000  }
0x264: {  	s0 =	rddreg [dreg:$0x1f];
	[sflag:s5] =	ssyncset.done $0x0  }
0x265: {  	s22 =	sld [smem:$0x7C1];
	[sflag:s5] =	ssyncadd.s32 $0xFFFF8000  }
0x266: {  	[tilespmem:s4], [sflag:$0x1] =	stream.indirect.gather [spmem:s2], $0x20, s0, s6, $0xb8;
	[tilespmem:$0x12890] =	vst v63  }
0x267: {  	s0 =	sld [smem:$0x7C2]  }
0x268: {  	[tilespmem:s17], [sflag:$0x1] =	stream.indirect.gather [spmem:s2], $0x20, s22, s6, $0xb8;
	[tilespmem:$0x12890] =	vst v63  }
0x269: {  	s22 =	sld [smem:$0x7C3]  }
0x26a: {  	[tilespmem:s18], [sflag:$0x1] =	stream.indirect.gather [spmem:s2], $0x20, s0, s6, $0xb8;
	[tilespmem:$0x12890] =	vst v63  }
0x26b: {  	s0 =	sld [smem:$0x7C4]  }
0x26c: {  	[tilespmem:s19], [sflag:$0x1] =	stream.indirect.gather [spmem:s2], $0x20, s22, s6, $0xb8;
	[tilespmem:$0x12890] =	vst v63  }
0x26d: {  	s22 =	sld [smem:$0x7C5]  }
0x26e: {  	[tilespmem:s20], [sflag:$0x1] =	stream.indirect.gather [spmem:s2], $0x20, s0, s6, $0xb8;
	[tilespmem:$0x12890] =	vst v63  }
0x26f: {  	s0 =	sld [smem:$0x7C6]  }
0x270: {  	[tilespmem:s21], [sflag:$0x1] =	stream.indirect.gather [spmem:s2], $0x20, s22, s6, $0xb8;
	[tilespmem:$0x12890] =	vst v63  }
0x271: {  	s22 =	sld [smem:$0x7C7]  }
0x272: {  	[tilespmem:s24], [sflag:$0x1] =	stream.indirect.gather [spmem:s2], $0x20, s0, s6, $0xb8;
	[tilespmem:$0x12890] =	vst v63  }
0x273: {  	_ = 	snop  }
0x274: {  	[tilespmem:s25], [sflag:$0x1] =	stream.indirect.gather [spmem:s2], $0x20, s22, s6, $0xb8;
	[tilespmem:$0x12890] =	vst v63  }
0x275: {  	_ =	swait.ge [sflag:s8], $0x1000  }
0x276: {  	[sflag:s8] =	ssyncset.done $0x0  }
0x277: {  	[sflag:s8] =	ssyncadd.s32 $0xFFFFF000  }
0x278: {  	_ =	swait.ge [sflag:s8], $0x1000  }
0x279: {  	[sflag:s8] =	ssyncset.done $0x0  }
0x27a: {  	[sflag:s8] =	ssyncadd.s32 $0xFFFFF000  }
0x27b: {  	_ =	swait.ge [sflag:s8], $0x1000  }
0x27c: {  	[sflag:s8] =	ssyncset.done $0x0  }
0x27d: {  	[sflag:s8] =	ssyncadd.s32 $0xFFFFF000  }
0x27e: {  	_ =	swait.ge [sflag:s8], $0x1000  }
0x27f: {  	[sflag:s8] =	ssyncset.done $0x0  }
0x280: {  	[sflag:s8] =	ssyncadd.s32 $0xFFFFF000  }
0x281: {  	_ =	swait.ge [sflag:s8], $0x1000  }
0x282: {  	[sflag:s8] =	ssyncset.done $0x0  }
0x283: {  	[sflag:s8] =	ssyncadd.s32 $0xFFFFF000  }
0x284: {  	_ =	swait.ge [sflag:s8], $0x1000  }
0x285: {  	[sflag:s8] =	ssyncset.done $0x0  }
0x286: {  	[sflag:s8] =	ssyncadd.s32 $0xFFFFF000  }
0x287: {  	_ =	swait.ge [sflag:s8], $0x1000  }
0x288: {  	[sflag:s8] =	ssyncset.done $0x0  }
0x289: {  	[sflag:s8] =	ssyncadd.s32 $0xFFFFF000  }
0x28a: {  	_ =	swait.ge [sflag:s8], $0x1000  }
0x28b: {  	[sflag:s8] =	ssyncset.done $0x0  }
0x28c: {  	s22 =	rddreg [dreg:$0x7];
	[sflag:s8] =	ssyncadd.s32 $0xFFFFF000  }
0x28d: {  	[hbm4b:s22+s1] =	stream.linear.scatter [tilespmem:s3], [sflag:$0x4], $0x8000, $0x38;
	[tilespmem:$0x12890] =	vst v63  }
0x28e: {  	_ =	swait.ge [sflag:s7], $0x8000  }
0x28f: {  	s0 =	sld [smem:$0x7C8]  }
0x290: {  	[sflag:s7] =	ssyncset.done $0x0  }
0x291: {  	s22 =	sld [smem:$0x7C9];
	[sflag:s7] =	ssyncadd.s32 $0xFFFF8000  }
0x292: {  	[tilespmem:s3], [sflag:$0x2] =	stream.indirect.gather [spmem:s2], $0x20, s0, s6, $0xb8;
	[tilespmem:$0x12890] =	vst v63  }
0x293: {  	s0 =	sld [smem:$0x7CA]  }
0x294: {  	[tilespmem:s10], [sflag:$0x2] =	stream.indirect.gather [spmem:s2], $0x20, s22, s6, $0xb8;
	[tilespmem:$0x12890] =	vst v63  }
0x295: {  	s22 =	sld [smem:$0x7CB]  }
0x296: {  	[tilespmem:s11], [sflag:$0x2] =	stream.indirect.gather [spmem:s2], $0x20, s0, s6, $0xb8;
	[tilespmem:$0x12890] =	vst v63  }
0x297: {  	s0 =	sld [smem:$0x7CC]  }
0x298: {  	[tilespmem:s12], [sflag:$0x2] =	stream.indirect.gather [spmem:s2], $0x20, s22, s6, $0xb8;
	[tilespmem:$0x12890] =	vst v63  }
0x299: {  	s22 =	sld [smem:$0x7CD]  }
0x29a: {  	[tilespmem:s13], [sflag:$0x2] =	stream.indirect.gather [spmem:s2], $0x20, s0, s6, $0xb8;
	[tilespmem:$0x12890] =	vst v63  }
0x29b: {  	s0 =	sld [smem:$0x7CE]  }
0x29c: {  	[tilespmem:s14], [sflag:$0x2] =	stream.indirect.gather [spmem:s2], $0x20, s22, s6, $0xb8;
	[tilespmem:$0x12890] =	vst v63  }
0x29d: {  	s22 =	sld [smem:$0x7CF]  }
0x29e: {  	[tilespmem:s15], [sflag:$0x2] =	stream.indirect.gather [spmem:s2], $0x20, s0, s6, $0xb8;
	[tilespmem:$0x12890] =	vst v63  }
0x29f: {  	_ = 	snop  }
0x2a0: {  	[tilespmem:s16], [sflag:$0x2] =	stream.indirect.gather [spmem:s2], $0x20, s22, s6, $0xb8;
	[tilespmem:$0x12890] =	vst v63  }
0x2a1: {  	_ =	swait.ge [sflag:s9], $0x1000  }
0x2a2: {  	[sflag:s9] =	ssyncset.done $0x0  }
0x2a3: {  	[sflag:s9] =	ssyncadd.s32 $0xFFFFF000  }
0x2a4: {  	_ =	swait.ge [sflag:s9], $0x1000  }
0x2a5: {  	[sflag:s9] =	ssyncset.done $0x0  }
0x2a6: {  	[sflag:s9] =	ssyncadd.s32 $0xFFFFF000  }
0x2a7: {  	_ =	swait.ge [sflag:s9], $0x1000  }
0x2a8: {  	[sflag:s9] =	ssyncset.done $0x0  }
0x2a9: {  	[sflag:s9] =	ssyncadd.s32 $0xFFFFF000  }
0x2aa: {  	_ =	swait.ge [sflag:s9], $0x1000  }
0x2ab: {  	[sflag:s9] =	ssyncset.done $0x0  }
0x2ac: {  	[sflag:s9] =	ssyncadd.s32 $0xFFFFF000  }
0x2ad: {  	_ =	swait.ge [sflag:s9], $0x1000  }
0x2ae: {  	[sflag:s9] =	ssyncset.done $0x0  }
0x2af: {  	[sflag:s9] =	ssyncadd.s32 $0xFFFFF000  }
0x2b0: {  	_ =	swait.ge [sflag:s9], $0x1000  }
0x2b1: {  	[sflag:s9] =	ssyncset.done $0x0  }
0x2b2: {  	[sflag:s9] =	ssyncadd.s32 $0xFFFFF000  }
0x2b3: {  	_ =	swait.ge [sflag:s9], $0x1000  }
0x2b4: {  	[sflag:s9] =	ssyncset.done $0x0  }
0x2b5: {  	[sflag:s9] =	ssyncadd.s32 $0xFFFFF000  }
0x2b6: {  	_ =	swait.ge [sflag:s9], $0x1000  }
0x2b7: {  	[sflag:s9] =	ssyncset.done $0x0  }
0x2b8: {  	s22 =	rddreg [dreg:$0x8];
	[sflag:s9] =	ssyncadd.s32 $0xFFFFF000  }
0x2b9: {  	[hbm4b:s22+s1] =	stream.linear.scatter [tilespmem:s4], [sflag:$0x3], $0x8000, $0x38;
	[tilespmem:$0x12890] =	vst v63  }
0x2ba: {  	_ =	swait.ge [sflag:s5], $0x8000  }
0x2bb: {  	s0 =	sld [smem:$0x7D0]  }
0x2bc: {  	[sflag:s5] =	ssyncset.done $0x0  }
0x2bd: {  	s22 =	sld [smem:$0x7D1];
	[sflag:s5] =	ssyncadd.s32 $0xFFFF8000  }
0x2be: {  	[tilespmem:s4], [sflag:$0x1] =	stream.indirect.gather [spmem:s2], $0x20, s0, s6, $0xb8;
	[tilespmem:$0x12890] =	vst v63  }
0x2bf: {  	s0 =	sld [smem:$0x7D2]  }
0x2c0: {  	[tilespmem:s17], [sflag:$0x1] =	stream.indirect.gather [spmem:s2], $0x20, s22, s6, $0xb8;
	[tilespmem:$0x12890] =	vst v63  }
0x2c1: {  	s22 =	sld [smem:$0x7D3]  }
0x2c2: {  	[tilespmem:s18], [sflag:$0x1] =	stream.indirect.gather [spmem:s2], $0x20, s0, s6, $0xb8;
	[tilespmem:$0x12890] =	vst v63  }
0x2c3: {  	s0 =	sld [smem:$0x7D4]  }
0x2c4: {  	[tilespmem:s19], [sflag:$0x1] =	stream.indirect.gather [spmem:s2], $0x20, s22, s6, $0xb8;
	[tilespmem:$0x12890] =	vst v63  }
0x2c5: {  	s22 =	sld [smem:$0x7D5]  }
0x2c6: {  	[tilespmem:s20], [sflag:$0x1] =	stream.indirect.gather [spmem:s2], $0x20, s0, s6, $0xb8;
	[tilespmem:$0x12890] =	vst v63  }
0x2c7: {  	s0 =	sld [smem:$0x7D6]  }
0x2c8: {  	[tilespmem:s21], [sflag:$0x1] =	stream.indirect.gather [spmem:s2], $0x20, s22, s6, $0xb8;
	[tilespmem:$0x12890] =	vst v63  }
0x2c9: {  	s22 =	sld [smem:$0x7D7]  }
0x2ca: {  	[tilespmem:s24], [sflag:$0x1] =	stream.indirect.gather [spmem:s2], $0x20, s0, s6, $0xb8;
	[tilespmem:$0x12890] =	vst v63  }
0x2cb: {  	_ = 	snop  }
0x2cc: {  	[tilespmem:s25], [sflag:$0x1] =	stream.indirect.gather [spmem:s2], $0x20, s22, s6, $0xb8;
	[tilespmem:$0x12890] =	vst v63  }
0x2cd: {  	_ =	swait.ge [sflag:s8], $0x1000  }
0x2ce: {  	[sflag:s8] =	ssyncset.done $0x0  }
0x2cf: {  	[sflag:s8] =	ssyncadd.s32 $0xFFFFF000  }
0x2d0: {  	_ =	swait.ge [sflag:s8], $0x1000  }
0x2d1: {  	[sflag:s8] =	ssyncset.done $0x0  }
0x2d2: {  	[sflag:s8] =	ssyncadd.s32 $0xFFFFF000  }
0x2d3: {  	_ =	swait.ge [sflag:s8], $0x1000  }
0x2d4: {  	[sflag:s8] =	ssyncset.done $0x0  }
0x2d5: {  	[sflag:s8] =	ssyncadd.s32 $0xFFFFF000  }
0x2d6: {  	_ =	swait.ge [sflag:s8], $0x1000  }
0x2d7: {  	[sflag:s8] =	ssyncset.done $0x0  }
0x2d8: {  	[sflag:s8] =	ssyncadd.s32 $0xFFFFF000  }
0x2d9: {  	_ =	swait.ge [sflag:s8], $0x1000  }
0x2da: {  	[sflag:s8] =	ssyncset.done $0x0  }
0x2db: {  	[sflag:s8] =	ssyncadd.s32 $0xFFFFF000  }
0x2dc: {  	_ =	swait.ge [sflag:s8], $0x1000  }
0x2dd: {  	[sflag:s8] =	ssyncset.done $0x0  }
0x2de: {  	[sflag:s8] =	ssyncadd.s32 $0xFFFFF000  }
0x2df: {  	_ =	swait.ge [sflag:s8], $0x1000  }
0x2e0: {  	[sflag:s8] =	ssyncset.done $0x0  }
0x2e1: {  	[sflag:s8] =	ssyncadd.s32 $0xFFFFF000  }
0x2e2: {  	_ =	swait.ge [sflag:s8], $0x1000  }
0x2e3: {  	[sflag:s8] =	ssyncset.done $0x0  }
0x2e4: {  	s22 =	rddreg [dreg:$0x9];
	[sflag:s8] =	ssyncadd.s32 $0xFFFFF000  }
0x2e5: {  	[hbm4b:s22+s1] =	stream.linear.scatter [tilespmem:s3], [sflag:$0x4], $0x8000, $0x38;
	[tilespmem:$0x12890] =	vst v63  }
0x2e6: {  	_ =	swait.ge [sflag:s7], $0x8000  }
0x2e7: {  	s0 =	sld [smem:$0x7D8]  }
0x2e8: {  	[sflag:s7] =	ssyncset.done $0x0  }
0x2e9: {  	s22 =	sld [smem:$0x7D9];
	[sflag:s7] =	ssyncadd.s32 $0xFFFF8000  }
0x2ea: {  	[tilespmem:s3], [sflag:$0x2] =	stream.indirect.gather [spmem:s2], $0x20, s0, s6, $0xb8;
	[tilespmem:$0x12890] =	vst v63  }
0x2eb: {  	s0 =	sld [smem:$0x7DA]  }
0x2ec: {  	[tilespmem:s10], [sflag:$0x2] =	stream.indirect.gather [spmem:s2], $0x20, s22, s6, $0xb8;
	[tilespmem:$0x12890] =	vst v63  }
0x2ed: {  	s22 =	sld [smem:$0x7DB]  }
0x2ee: {  	[tilespmem:s11], [sflag:$0x2] =	stream.indirect.gather [spmem:s2], $0x20, s0, s6, $0xb8;
	[tilespmem:$0x12890] =	vst v63  }
0x2ef: {  	s0 =	sld [smem:$0x7DC]  }
0x2f0: {  	[tilespmem:s12], [sflag:$0x2] =	stream.indirect.gather [spmem:s2], $0x20, s22, s6, $0xb8;
	[tilespmem:$0x12890] =	vst v63  }
0x2f1: {  	s22 =	sld [smem:$0x7DD]  }
0x2f2: {  	[tilespmem:s13], [sflag:$0x2] =	stream.indirect.gather [spmem:s2], $0x20, s0, s6, $0xb8;
	[tilespmem:$0x12890] =	vst v63  }
0x2f3: {  	s0 =	sld [smem:$0x7DE]  }
0x2f4: {  	[tilespmem:s14], [sflag:$0x2] =	stream.indirect.gather [spmem:s2], $0x20, s22, s6, $0xb8;
	[tilespmem:$0x12890] =	vst v63  }
0x2f5: {  	s22 =	sld [smem:$0x7DF]  }
0x2f6: {  	[tilespmem:s15], [sflag:$0x2] =	stream.indirect.gather [spmem:s2], $0x20, s0, s6, $0xb8;
	[tilespmem:$0x12890] =	vst v63  }
0x2f7: {  	_ = 	snop  }
0x2f8: {  	[tilespmem:s16], [sflag:$0x2] =	stream.indirect.gather [spmem:s2], $0x20, s22, s6, $0xb8;
	[tilespmem:$0x12890] =	vst v63  }
0x2f9: {  	_ =	swait.ge [sflag:s9], $0x1000  }
0x2fa: {  	[sflag:s9] =	ssyncset.done $0x0  }
0x2fb: {  	[sflag:s9] =	ssyncadd.s32 $0xFFFFF000  }
0x2fc: {  	_ =	swait.ge [sflag:s9], $0x1000  }
0x2fd: {  	[sflag:s9] =	ssyncset.done $0x0  }
0x2fe: {  	[sflag:s9] =	ssyncadd.s32 $0xFFFFF000  }
0x2ff: {  	_ =	swait.ge [sflag:s9], $0x1000  }
0x300: {  	[sflag:s9] =	ssyncset.done $0x0  }
0x301: {  	[sflag:s9] =	ssyncadd.s32 $0xFFFFF000  }
0x302: {  	_ =	swait.ge [sflag:s9], $0x1000  }
0x303: {  	[sflag:s9] =	ssyncset.done $0x0  }
0x304: {  	[sflag:s9] =	ssyncadd.s32 $0xFFFFF000  }
0x305: {  	_ =	swait.ge [sflag:s9], $0x1000  }
0x306: {  	[sflag:s9] =	ssyncset.done $0x0  }
0x307: {  	[sflag:s9] =	ssyncadd.s32 $0xFFFFF000  }
0x308: {  	_ =	swait.ge [sflag:s9], $0x1000  }
0x309: {  	[sflag:s9] =	ssyncset.done $0x0  }
0x30a: {  	[sflag:s9] =	ssyncadd.s32 $0xFFFFF000  }
0x30b: {  	_ =	swait.ge [sflag:s9], $0x1000  }
0x30c: {  	[sflag:s9] =	ssyncset.done $0x0  }
0x30d: {  	[sflag:s9] =	ssyncadd.s32 $0xFFFFF000  }
0x30e: {  	_ =	swait.ge [sflag:s9], $0x1000  }
0x30f: {  	[sflag:s9] =	ssyncset.done $0x0  }
0x310: {  	s22 =	rddreg [dreg:$0xa];
	[sflag:s9] =	ssyncadd.s32 $0xFFFFF000  }
0x311: {  	[hbm4b:s22+s1] =	stream.linear.scatter [tilespmem:s4], [sflag:$0x3], $0x8000, $0x38;
	[tilespmem:$0x12890] =	vst v63  }
0x312: {  	_ =	swait.ge [sflag:s5], $0x8000  }
0x313: {  	s0 =	sld [smem:$0x7E0]  }
0x314: {  	[sflag:s5] =	ssyncset.done $0x0  }
0x315: {  	s22 =	sld [smem:$0x7E1];
	[sflag:s5] =	ssyncadd.s32 $0xFFFF8000  }
0x316: {  	[tilespmem:s4], [sflag:$0x1] =	stream.indirect.gather [spmem:s2], $0x20, s0, s6, $0xb8;
	[tilespmem:$0x12890] =	vst v63  }
0x317: {  	s0 =	sld [smem:$0x7E2]  }
0x318: {  	[tilespmem:s17], [sflag:$0x1] =	stream.indirect.gather [spmem:s2], $0x20, s22, s6, $0xb8;
	[tilespmem:$0x12890] =	vst v63  }
0x319: {  	s22 =	sld [smem:$0x7E3]  }
0x31a: {  	[tilespmem:s18], [sflag:$0x1] =	stream.indirect.gather [spmem:s2], $0x20, s0, s6, $0xb8;
	[tilespmem:$0x12890] =	vst v63  }
0x31b: {  	s0 =	sld [smem:$0x7E4]  }
0x31c: {  	[tilespmem:s19], [sflag:$0x1] =	stream.indirect.gather [spmem:s2], $0x20, s22, s6, $0xb8;
	[tilespmem:$0x12890] =	vst v63  }
0x31d: {  	s22 =	sld [smem:$0x7E5]  }
0x31e: {  	[tilespmem:s20], [sflag:$0x1] =	stream.indirect.gather [spmem:s2], $0x20, s0, s6, $0xb8;
	[tilespmem:$0x12890] =	vst v63  }
0x31f: {  	s0 =	sld [smem:$0x7E6]  }
0x320: {  	[tilespmem:s21], [sflag:$0x1] =	stream.indirect.gather [spmem:s2], $0x20, s22, s6, $0xb8;
	[tilespmem:$0x12890] =	vst v63  }
0x321: {  	s22 =	sld [smem:$0x7E7]  }
0x322: {  	[tilespmem:s24], [sflag:$0x1] =	stream.indirect.gather [spmem:s2], $0x20, s0, s6, $0xb8;
	[tilespmem:$0x12890] =	vst v63  }
0x323: {  	_ = 	snop  }
0x324: {  	[tilespmem:s25], [sflag:$0x1] =	stream.indirect.gather [spmem:s2], $0x20, s22, s6, $0xb8;
	[tilespmem:$0x12890] =	vst v63  }
0x325: {  	_ =	swait.ge [sflag:s8], $0x1000  }
0x326: {  	[sflag:s8] =	ssyncset.done $0x0  }
0x327: {  	[sflag:s8] =	ssyncadd.s32 $0xFFFFF000  }
0x328: {  	_ =	swait.ge [sflag:s8], $0x1000  }
0x329: {  	[sflag:s8] =	ssyncset.done $0x0  }
0x32a: {  	[sflag:s8] =	ssyncadd.s32 $0xFFFFF000  }
0x32b: {  	_ =	swait.ge [sflag:s8], $0x1000  }
0x32c: {  	[sflag:s8] =	ssyncset.done $0x0  }
0x32d: {  	[sflag:s8] =	ssyncadd.s32 $0xFFFFF000  }
0x32e: {  	_ =	swait.ge [sflag:s8], $0x1000  }
0x32f: {  	[sflag:s8] =	ssyncset.done $0x0  }
0x330: {  	[sflag:s8] =	ssyncadd.s32 $0xFFFFF000  }
0x331: {  	_ =	swait.ge [sflag:s8], $0x1000  }
0x332: {  	[sflag:s8] =	ssyncset.done $0x0  }
0x333: {  	[sflag:s8] =	ssyncadd.s32 $0xFFFFF000  }
0x334: {  	_ =	swait.ge [sflag:s8], $0x1000  }
0x335: {  	[sflag:s8] =	ssyncset.done $0x0  }
0x336: {  	[sflag:s8] =	ssyncadd.s32 $0xFFFFF000  }
0x337: {  	_ =	swait.ge [sflag:s8], $0x1000  }
0x338: {  	[sflag:s8] =	ssyncset.done $0x0  }
0x339: {  	[sflag:s8] =	ssyncadd.s32 $0xFFFFF000  }
0x33a: {  	_ =	swait.ge [sflag:s8], $0x1000  }
0x33b: {  	[sflag:s8] =	ssyncset.done $0x0  }
0x33c: {  	s22 =	rddreg [dreg:$0xb];
	[sflag:s8] =	ssyncadd.s32 $0xFFFFF000  }
0x33d: {  	[hbm4b:s22+s1] =	stream.linear.scatter [tilespmem:s3], [sflag:$0x4], $0x8000, $0x38;
	[tilespmem:$0x12890] =	vst v63  }
0x33e: {  	_ =	swait.ge [sflag:s7], $0x8000  }
0x33f: {  	s0 =	sld [smem:$0x7E8]  }
0x340: {  	[sflag:s7] =	ssyncset.done $0x0  }
0x341: {  	s22 =	sld [smem:$0x7E9];
	[sflag:s7] =	ssyncadd.s32 $0xFFFF8000  }
0x342: {  	[tilespmem:s3], [sflag:$0x2] =	stream.indirect.gather [spmem:s2], $0x20, s0, s6, $0xb8;
	[tilespmem:$0x12890] =	vst v63  }
0x343: {  	s0 =	sld [smem:$0x7EA]  }
0x344: {  	[tilespmem:s10], [sflag:$0x2] =	stream.indirect.gather [spmem:s2], $0x20, s22, s6, $0xb8;
	[tilespmem:$0x12890] =	vst v63  }
0x345: {  	s22 =	sld [smem:$0x7EB]  }
0x346: {  	[tilespmem:s11], [sflag:$0x2] =	stream.indirect.gather [spmem:s2], $0x20, s0, s6, $0xb8;
	[tilespmem:$0x12890] =	vst v63  }
0x347: {  	s0 =	sld [smem:$0x7EC]  }
0x348: {  	[tilespmem:s12], [sflag:$0x2] =	stream.indirect.gather [spmem:s2], $0x20, s22, s6, $0xb8;
	[tilespmem:$0x12890] =	vst v63  }
0x349: {  	s22 =	sld [smem:$0x7ED]  }
0x34a: {  	[tilespmem:s13], [sflag:$0x2] =	stream.indirect.gather [spmem:s2], $0x20, s0, s6, $0xb8;
	[tilespmem:$0x12890] =	vst v63  }
0x34b: {  	s0 =	sld [smem:$0x7EE]  }
0x34c: {  	[tilespmem:s14], [sflag:$0x2] =	stream.indirect.gather [spmem:s2], $0x20, s22, s6, $0xb8;
	[tilespmem:$0x12890] =	vst v63  }
0x34d: {  	s22 =	sld [smem:$0x7EF]  }
0x34e: {  	[tilespmem:s15], [sflag:$0x2] =	stream.indirect.gather [spmem:s2], $0x20, s0, s6, $0xb8;
	[tilespmem:$0x12890] =	vst v63  }
0x34f: {  	_ = 	snop  }
0x350: {  	[tilespmem:s16], [sflag:$0x2] =	stream.indirect.gather [spmem:s2], $0x20, s22, s6, $0xb8;
	[tilespmem:$0x12890] =	vst v63  }
0x351: {  	_ =	swait.ge [sflag:s9], $0x1000  }
0x352: {  	[sflag:s9] =	ssyncset.done $0x0  }
0x353: {  	[sflag:s9] =	ssyncadd.s32 $0xFFFFF000  }
0x354: {  	_ =	swait.ge [sflag:s9], $0x1000  }
0x355: {  	[sflag:s9] =	ssyncset.done $0x0  }
0x356: {  	[sflag:s9] =	ssyncadd.s32 $0xFFFFF000  }
0x357: {  	_ =	swait.ge [sflag:s9], $0x1000  }
0x358: {  	[sflag:s9] =	ssyncset.done $0x0  }
0x359: {  	[sflag:s9] =	ssyncadd.s32 $0xFFFFF000  }
0x35a: {  	_ =	swait.ge [sflag:s9], $0x1000  }
0x35b: {  	[sflag:s9] =	ssyncset.done $0x0  }
0x35c: {  	[sflag:s9] =	ssyncadd.s32 $0xFFFFF000  }
0x35d: {  	_ =	swait.ge [sflag:s9], $0x1000  }
0x35e: {  	[sflag:s9] =	ssyncset.done $0x0  }
0x35f: {  	[sflag:s9] =	ssyncadd.s32 $0xFFFFF000  }
0x360: {  	_ =	swait.ge [sflag:s9], $0x1000  }
0x361: {  	[sflag:s9] =	ssyncset.done $0x0  }
0x362: {  	[sflag:s9] =	ssyncadd.s32 $0xFFFFF000  }
0x363: {  	_ =	swait.ge [sflag:s9], $0x1000  }
0x364: {  	[sflag:s9] =	ssyncset.done $0x0  }
0x365: {  	[sflag:s9] =	ssyncadd.s32 $0xFFFFF000  }
0x366: {  	_ =	swait.ge [sflag:s9], $0x1000  }
0x367: {  	[sflag:s9] =	ssyncset.done $0x0  }
0x368: {  	s22 =	rddreg [dreg:$0xc];
	[sflag:s9] =	ssyncadd.s32 $0xFFFFF000  }
0x369: {  	[hbm4b:s22+s1] =	stream.linear.scatter [tilespmem:s4], [sflag:$0x3], $0x8000, $0x38;
	[tilespmem:$0x12890] =	vst v63  }
0x36a: {  	_ =	swait.ge [sflag:s5], $0x8000  }
0x36b: {  	s0 =	sld [smem:$0x7F0]  }
0x36c: {  	[sflag:s5] =	ssyncset.done $0x0  }
0x36d: {  	s22 =	sld [smem:$0x7F1];
	[sflag:s5] =	ssyncadd.s32 $0xFFFF8000  }
0x36e: {  	[tilespmem:s4], [sflag:$0x1] =	stream.indirect.gather [spmem:s2], $0x20, s0, s6, $0xb8;
	[tilespmem:$0x12890] =	vst v63  }
0x36f: {  	s0 =	sld [smem:$0x7F2]  }
0x370: {  	[tilespmem:s17], [sflag:$0x1] =	stream.indirect.gather [spmem:s2], $0x20, s22, s6, $0xb8;
	[tilespmem:$0x12890] =	vst v63  }
0x371: {  	s22 =	sld [smem:$0x7F3]  }
0x372: {  	[tilespmem:s18], [sflag:$0x1] =	stream.indirect.gather [spmem:s2], $0x20, s0, s6, $0xb8;
	[tilespmem:$0x12890] =	vst v63  }
0x373: {  	s0 =	sld [smem:$0x7F4]  }
0x374: {  	[tilespmem:s19], [sflag:$0x1] =	stream.indirect.gather [spmem:s2], $0x20, s22, s6, $0xb8;
	[tilespmem:$0x12890] =	vst v63  }
0x375: {  	s22 =	sld [smem:$0x7F5]  }
0x376: {  	[tilespmem:s20], [sflag:$0x1] =	stream.indirect.gather [spmem:s2], $0x20, s0, s6, $0xb8;
	[tilespmem:$0x12890] =	vst v63  }
0x377: {  	s0 =	sld [smem:$0x7F6]  }
0x378: {  	[tilespmem:s21], [sflag:$0x1] =	stream.indirect.gather [spmem:s2], $0x20, s22, s6, $0xb8;
	[tilespmem:$0x12890] =	vst v63  }
0x379: {  	s22 =	sld [smem:$0x7F7]  }
0x37a: {  	[tilespmem:s24], [sflag:$0x1] =	stream.indirect.gather [spmem:s2], $0x20, s0, s6, $0xb8;
	[tilespmem:$0x12890] =	vst v63  }
0x37b: {  	_ = 	snop  }
0x37c: {  	[tilespmem:s25], [sflag:$0x1] =	stream.indirect.gather [spmem:s2], $0x20, s22, s6, $0xb8;
	[tilespmem:$0x12890] =	vst v63  }
0x37d: {  	_ =	swait.ge [sflag:s8], $0x1000  }
0x37e: {  	[sflag:s8] =	ssyncset.done $0x0  }
0x37f: {  	[sflag:s8] =	ssyncadd.s32 $0xFFFFF000  }
0x380: {  	_ =	swait.ge [sflag:s8], $0x1000  }
0x381: {  	[sflag:s8] =	ssyncset.done $0x0  }
0x382: {  	[sflag:s8] =	ssyncadd.s32 $0xFFFFF000  }
0x383: {  	_ =	swait.ge [sflag:s8], $0x1000  }
0x384: {  	[sflag:s8] =	ssyncset.done $0x0  }
0x385: {  	[sflag:s8] =	ssyncadd.s32 $0xFFFFF000  }
0x386: {  	_ =	swait.ge [sflag:s8], $0x1000  }
0x387: {  	[sflag:s8] =	ssyncset.done $0x0  }
0x388: {  	[sflag:s8] =	ssyncadd.s32 $0xFFFFF000  }
0x389: {  	_ =	swait.ge [sflag:s8], $0x1000  }
0x38a: {  	[sflag:s8] =	ssyncset.done $0x0  }
0x38b: {  	[sflag:s8] =	ssyncadd.s32 $0xFFFFF000  }
0x38c: {  	_ =	swait.ge [sflag:s8], $0x1000  }
0x38d: {  	[sflag:s8] =	ssyncset.done $0x0  }
0x38e: {  	[sflag:s8] =	ssyncadd.s32 $0xFFFFF000  }
0x38f: {  	_ =	swait.ge [sflag:s8], $0x1000  }
0x390: {  	[sflag:s8] =	ssyncset.done $0x0  }
0x391: {  	[sflag:s8] =	ssyncadd.s32 $0xFFFFF000  }
0x392: {  	_ =	swait.ge [sflag:s8], $0x1000  }
0x393: {  	[sflag:s8] =	ssyncset.done $0x0  }
0x394: {  	s22 =	rddreg [dreg:$0xd];
	[sflag:s8] =	ssyncadd.s32 $0xFFFFF000  }
0x395: {  	[hbm4b:s22+s1] =	stream.linear.scatter [tilespmem:s3], [sflag:$0x4], $0x8000, $0x38;
	[tilespmem:$0x12890] =	vst v63  }
0x396: {  	_ =	swait.ge [sflag:s7], $0x8000  }
0x397: {  	s0 =	sld [smem:$0x7F8]  }
0x398: {  	[sflag:s7] =	ssyncset.done $0x0  }
0x399: {  	s22 =	sld [smem:$0x7F9];
	[sflag:s7] =	ssyncadd.s32 $0xFFFF8000  }
0x39a: {  	[tilespmem:s3], [sflag:$0x2] =	stream.indirect.gather [spmem:s2], $0x20, s0, s6, $0xb8;
	[tilespmem:$0x12890] =	vst v63  }
0x39b: {  	s0 =	sld [smem:$0x7FA]  }
0x39c: {  	[tilespmem:s10], [sflag:$0x2] =	stream.indirect.gather [spmem:s2], $0x20, s22, s6, $0xb8;
	[tilespmem:$0x12890] =	vst v63  }
0x39d: {  	s22 =	sld [smem:$0x7FB]  }
0x39e: {  	[tilespmem:s11], [sflag:$0x2] =	stream.indirect.gather [spmem:s2], $0x20, s0, s6, $0xb8;
	[tilespmem:$0x12890] =	vst v63  }
0x39f: {  	s0 =	sld [smem:$0x7FC]  }
0x3a0: {  	[tilespmem:s12], [sflag:$0x2] =	stream.indirect.gather [spmem:s2], $0x20, s22, s6, $0xb8;
	[tilespmem:$0x12890] =	vst v63  }
0x3a1: {  	s22 =	sld [smem:$0x7FD]  }
0x3a2: {  	[tilespmem:s13], [sflag:$0x2] =	stream.indirect.gather [spmem:s2], $0x20, s0, s6, $0xb8;
	[tilespmem:$0x12890] =	vst v63  }
0x3a3: {  	_ = 	snop  }
0x3a4: {  	[tilespmem:s14], [sflag:$0x2] =	stream.indirect.gather [spmem:s2], $0x20, s22, s6, $0xb8;
	[tilespmem:$0x12890] =	vst v63  }
0x3a5: {  	s22 =	simm.s32 $0x2700  }
0x3a6: {  	[tilespmem:s15], [sflag:$0x2] =	stream.indirect.gather [spmem:s2], $0x20, s22, s6, $0xb8;
	[tilespmem:$0x12890] =	vst v63  }
0x3a7: {  	_ = 	snop  }
0x3a8: {  	[tilespmem:s16], [sflag:$0x2] =	stream.indirect.gather [spmem:s2], $0x20, s23, s6, $0xb8;
	[tilespmem:$0x12890] =	vst v63  }
0x3a9: {  	_ =	swait.ge [sflag:s9], $0x1000  }
0x3aa: {  	[sflag:s9] =	ssyncset.done $0x0  }
0x3ab: {  	[sflag:s9] =	ssyncadd.s32 $0xFFFFF000  }
0x3ac: {  	_ =	swait.ge [sflag:s9], $0x1000  }
0x3ad: {  	[sflag:s9] =	ssyncset.done $0x0  }
0x3ae: {  	[sflag:s9] =	ssyncadd.s32 $0xFFFFF000  }
0x3af: {  	_ =	swait.ge [sflag:s9], $0x1000  }
0x3b0: {  	[sflag:s9] =	ssyncset.done $0x0  }
0x3b1: {  	[sflag:s9] =	ssyncadd.s32 $0xFFFFF000  }
0x3b2: {  	_ =	swait.ge [sflag:s9], $0x1000  }
0x3b3: {  	[sflag:s9] =	ssyncset.done $0x0  }
0x3b4: {  	[sflag:s9] =	ssyncadd.s32 $0xFFFFF000  }
0x3b5: {  	_ =	swait.ge [sflag:s9], $0x1000  }
0x3b6: {  	[sflag:s9] =	ssyncset.done $0x0  }
0x3b7: {  	[sflag:s9] =	ssyncadd.s32 $0xFFFFF000  }
0x3b8: {  	_ =	swait.ge [sflag:s9], $0x1000  }
0x3b9: {  	[sflag:s9] =	ssyncset.done $0x0  }
0x3ba: {  	[sflag:s9] =	ssyncadd.s32 $0xFFFFF000  }
0x3bb: {  	_ =	swait.ge [sflag:s9], $0x1000  }
0x3bc: {  	[sflag:s9] =	ssyncset.done $0x0  }
0x3bd: {  	[sflag:s9] =	ssyncadd.s32 $0xFFFFF000  }
0x3be: {  	_ =	swait.ge [sflag:s9], $0x1000  }
0x3bf: {  	[sflag:s9] =	ssyncset.done $0x0  }
0x3c0: {  	s22 =	rddreg [dreg:$0xe];
	[sflag:s9] =	ssyncadd.s32 $0xFFFFF000  }
0x3c1: {  	[hbm4b:s22+s1] =	stream.linear.scatter [tilespmem:s4], [sflag:$0x3], $0x8000, $0x38;
	[tilespmem:$0x12890] =	vst v63  }
0x3c2: {  	_ =	swait.ge [sflag:s8], $0x1000  }
0x3c3: {  	[sflag:s8] =	ssyncset.done $0x0  }
0x3c4: {  	[sflag:s8] =	ssyncadd.s32 $0xFFFFF000  }
0x3c5: {  	_ =	swait.ge [sflag:s8], $0x1000  }
0x3c6: {  	[sflag:s8] =	ssyncset.done $0x0  }
0x3c7: {  	[sflag:s8] =	ssyncadd.s32 $0xFFFFF000  }
0x3c8: {  	_ =	swait.ge [sflag:s8], $0x1000  }
0x3c9: {  	[sflag:s8] =	ssyncset.done $0x0  }
0x3ca: {  	[sflag:s8] =	ssyncadd.s32 $0xFFFFF000  }
0x3cb: {  	_ =	swait.ge [sflag:s8], $0x1000  }
0x3cc: {  	[sflag:s8] =	ssyncset.done $0x0  }
0x3cd: {  	[sflag:s8] =	ssyncadd.s32 $0xFFFFF000  }
0x3ce: {  	_ =	swait.ge [sflag:s8], $0x1000  }
0x3cf: {  	[sflag:s8] =	ssyncset.done $0x0  }
0x3d0: {  	[sflag:s8] =	ssyncadd.s32 $0xFFFFF000  }
0x3d1: {  	_ =	swait.ge [sflag:s8], $0x1000  }
0x3d2: {  	[sflag:s8] =	ssyncset.done $0x0  }
0x3d3: {  	[sflag:s8] =	ssyncadd.s32 $0xFFFFF000  }
0x3d4: {  	_ =	swait.ge [sflag:s8], $0x1000  }
0x3d5: {  	[sflag:s8] =	ssyncset.done $0x0  }
0x3d6: {  	[sflag:s8] =	ssyncadd.s32 $0xFFFFF000  }
0x3d7: {  	_ =	swait.ge [sflag:s8], $0x1000  }
0x3d8: {  	s31 =	sadd.s32 $0xFFFFFFFF, s31;
	[sflag:s8] =	ssyncset.done $0x0  }
0x3d9: {  	p2 =	sne.s32 s31, $0x0;
	s22 =	rddreg [dreg:$0xf];
	[sflag:s8] =	ssyncadd.s32 $0xFFFFF000  }
0x3da: {  	[hbm4b:s22+s1] =	stream.linear.scatter [tilespmem:s3], [sflag:$0x4], $0x8000, $0x38;
	[tilespmem:$0x12890] =	vst v63  }
.Ltmp2:
0x3db: {  	_ =	swait.ge [sflag:s5], $0x8000;
	(pc) =	sbr.rel @p2 .LBB2_4-.Ltmp2, $4  }
0x3dc: {  	[sflag:s5] =	ssyncset.done $0x0  }
0x3dd: {  	[sflag:s5] =	ssyncadd.s32 $0xFFFF8000  }
0x3de: {  	_ =	swait.ge [sflag:s7], $0x8000  }
0x3df: {  	s0 =	rddreg [dreg:$0x10];
	[sflag:s7] =	ssyncset.done $0x0  }
0x3e0: {  	s31 =	simm.s32 $0x2700;
	s30 =	rddreg [dreg:$0x4]  }
.LBB2_6:
0x3e1: {  	s22 =	rddreg [dreg:$0x5];
	[sflag:s7] =	ssyncadd.s32 @p1 $0xFFFF8000;
	s29 =	simm.s32 @!p0 $0x1C05  }
0x3e2: {  	[spmem:s0], [sflag:s29] =	dma.local @!p0 [hbm:s22], $0x114  }
0x3e3: {  	s0 =	simm.s32 @!p0 $0x5  }
0x3e4: {  	_ =	swait.ge @!p0 [sflag:s0], $0x114  }
0x3e5: {  	[sflag:s0] =	ssyncset.done @!p0 $0x0  }
0x3e6: {  	[sflag:s0] =	ssyncadd.s32 @!p0 $0xFFFFFEEC  }
0x3e7: {  	[bflag:$0x0] =	sbarrier.arrive $0xFFFF  }
0x3e8: {  	s22 =	rddreg [dreg:$0x6]  }
0x3e9: {  	[tilespmem:s1], [sflag:$0x5] =	stream.linear.gather [hbm4b:s22+s1], $0x2800, $0x38;
	[tilespmem:$0x12890] =	vst v63  }
0x3ea: {  	_ =	swait.ge [sflag:s28], $0x2800  }
0x3eb: {  	[sflag:s28] =	ssyncset.done $0x0  }
0x3ec: {  	[sflag:s28] =	ssyncadd.s32 $0xFFFFD800  }
0x3ed: {  	[tilespmem:s4], [sflag:$0x1] =	stream.indirect.gather [spmem:s2], $0x20, s1, s6, $0xb8;
	[tilespmem:$0x12890] =	vst v63  }
0x3ee: {  	_ = 	snop  }
0x3ef: {  	[tilespmem:s17], [sflag:$0x1] =	stream.indirect.gather [spmem:s2], $0x20, s6, s6, $0xb8;
	[tilespmem:$0x12890] =	vst v63  }
0x3f0: {  	s28 =	rddreg [dreg:$0x11]  }
0x3f1: {  	[tilespmem:s18], [sflag:$0x1] =	stream.indirect.gather [spmem:s2], $0x20, s28, s6, $0xb8;
	[tilespmem:$0x12890] =	vst v63  }
0x3f2: {  	s29 =	rddreg [dreg:$0x12]  }
0x3f3: {  	[tilespmem:s19], [sflag:$0x1] =	stream.indirect.gather [spmem:s2], $0x20, s29, s6, $0xb8;
	[tilespmem:$0x12890] =	vst v63  }
0x3f4: {  	s28 =	rddreg [dreg:$0x13]  }
0x3f5: {  	[tilespmem:s20], [sflag:$0x1] =	stream.indirect.gather [spmem:s2], $0x20, s28, s6, $0xb8;
	[tilespmem:$0x12890] =	vst v63  }
0x3f6: {  	s29 =	rddreg [dreg:$0x14]  }
0x3f7: {  	[tilespmem:s21], [sflag:$0x1] =	stream.indirect.gather [spmem:s2], $0x20, s29, s6, $0xb8;
	[tilespmem:$0x12890] =	vst v63  }
0x3f8: {  	s28 =	rddreg [dreg:$0x15]  }
0x3f9: {  	[tilespmem:s24], [sflag:$0x1] =	stream.indirect.gather [spmem:s2], $0x20, s28, s6, $0xb8;
	[tilespmem:$0x12890] =	vst v63  }
0x3fa: {  	s29 =	rddreg [dreg:$0x16]  }
0x3fb: {  	[tilespmem:s25], [sflag:$0x1] =	stream.indirect.gather [spmem:s2], $0x20, s29, s6, $0xb8;
	[tilespmem:$0x12890] =	vst v63  }
0x3fc: {  	s28 =	rddreg [dreg:$0x17]  }
0x3fd: {  	[tilespmem:s3], [sflag:$0x2] =	stream.indirect.gather [spmem:s2], $0x20, s28, s6, $0xb8;
	[tilespmem:$0x12890] =	vst v63  }
0x3fe: {  	s29 =	rddreg [dreg:$0x18]  }
0x3ff: {  	[tilespmem:s10], [sflag:$0x2] =	stream.indirect.gather [spmem:s2], $0x20, s29, s6, $0xb8;
	[tilespmem:$0x12890] =	vst v63  }
0x400: {  	s28 =	rddreg [dreg:$0x19]  }
0x401: {  	[tilespmem:s11], [sflag:$0x2] =	stream.indirect.gather [spmem:s2], $0x20, s28, s6, $0xb8;
	[tilespmem:$0x12890] =	vst v63  }
0x402: {  	s29 =	rddreg [dreg:$0x1a]  }
0x403: {  	[tilespmem:s12], [sflag:$0x2] =	stream.indirect.gather [spmem:s2], $0x20, s29, s6, $0xb8;
	[tilespmem:$0x12890] =	vst v63  }
0x404: {  	s28 =	rddreg [dreg:$0x1b]  }
0x405: {  	[tilespmem:s13], [sflag:$0x2] =	stream.indirect.gather [spmem:s2], $0x20, s28, s6, $0xb8;
	[tilespmem:$0x12890] =	vst v63  }
0x406: {  	s29 =	rddreg [dreg:$0x1c]  }
0x407: {  	[tilespmem:s14], [sflag:$0x2] =	stream.indirect.gather [spmem:s2], $0x20, s29, s6, $0xb8;
	[tilespmem:$0x12890] =	vst v63  }
0x408: {  	s28 =	rddreg [dreg:$0x1d]  }
0x409: {  	[tilespmem:s15], [sflag:$0x2] =	stream.indirect.gather [spmem:s2], $0x20, s28, s6, $0xb8;
	[tilespmem:$0x12890] =	vst v63  }
0x40a: {  	s29 =	rddreg [dreg:$0x1e]  }
0x40b: {  	[tilespmem:s16], [sflag:$0x2] =	stream.indirect.gather [spmem:s2], $0x20, s29, s6, $0xb8;
	[tilespmem:$0x12890] =	vst v63  }
0x40c: {  	_ =	swait.ge [sflag:s9], $0x1000  }
0x40d: {  	[sflag:s9] =	ssyncset.done $0x0  }
0x40e: {  	[sflag:s9] =	ssyncadd.s32 $0xFFFFF000  }
0x40f: {  	_ =	swait.ge [sflag:s9], $0x1000  }
0x410: {  	[sflag:s9] =	ssyncset.done $0x0  }
0x411: {  	[sflag:s9] =	ssyncadd.s32 $0xFFFFF000  }
0x412: {  	_ =	swait.ge [sflag:s9], $0x1000  }
0x413: {  	[sflag:s9] =	ssyncset.done $0x0  }
0x414: {  	[sflag:s9] =	ssyncadd.s32 $0xFFFFF000  }
0x415: {  	_ =	swait.ge [sflag:s9], $0x1000  }
0x416: {  	[sflag:s9] =	ssyncset.done $0x0  }
0x417: {  	[sflag:s9] =	ssyncadd.s32 $0xFFFFF000  }
0x418: {  	_ =	swait.ge [sflag:s9], $0x1000  }
0x419: {  	[sflag:s9] =	ssyncset.done $0x0  }
0x41a: {  	[sflag:s9] =	ssyncadd.s32 $0xFFFFF000  }
0x41b: {  	_ =	swait.ge [sflag:s9], $0x1000  }
0x41c: {  	[sflag:s9] =	ssyncset.done $0x0  }
0x41d: {  	[sflag:s9] =	ssyncadd.s32 $0xFFFFF000  }
0x41e: {  	_ =	swait.ge [sflag:s9], $0x1000  }
0x41f: {  	[sflag:s9] =	ssyncset.done $0x0  }
0x420: {  	[sflag:s9] =	ssyncadd.s32 $0xFFFFF000  }
0x421: {  	_ =	swait.ge [sflag:s9], $0x1000  }
0x422: {  	[sflag:s9] =	ssyncset.done $0x0  }
0x423: {  	[sflag:s9] =	ssyncadd.s32 $0xFFFFF000  }
0x424: {  	[hbm4b:s26+s1] =	stream.linear.scatter [tilespmem:s4], [sflag:$0x3], $0x8000, $0x38;
	[tilespmem:$0x12890] =	vst v63  }
0x425: {  	_ =	swait.ge [sflag:s5], $0x8000  }
0x426: {  	s28 =	rddreg [dreg:$0x1f];
	[sflag:s5] =	ssyncset.done $0x0  }
0x427: {  	s29 =	sld [smem:$0x7C1];
	[sflag:s5] =	ssyncadd.s32 $0xFFFF8000  }
0x428: {  	[tilespmem:s4], [sflag:$0x1] =	stream.indirect.gather [spmem:s2], $0x20, s28, s6, $0xb8;
	[tilespmem:$0x12890] =	vst v63  }
0x429: {  	s26 =	sld [smem:$0x7C2]  }
0x42a: {  	[tilespmem:s17], [sflag:$0x1] =	stream.indirect.gather [spmem:s2], $0x20, s29, s6, $0xb8;
	[tilespmem:$0x12890] =	vst v63  }
0x42b: {  	s28 =	sld [smem:$0x7C3]  }
0x42c: {  	[tilespmem:s18], [sflag:$0x1] =	stream.indirect.gather [spmem:s2], $0x20, s26, s6, $0xb8;
	[tilespmem:$0x12890] =	vst v63  }
0x42d: {  	s29 =	sld [smem:$0x7C4]  }
0x42e: {  	[tilespmem:s19], [sflag:$0x1] =	stream.indirect.gather [spmem:s2], $0x20, s28, s6, $0xb8;
	[tilespmem:$0x12890] =	vst v63  }
0x42f: {  	s26 =	sld [smem:$0x7C5]  }
0x430: {  	[tilespmem:s20], [sflag:$0x1] =	stream.indirect.gather [spmem:s2], $0x20, s29, s6, $0xb8;
	[tilespmem:$0x12890] =	vst v63  }
0x431: {  	s28 =	sld [smem:$0x7C6]  }
0x432: {  	[tilespmem:s21], [sflag:$0x1] =	stream.indirect.gather [spmem:s2], $0x20, s26, s6, $0xb8;
	[tilespmem:$0x12890] =	vst v63  }
0x433: {  	s29 =	sld [smem:$0x7C7]  }
0x434: {  	[tilespmem:s24], [sflag:$0x1] =	stream.indirect.gather [spmem:s2], $0x20, s28, s6, $0xb8;
	[tilespmem:$0x12890] =	vst v63  }
0x435: {  	_ = 	snop  }
0x436: {  	[tilespmem:s25], [sflag:$0x1] =	stream.indirect.gather [spmem:s2], $0x20, s29, s6, $0xb8;
	[tilespmem:$0x12890] =	vst v63  }
0x437: {  	_ =	swait.ge [sflag:s8], $0x1000  }
0x438: {  	[sflag:s8] =	ssyncset.done $0x0  }
0x439: {  	[sflag:s8] =	ssyncadd.s32 $0xFFFFF000  }
0x43a: {  	_ =	swait.ge [sflag:s8], $0x1000  }
0x43b: {  	[sflag:s8] =	ssyncset.done $0x0  }
0x43c: {  	[sflag:s8] =	ssyncadd.s32 $0xFFFFF000  }
0x43d: {  	_ =	swait.ge [sflag:s8], $0x1000  }
0x43e: {  	[sflag:s8] =	ssyncset.done $0x0  }
0x43f: {  	[sflag:s8] =	ssyncadd.s32 $0xFFFFF000  }
0x440: {  	_ =	swait.ge [sflag:s8], $0x1000  }
0x441: {  	[sflag:s8] =	ssyncset.done $0x0  }
0x442: {  	[sflag:s8] =	ssyncadd.s32 $0xFFFFF000  }
0x443: {  	_ =	swait.ge [sflag:s8], $0x1000  }
0x444: {  	[sflag:s8] =	ssyncset.done $0x0  }
0x445: {  	[sflag:s8] =	ssyncadd.s32 $0xFFFFF000  }
0x446: {  	_ =	swait.ge [sflag:s8], $0x1000  }
0x447: {  	[sflag:s8] =	ssyncset.done $0x0  }
0x448: {  	[sflag:s8] =	ssyncadd.s32 $0xFFFFF000  }
0x449: {  	_ =	swait.ge [sflag:s8], $0x1000  }
0x44a: {  	[sflag:s8] =	ssyncset.done $0x0  }
0x44b: {  	[sflag:s8] =	ssyncadd.s32 $0xFFFFF000  }
0x44c: {  	_ =	swait.ge [sflag:s8], $0x1000  }
0x44d: {  	[sflag:s8] =	ssyncset.done $0x0  }
0x44e: {  	s26 =	rddreg [dreg:$0x7];
	[sflag:s8] =	ssyncadd.s32 $0xFFFFF000  }
0x44f: {  	[hbm4b:s26+s1] =	stream.linear.scatter [tilespmem:s3], [sflag:$0x4], $0x8000, $0x38;
	[tilespmem:$0x12890] =	vst v63  }
0x450: {  	_ =	swait.ge [sflag:s7], $0x8000  }
0x451: {  	s28 =	sld [smem:$0x7C8]  }
0x452: {  	[sflag:s7] =	ssyncset.done $0x0  }
0x453: {  	s29 =	sld [smem:$0x7C9];
	[sflag:s7] =	ssyncadd.s32 $0xFFFF8000  }
0x454: {  	[tilespmem:s3], [sflag:$0x2] =	stream.indirect.gather [spmem:s2], $0x20, s28, s6, $0xb8;
	[tilespmem:$0x12890] =	vst v63  }
0x455: {  	s26 =	sld [smem:$0x7CA]  }
0x456: {  	[tilespmem:s10], [sflag:$0x2] =	stream.indirect.gather [spmem:s2], $0x20, s29, s6, $0xb8;
	[tilespmem:$0x12890] =	vst v63  }
0x457: {  	s28 =	sld [smem:$0x7CB]  }
0x458: {  	[tilespmem:s11], [sflag:$0x2] =	stream.indirect.gather [spmem:s2], $0x20, s26, s6, $0xb8;
	[tilespmem:$0x12890] =	vst v63  }
0x459: {  	s29 =	sld [smem:$0x7CC]  }
0x45a: {  	[tilespmem:s12], [sflag:$0x2] =	stream.indirect.gather [spmem:s2], $0x20, s28, s6, $0xb8;
	[tilespmem:$0x12890] =	vst v63  }
0x45b: {  	s26 =	sld [smem:$0x7CD]  }
0x45c: {  	[tilespmem:s13], [sflag:$0x2] =	stream.indirect.gather [spmem:s2], $0x20, s29, s6, $0xb8;
	[tilespmem:$0x12890] =	vst v63  }
0x45d: {  	s28 =	sld [smem:$0x7CE]  }
0x45e: {  	[tilespmem:s14], [sflag:$0x2] =	stream.indirect.gather [spmem:s2], $0x20, s26, s6, $0xb8;
	[tilespmem:$0x12890] =	vst v63  }
0x45f: {  	s29 =	sld [smem:$0x7CF]  }
0x460: {  	[tilespmem:s15], [sflag:$0x2] =	stream.indirect.gather [spmem:s2], $0x20, s28, s6, $0xb8;
	[tilespmem:$0x12890] =	vst v63  }
0x461: {  	_ = 	snop  }
0x462: {  	[tilespmem:s16], [sflag:$0x2] =	stream.indirect.gather [spmem:s2], $0x20, s29, s6, $0xb8;
	[tilespmem:$0x12890] =	vst v63  }
0x463: {  	_ =	swait.ge [sflag:s9], $0x1000  }
0x464: {  	[sflag:s9] =	ssyncset.done $0x0  }
0x465: {  	[sflag:s9] =	ssyncadd.s32 $0xFFFFF000  }
0x466: {  	_ =	swait.ge [sflag:s9], $0x1000  }
0x467: {  	[sflag:s9] =	ssyncset.done $0x0  }
0x468: {  	[sflag:s9] =	ssyncadd.s32 $0xFFFFF000  }
0x469: {  	_ =	swait.ge [sflag:s9], $0x1000  }
0x46a: {  	[sflag:s9] =	ssyncset.done $0x0  }
0x46b: {  	[sflag:s9] =	ssyncadd.s32 $0xFFFFF000  }
0x46c: {  	_ =	swait.ge [sflag:s9], $0x1000  }
0x46d: {  	[sflag:s9] =	ssyncset.done $0x0  }
0x46e: {  	[sflag:s9] =	ssyncadd.s32 $0xFFFFF000  }
0x46f: {  	_ =	swait.ge [sflag:s9], $0x1000  }
0x470: {  	[sflag:s9] =	ssyncset.done $0x0  }
0x471: {  	[sflag:s9] =	ssyncadd.s32 $0xFFFFF000  }
0x472: {  	_ =	swait.ge [sflag:s9], $0x1000  }
0x473: {  	[sflag:s9] =	ssyncset.done $0x0  }
0x474: {  	[sflag:s9] =	ssyncadd.s32 $0xFFFFF000  }
0x475: {  	_ =	swait.ge [sflag:s9], $0x1000  }
0x476: {  	[sflag:s9] =	ssyncset.done $0x0  }
0x477: {  	[sflag:s9] =	ssyncadd.s32 $0xFFFFF000  }
0x478: {  	_ =	swait.ge [sflag:s9], $0x1000  }
0x479: {  	[sflag:s9] =	ssyncset.done $0x0  }
0x47a: {  	s26 =	rddreg [dreg:$0x8];
	[sflag:s9] =	ssyncadd.s32 $0xFFFFF000  }
0x47b: {  	[hbm4b:s26+s1] =	stream.linear.scatter [tilespmem:s4], [sflag:$0x3], $0x8000, $0x38;
	[tilespmem:$0x12890] =	vst v63  }
0x47c: {  	_ =	swait.ge [sflag:s5], $0x8000  }
0x47d: {  	s28 =	sld [smem:$0x7D0]  }
0x47e: {  	[sflag:s5] =	ssyncset.done $0x0  }
0x47f: {  	s29 =	sld [smem:$0x7D1];
	[sflag:s5] =	ssyncadd.s32 $0xFFFF8000  }
0x480: {  	[tilespmem:s4], [sflag:$0x1] =	stream.indirect.gather [spmem:s2], $0x20, s28, s6, $0xb8;
	[tilespmem:$0x12890] =	vst v63  }
0x481: {  	s26 =	sld [smem:$0x7D2]  }
0x482: {  	[tilespmem:s17], [sflag:$0x1] =	stream.indirect.gather [spmem:s2], $0x20, s29, s6, $0xb8;
	[tilespmem:$0x12890] =	vst v63  }
0x483: {  	s28 =	sld [smem:$0x7D3]  }
0x484: {  	[tilespmem:s18], [sflag:$0x1] =	stream.indirect.gather [spmem:s2], $0x20, s26, s6, $0xb8;
	[tilespmem:$0x12890] =	vst v63  }
0x485: {  	s29 =	sld [smem:$0x7D4]  }
0x486: {  	[tilespmem:s19], [sflag:$0x1] =	stream.indirect.gather [spmem:s2], $0x20, s28, s6, $0xb8;
	[tilespmem:$0x12890] =	vst v63  }
0x487: {  	s26 =	sld [smem:$0x7D5]  }
0x488: {  	[tilespmem:s20], [sflag:$0x1] =	stream.indirect.gather [spmem:s2], $0x20, s29, s6, $0xb8;
	[tilespmem:$0x12890] =	vst v63  }
0x489: {  	s28 =	sld [smem:$0x7D6]  }
0x48a: {  	[tilespmem:s21], [sflag:$0x1] =	stream.indirect.gather [spmem:s2], $0x20, s26, s6, $0xb8;
	[tilespmem:$0x12890] =	vst v63  }
0x48b: {  	s29 =	sld [smem:$0x7D7]  }
0x48c: {  	[tilespmem:s24], [sflag:$0x1] =	stream.indirect.gather [spmem:s2], $0x20, s28, s6, $0xb8;
	[tilespmem:$0x12890] =	vst v63  }
0x48d: {  	_ = 	snop  }
0x48e: {  	[tilespmem:s25], [sflag:$0x1] =	stream.indirect.gather [spmem:s2], $0x20, s29, s6, $0xb8;
	[tilespmem:$0x12890] =	vst v63  }
0x48f: {  	_ =	swait.ge [sflag:s8], $0x1000  }
0x490: {  	[sflag:s8] =	ssyncset.done $0x0  }
0x491: {  	[sflag:s8] =	ssyncadd.s32 $0xFFFFF000  }
0x492: {  	_ =	swait.ge [sflag:s8], $0x1000  }
0x493: {  	[sflag:s8] =	ssyncset.done $0x0  }
0x494: {  	[sflag:s8] =	ssyncadd.s32 $0xFFFFF000  }
0x495: {  	_ =	swait.ge [sflag:s8], $0x1000  }
0x496: {  	[sflag:s8] =	ssyncset.done $0x0  }
0x497: {  	[sflag:s8] =	ssyncadd.s32 $0xFFFFF000  }
0x498: {  	_ =	swait.ge [sflag:s8], $0x1000  }
0x499: {  	[sflag:s8] =	ssyncset.done $0x0  }
0x49a: {  	[sflag:s8] =	ssyncadd.s32 $0xFFFFF000  }
0x49b: {  	_ =	swait.ge [sflag:s8], $0x1000  }
0x49c: {  	[sflag:s8] =	ssyncset.done $0x0  }
0x49d: {  	[sflag:s8] =	ssyncadd.s32 $0xFFFFF000  }
0x49e: {  	_ =	swait.ge [sflag:s8], $0x1000  }
0x49f: {  	[sflag:s8] =	ssyncset.done $0x0  }
0x4a0: {  	[sflag:s8] =	ssyncadd.s32 $0xFFFFF000  }
0x4a1: {  	_ =	swait.ge [sflag:s8], $0x1000  }
0x4a2: {  	[sflag:s8] =	ssyncset.done $0x0  }
0x4a3: {  	[sflag:s8] =	ssyncadd.s32 $0xFFFFF000  }
0x4a4: {  	_ =	swait.ge [sflag:s8], $0x1000  }
0x4a5: {  	[sflag:s8] =	ssyncset.done $0x0  }
0x4a6: {  	s26 =	rddreg [dreg:$0x9];
	[sflag:s8] =	ssyncadd.s32 $0xFFFFF000  }
0x4a7: {  	[hbm4b:s26+s1] =	stream.linear.scatter [tilespmem:s3], [sflag:$0x4], $0x8000, $0x38;
	[tilespmem:$0x12890] =	vst v63  }
0x4a8: {  	_ =	swait.ge [sflag:s7], $0x8000  }
0x4a9: {  	s28 =	sld [smem:$0x7D8]  }
0x4aa: {  	[sflag:s7] =	ssyncset.done $0x0  }
0x4ab: {  	s29 =	sld [smem:$0x7D9];
	[sflag:s7] =	ssyncadd.s32 $0xFFFF8000  }
0x4ac: {  	[tilespmem:s3], [sflag:$0x2] =	stream.indirect.gather [spmem:s2], $0x20, s28, s6, $0xb8;
	[tilespmem:$0x12890] =	vst v63  }
0x4ad: {  	s26 =	sld [smem:$0x7DA]  }
0x4ae: {  	[tilespmem:s10], [sflag:$0x2] =	stream.indirect.gather [spmem:s2], $0x20, s29, s6, $0xb8;
	[tilespmem:$0x12890] =	vst v63  }
0x4af: {  	s28 =	sld [smem:$0x7DB]  }
0x4b0: {  	[tilespmem:s11], [sflag:$0x2] =	stream.indirect.gather [spmem:s2], $0x20, s26, s6, $0xb8;
	[tilespmem:$0x12890] =	vst v63  }
0x4b1: {  	s29 =	sld [smem:$0x7DC]  }
0x4b2: {  	[tilespmem:s12], [sflag:$0x2] =	stream.indirect.gather [spmem:s2], $0x20, s28, s6, $0xb8;
	[tilespmem:$0x12890] =	vst v63  }
0x4b3: {  	s26 =	sld [smem:$0x7DD]  }
0x4b4: {  	[tilespmem:s13], [sflag:$0x2] =	stream.indirect.gather [spmem:s2], $0x20, s29, s6, $0xb8;
	[tilespmem:$0x12890] =	vst v63  }
0x4b5: {  	s28 =	sld [smem:$0x7DE]  }
0x4b6: {  	[tilespmem:s14], [sflag:$0x2] =	stream.indirect.gather [spmem:s2], $0x20, s26, s6, $0xb8;
	[tilespmem:$0x12890] =	vst v63  }
0x4b7: {  	s29 =	sld [smem:$0x7DF]  }
0x4b8: {  	[tilespmem:s15], [sflag:$0x2] =	stream.indirect.gather [spmem:s2], $0x20, s28, s6, $0xb8;
	[tilespmem:$0x12890] =	vst v63  }
0x4b9: {  	_ = 	snop  }
0x4ba: {  	[tilespmem:s16], [sflag:$0x2] =	stream.indirect.gather [spmem:s2], $0x20, s29, s6, $0xb8;
	[tilespmem:$0x12890] =	vst v63  }
0x4bb: {  	_ =	swait.ge [sflag:s9], $0x1000  }
0x4bc: {  	[sflag:s9] =	ssyncset.done $0x0  }
0x4bd: {  	[sflag:s9] =	ssyncadd.s32 $0xFFFFF000  }
0x4be: {  	_ =	swait.ge [sflag:s9], $0x1000  }
0x4bf: {  	[sflag:s9] =	ssyncset.done $0x0  }
0x4c0: {  	[sflag:s9] =	ssyncadd.s32 $0xFFFFF000  }
0x4c1: {  	_ =	swait.ge [sflag:s9], $0x1000  }
0x4c2: {  	[sflag:s9] =	ssyncset.done $0x0  }
0x4c3: {  	[sflag:s9] =	ssyncadd.s32 $0xFFFFF000  }
0x4c4: {  	_ =	swait.ge [sflag:s9], $0x1000  }
0x4c5: {  	[sflag:s9] =	ssyncset.done $0x0  }
0x4c6: {  	[sflag:s9] =	ssyncadd.s32 $0xFFFFF000  }
0x4c7: {  	_ =	swait.ge [sflag:s9], $0x1000  }
0x4c8: {  	[sflag:s9] =	ssyncset.done $0x0  }
0x4c9: {  	[sflag:s9] =	ssyncadd.s32 $0xFFFFF000  }
0x4ca: {  	_ =	swait.ge [sflag:s9], $0x1000  }
0x4cb: {  	[sflag:s9] =	ssyncset.done $0x0  }
0x4cc: {  	[sflag:s9] =	ssyncadd.s32 $0xFFFFF000  }
0x4cd: {  	_ =	swait.ge [sflag:s9], $0x1000  }
0x4ce: {  	[sflag:s9] =	ssyncset.done $0x0  }
0x4cf: {  	[sflag:s9] =	ssyncadd.s32 $0xFFFFF000  }
0x4d0: {  	_ =	swait.ge [sflag:s9], $0x1000  }
0x4d1: {  	[sflag:s9] =	ssyncset.done $0x0  }
0x4d2: {  	s26 =	rddreg [dreg:$0xa];
	[sflag:s9] =	ssyncadd.s32 $0xFFFFF000  }
0x4d3: {  	[hbm4b:s26+s1] =	stream.linear.scatter [tilespmem:s4], [sflag:$0x3], $0x8000, $0x38;
	[tilespmem:$0x12890] =	vst v63  }
0x4d4: {  	_ =	swait.ge [sflag:s5], $0x8000  }
0x4d5: {  	s28 =	sld [smem:$0x7E0]  }
0x4d6: {  	[sflag:s5] =	ssyncset.done $0x0  }
0x4d7: {  	s29 =	sld [smem:$0x7E1];
	[sflag:s5] =	ssyncadd.s32 $0xFFFF8000  }
0x4d8: {  	[tilespmem:s4], [sflag:$0x1] =	stream.indirect.gather [spmem:s2], $0x20, s28, s6, $0xb8;
	[tilespmem:$0x12890] =	vst v63  }
0x4d9: {  	s26 =	sld [smem:$0x7E2]  }
0x4da: {  	[tilespmem:s17], [sflag:$0x1] =	stream.indirect.gather [spmem:s2], $0x20, s29, s6, $0xb8;
	[tilespmem:$0x12890] =	vst v63  }
0x4db: {  	s28 =	sld [smem:$0x7E3]  }
0x4dc: {  	[tilespmem:s18], [sflag:$0x1] =	stream.indirect.gather [spmem:s2], $0x20, s26, s6, $0xb8;
	[tilespmem:$0x12890] =	vst v63  }
0x4dd: {  	s29 =	sld [smem:$0x7E4]  }
0x4de: {  	[tilespmem:s19], [sflag:$0x1] =	stream.indirect.gather [spmem:s2], $0x20, s28, s6, $0xb8;
	[tilespmem:$0x12890] =	vst v63  }
0x4df: {  	s26 =	sld [smem:$0x7E5]  }
0x4e0: {  	[tilespmem:s20], [sflag:$0x1] =	stream.indirect.gather [spmem:s2], $0x20, s29, s6, $0xb8;
	[tilespmem:$0x12890] =	vst v63  }
0x4e1: {  	s28 =	sld [smem:$0x7E6]  }
0x4e2: {  	[tilespmem:s21], [sflag:$0x1] =	stream.indirect.gather [spmem:s2], $0x20, s26, s6, $0xb8;
	[tilespmem:$0x12890] =	vst v63  }
0x4e3: {  	s29 =	sld [smem:$0x7E7]  }
0x4e4: {  	[tilespmem:s24], [sflag:$0x1] =	stream.indirect.gather [spmem:s2], $0x20, s28, s6, $0xb8;
	[tilespmem:$0x12890] =	vst v63  }
0x4e5: {  	_ = 	snop  }
0x4e6: {  	[tilespmem:s25], [sflag:$0x1] =	stream.indirect.gather [spmem:s2], $0x20, s29, s6, $0xb8;
	[tilespmem:$0x12890] =	vst v63  }
0x4e7: {  	_ =	swait.ge [sflag:s8], $0x1000  }
0x4e8: {  	[sflag:s8] =	ssyncset.done $0x0  }
0x4e9: {  	[sflag:s8] =	ssyncadd.s32 $0xFFFFF000  }
0x4ea: {  	_ =	swait.ge [sflag:s8], $0x1000  }
0x4eb: {  	[sflag:s8] =	ssyncset.done $0x0  }
0x4ec: {  	[sflag:s8] =	ssyncadd.s32 $0xFFFFF000  }
0x4ed: {  	_ =	swait.ge [sflag:s8], $0x1000  }
0x4ee: {  	[sflag:s8] =	ssyncset.done $0x0  }
0x4ef: {  	[sflag:s8] =	ssyncadd.s32 $0xFFFFF000  }
0x4f0: {  	_ =	swait.ge [sflag:s8], $0x1000  }
0x4f1: {  	[sflag:s8] =	ssyncset.done $0x0  }
0x4f2: {  	[sflag:s8] =	ssyncadd.s32 $0xFFFFF000  }
0x4f3: {  	_ =	swait.ge [sflag:s8], $0x1000  }
0x4f4: {  	[sflag:s8] =	ssyncset.done $0x0  }
0x4f5: {  	[sflag:s8] =	ssyncadd.s32 $0xFFFFF000  }
0x4f6: {  	_ =	swait.ge [sflag:s8], $0x1000  }
0x4f7: {  	[sflag:s8] =	ssyncset.done $0x0  }
0x4f8: {  	[sflag:s8] =	ssyncadd.s32 $0xFFFFF000  }
0x4f9: {  	_ =	swait.ge [sflag:s8], $0x1000  }
0x4fa: {  	[sflag:s8] =	ssyncset.done $0x0  }
0x4fb: {  	[sflag:s8] =	ssyncadd.s32 $0xFFFFF000  }
0x4fc: {  	_ =	swait.ge [sflag:s8], $0x1000  }
0x4fd: {  	[sflag:s8] =	ssyncset.done $0x0  }
0x4fe: {  	s26 =	rddreg [dreg:$0xb];
	[sflag:s8] =	ssyncadd.s32 $0xFFFFF000  }
0x4ff: {  	[hbm4b:s26+s1] =	stream.linear.scatter [tilespmem:s3], [sflag:$0x4], $0x8000, $0x38;
	[tilespmem:$0x12890] =	vst v63  }
0x500: {  	_ =	swait.ge [sflag:s7], $0x8000  }
0x501: {  	s28 =	sld [smem:$0x7E8]  }
0x502: {  	[sflag:s7] =	ssyncset.done $0x0  }
0x503: {  	s29 =	sld [smem:$0x7E9];
	[sflag:s7] =	ssyncadd.s32 $0xFFFF8000  }
0x504: {  	[tilespmem:s3], [sflag:$0x2] =	stream.indirect.gather [spmem:s2], $0x20, s28, s6, $0xb8;
	[tilespmem:$0x12890] =	vst v63  }
0x505: {  	s26 =	sld [smem:$0x7EA]  }
0x506: {  	[tilespmem:s10], [sflag:$0x2] =	stream.indirect.gather [spmem:s2], $0x20, s29, s6, $0xb8;
	[tilespmem:$0x12890] =	vst v63  }
0x507: {  	s28 =	sld [smem:$0x7EB]  }
0x508: {  	[tilespmem:s11], [sflag:$0x2] =	stream.indirect.gather [spmem:s2], $0x20, s26, s6, $0xb8;
	[tilespmem:$0x12890] =	vst v63  }
0x509: {  	s29 =	sld [smem:$0x7EC]  }
0x50a: {  	[tilespmem:s12], [sflag:$0x2] =	stream.indirect.gather [spmem:s2], $0x20, s28, s6, $0xb8;
	[tilespmem:$0x12890] =	vst v63  }
0x50b: {  	s26 =	sld [smem:$0x7ED]  }
0x50c: {  	[tilespmem:s13], [sflag:$0x2] =	stream.indirect.gather [spmem:s2], $0x20, s29, s6, $0xb8;
	[tilespmem:$0x12890] =	vst v63  }
0x50d: {  	s28 =	sld [smem:$0x7EE]  }
0x50e: {  	[tilespmem:s14], [sflag:$0x2] =	stream.indirect.gather [spmem:s2], $0x20, s26, s6, $0xb8;
	[tilespmem:$0x12890] =	vst v63  }
0x50f: {  	s29 =	sld [smem:$0x7EF]  }
0x510: {  	[tilespmem:s15], [sflag:$0x2] =	stream.indirect.gather [spmem:s2], $0x20, s28, s6, $0xb8;
	[tilespmem:$0x12890] =	vst v63  }
0x511: {  	_ = 	snop  }
0x512: {  	[tilespmem:s16], [sflag:$0x2] =	stream.indirect.gather [spmem:s2], $0x20, s29, s6, $0xb8;
	[tilespmem:$0x12890] =	vst v63  }
0x513: {  	_ =	swait.ge [sflag:s9], $0x1000  }
0x514: {  	[sflag:s9] =	ssyncset.done $0x0  }
0x515: {  	[sflag:s9] =	ssyncadd.s32 $0xFFFFF000  }
0x516: {  	_ =	swait.ge [sflag:s9], $0x1000  }
0x517: {  	[sflag:s9] =	ssyncset.done $0x0  }
0x518: {  	[sflag:s9] =	ssyncadd.s32 $0xFFFFF000  }
0x519: {  	_ =	swait.ge [sflag:s9], $0x1000  }
0x51a: {  	[sflag:s9] =	ssyncset.done $0x0  }
0x51b: {  	[sflag:s9] =	ssyncadd.s32 $0xFFFFF000  }
0x51c: {  	_ =	swait.ge [sflag:s9], $0x1000  }
0x51d: {  	[sflag:s9] =	ssyncset.done $0x0  }
0x51e: {  	[sflag:s9] =	ssyncadd.s32 $0xFFFFF000  }
0x51f: {  	_ =	swait.ge [sflag:s9], $0x1000  }
0x520: {  	[sflag:s9] =	ssyncset.done $0x0  }
0x521: {  	[sflag:s9] =	ssyncadd.s32 $0xFFFFF000  }
0x522: {  	_ =	swait.ge [sflag:s9], $0x1000  }
0x523: {  	[sflag:s9] =	ssyncset.done $0x0  }
0x524: {  	[sflag:s9] =	ssyncadd.s32 $0xFFFFF000  }
0x525: {  	_ =	swait.ge [sflag:s9], $0x1000  }
0x526: {  	[sflag:s9] =	ssyncset.done $0x0  }
0x527: {  	[sflag:s9] =	ssyncadd.s32 $0xFFFFF000  }
0x528: {  	_ =	swait.ge [sflag:s9], $0x1000  }
0x529: {  	[sflag:s9] =	ssyncset.done $0x0  }
0x52a: {  	s22 =	rddreg [dreg:$0xc];
	[sflag:s9] =	ssyncadd.s32 $0xFFFFF000  }
0x52b: {  	[hbm4b:s22+s1] =	stream.linear.scatter [tilespmem:s4], [sflag:$0x3], $0x8000, $0x38;
	[tilespmem:$0x12890] =	vst v63  }
0x52c: {  	_ =	swait.ge [sflag:s5], $0x8000  }
0x52d: {  	s26 =	sld [smem:$0x7F0]  }
0x52e: {  	[sflag:s5] =	ssyncset.done $0x0  }
0x52f: {  	s28 =	sld [smem:$0x7F1];
	[sflag:s5] =	ssyncadd.s32 $0xFFFF8000  }
0x530: {  	[tilespmem:s4], [sflag:$0x1] =	stream.indirect.gather [spmem:s2], $0x20, s26, s6, $0xb8;
	[tilespmem:$0x12890] =	vst v63  }
0x531: {  	s29 =	sld [smem:$0x7F2]  }
0x532: {  	[tilespmem:s17], [sflag:$0x1] =	stream.indirect.gather [spmem:s2], $0x20, s28, s6, $0xb8;
	[tilespmem:$0x12890] =	vst v63  }
0x533: {  	s26 =	sld [smem:$0x7F3]  }
0x534: {  	[tilespmem:s18], [sflag:$0x1] =	stream.indirect.gather [spmem:s2], $0x20, s29, s6, $0xb8;
	[tilespmem:$0x12890] =	vst v63  }
0x535: {  	s28 =	sld [smem:$0x7F4]  }
0x536: {  	[tilespmem:s19], [sflag:$0x1] =	stream.indirect.gather [spmem:s2], $0x20, s26, s6, $0xb8;
	[tilespmem:$0x12890] =	vst v63  }
0x537: {  	s29 =	sld [smem:$0x7F5]  }
0x538: {  	[tilespmem:s20], [sflag:$0x1] =	stream.indirect.gather [spmem:s2], $0x20, s28, s6, $0xb8;
	[tilespmem:$0x12890] =	vst v63  }
0x539: {  	s18 =	sld [smem:$0x7F6]  }
0x53a: {  	[tilespmem:s21], [sflag:$0x1] =	stream.indirect.gather [spmem:s2], $0x20, s29, s6, $0xb8;
	[tilespmem:$0x12890] =	vst v63  }
0x53b: {  	s19 =	sld [smem:$0x7F7]  }
0x53c: {  	[tilespmem:s24], [sflag:$0x1] =	stream.indirect.gather [spmem:s2], $0x20, s18, s6, $0xb8;
	[tilespmem:$0x12890] =	vst v63  }
0x53d: {  	_ = 	snop  }
0x53e: {  	[tilespmem:s25], [sflag:$0x1] =	stream.indirect.gather [spmem:s2], $0x20, s19, s6, $0xb8;
	[tilespmem:$0x12890] =	vst v63  }
0x53f: {  	_ =	swait.ge [sflag:s8], $0x1000  }
0x540: {  	[sflag:s8] =	ssyncset.done $0x0  }
0x541: {  	[sflag:s8] =	ssyncadd.s32 $0xFFFFF000  }
0x542: {  	_ =	swait.ge [sflag:s8], $0x1000  }
0x543: {  	[sflag:s8] =	ssyncset.done $0x0  }
0x544: {  	[sflag:s8] =	ssyncadd.s32 $0xFFFFF000  }
0x545: {  	_ =	swait.ge [sflag:s8], $0x1000  }
0x546: {  	[sflag:s8] =	ssyncset.done $0x0  }
0x547: {  	[sflag:s8] =	ssyncadd.s32 $0xFFFFF000  }
0x548: {  	_ =	swait.ge [sflag:s8], $0x1000  }
0x549: {  	[sflag:s8] =	ssyncset.done $0x0  }
0x54a: {  	[sflag:s8] =	ssyncadd.s32 $0xFFFFF000  }
0x54b: {  	_ =	swait.ge [sflag:s8], $0x1000  }
0x54c: {  	[sflag:s8] =	ssyncset.done $0x0  }
0x54d: {  	[sflag:s8] =	ssyncadd.s32 $0xFFFFF000  }
0x54e: {  	_ =	swait.ge [sflag:s8], $0x1000  }
0x54f: {  	[sflag:s8] =	ssyncset.done $0x0  }
0x550: {  	[sflag:s8] =	ssyncadd.s32 $0xFFFFF000  }
0x551: {  	_ =	swait.ge [sflag:s8], $0x1000  }
0x552: {  	[sflag:s8] =	ssyncset.done $0x0  }
0x553: {  	[sflag:s8] =	ssyncadd.s32 $0xFFFFF000  }
0x554: {  	_ =	swait.ge [sflag:s8], $0x1000  }
0x555: {  	[sflag:s8] =	ssyncset.done $0x0  }
0x556: {  	s20 =	rddreg [dreg:$0xd];
	[sflag:s8] =	ssyncadd.s32 $0xFFFFF000  }
0x557: {  	[hbm4b:s20+s1] =	stream.linear.scatter [tilespmem:s3], [sflag:$0x4], $0x8000, $0x38;
	[tilespmem:$0x12890] =	vst v63  }
0x558: {  	_ =	swait.ge [sflag:s7], $0x8000  }
0x559: {  	s21 =	sld [smem:$0x7F8]  }
0x55a: {  	[sflag:s7] =	ssyncset.done $0x0  }
0x55b: {  	s22 =	sld [smem:$0x7F9];
	[sflag:s7] =	ssyncadd.s32 $0xFFFF8000  }
0x55c: {  	[tilespmem:s3], [sflag:$0x2] =	stream.indirect.gather [spmem:s2], $0x20, s21, s6, $0xb8;
	[tilespmem:$0x12890] =	vst v63  }
0x55d: {  	s24 =	sld [smem:$0x7FA]  }
0x55e: {  	[tilespmem:s10], [sflag:$0x2] =	stream.indirect.gather [spmem:s2], $0x20, s22, s6, $0xb8;
	[tilespmem:$0x12890] =	vst v63  }
0x55f: {  	s25 =	sld [smem:$0x7FB]  }
0x560: {  	[tilespmem:s11], [sflag:$0x2] =	stream.indirect.gather [spmem:s2], $0x20, s24, s6, $0xb8;
	[tilespmem:$0x12890] =	vst v63  }
0x561: {  	s26 =	sld [smem:$0x7FC]  }
0x562: {  	[tilespmem:s12], [sflag:$0x2] =	stream.indirect.gather [spmem:s2], $0x20, s25, s6, $0xb8;
	[tilespmem:$0x12890] =	vst v63  }
0x563: {  	s28 =	sld [smem:$0x7FD]  }
0x564: {  	[tilespmem:s13], [sflag:$0x2] =	stream.indirect.gather [spmem:s2], $0x20, s26, s6, $0xb8;
	[tilespmem:$0x12890] =	vst v63  }
0x565: {  	_ = 	snop  }
0x566: {  	[tilespmem:s14], [sflag:$0x2] =	stream.indirect.gather [spmem:s2], $0x20, s28, s6, $0xb8;
	[tilespmem:$0x12890] =	vst v63  }
0x567: {  	_ = 	snop  }
0x568: {  	[tilespmem:s15], [sflag:$0x2] =	stream.indirect.gather [spmem:s2], $0x20, s31, s6, $0xb8;
	[tilespmem:$0x12890] =	vst v63  }
0x569: {  	_ = 	snop  }
0x56a: {  	[tilespmem:s16], [sflag:$0x2] =	stream.indirect.gather [spmem:s2], $0x20, s23, s6, $0xb8;
	[tilespmem:$0x12890] =	vst v63  }
0x56b: {  	_ =	swait.ge [sflag:s9], $0x1000  }
0x56c: {  	[sflag:s9] =	ssyncset.done $0x0  }
0x56d: {  	[sflag:s9] =	ssyncadd.s32 $0xFFFFF000  }
0x56e: {  	_ =	swait.ge [sflag:s9], $0x1000  }
0x56f: {  	[sflag:s9] =	ssyncset.done $0x0  }
0x570: {  	[sflag:s9] =	ssyncadd.s32 $0xFFFFF000  }
0x571: {  	_ =	swait.ge [sflag:s9], $0x1000  }
0x572: {  	[sflag:s9] =	ssyncset.done $0x0  }
0x573: {  	[sflag:s9] =	ssyncadd.s32 $0xFFFFF000  }
0x574: {  	_ =	swait.ge [sflag:s9], $0x1000  }
0x575: {  	[sflag:s9] =	ssyncset.done $0x0  }
0x576: {  	[sflag:s9] =	ssyncadd.s32 $0xFFFFF000  }
0x577: {  	_ =	swait.ge [sflag:s9], $0x1000  }
0x578: {  	[sflag:s9] =	ssyncset.done $0x0  }
0x579: {  	[sflag:s9] =	ssyncadd.s32 $0xFFFFF000  }
0x57a: {  	_ =	swait.ge [sflag:s9], $0x1000  }
0x57b: {  	[sflag:s9] =	ssyncset.done $0x0  }
0x57c: {  	[sflag:s9] =	ssyncadd.s32 $0xFFFFF000  }
0x57d: {  	_ =	swait.ge [sflag:s9], $0x1000  }
0x57e: {  	[sflag:s9] =	ssyncset.done $0x0  }
0x57f: {  	[sflag:s9] =	ssyncadd.s32 $0xFFFFF000  }
0x580: {  	_ =	swait.ge [sflag:s9], $0x1000  }
0x581: {  	[sflag:s9] =	ssyncset.done $0x0  }
0x582: {  	s29 =	rddreg [dreg:$0xe];
	[sflag:s9] =	ssyncadd.s32 $0xFFFFF000  }
0x583: {  	[hbm4b:s29+s1] =	stream.linear.scatter [tilespmem:s4], [sflag:$0x3], $0x8000, $0x38;
	[tilespmem:$0x12890] =	vst v63  }
0x584: {  	_ =	swait.ge [sflag:s8], $0x1000  }
0x585: {  	[sflag:s8] =	ssyncset.done $0x0  }
0x586: {  	[sflag:s8] =	ssyncadd.s32 $0xFFFFF000  }
0x587: {  	_ =	swait.ge [sflag:s8], $0x1000  }
0x588: {  	[sflag:s8] =	ssyncset.done $0x0  }
0x589: {  	[sflag:s8] =	ssyncadd.s32 $0xFFFFF000  }
0x58a: {  	_ =	swait.ge [sflag:s8], $0x1000  }
0x58b: {  	[sflag:s8] =	ssyncset.done $0x0  }
0x58c: {  	[sflag:s8] =	ssyncadd.s32 $0xFFFFF000  }
0x58d: {  	_ =	swait.ge [sflag:s8], $0x1000  }
0x58e: {  	[sflag:s8] =	ssyncset.done $0x0  }
0x58f: {  	[sflag:s8] =	ssyncadd.s32 $0xFFFFF000  }
0x590: {  	_ =	swait.ge [sflag:s8], $0x1000  }
0x591: {  	[sflag:s8] =	ssyncset.done $0x0  }
0x592: {  	[sflag:s8] =	ssyncadd.s32 $0xFFFFF000  }
0x593: {  	_ =	swait.ge [sflag:s8], $0x1000  }
0x594: {  	[sflag:s8] =	ssyncset.done $0x0  }
0x595: {  	[sflag:s8] =	ssyncadd.s32 $0xFFFFF000  }
0x596: {  	_ =	swait.ge [sflag:s8], $0x1000  }
0x597: {  	[sflag:s8] =	ssyncset.done $0x0  }
0x598: {  	[sflag:s8] =	ssyncadd.s32 $0xFFFFF000  }
0x599: {  	_ =	swait.ge [sflag:s8], $0x1000  }
0x59a: {  	[sflag:s8] =	ssyncset.done $0x0  }
0x59b: {  	s31 =	rddreg [dreg:$0xf];
	[sflag:s8] =	ssyncadd.s32 $0xFFFFF000  }
0x59c: {  	[hbm4b:s31+s1] =	stream.linear.scatter [tilespmem:s3], [sflag:$0x4], $0x8000, $0x38;
	[tilespmem:$0x12890] =	vst v63  }
0x59d: {  	_ =	swait.ge [sflag:s5], $0x8000  }
0x59e: {  	[sflag:s5] =	ssyncset.done $0x0  }
0x59f: {  	[sflag:s5] =	ssyncadd.s32 $0xFFFF8000  }
0x5a0: {  	_ =	swait.ge [sflag:s7], $0x8000  }
0x5a1: {  	[sflag:s7] =	ssyncset.done $0x0  }
0x5a2: {  	[sflag:s7] =	ssyncadd.s32 $0xFFFF8000  }
0x5a3: {  	_ =	sfence.sel $0x180000  }
0x5a4: {  	[bflag:$0x0] =	sbarrier.arrive $0xFFFF  }
0x5a5: {  	_ =	strace $0x90000047  }
0x5a6: {  	s0 =	sadd.s32 @!p0 $0x100000, s30;
	[bflag:$0x2] =	sbarrier.arrive $0xFFFF  }
0x5a7: {  	[sflag:s0] =	ssyncadd.tile.s32 @!p0 $0x1;
	_ =	shalt  }
.LBB2_1:
.Ltmp3:
0x5a8: {  	(pc) =	sbr.rel .LBB2_6-.Ltmp3, $2  }
0x5a9: {  	_ =	sdelay $0x2  }
0x5aa: {  	s31 =	simm.s32 $0x2700  }
.LBB2_3:
.Ltmp4:
0x5ab: {  	(pc) =	sbr.rel .LBB2_6-.Ltmp4, $2  }
0x5ac: {  	_ =	sdelay $0x2  }
0x5ad: {  	s31 =	simm.s32 $0x2700;
	s30 =	rddreg [dreg:$0x4]  }
.Lfunc_end2:
_tile_overlayer_lowered:
.L_overlay_start_2:
0x5ae: {  	(tag) =	ssettag $0x2  }
0x5af: {  	s0 =	rddreg [dreg:$0x0];
	s2 =	stileid.u32  }
0x5b0: {  	s1 =	rddreg [dreg:$0x1];
	p0 =	sne.s32 s2, $0x0  }
0x5b1: {  	s3 =	rddreg [dreg:$0x2];
	[bflag:$0x3] =	sbarrier.arrive $0xFFFF;
	s2 =	simm.s32 @!p0 $0x1C05  }
0x5b2: {  	[timem:s3], [sflag:s2] =	dma.local @!p0 [hbm:s0], s1  }
0x5b3: {  	s0 =	simm.s32 @!p0 $0x5  }
0x5b4: {  	_ =	swait.ge @!p0 [sflag:s0], s1  }
0x5b5: {  	s1 =	ssub.s32 @!p0 $0x0, s1;
	[sflag:s0] =	ssyncset.done @!p0 $0x0  }
0x5b6: {  	[sflag:s0] =	ssyncadd.s32 @!p0 s1  }
0x5b7: {  	[bflag:$0x3] =	sbarrier.arrive $0xFFFF  }
0x5b8: {  	_ =	shalt  }

// kernel: sparse-core-data-format-call.cloned.1.call-start
scs
called_computation_lowered:
.L_overlay_start_0:
0x0: {  	s2 =	sld [smem:$0x3FD9]  }
0x1: {  	s3 =	sld [smem:$0x3FFE];
	_ =	sdelay $0x1  }
0x2: {  	s1 =	srdreg.scid  }
0x3: {  	s0 =	sand.u32 $0x1, s1  }
0x4: {  	s15 =	sshll.u32 s0, $0xA;
	s2 =	sadd.s32 s3, s2  }
0x5: {  	s2 =	sadd.s32 s2, s15  }
0x6: {  	[smem:$0x3FC4] =	sst s2  }
0x7: {  	_ = 	snop  }
0x8: {  	s2 =	sld [smem:$0x3FD0];
	_ =	sdelay $0x2  }
0x9: {  	s16 =	simm.s32 $0xA;
	s4 =	simm.s32 $0x10  }
0xa: {  	[smem:s4], [sflag:s16] =	dma.local [hbm:s2], $0x1  }
0xb: {  	_ =	swait.eq [sflag:s16], $0x1  }
0xc: {  	[sflag:s16] =	ssyncset.done $0x0  }
0xd: {  	[sflag:s16] =	ssyncadd.s32 $0xFFFFFFFF  }
0xe: {  	s17 =	sld [smem:$0x11];
	(tm) =	ssettm $0x1  }
0xf: {  	s18 =	sld [smem:$0x3FFB];
	_ =	sdelay $0x3  }
0x10: {  	_ =	strace s18  }
0x11: {  	s3 =	sld [smem:$0x3FFC];
	_ =	sdelay $0x3  }
0x12: {  	_ =	strace s3  }
0x13: {  	s3 =	sld [smem:$0x3FFD];
	_ =	sdelay $0x3  }
0x14: {  	_ =	strace s3  }
0x15: {  	_ =	strace $0x8FFFFFFF  }
0x16: {  	s19 =	sld [smem:$0x3FDB];
	_ =	sdelay $0x1  }
0x17: {  	s20 =	simm.s32 $_scs_section_size  }
0x18: {  	s5 =	simm.s32 $_size__tile_overlayer_lowered;
	s6 =	simm.s32 $_tile_overlayer_lowered  }
0x19: {  	s23 =	simm.s32 $0x1BFF;
	s22 =	sshll.u32 s6, $0x1;
	s3 =	sadd.s32 s20, s19  }
0x1a: {  	s7 =	simm.s32 $0x0;
	s21 =	sshll.u32 s5, $0x1;
	s5 =	sadd.s32 s22, s3  }
0x1b: {  	[timem:s7], [sflag:s23] =	dma.local [hbm:s5], s21  }
0x1c: {  	_ =	swait.ge [sflag:s23], s21  }
0x1d: {  	s4 =	ssub.s32 $0x0, s21;
	[sflag:s23] =	ssyncset.done $0x0  }
0x1e: {  	[sflag:s23] =	ssyncadd.s32 s4;
	_ =	sdelay $0x1  }
0x1f: {  	s24 =	simm.s32 $0x1B8B  }
0x20: {  	_ =	swait.ge [sflag:s24], $0x1  }
0x21: {  	[sflag:s24] =	ssyncset.done $0x0  }
0x22: {  	s26 =	simm.s32 $0x1B8E;
	s25 =	sld [smem:$0x3FFE];
	[sflag:s24] =	ssyncadd.s32 $0xFFFFFFFF  }
0x23: {  	s27 =	simm.s32 $execute0_lowered;
	[smem:$0x3FD2] =	sst s26  }
0x24: {  	s5 =	sshll.u32 s27, $0x1;
	_ =	strace $0x80000049;
	[dreg:$0x1] =	wrdreg $0xFFFFFFFF  }
0x25: {  	s28 =	simm.s32 $_size_execute0_lowered;
	s3 =	sadd.s32 s3, s5;
	[dreg:$0x0] =	wrdreg $0x0  }
0x26: {  	s5 =	sshll.u32 s28, $0x1;
	[dreg:$0x2] =	wrdreg s3  }
0x27: {  	[dreg:$0x3] =	wrdreg s5  }
0x28: {  	[dreg:$0x4] =	wrdreg $0xC0  }
0x29: {  	_ =	task [dreg:s7], $0x5FFFF  }
0x2a: {  	[dreg:$0x1] =	wrdreg $0xFFFFFFFF  }
0x2b: {  	[dreg:$0x0] =	wrdreg $0x60  }
0x2c: {  	[dreg:$0x2] =	wrdreg s25  }
0x2d: {  	[dreg:$0x3] =	wrdreg s17  }
0x2e: {  	[dreg:$0x4] =	wrdreg $0x9  }
0x2f: {  	_ =	task.clear_ibuf [dreg:s7], $0x5FFFF;
	_ =	strace $0x90000049  }
0x30: {  	s29 =	simm.s32 $0x9;
	_ =	strace $0x8000004B  }
0x31: {  	_ =	swait.ge [sflag:s29], $0x1  }
0x32: {  	[sflag:s29] =	ssyncadd.s32 $0xFFFFFFFF  }
0x33: {  	_ =	strace $0x9000004B  }
0x34: {  	_ =	sfence  }
0x35: {  	s30 =	sld [smem:$0x0];
	_ =	sdelay $0x2  }
0x36: {  	s31 =	sshll.u32 s1, $0xD;
	s1 =	sshrl.u32 s1, $0x2  }
0x37: {  	s3 =	sand.u32 $0x4000, s31;
	s1 =	sadd.s32 s1, s30  }
0x38: {  	s0 =	sor.u32 s3, s0;
	s1 =	sshll.u32 s1, $0x11  }
0x39: {  	s0 =	sor.u32 s1, s0  }
0x3a: {  	s0 =	sadd.s32 $0x8F2B, s0  }
0x3b: {  	[sflag:s0] =	ssyncadd.remote.s32 $0x1  }
0x3c: {  	_ =	sfence.sel $0xFFFF  }
0x3d: {  	[dreg:$0x0] =	wrdreg $0xFFFFFFFF;
	(pc) =	sbr.abs _section_cstart, $3  }
0x3e: {  	[dreg:$0x1] =	wrdreg $0xFFFFFFFF  }
0x3f: {  	_ =	task.clear_ibuf [dreg:s7], $0x2FFFF;
	_ =	strace $0x9FFFFFFF  }
0x40: {  	(tm) =	ssettm $0x7FFFFFFF  }
0x41: {  	_ =	shalt  }
tec
execute0_lowered:
.L_overlay_start_1:
0x0: {  	(tag) =	ssettag $0x1  }
0x1: {  	s0 =	srdreg.scid  }
0x2: {  	s1 =	sshll.u32 s0, $0x4  }
0x3: {  	s9 =	rddreg [dreg:$0x0];
	s0 =	stileid.u32;
	s1 =	sand.u32 $0x10, s1  }
0x4: {  	s3 =	rddreg [dreg:$0x1];
	s5 =	simm.s32 $0x1;
	s1 =	sor.u32 s0, s1  }
0x5: {  	s7 =	simm.s32 $0x2;
	s15 =	simm.s32 $0x0;
	s2 =	sshll.u32 s1, $0x7  }
0x6: {  	s11 =	simm.s32 $0x20000;
	s16 =	simm.s32 $0x0;
	s4 =	ssub.s32 $0x4000, s2  }
0x7: {  	s13 =	simm.s32 $0x0;
	s14 =	simm.s32 $0x0;
	s31 =	sand.u32 $0xF80, s4  }
0x8: {  	s8 =	sadd.s32 $0x81000, s9;
	s1 =	rddreg [dreg:$0x2];
	p0 =	sne.s32 s31, $0x0  }
.Ltmp0:
0x9: {  	s6 =	sshrl.u32 s4, $0xC;
	s5 =	simm.s32 @!p0 $0x0;
	(pc) =	sbr.rel .LBB1_1-.Ltmp0, $4  }
0xa: {  	_ =	strace $0x8000004A;
	s4 =	simm.s32 $0x1;
	s5 =	sadd.s32 s5, s6  }
0xb: {  	s12 =	smov.u32 s2;
	[sflag:s4] =	ssyncpa.u1 $0x0;
	s5 =	smul.u32 $0x5, s5  }
0xc: {  	[sflag:s7] =	ssyncpa.u1 $0x0;
	s7 =	sadd.s32 $0x41000, s9;
	p0 =	por $0x0, $0x0  }
0xd: {  	s6 =	sadd.s32 $0x1000, s9;
	s9 =	sadd.s32 $0xC1000, s9;
	s10 =	sadd.s32 $0x1, s5  }
.LBB1_7:
0xe: {  	s17 =	sadd.s32 $0x1000, s12  }
0xf: {  	s15 =	sadd.s32 $0x4, s13;
	s19 =	smov.u32 s13;
	p2 =	sgt.s32 s17, $0x3FFF  }
0x10: {  	s19 =	smov.u32 @p2 s15  }
0x11: {  	s17 =	smov.u32 @p2 s2;
	p2 =	sgt.s32 s19, $0x13  }
0x12: {  	s19 =	simm.s32 @p2 $0x0;
	p2 =	sne.s32 s14, s10  }
.Ltmp1:
0x13: {  	p1 =	slt.u32 s14, $0x2;
	(pc) =	sbr.rel @!p2 .LBB1_8-.Ltmp1, $4  }
0x14: {  	s18 =	simm.s32 @!p1 $0x2  }
0x15: {  	s16 =	smov.u32 s13;
	p0 =	por !p0, !p0;
	_ =	swait.ge @!p1 [sflag:s18], $0x4000  }
0x16: {  	s15 =	smov.u32 s12;
	[sflag:s18] =	ssyncset.done @!p1 $0x0;
	s12 =	smov.u32 s17  }
0x17: {  	s14 =	sadd.s32 $0x1, s14;
	[sflag:s18] =	ssyncadd.s32 @!p1 $0xFFFFC000;
	s13 =	smov.u32 s19  }
.LBB1_1:
0x18: {  	p1 =	sge.u32 s14, s5  }
0x19: {  	s17 =	sxor.u32 @!p1 $0xFFFFFFFF, s14  }
0x1a: {  	s18 =	sshll.u32 @!p1 s13, $0x12;
	s19 =	sshll.u32 @!p1 s12, $0x4;
	s21 =	simm.s32 @!p1 $0x20  }
0x1b: {  	s17 =	sshll.u32 @!p1 s17, $0xE;
	s19 =	sand.u32 @!p1 $0x3FFF0, s19;
	s20 =	sadd.s32 @!p1 s6, s18  }
0x1c: {  	s22 =	simm.s32 @!p1 $0x80;
	s17 =	sand.u32 @!p1 $0x4000, s17;
	s20 =	sadd.s32 @!p1 s19, s20  }
0x1d: {  	[tilespmem:s17], [sflag:$0x1] =	stream.strided.gather @!p1 [hbm4b:s20+s21], $0x1000, s22, s21, $0x38;
	[tilespmem:$0x10100] =	vst v63  }
0x1e: {  	s20 =	sadd.s32 @!p1 s18, s7  }
0x1f: {  	s23 =	sor.u32 @!p1 $0x1000, s17;
	s20 =	sadd.s32 @!p1 s19, s20  }
0x20: {  	[tilespmem:s23], [sflag:$0x1] =	stream.strided.gather @!p1 [hbm4b:s20+s21], $0x1000, s22, s21, $0x38;
	[tilespmem:$0x10100] =	vst v63  }
0x21: {  	s20 =	sadd.s32 @!p1 s18, s8  }
0x22: {  	s23 =	sor.u32 @!p1 $0x2000, s17;
	s18 =	sadd.s32 @!p1 s18, s9;
	s20 =	sadd.s32 @!p1 s19, s20  }
0x23: {  	[tilespmem:s23], [sflag:$0x1] =	stream.strided.gather @!p1 [hbm4b:s20+s21], $0x1000, s22, s21, $0x38;
	[tilespmem:$0x10100] =	vst v63  }
0x24: {  	s31 =	sadd.s32 $0xFFFFFFFF, s14;
	s17 =	sor.u32 @!p1 $0x3000, s17;
	s18 =	sadd.s32 @!p1 s19, s18  }
0x25: {  	[tilespmem:s17], [sflag:$0x1] =	stream.strided.gather @!p1 [hbm4b:s18+s21], $0x1000, s22, s21, $0x38;
	[tilespmem:$0x10100] =	vst v63  }
0x26: {  	p1 =	sge.u32 s31, s5  }
.Ltmp2:
0x27: {  	_ = 	snop;
	(pc) =	sbr.rel @p1 .LBB1_7-.Ltmp2, $1  }
0x28: {  	_ =	sdelay $0x3  }
0x29: {  	s17 =	simm.s32 $0x1;
	s19 =	sand.u32 $0x1, s14  }
0x2a: {  	_ =	swait.ge [sflag:s4], $0x4000;
	s17 =	simm.s32 @!p0 $0x0;
	s20 =	smul.u32 $0x10200, s19  }
0x2b: {  	[sflag:s4] =	ssyncset.done $0x0;
	s18 =	smul.u32 $0x10200, s17  }
0x2c: {  	s17 =	sshll.u32 s17, $0xE;
	[sflag:s4] =	ssyncadd.s32 $0xFFFFC000  }
0x2d: {  	s19 =	sor.u32 $0x10, s17;
	s31 =	sshrl.u32 s20, $0x2;
	s18 =	sshrl.u32 s18, $0x2  }
0x2e: {  	s20 =	simm.s32 $0x0;
	s17 =	sor.u32 $0x8000, s31;
	s18 =	sor.u32 $0x8000, s18  }
.LBB1_3:
0x2f: {  	v1 =	vld [tilespmem:s19+$0x0]  }
0x30: {  	v0 =	vld [tilespmem:s19+$0xFFFFFFF0];
	_ =	sdelay $0x2  }
0x31: {  	s23 =	sadd.s32 $0x0, s18  }
0x32: {  	s21 =	simm.s32 $0x4;
	s22 =	sadd.s32 $0x20, s19;
	[tilespmem:s23+$0x810 ss:$0x81] =	vst.msk $0xffff, v1  }
.LBB1_4:
0x33: {  	v1 =	vld [tilespmem:s22+$0x0];
	p1 =	sne.s32 s21, $0x1FC;
	[tilespmem:s23+$0x0 ss:$0x81] =	vst.msk $0xffff, v0;
	s23 =	smov.u32 s21;
	s21 =	sadd.s32 $0x4, s21  }
.Ltmp3:
0x34: {  	v0 =	vld [tilespmem:s22+$0xFFFFFFF0];
	(pc) =	sbr.rel @p1 .LBB1_4-.Ltmp3, $4  }
0x35: {  	_ = 	snop  }
0x36: {  	s23 =	sshra.s32 s23, $0x2  }
0x37: {  	s23 =	sadd.s32 s23, s18  }
0x38: {  	s22 =	sadd.s32 $0x20, s22;
	[tilespmem:s23+$0x810 ss:$0x81] =	vst.msk $0xffff, v1  }
0x39: {  	s20 =	sadd.s32 $0x1, s20  }
0x3a: {  	p1 =	sne.s32 s20, $0x4  }
.Ltmp4:
0x3b: {  	_ = 	snop;
	(pc) =	sbr.rel @p1 .LBB1_3-.Ltmp4, $2  }
0x3c: {  	_ =	sdelay $0x2  }
0x3d: {  	[tilespmem:s23+$0x0 ss:$0x81] =	vst.msk $0xffff, v0;
	s18 =	sadd.s32 $0x1020, s18;
	s19 =	sadd.s32 $0x1000, s19  }
0x3e: {  	s18 =	sshll.u32 s15, $0x3;
	s19 =	sand.u32 $0x78, s15;
	s16 =	sshll.u32 s16, $0x10  }
.Ltmp5:
0x3f: {  	s30 =	sand.u32 $0xF800, s15;
	s18 =	sand.u32 $0x3C00, s18;
	(pc) =	sbr.rel .LBB1_7-.Ltmp5, $4  }
0x40: {  	s31 =	sand.u32 $0x7, s15;
	s16 =	sadd.s32 s3, s16;
	s18 =	sor.u32 s19, s18  }
0x41: {  	s15 =	sshll.u32 s31, $0x12;
	s16 =	sadd.s32 s30, s16;
	s18 =	sshrl.u32 s18, $0x3  }
0x42: {  	s15 =	sor.u32 $0x400, s15;
	s16 =	sadd.s32 s18, s16  }
0x43: {  	[hbm4b:s16+s15] =	stream.strided.scatter [tilespmem:s17], [sflag:$0x2], $0x4000, s11, s15, $0x20;
	[tilespmem:$0x10100] =	vst v63  }
.LBB1_8:
0x44: {  	_ =	sfence.sel $0x180000  }
0x45: {  	s2 =	simm.s32 $0x1;
	[bflag:$0x0] =	sbarrier.arrive $0xFFFF  }
0x46: {  	s31 =	simm.s32 $0x2;
	[sflag:s2] =	ssyncpa.u1 $0x1  }
0x47: {  	[sflag:s31] =	ssyncpa.u1 $0x1  }
0x48: {  	p0 =	sne.s32 s0, $0x0;
	_ =	strace $0x9000004A  }
0x49: {  	s0 =	sadd.s32 @!p0 $0x100000, s1;
	[bflag:$0x2] =	sbarrier.arrive $0xFFFF  }
0x4a: {  	[sflag:s0] =	ssyncadd.tile.s32 @!p0 $0x1;
	_ =	shalt  }
.Lfunc_end1:
_tile_overlayer_lowered:
.L_overlay_start_2:
0x4b: {  	(tag) =	ssettag $0x2  }
0x4c: {  	s0 =	rddreg [dreg:$0x0];
	s2 =	stileid.u32  }
0x4d: {  	s1 =	rddreg [dreg:$0x1];
	p0 =	sne.s32 s2, $0x0  }
0x4e: {  	s3 =	rddreg [dreg:$0x2];
	[bflag:$0x3] =	sbarrier.arrive $0xFFFF;
	s2 =	simm.s32 @!p0 $0x1C01  }
0x4f: {  	[timem:s3], [sflag:s2] =	dma.local @!p0 [hbm:s0], s1  }
0x50: {  	s0 =	simm.s32 @!p0 $0x1  }
0x51: {  	_ =	swait.ge @!p0 [sflag:s0], s1  }
0x52: {  	s1 =	ssub.s32 @!p0 $0x0, s1;
	[sflag:s0] =	ssyncset.done @!p0 $0x0  }
0x53: {  	[sflag:s0] =	ssyncadd.s32 @!p0 s1  }
0x54: {  	[bflag:$0x3] =	sbarrier.arrive $0xFFFF  }
0x55: {  	_ =	shalt  }

</sc_bundles>
